<compile_context>
chip_gen: v7x
topology: tpu7x:2x2x1
jax: 0.10.2.dev20260603
libtpu: 0.0.44.dev20260713+nightly
codegen_flags: <defaults>
</compile_context>

<pallas_src>
import functools

import jax
import jax.numpy as jnp
from jax import lax
from jax.experimental import pallas as pl
from jax.experimental.pallas import tpu as pltpu
from jax.experimental.pallas import tpu_sc as plsc

B, S_IN, D = 16384, 66, 128
S0, S_OUT = 42, 24

NUM_CORES = 2
NUM_SUBCORES = 16
NW = NUM_CORES * NUM_SUBCORES
B_PER_W = B // NW
CHUNK = 16
N_CHUNKS = B_PER_W // CHUNK
NBUF = 2


@functools.partial(
    pl.kernel,
    mesh=plsc.VectorSubcoreMesh(core_axis_name="c", subcore_axis_name="s"),
    out_type=jax.ShapeDtypeStruct((B, S_OUT * D), jnp.float32),
    scratch_types=[
        pltpu.VMEM((NBUF, CHUNK, S_OUT * D), jnp.float32),
        pltpu.SemaphoreType.DMA,
        pltpu.SemaphoreType.DMA,
        pltpu.SemaphoreType.DMA,
        pltpu.SemaphoreType.DMA,
    ],
)
def _select_lower(in_hbm, out_hbm, buf, rs0, rs1, ws0, ws1):
    rsems = [rs0, rs1]
    wsems = [ws0, ws1]
    wid = lax.axis_index("s") * NUM_CORES + lax.axis_index("c")
    base = wid * B_PER_W

    def read(g, slot):
        b0 = base + g * CHUNK
        cp = pltpu.make_async_copy(
            in_hbm.at[pl.ds(b0, CHUNK), pl.ds(S0 * D, S_OUT * D)],
            buf.at[slot],
            rsems[slot],
        )
        cp.start()
        return cp

    def write(g, slot):
        b0 = base + g * CHUNK
        cp = pltpu.make_async_copy(
            buf.at[slot], out_hbm.at[pl.ds(b0, CHUNK)], wsems[slot]
        )
        cp.start()
        return cp

    pending_w = [None] * NBUF
    pending_r = read(0, 0)
    for g in range(N_CHUNKS):
        slot = g % NBUF
        nxt = (g + 1) % NBUF
        if g + 1 < N_CHUNKS:
            if pending_w[nxt] is not None:
                pending_w[nxt].wait()
                pending_w[nxt] = None
            nxt_r = read(g + 1, nxt)
        pending_r.wait()
        pending_w[slot] = write(g, slot)
        if g + 1 < N_CHUNKS:
            pending_r = nxt_r
    for w in pending_w:
        if w is not None:
            w.wait()


def kernel(input):
    flat = input.reshape(B, S_IN * D)
    return _select_lower(flat).reshape(B, S_OUT, D)

# --- scband reference (transcript-rebuilt; emitter-appended) ---
"""Pipeline reference for scband-select-layer-lower-3169685864837 (READ-ONLY COPY).

The authoritative reference and input builder live on the scoring server;
editing this copy changes nothing except your own understanding.
"""

import jax, jax.numpy as jnp
import numpy as np

LOWER_IDX = jnp.array([14*3+0, 14*3+1, 14*3+2, 15*3+0, 15*3+1, 15*3+2, 16*3+0, 16*3+1, 16*3+2, 17*3+0, 17*3+1, 17*3+2, 18*3+0, 18*3+1, 18*3+2, 19*3+0, 19*3+1, 19*3+2, 20*3+0, 20*3+1, 20*3+2, 21*3+0, 21*3+1, 21*3+2], dtype=jnp.int32)


def setup_inputs(seed: int = 0) -> dict:
    key = jax.random.key(seed)
    x = jax.random.normal(key, (16384, 66, 128), dtype=jnp.float32)
    return {"input": x}


def reference(input):
    # output = input[:, self.lower_idx, :]
    output = jnp.take(input, LOWER_IDX, axis=1)
    return output

if __name__ == "__main__":
    import jax
    _d = setup_inputs()
    print(jax.jit(kernel)(*tuple(_d.values())))

</pallas_src>

<mosaic_0001>
#map = affine_map<(d0, d1) -> (0, 0)>
module attributes {stable_mosaic.version = 14 : i64} {
  func.func @_select_lower(%arg0: i32, %arg1: i32, %arg2: memref<16384x8448xf32, #tpu.memory_space<hbm>>, %arg3: memref<16384x3072xf32, #tpu.memory_space<hbm>>, %arg4: memref<2x16x3072xf32, #tpu.memory_space<vmem>>, %arg5: memref<!tpu.dma_semaphore, #tpu.memory_space<semaphore_mem>>, %arg6: memref<!tpu.dma_semaphore, #tpu.memory_space<semaphore_mem>>, %arg7: memref<!tpu.dma_semaphore, #tpu.memory_space<semaphore_mem>>, %arg8: memref<!tpu.dma_semaphore, #tpu.memory_space<semaphore_mem>>) attributes {dimension_semantics = [#tpu.dimension_semantics<core_parallel>, #tpu.dimension_semantics<subcore_parallel>], iteration_bounds = array<i64: 2, 16>, scalar_prefetch = 0 : i64, scratch_operands = 5 : i64, tpu.core_type = #tpu.core_type<sc_vector_subcore>, window_params = [{transform_indices = #map}, {transform_indices = #map}]} {
    %mul3A = arith.constant 2 : i32
    %mul3A_0 = arith.muli %arg1, %mul3A : i32
    %add3A = arith.addi %mul3A_0, %arg0 : i32
    %mul3A_1 = arith.constant 512 : i32
    %mul3A_2 = arith.muli %add3A, %mul3A_1 : i32
    %add3A_3 = arith.constant 0 : i32
    %add3A_4 = arith.addi %mul3A_2, %add3A_3 : i32
    %dma_start3A = arith.constant 0 : i32
    %dma_start3A_5 = arith.constant 0 : i32
    %dma_start3A_6 = arith.constant 0 : i32
    %dma_start3A_7 = tpu.memref_slice %arg4[%dma_start3A, %dma_start3A_5, %dma_start3A_6] : memref<2x16x3072xf32, #tpu.memory_space<vmem>> -> memref<1x16x3072xf32, #tpu.memory_space<vmem>>
    %dma_start3A_8 = tpu.memref_squeeze %dma_start3A_7 : memref<1x16x3072xf32, #tpu.memory_space<vmem>> -> memref<16x3072xf32, #tpu.memory_space<vmem>>
    %dma_start3A_9 = arith.constant 5376 : i32
    %dma_start3A_10 = tpu.memref_slice %arg2[%add3A_4, %dma_start3A_9] : memref<16384x8448xf32, #tpu.memory_space<hbm>> -> memref<16x3072xf32, #tpu.memory_space<hbm>>
    %dma_start3A_11 = arith.constant 0 : i32
    %dma_start3A_12 = arith.constant 0 : i32
    %dma_start3A_13 = tpu.memref_slice %arg4[%dma_start3A, %dma_start3A_11, %dma_start3A_12] : memref<2x16x3072xf32, #tpu.memory_space<vmem>> -> memref<1x16x3072xf32, #tpu.memory_space<vmem>>
    %dma_start3A_14 = tpu.memref_squeeze %dma_start3A_13 : memref<1x16x3072xf32, #tpu.memory_space<vmem>> -> memref<16x3072xf32, #tpu.memory_space<vmem>>
    %dma_start3A_15 = arith.constant 5376 : i32
    %dma_start3A_16 = tpu.memref_slice %arg2[%add3A_4, %dma_start3A_15] : memref<16384x8448xf32, #tpu.memory_space<hbm>> -> memref<16x3072xf32, #tpu.memory_space<hbm>>
    tpu.enqueue_dma source(%dma_start3A_16 : memref<16x3072xf32, #tpu.memory_space<hbm>>) target(%dma_start3A_14 : memref<16x3072xf32, #tpu.memory_space<vmem>>) target_semaphore(%arg5 : memref<!tpu.dma_semaphore, #tpu.memory_space<semaphore_mem>>)
    %add3A_17 = arith.constant 16 : i32
    %add3A_18 = arith.addi %mul3A_2, %add3A_17 : i32
    %dma_start3A_19 = arith.constant 1 : i32
    %dma_start3A_20 = arith.constant 0 : i32
    %dma_start3A_21 = arith.constant 0 : i32
    %dma_start3A_22 = tpu.memref_slice %arg4[%dma_start3A_19, %dma_start3A_20, %dma_start3A_21] : memref<2x16x3072xf32, #tpu.memory_space<vmem>> -> memref<1x16x3072xf32, #tpu.memory_space<vmem>>
    %dma_start3A_23 = tpu.memref_squeeze %dma_start3A_22 : memref<1x16x3072xf32, #tpu.memory_space<vmem>> -> memref<16x3072xf32, #tpu.memory_space<vmem>>
    %dma_start3A_24 = arith.constant 5376 : i32
    %dma_start3A_25 = tpu.memref_slice %arg2[%add3A_18, %dma_start3A_24] : memref<16384x8448xf32, #tpu.memory_space<hbm>> -> memref<16x3072xf32, #tpu.memory_space<hbm>>
    %dma_start3A_26 = arith.constant 0 : i32
    %dma_start3A_27 = arith.constant 0 : i32
    %dma_start3A_28 = tpu.memref_slice %arg4[%dma_start3A_19, %dma_start3A_26, %dma_start3A_27] : memref<2x16x3072xf32, #tpu.memory_space<vmem>> -> memref<1x16x3072xf32, #tpu.memory_space<vmem>>
    %dma_start3A_29 = tpu.memref_squeeze %dma_start3A_28 : memref<1x16x3072xf32, #tpu.memory_space<vmem>> -> memref<16x3072xf32, #tpu.memory_space<vmem>>
    %dma_start3A_30 = arith.constant 5376 : i32
    %dma_start3A_31 = tpu.memref_slice %arg2[%add3A_18, %dma_start3A_30] : memref<16384x8448xf32, #tpu.memory_space<hbm>> -> memref<16x3072xf32, #tpu.memory_space<hbm>>
    tpu.enqueue_dma source(%dma_start3A_31 : memref<16x3072xf32, #tpu.memory_space<hbm>>) target(%dma_start3A_29 : memref<16x3072xf32, #tpu.memory_space<vmem>>) target_semaphore(%arg6 : memref<!tpu.dma_semaphore, #tpu.memory_space<semaphore_mem>>)
    %dma_wait3A = arith.constant 0 : i32
    %dma_wait3A_32 = arith.constant 0 : i32
    %dma_wait3A_33 = arith.constant 0 : i32
    %dma_wait3A_34 = tpu.memref_slice %arg4[%dma_wait3A, %dma_wait3A_32, %dma_wait3A_33] : memref<2x16x3072xf32, #tpu.memory_space<vmem>> -> memref<1x16x3072xf32, #tpu.memory_space<vmem>>
    %dma_wait3A_35 = tpu.memref_squeeze %dma_wait3A_34 : memref<1x16x3072xf32, #tpu.memory_space<vmem>> -> memref<16x3072xf32, #tpu.memory_space<vmem>>
    %dma_wait3A_36 = arith.constant 5376 : i32
    %dma_wait3A_37 = tpu.memref_slice %arg2[%add3A_4, %dma_wait3A_36] : memref<16384x8448xf32, #tpu.memory_space<hbm>> -> memref<16x3072xf32, #tpu.memory_space<hbm>>
    %dma_wait3A_38 = arith.constant 0 : i32
    %dma_wait3A_39 = arith.constant 0 : i32
    %dma_wait3A_40 = tpu.memref_slice %arg4[%dma_wait3A, %dma_wait3A_38, %dma_wait3A_39] : memref<2x16x3072xf32, #tpu.memory_space<vmem>> -> memref<1x16x3072xf32, #tpu.memory_space<vmem>>
    %dma_wait3A_41 = tpu.memref_squeeze %dma_wait3A_40 : memref<1x16x3072xf32, #tpu.memory_space<vmem>> -> memref<16x3072xf32, #tpu.memory_space<vmem>>
    %dma_wait3A_42 = arith.constant 5376 : i32
    %dma_wait3A_43 = tpu.memref_slice %arg2[%add3A_4, %dma_wait3A_42] : memref<16384x8448xf32, #tpu.memory_space<hbm>> -> memref<16x3072xf32, #tpu.memory_space<hbm>>
    tpu.wait_dma2 semaphore(%arg5 : memref<!tpu.dma_semaphore, #tpu.memory_space<semaphore_mem>>) src(%dma_wait3A_43 : memref<16x3072xf32, #tpu.memory_space<hbm>>) dst(%dma_wait3A_41 : memref<16x3072xf32, #tpu.memory_space<vmem>>)
    %add3A_44 = arith.constant 0 : i32
    %add3A_45 = arith.addi %mul3A_2, %add3A_44 : i32
    %dma_start3A_46 = arith.constant 0 : i32
    %dma_start3A_47 = arith.constant 0 : i32
    %dma_start3A_48 = arith.constant 0 : i32
    %dma_start3A_49 = tpu.memref_slice %arg4[%dma_start3A_46, %dma_start3A_47, %dma_start3A_48] : memref<2x16x3072xf32, #tpu.memory_space<vmem>> -> memref<1x16x3072xf32, #tpu.memory_space<vmem>>
    %dma_start3A_50 = tpu.memref_squeeze %dma_start3A_49 : memref<1x16x3072xf32, #tpu.memory_space<vmem>> -> memref<16x3072xf32, #tpu.memory_space<vmem>>
    %dma_start3A_51 = arith.constant 0 : i32
    %dma_start3A_52 = tpu.memref_slice %arg3[%add3A_45, %dma_start3A_51] : memref<16384x3072xf32, #tpu.memory_space<hbm>> -> memref<16x3072xf32, #tpu.memory_space<hbm>>
    %dma_start3A_53 = arith.constant 0 : i32
    %dma_start3A_54 = tpu.memref_slice %arg3[%add3A_45, %dma_start3A_53] : memref<16384x3072xf32, #tpu.memory_space<hbm>> -> memref<16x3072xf32, #tpu.memory_space<hbm>>
    %dma_start3A_55 = arith.constant 0 : i32
    %dma_start3A_56 = arith.constant 0 : i32
    %dma_start3A_57 = tpu.memref_slice %arg4[%dma_start3A_46, %dma_start3A_55, %dma_start3A_56] : memref<2x16x3072xf32, #tpu.memory_space<vmem>> -> memref<1x16x3072xf32, #tpu.memory_space<vmem>>
    %dma_start3A_58 = tpu.memref_squeeze %dma_start3A_57 : memref<1x16x3072xf32, #tpu.memory_space<vmem>> -> memref<16x3072xf32, #tpu.memory_space<vmem>>
    tpu.enqueue_dma source(%dma_start3A_58 : memref<16x3072xf32, #tpu.memory_space<vmem>>) target(%dma_start3A_54 : memref<16x3072xf32, #tpu.memory_space<hbm>>) target_semaphore(%arg7 : memref<!tpu.dma_semaphore, #tpu.memory_space<semaphore_mem>>)
    %dma_wait3A_59 = arith.constant 0 : i32
    %dma_wait3A_60 = arith.constant 0 : i32
    %dma_wait3A_61 = arith.constant 0 : i32
    %dma_wait3A_62 = tpu.memref_slice %arg4[%dma_wait3A_59, %dma_wait3A_60, %dma_wait3A_61] : memref<2x16x3072xf32, #tpu.memory_space<vmem>> -> memref<1x16x3072xf32, #tpu.memory_space<vmem>>
    %dma_wait3A_63 = tpu.memref_squeeze %dma_wait3A_62 : memref<1x16x3072xf32, #tpu.memory_space<vmem>> -> memref<16x3072xf32, #tpu.memory_space<vmem>>
    %dma_wait3A_64 = arith.constant 0 : i32
    %dma_wait3A_65 = tpu.memref_slice %arg3[%add3A_45, %dma_wait3A_64] : memref<16384x3072xf32, #tpu.memory_space<hbm>> -> memref<16x3072xf32, #tpu.memory_space<hbm>>
    %dma_wait3A_66 = arith.constant 0 : i32
    %dma_wait3A_67 = tpu.memref_slice %arg3[%add3A_45, %dma_wait3A_66] : memref<16384x3072xf32, #tpu.memory_space<hbm>> -> memref<16x3072xf32, #tpu.memory_space<hbm>>
    %dma_wait3A_68 = arith.constant 0 : i32
    %dma_wait3A_69 = arith.constant 0 : i32
    %dma_wait3A_70 = tpu.memref_slice %arg4[%dma_wait3A_59, %dma_wait3A_68, %dma_wait3A_69] : memref<2x16x3072xf32, #tpu.memory_space<vmem>> -> memref<1x16x3072xf32, #tpu.memory_space<vmem>>
    %dma_wait3A_71 = tpu.memref_squeeze %dma_wait3A_70 : memref<1x16x3072xf32, #tpu.memory_space<vmem>> -> memref<16x3072xf32, #tpu.memory_space<vmem>>
    tpu.wait_dma2 semaphore(%arg7 : memref<!tpu.dma_semaphore, #tpu.memory_space<semaphore_mem>>) src(%dma_wait3A_71 : memref<16x3072xf32, #tpu.memory_space<vmem>>) dst(%dma_wait3A_67 : memref<16x3072xf32, #tpu.memory_space<hbm>>)
    %add3A_72 = arith.constant 32 : i32
    %add3A_73 = arith.addi %mul3A_2, %add3A_72 : i32
    %dma_start3A_74 = arith.constant 0 : i32
    %dma_start3A_75 = arith.constant 0 : i32
    %dma_start3A_76 = arith.constant 0 : i32
    %dma_start3A_77 = tpu.memref_slice %arg4[%dma_start3A_74, %dma_start3A_75, %dma_start3A_76] : memref<2x16x3072xf32, #tpu.memory_space<vmem>> -> memref<1x16x3072xf32, #tpu.memory_space<vmem>>
    %dma_start3A_78 = tpu.memref_squeeze %dma_start3A_77 : memref<1x16x3072xf32, #tpu.memory_space<vmem>> -> memref<16x3072xf32, #tpu.memory_space<vmem>>
    %dma_start3A_79 = arith.constant 5376 : i32
    %dma_start3A_80 = tpu.memref_slice %arg2[%add3A_73, %dma_start3A_79] : memref<16384x8448xf32, #tpu.memory_space<hbm>> -> memref<16x3072xf32, #tpu.memory_space<hbm>>
    %dma_start3A_81 = arith.constant 0 : i32
    %dma_start3A_82 = arith.constant 0 : i32
    %dma_start3A_83 = tpu.memref_slice %arg4[%dma_start3A_74, %dma_start3A_81, %dma_start3A_82] : memref<2x16x3072xf32, #tpu.memory_space<vmem>> -> memref<1x16x3072xf32, #tpu.memory_space<vmem>>
    %dma_start3A_84 = tpu.memref_squeeze %dma_start3A_83 : memref<1x16x3072xf32, #tpu.memory_space<vmem>> -> memref<16x3072xf32, #tpu.memory_space<vmem>>
    %dma_start3A_85 = arith.constant 5376 : i32
    %dma_start3A_86 = tpu.memref_slice %arg2[%add3A_73, %dma_start3A_85] : memref<16384x8448xf32, #tpu.memory_space<hbm>> -> memref<16x3072xf32, #tpu.memory_space<hbm>>
    tpu.enqueue_dma source(%dma_start3A_86 : memref<16x3072xf32, #tpu.memory_space<hbm>>) target(%dma_start3A_84 : memref<16x3072xf32, #tpu.memory_space<vmem>>) target_semaphore(%arg5 : memref<!tpu.dma_semaphore, #tpu.memory_space<semaphore_mem>>)
    %dma_wait3A_87 = arith.constant 1 : i32
    %dma_wait3A_88 = arith.constant 0 : i32
    %dma_wait3A_89 = arith.constant 0 : i32
    %dma_wait3A_90 = tpu.memref_slice %arg4[%dma_wait3A_87, %dma_wait3A_88, %dma_wait3A_89] : memref<2x16x3072xf32, #tpu.memory_space<vmem>> -> memref<1x16x3072xf32, #tpu.memory_space<vmem>>
    %dma_wait3A_91 = tpu.memref_squeeze %dma_wait3A_90 : memref<1x16x3072xf32, #tpu.memory_space<vmem>> -> memref<16x3072xf32, #tpu.memory_space<vmem>>
    %dma_wait3A_92 = arith.constant 5376 : i32
    %dma_wait3A_93 = tpu.memref_slice %arg2[%add3A_18, %dma_wait3A_92] : memref<16384x8448xf32, #tpu.memory_space<hbm>> -> memref<16x3072xf32, #tpu.memory_space<hbm>>
    %dma_wait3A_94 = arith.constant 0 : i32
    %dma_wait3A_95 = arith.constant 0 : i32
    %dma_wait3A_96 = tpu.memref_slice %arg4[%dma_wait3A_87, %dma_wait3A_94, %dma_wait3A_95] : memref<2x16x3072xf32, #tpu.memory_space<vmem>> -> memref<1x16x3072xf32, #tpu.memory_space<vmem>>
    %dma_wait3A_97 = tpu.memref_squeeze %dma_wait3A_96 : memref<1x16x3072xf32, #tpu.memory_space<vmem>> -> memref<16x3072xf32, #tpu.memory_space<vmem>>
    %dma_wait3A_98 = arith.constant 5376 : i32
    %dma_wait3A_99 = tpu.memref_slice %arg2[%add3A_18, %dma_wait3A_98] : memref<16384x8448xf32, #tpu.memory_space<hbm>> -> memref<16x3072xf32, #tpu.memory_space<hbm>>
    tpu.wait_dma2 semaphore(%arg6 : memref<!tpu.dma_semaphore, #tpu.memory_space<semaphore_mem>>) src(%dma_wait3A_99 : memref<16x3072xf32, #tpu.memory_space<hbm>>) dst(%dma_wait3A_97 : memref<16x3072xf32, #tpu.memory_space<vmem>>)
    %add3A_100 = arith.constant 16 : i32
    %add3A_101 = arith.addi %mul3A_2, %add3A_100 : i32
    %dma_start3A_102 = arith.constant 1 : i32
    %dma_start3A_103 = arith.constant 0 : i32
    %dma_start3A_104 = arith.constant 0 : i32
    %dma_start3A_105 = tpu.memref_slice %arg4[%dma_start3A_102, %dma_start3A_103, %dma_start3A_104] : memref<2x16x3072xf32, #tpu.memory_space<vmem>> -> memref<1x16x3072xf32, #tpu.memory_space<vmem>>
    %dma_start3A_106 = tpu.memref_squeeze %dma_start3A_105 : memref<1x16x3072xf32, #tpu.memory_space<vmem>> -> memref<16x3072xf32, #tpu.memory_space<vmem>>
    %dma_start3A_107 = arith.constant 0 : i32
    %dma_start3A_108 = tpu.memref_slice %arg3[%add3A_101, %dma_start3A_107] : memref<16384x3072xf32, #tpu.memory_space<hbm>> -> memref<16x3072xf32, #tpu.memory_space<hbm>>
    %dma_start3A_109 = arith.constant 0 : i32
    %dma_start3A_110 = tpu.memref_slice %arg3[%add3A_101, %dma_start3A_109] : memref<16384x3072xf32, #tpu.memory_space<hbm>> -> memref<16x3072xf32, #tpu.memory_space<hbm>>
    %dma_start3A_111 = arith.constant 0 : i32
    %dma_start3A_112 = arith.constant 0 : i32
    %dma_start3A_113 = tpu.memref_slice %arg4[%dma_start3A_102, %dma_start3A_111, %dma_start3A_112] : memref<2x16x3072xf32, #tpu.memory_space<vmem>> -> memref<1x16x3072xf32, #tpu.memory_space<vmem>>
    %dma_start3A_114 = tpu.memref_squeeze %dma_start3A_113 : memref<1x16x3072xf32, #tpu.memory_space<vmem>> -> memref<16x3072xf32, #tpu.memory_space<vmem>>
    tpu.enqueue_dma source(%dma_start3A_114 : memref<16x3072xf32, #tpu.memory_space<vmem>>) target(%dma_start3A_110 : memref<16x3072xf32, #tpu.memory_space<hbm>>) target_semaphore(%arg8 : memref<!tpu.dma_semaphore, #tpu.memory_space<semaphore_mem>>)
    %dma_wait3A_115 = arith.constant 1 : i32
    %dma_wait3A_116 = arith.constant 0 : i32
    %dma_wait3A_117 = arith.constant 0 : i32
    %dma_wait3A_118 = tpu.memref_slice %arg4[%dma_wait3A_115, %dma_wait3A_116, %dma_wait3A_117] : memref<2x16x3072xf32, #tpu.memory_space<vmem>> -> memref<1x16x3072xf32, #tpu.memory_space<vmem>>
    %dma_wait3A_119 = tpu.memref_squeeze %dma_wait3A_118 : memref<1x16x3072xf32, #tpu.memory_space<vmem>> -> memref<16x3072xf32, #tpu.memory_space<vmem>>
    %dma_wait3A_120 = arith.constant 0 : i32
    %dma_wait3A_121 = tpu.memref_slice %arg3[%add3A_101, %dma_wait3A_120] : memref<16384x3072xf32, #tpu.memory_space<hbm>> -> memref<16x3072xf32, #tpu.memory_space<hbm>>
    %dma_wait3A_122 = arith.constant 0 : i32
    %dma_wait3A_123 = tpu.memref_slice %arg3[%add3A_101, %dma_wait3A_122] : memref<16384x3072xf32, #tpu.memory_space<hbm>> -> memref<16x3072xf32, #tpu.memory_space<hbm>>
    %dma_wait3A_124 = arith.constant 0 : i32
    %dma_wait3A_125 = arith.constant 0 : i32
    %dma_wait3A_126 = tpu.memref_slice %arg4[%dma_wait3A_115, %dma_wait3A_124, %dma_wait3A_125] : memref<2x16x3072xf32, #tpu.memory_space<vmem>> -> memref<1x16x3072xf32, #tpu.memory_space<vmem>>
    %dma_wait3A_127 = tpu.memref_squeeze %dma_wait3A_126 : memref<1x16x3072xf32, #tpu.memory_space<vmem>> -> memref<16x3072xf32, #tpu.memory_space<vmem>>
    tpu.wait_dma2 semaphore(%arg8 : memref<!tpu.dma_semaphore, #tpu.memory_space<semaphore_mem>>) src(%dma_wait3A_127 : memref<16x3072xf32, #tpu.memory_space<vmem>>) dst(%dma_wait3A_123 : memref<16x3072xf32, #tpu.memory_space<hbm>>)
    %add3A_128 = arith.constant 48 : i32
    %add3A_129 = arith.addi %mul3A_2, %add3A_128 : i32
    %dma_start3A_130 = arith.constant 1 : i32
    %dma_start3A_131 = arith.constant 0 : i32
    %dma_start3A_132 = arith.constant 0 : i32
    %dma_start3A_133 = tpu.memref_slice %arg4[%dma_start3A_130, %dma_start3A_131, %dma_start3A_132] : memref<2x16x3072xf32, #tpu.memory_space<vmem>> -> memref<1x16x3072xf32, #tpu.memory_space<vmem>>
    %dma_start3A_134 = tpu.memref_squeeze %dma_start3A_133 : memref<1x16x3072xf32, #tpu.memory_space<vmem>> -> memref<16x3072xf32, #tpu.memory_space<vmem>>
    %dma_start3A_135 = arith.constant 5376 : i32
    %dma_start3A_136 = tpu.memref_slice %arg2[%add3A_129, %dma_start3A_135] : memref<16384x8448xf32, #tpu.memory_space<hbm>> -> memref<16x3072xf32, #tpu.memory_space<hbm>>
    %dma_start3A_137 = arith.constant 0 : i32
    %dma_start3A_138 = arith.constant 0 : i32
    %dma_start3A_139 = tpu.memref_slice %arg4[%dma_start3A_130, %dma_start3A_137, %dma_start3A_138] : memref<2x16x3072xf32, #tpu.memory_space<vmem>> -> memref<1x16x3072xf32, #tpu.memory_space<vmem>>
    %dma_start3A_140 = tpu.memref_squeeze %dma_start3A_139 : memref<1x16x3072xf32, #tpu.memory_space<vmem>> -> memref<16x3072xf32, #tpu.memory_space<vmem>>
    %dma_start3A_141 = arith.constant 5376 : i32
    %dma_start3A_142 = tpu.memref_slice %arg2[%add3A_129, %dma_start3A_141] : memref<16384x8448xf32, #tpu.memory_space<hbm>> -> memref<16x3072xf32, #tpu.memory_space<hbm>>
    tpu.enqueue_dma source(%dma_start3A_142 : memref<16x3072xf32, #tpu.memory_space<hbm>>) target(%dma_start3A_140 : memref<16x3072xf32, #tpu.memory_space<vmem>>) target_semaphore(%arg6 : memref<!tpu.dma_semaphore, #tpu.memory_space<semaphore_mem>>)
    %dma_wait3A_143 = arith.constant 0 : i32
    %dma_wait3A_144 = arith.constant 0 : i32
    %dma_wait3A_145 = arith.constant 0 : i32
    %dma_wait3A_146 = tpu.memref_slice %arg4[%dma_wait3A_143, %dma_wait3A_144, %dma_wait3A_145] : memref<2x16x3072xf32, #tpu.memory_space<vmem>> -> memref<1x16x3072xf32, #tpu.memory_space<vmem>>
    %dma_wait3A_147 = tpu.memref_squeeze %dma_wait3A_146 : memref<1x16x3072xf32, #tpu.memory_space<vmem>> -> memref<16x3072xf32, #tpu.memory_space<vmem>>
    %dma_wait3A_148 = arith.constant 5376 : i32
    %dma_wait3A_149 = tpu.memref_slice %arg2[%add3A_73, %dma_wait3A_148] : memref<16384x8448xf32, #tpu.memory_space<hbm>> -> memref<16x3072xf32, #tpu.memory_space<hbm>>
    %dma_wait3A_150 = arith.constant 0 : i32
    %dma_wait3A_151 = arith.constant 0 : i32
    %dma_wait3A_152 = tpu.memref_slice %arg4[%dma_wait3A_143, %dma_wait3A_150, %dma_wait3A_151] : memref<2x16x3072xf32, #tpu.memory_space<vmem>> -> memref<1x16x3072xf32, #tpu.memory_space<vmem>>
    %dma_wait3A_153 = tpu.memref_squeeze %dma_wait3A_152 : memref<1x16x3072xf32, #tpu.memory_space<vmem>> -> memref<16x3072xf32, #tpu.memory_space<vmem>>
    %dma_wait3A_154 = arith.constant 5376 : i32
    %dma_wait3A_155 = tpu.memref_slice %arg2[%add3A_73, %dma_wait3A_154] : memref<16384x8448xf32, #tpu.memory_space<hbm>> -> memref<16x3072xf32, #tpu.memory_space<hbm>>
    tpu.wait_dma2 semaphore(%arg5 : memref<!tpu.dma_semaphore, #tpu.memory_space<semaphore_mem>>) src(%dma_wait3A_155 : memref<16x3072xf32, #tpu.memory_space<hbm>>) dst(%dma_wait3A_153 : memref<16x3072xf32, #tpu.memory_space<vmem>>)
    %add3A_156 = arith.constant 32 : i32
    %add3A_157 = arith.addi %mul3A_2, %add3A_156 : i32
    %dma_start3A_158 = arith.constant 0 : i32
    %dma_start3A_159 = arith.constant 0 : i32
    %dma_start3A_160 = arith.constant 0 : i32
    %dma_start3A_161 = tpu.memref_slice %arg4[%dma_start3A_158, %dma_start3A_159, %dma_start3A_160] : memref<2x16x3072xf32, #tpu.memory_space<vmem>> -> memref<1x16x3072xf32, #tpu.memory_space<vmem>>
    %dma_start3A_162 = tpu.memref_squeeze %dma_start3A_161 : memref<1x16x3072xf32, #tpu.memory_space<vmem>> -> memref<16x3072xf32, #tpu.memory_space<vmem>>
    %dma_start3A_163 = arith.constant 0 : i32
    %dma_start3A_164 = tpu.memref_slice %arg3[%add3A_157, %dma_start3A_163] : memref<16384x3072xf32, #tpu.memory_space<hbm>> -> memref<16x3072xf32, #tpu.memory_space<hbm>>
    %dma_start3A_165 = arith.constant 0 : i32
    %dma_start3A_166 = tpu.memref_slice %arg3[%add3A_157, %dma_start3A_165] : memref<16384x3072xf32, #tpu.memory_space<hbm>> -> memref<16x3072xf32, #tpu.memory_space<hbm>>
    %dma_start3A_167 = arith.constant 0 : i32
    %dma_start3A_168 = arith.constant 0 : i32
    %dma_start3A_169 = tpu.memref_slice %arg4[%dma_start3A_158, %dma_start3A_167, %dma_start3A_168] : memref<2x16x3072xf32, #tpu.memory_space<vmem>> -> memref<1x16x3072xf32, #tpu.memory_space<vmem>>
    %dma_start3A_170 = tpu.memref_squeeze %dma_start3A_169 : memref<1x16x3072xf32, #tpu.memory_space<vmem>> -> memref<16x3072xf32, #tpu.memory_space<vmem>>
    tpu.enqueue_dma source(%dma_start3A_170 : memref<16x3072xf32, #tpu.memory_space<vmem>>) target(%dma_start3A_166 : memref<16x3072xf32, #tpu.memory_space<hbm>>) target_semaphore(%arg7 : memref<!tpu.dma_semaphore, #tpu.memory_space<semaphore_mem>>)
    %dma_wait3A_171 = arith.constant 0 : i32
    %dma_wait3A_172 = arith.constant 0 : i32
    %dma_wait3A_173 = arith.constant 0 : i32
    %dma_wait3A_174 = tpu.memref_slice %arg4[%dma_wait3A_171, %dma_wait3A_172, %dma_wait3A_173] : memref<2x16x3072xf32, #tpu.memory_space<vmem>> -> memref<1x16x3072xf32, #tpu.memory_space<vmem>>
    %dma_wait3A_175 = tpu.memref_squeeze %dma_wait3A_174 : memref<1x16x3072xf32, #tpu.memory_space<vmem>> -> memref<16x3072xf32, #tpu.memory_space<vmem>>
    %dma_wait3A_176 = arith.constant 0 : i32
    %dma_wait3A_177 = tpu.memref_slice %arg3[%add3A_157, %dma_wait3A_176] : memref<16384x3072xf32, #tpu.memory_space<hbm>> -> memref<16x3072xf32, #tpu.memory_space<hbm>>
    %dma_wait3A_178 = arith.constant 0 : i32
    %dma_wait3A_179 = tpu.memref_slice %arg3[%add3A_157, %dma_wait3A_178] : memref<16384x3072xf32, #tpu.memory_space<hbm>> -> memref<16x3072xf32, #tpu.memory_space<hbm>>
    %dma_wait3A_180 = arith.constant 0 : i32
    %dma_wait3A_181 = arith.constant 0 : i32
    %dma_wait3A_182 = tpu.memref_slice %arg4[%dma_wait3A_171, %dma_wait3A_180, %dma_wait3A_181] : memref<2x16x3072xf32, #tpu.memory_space<vmem>> -> memref<1x16x3072xf32, #tpu.memory_space<vmem>>
    %dma_wait3A_183 = tpu.memref_squeeze %dma_wait3A_182 : memref<1x16x3072xf32, #tpu.memory_space<vmem>> -> memref<16x3072xf32, #tpu.memory_space<vmem>>
    tpu.wait_dma2 semaphore(%arg7 : memref<!tpu.dma_semaphore, #tpu.memory_space<semaphore_mem>>) src(%dma_wait3A_183 : memref<16x3072xf32, #tpu.memory_space<vmem>>) dst(%dma_wait3A_179 : memref<16x3072xf32, #tpu.memory_space<hbm>>)
    %add3A_184 = arith.constant 64 : i32
    %add3A_185 = arith.addi %mul3A_2, %add3A_184 : i32
    %dma_start3A_186 = arith.constant 0 : i32
    %dma_start3A_187 = arith.constant 0 : i32
    %dma_start3A_188 = arith.constant 0 : i32
    %dma_start3A_189 = tpu.memref_slice %arg4[%dma_start3A_186, %dma_start3A_187, %dma_start3A_188] : memref<2x16x3072xf32, #tpu.memory_space<vmem>> -> memref<1x16x3072xf32, #tpu.memory_space<vmem>>
    %dma_start3A_190 = tpu.memref_squeeze %dma_start3A_189 : memref<1x16x3072xf32, #tpu.memory_space<vmem>> -> memref<16x3072xf32, #tpu.memory_space<vmem>>
    %dma_start3A_191 = arith.constant 5376 : i32
    %dma_start3A_192 = tpu.memref_slice %arg2[%add3A_185, %dma_start3A_191] : memref<16384x8448xf32, #tpu.memory_space<hbm>> -> memref<16x3072xf32, #tpu.memory_space<hbm>>
    %dma_start3A_193 = arith.constant 0 : i32
    %dma_start3A_194 = arith.constant 0 : i32
    %dma_start3A_195 = tpu.memref_slice %arg4[%dma_start3A_186, %dma_start3A_193, %dma_start3A_194] : memref<2x16x3072xf32, #tpu.memory_space<vmem>> -> memref<1x16x3072xf32, #tpu.memory_space<vmem>>
    %dma_start3A_196 = tpu.memref_squeeze %dma_start3A_195 : memref<1x16x3072xf32, #tpu.memory_space<vmem>> -> memref<16x3072xf32, #tpu.memory_space<vmem>>
    %dma_start3A_197 = arith.constant 5376 : i32
    %dma_start3A_198 = tpu.memref_slice %arg2[%add3A_185, %dma_start3A_197] : memref<16384x8448xf32, #tpu.memory_space<hbm>> -> memref<16x3072xf32, #tpu.memory_space<hbm>>
    tpu.enqueue_dma source(%dma_start3A_198 : memref<16x3072xf32, #tpu.memory_space<hbm>>) target(%dma_start3A_196 : memref<16x3072xf32, #tpu.memory_space<vmem>>) target_semaphore(%arg5 : memref<!tpu.dma_semaphore, #tpu.memory_space<semaphore_mem>>)
    %dma_wait3A_199 = arith.constant 1 : i32
    %dma_wait3A_200 = arith.constant 0 : i32
    %dma_wait3A_201 = arith.constant 0 : i32
    %dma_wait3A_202 = tpu.memref_slice %arg4[%dma_wait3A_199, %dma_wait3A_200, %dma_wait3A_201] : memref<2x16x3072xf32, #tpu.memory_space<vmem>> -> memref<1x16x3072xf32, #tpu.memory_space<vmem>>
    %dma_wait3A_203 = tpu.memref_squeeze %dma_wait3A_202 : memref<1x16x3072xf32, #tpu.memory_space<vmem>> -> memref<16x3072xf32, #tpu.memory_space<vmem>>
    %dma_wait3A_204 = arith.constant 5376 : i32
    %dma_wait3A_205 = tpu.memref_slice %arg2[%add3A_129, %dma_wait3A_204] : memref<16384x8448xf32, #tpu.memory_space<hbm>> -> memref<16x3072xf32, #tpu.memory_space<hbm>>
    %dma_wait3A_206 = arith.constant 0 : i32
    %dma_wait3A_207 = arith.constant 0 : i32
    %dma_wait3A_208 = tpu.memref_slice %arg4[%dma_wait3A_199, %dma_wait3A_206, %dma_wait3A_207] : memref<2x16x3072xf32, #tpu.memory_space<vmem>> -> memref<1x16x3072xf32, #tpu.memory_space<vmem>>
    %dma_wait3A_209 = tpu.memref_squeeze %dma_wait3A_208 : memref<1x16x3072xf32, #tpu.memory_space<vmem>> -> memref<16x3072xf32, #tpu.memory_space<vmem>>
    %dma_wait3A_210 = arith.constant 5376 : i32
    %dma_wait3A_211 = tpu.memref_slice %arg2[%add3A_129, %dma_wait3A_210] : memref<16384x8448xf32, #tpu.memory_space<hbm>> -> memref<16x3072xf32, #tpu.memory_space<hbm>>
    tpu.wait_dma2 semaphore(%arg6 : memref<!tpu.dma_semaphore, #tpu.memory_space<semaphore_mem>>) src(%dma_wait3A_211 : memref<16x3072xf32, #tpu.memory_space<hbm>>) dst(%dma_wait3A_209 : memref<16x3072xf32, #tpu.memory_space<vmem>>)
    %add3A_212 = arith.constant 48 : i32
    %add3A_213 = arith.addi %mul3A_2, %add3A_212 : i32
    %dma_start3A_214 = arith.constant 1 : i32
    %dma_start3A_215 = arith.constant 0 : i32
    %dma_start3A_216 = arith.constant 0 : i32
    %dma_start3A_217 = tpu.memref_slice %arg4[%dma_start3A_214, %dma_start3A_215, %dma_start3A_216] : memref<2x16x3072xf32, #tpu.memory_space<vmem>> -> memref<1x16x3072xf32, #tpu.memory_space<vmem>>
    %dma_start3A_218 = tpu.memref_squeeze %dma_start3A_217 : memref<1x16x3072xf32, #tpu.memory_space<vmem>> -> memref<16x3072xf32, #tpu.memory_space<vmem>>
    %dma_start3A_219 = arith.constant 0 : i32
    %dma_start3A_220 = tpu.memref_slice %arg3[%add3A_213, %dma_start3A_219] : memref<16384x3072xf32, #tpu.memory_space<hbm>> -> memref<16x3072xf32, #tpu.memory_space<hbm>>
    %dma_start3A_221 = arith.constant 0 : i32
    %dma_start3A_222 = tpu.memref_slice %arg3[%add3A_213, %dma_start3A_221] : memref<16384x3072xf32, #tpu.memory_space<hbm>> -> memref<16x3072xf32, #tpu.memory_space<hbm>>
    %dma_start3A_223 = arith.constant 0 : i32
    %dma_start3A_224 = arith.constant 0 : i32
    %dma_start3A_225 = tpu.memref_slice %arg4[%dma_start3A_214, %dma_start3A_223, %dma_start3A_224] : memref<2x16x3072xf32, #tpu.memory_space<vmem>> -> memref<1x16x3072xf32, #tpu.memory_space<vmem>>
    %dma_start3A_226 = tpu.memref_squeeze %dma_start3A_225 : memref<1x16x3072xf32, #tpu.memory_space<vmem>> -> memref<16x3072xf32, #tpu.memory_space<vmem>>
    tpu.enqueue_dma source(%dma_start3A_226 : memref<16x3072xf32, #tpu.memory_space<vmem>>) target(%dma_start3A_222 : memref<16x3072xf32, #tpu.memory_space<hbm>>) target_semaphore(%arg8 : memref<!tpu.dma_semaphore, #tpu.memory_space<semaphore_mem>>)
    %dma_wait3A_227 = arith.constant 1 : i32
    %dma_wait3A_228 = arith.constant 0 : i32
    %dma_wait3A_229 = arith.constant 0 : i32
    %dma_wait3A_230 = tpu.memref_slice %arg4[%dma_wait3A_227, %dma_wait3A_228, %dma_wait3A_229] : memref<2x16x3072xf32, #tpu.memory_space<vmem>> -> memref<1x16x3072xf32, #tpu.memory_space<vmem>>
    %dma_wait3A_231 = tpu.memref_squeeze %dma_wait3A_230 : memref<1x16x3072xf32, #tpu.memory_space<vmem>> -> memref<16x3072xf32, #tpu.memory_space<vmem>>
    %dma_wait3A_232 = arith.constant 0 : i32
    %dma_wait3A_233 = tpu.memref_slice %arg3[%add3A_213, %dma_wait3A_232] : memref<16384x3072xf32, #tpu.memory_space<hbm>> -> memref<16x3072xf32, #tpu.memory_space<hbm>>
    %dma_wait3A_234 = arith.constant 0 : i32
    %dma_wait3A_235 = tpu.memref_slice %arg3[%add3A_213, %dma_wait3A_234] : memref<16384x3072xf32, #tpu.memory_space<hbm>> -> memref<16x3072xf32, #tpu.memory_space<hbm>>
    %dma_wait3A_236 = arith.constant 0 : i32
    %dma_wait3A_237 = arith.constant 0 : i32
    %dma_wait3A_238 = tpu.memref_slice %arg4[%dma_wait3A_227, %dma_wait3A_236, %dma_wait3A_237] : memref<2x16x3072xf32, #tpu.memory_space<vmem>> -> memref<1x16x3072xf32, #tpu.memory_space<vmem>>
    %dma_wait3A_239 = tpu.memref_squeeze %dma_wait3A_238 : memref<1x16x3072xf32, #tpu.memory_space<vmem>> -> memref<16x3072xf32, #tpu.memory_space<vmem>>
    tpu.wait_dma2 semaphore(%arg8 : memref<!tpu.dma_semaphore, #tpu.memory_space<semaphore_mem>>) src(%dma_wait3A_239 : memref<16x3072xf32, #tpu.memory_space<vmem>>) dst(%dma_wait3A_235 : memref<16x3072xf32, #tpu.memory_space<hbm>>)
    %add3A_240 = arith.constant 80 : i32
    %add3A_241 = arith.addi %mul3A_2, %add3A_240 : i32
    %dma_start3A_242 = arith.constant 1 : i32
    %dma_start3A_243 = arith.constant 0 : i32
    %dma_start3A_244 = arith.constant 0 : i32
    %dma_start3A_245 = tpu.memref_slice %arg4[%dma_start3A_242, %dma_start3A_243, %dma_start3A_244] : memref<2x16x3072xf32, #tpu.memory_space<vmem>> -> memref<1x16x3072xf32, #tpu.memory_space<vmem>>
    %dma_start3A_246 = tpu.memref_squeeze %dma_start3A_245 : memref<1x16x3072xf32, #tpu.memory_space<vmem>> -> memref<16x3072xf32, #tpu.memory_space<vmem>>
    %dma_start3A_247 = arith.constant 5376 : i32
    %dma_start3A_248 = tpu.memref_slice %arg2[%add3A_241, %dma_start3A_247] : memref<16384x8448xf32, #tpu.memory_space<hbm>> -> memref<16x3072xf32, #tpu.memory_space<hbm>>
    %dma_start3A_249 = arith.constant 0 : i32
    %dma_start3A_250 = arith.constant 0 : i32
    %dma_start3A_251 = tpu.memref_slice %arg4[%dma_start3A_242, %dma_start3A_249, %dma_start3A_250] : memref<2x16x3072xf32, #tpu.memory_space<vmem>> -> memref<1x16x3072xf32, #tpu.memory_space<vmem>>
    %dma_start3A_252 = tpu.memref_squeeze %dma_start3A_251 : memref<1x16x3072xf32, #tpu.memory_space<vmem>> -> memref<16x3072xf32, #tpu.memory_space<vmem>>
    %dma_start3A_253 = arith.constant 5376 : i32
    %dma_start3A_254 = tpu.memref_slice %arg2[%add3A_241, %dma_start3A_253] : memref<16384x8448xf32, #tpu.memory_space<hbm>> -> memref<16x3072xf32, #tpu.memory_space<hbm>>
    tpu.enqueue_dma source(%dma_start3A_254 : memref<16x3072xf32, #tpu.memory_space<hbm>>) target(%dma_start3A_252 : memref<16x3072xf32, #tpu.memory_space<vmem>>) target_semaphore(%arg6 : memref<!tpu.dma_semaphore, #tpu.memory_space<semaphore_mem>>)
    %dma_wait3A_255 = arith.constant 0 : i32
    %dma_wait3A_256 = arith.constant 0 : i32
    %dma_wait3A_257 = arith.constant 0 : i32
    %dma_wait3A_258 = tpu.memref_slice %arg4[%dma_wait3A_255, %dma_wait3A_256, %dma_wait3A_257] : memref<2x16x3072xf32, #tpu.memory_space<vmem>> -> memref<1x16x3072xf32, #tpu.memory_space<vmem>>
    %dma_wait3A_259 = tpu.memref_squeeze %dma_wait3A_258 : memref<1x16x3072xf32, #tpu.memory_space<vmem>> -> memref<16x3072xf32, #tpu.memory_space<vmem>>
    %dma_wait3A_260 = arith.constant 5376 : i32
    %dma_wait3A_261 = tpu.memref_slice %arg2[%add3A_185, %dma_wait3A_260] : memref<16384x8448xf32, #tpu.memory_space<hbm>> -> memref<16x3072xf32, #tpu.memory_space<hbm>>
    %dma_wait3A_262 = arith.constant 0 : i32
    %dma_wait3A_263 = arith.constant 0 : i32
    %dma_wait3A_264 = tpu.memref_slice %arg4[%dma_wait3A_255, %dma_wait3A_262, %dma_wait3A_263] : memref<2x16x3072xf32, #tpu.memory_space<vmem>> -> memref<1x16x3072xf32, #tpu.memory_space<vmem>>
    %dma_wait3A_265 = tpu.memref_squeeze %dma_wait3A_264 : memref<1x16x3072xf32, #tpu.memory_space<vmem>> -> memref<16x3072xf32, #tpu.memory_space<vmem>>
    %dma_wait3A_266 = arith.constant 5376 : i32
    %dma_wait3A_267 = tpu.memref_slice %arg2[%add3A_185, %dma_wait3A_266] : memref<16384x8448xf32, #tpu.memory_space<hbm>> -> memref<16x3072xf32, #tpu.memory_space<hbm>>
    tpu.wait_dma2 semaphore(%arg5 : memref<!tpu.dma_semaphore, #tpu.memory_space<semaphore_mem>>) src(%dma_wait3A_267 : memref<16x3072xf32, #tpu.memory_space<hbm>>) dst(%dma_wait3A_265 : memref<16x3072xf32, #tpu.memory_space<vmem>>)
    %add3A_268 = arith.constant 64 : i32
    %add3A_269 = arith.addi %mul3A_2, %add3A_268 : i32
    %dma_start3A_270 = arith.constant 0 : i32
    %dma_start3A_271 = arith.constant 0 : i32
    %dma_start3A_272 = arith.constant 0 : i32
    %dma_start3A_273 = tpu.memref_slice %arg4[%dma_start3A_270, %dma_start3A_271, %dma_start3A_272] : memref<2x16x3072xf32, #tpu.memory_space<vmem>> -> memref<1x16x3072xf32, #tpu.memory_space<vmem>>
    %dma_start3A_274 = tpu.memref_squeeze %dma_start3A_273 : memref<1x16x3072xf32, #tpu.memory_space<vmem>> -> memref<16x3072xf32, #tpu.memory_space<vmem>>
    %dma_start3A_275 = arith.constant 0 : i32
    %dma_start3A_276 = tpu.memref_slice %arg3[%add3A_269, %dma_start3A_275] : memref<16384x3072xf32, #tpu.memory_space<hbm>> -> memref<16x3072xf32, #tpu.memory_space<hbm>>
    %dma_start3A_277 = arith.constant 0 : i32
    %dma_start3A_278 = tpu.memref_slice %arg3[%add3A_269, %dma_start3A_277] : memref<16384x3072xf32, #tpu.memory_space<hbm>> -> memref<16x3072xf32, #tpu.memory_space<hbm>>
    %dma_start3A_279 = arith.constant 0 : i32
    %dma_start3A_280 = arith.constant 0 : i32
    %dma_start3A_281 = tpu.memref_slice %arg4[%dma_start3A_270, %dma_start3A_279, %dma_start3A_280] : memref<2x16x3072xf32, #tpu.memory_space<vmem>> -> memref<1x16x3072xf32, #tpu.memory_space<vmem>>
    %dma_start3A_282 = tpu.memref_squeeze %dma_start3A_281 : memref<1x16x3072xf32, #tpu.memory_space<vmem>> -> memref<16x3072xf32, #tpu.memory_space<vmem>>
    tpu.enqueue_dma source(%dma_start3A_282 : memref<16x3072xf32, #tpu.memory_space<vmem>>) target(%dma_start3A_278 : memref<16x3072xf32, #tpu.memory_space<hbm>>) target_semaphore(%arg7 : memref<!tpu.dma_semaphore, #tpu.memory_space<semaphore_mem>>)
    %dma_wait3A_283 = arith.constant 0 : i32
    %dma_wait3A_284 = arith.constant 0 : i32
    %dma_wait3A_285 = arith.constant 0 : i32
    %dma_wait3A_286 = tpu.memref_slice %arg4[%dma_wait3A_283, %dma_wait3A_284, %dma_wait3A_285] : memref<2x16x3072xf32, #tpu.memory_space<vmem>> -> memref<1x16x3072xf32, #tpu.memory_space<vmem>>
    %dma_wait3A_287 = tpu.memref_squeeze %dma_wait3A_286 : memref<1x16x3072xf32, #tpu.memory_space<vmem>> -> memref<16x3072xf32, #tpu.memory_space<vmem>>
    %dma_wait3A_288 = arith.constant 0 : i32
    %dma_wait3A_289 = tpu.memref_slice %arg3[%add3A_269, %dma_wait3A_288] : memref<16384x3072xf32, #tpu.memory_space<hbm>> -> memref<16x3072xf32, #tpu.memory_space<hbm>>
    %dma_wait3A_290 = arith.constant 0 : i32
    %dma_wait3A_291 = tpu.memref_slice %arg3[%add3A_269, %dma_wait3A_290] : memref<16384x3072xf32, #tpu.memory_space<hbm>> -> memref<16x3072xf32, #tpu.memory_space<hbm>>
    %dma_wait3A_292 = arith.constant 0 : i32
    %dma_wait3A_293 = arith.constant 0 : i32
    %dma_wait3A_294 = tpu.memref_slice %arg4[%dma_wait3A_283, %dma_wait3A_292, %dma_wait3A_293] : memref<2x16x3072xf32, #tpu.memory_space<vmem>> -> memref<1x16x3072xf32, #tpu.memory_space<vmem>>
    %dma_wait3A_295 = tpu.memref_squeeze %dma_wait3A_294 : memref<1x16x3072xf32, #tpu.memory_space<vmem>> -> memref<16x3072xf32, #tpu.memory_space<vmem>>
    tpu.wait_dma2 semaphore(%arg7 : memref<!tpu.dma_semaphore, #tpu.memory_space<semaphore_mem>>) src(%dma_wait3A_295 : memref<16x3072xf32, #tpu.memory_space<vmem>>) dst(%dma_wait3A_291 : memref<16x3072xf32, #tpu.memory_space<hbm>>)
    %add3A_296 = arith.constant 96 : i32
    %add3A_297 = arith.addi %mul3A_2, %add3A_296 : i32
    %dma_start3A_298 = arith.constant 0 : i32
    %dma_start3A_299 = arith.constant 0 : i32
    %dma_start3A_300 = arith.constant 0 : i32
    %dma_start3A_301 = tpu.memref_slice %arg4[%dma_start3A_298, %dma_start3A_299, %dma_start3A_300] : memref<2x16x3072xf32, #tpu.memory_space<vmem>> -> memref<1x16x3072xf32, #tpu.memory_space<vmem>>
    %dma_start3A_302 = tpu.memref_squeeze %dma_start3A_301 : memref<1x16x3072xf32, #tpu.memory_space<vmem>> -> memref<16x3072xf32, #tpu.memory_space<vmem>>
    %dma_start3A_303 = arith.constant 5376 : i32
    %dma_start3A_304 = tpu.memref_slice %arg2[%add3A_297, %dma_start3A_303] : memref<16384x8448xf32, #tpu.memory_space<hbm>> -> memref<16x3072xf32, #tpu.memory_space<hbm>>
    %dma_start3A_305 = arith.constant 0 : i32
    %dma_start3A_306 = arith.constant 0 : i32
    %dma_start3A_307 = tpu.memref_slice %arg4[%dma_start3A_298, %dma_start3A_305, %dma_start3A_306] : memref<2x16x3072xf32, #tpu.memory_space<vmem>> -> memref<1x16x3072xf32, #tpu.memory_space<vmem>>
    %dma_start3A_308 = tpu.memref_squeeze %dma_start3A_307 : memref<1x16x3072xf32, #tpu.memory_space<vmem>> -> memref<16x3072xf32, #tpu.memory_space<vmem>>
    %dma_start3A_309 = arith.constant 5376 : i32
    %dma_start3A_310 = tpu.memref_slice %arg2[%add3A_297, %dma_start3A_309] : memref<16384x8448xf32, #tpu.memory_space<hbm>> -> memref<16x3072xf32, #tpu.memory_space<hbm>>
    tpu.enqueue_dma source(%dma_start3A_310 : memref<16x3072xf32, #tpu.memory_space<hbm>>) target(%dma_start3A_308 : memref<16x3072xf32, #tpu.memory_space<vmem>>) target_semaphore(%arg5 : memref<!tpu.dma_semaphore, #tpu.memory_space<semaphore_mem>>)
    %dma_wait3A_311 = arith.constant 1 : i32
    %dma_wait3A_312 = arith.constant 0 : i32
    %dma_wait3A_313 = arith.constant 0 : i32
    %dma_wait3A_314 = tpu.memref_slice %arg4[%dma_wait3A_311, %dma_wait3A_312, %dma_wait3A_313] : memref<2x16x3072xf32, #tpu.memory_space<vmem>> -> memref<1x16x3072xf32, #tpu.memory_space<vmem>>
    %dma_wait3A_315 = tpu.memref_squeeze %dma_wait3A_314 : memref<1x16x3072xf32, #tpu.memory_space<vmem>> -> memref<16x3072xf32, #tpu.memory_space<vmem>>
    %dma_wait3A_316 = arith.constant 5376 : i32
    %dma_wait3A_317 = tpu.memref_slice %arg2[%add3A_241, %dma_wait3A_316] : memref<16384x8448xf32, #tpu.memory_space<hbm>> -> memref<16x3072xf32, #tpu.memory_space<hbm>>
    %dma_wait3A_318 = arith.constant 0 : i32
    %dma_wait3A_319 = arith.constant 0 : i32
    %dma_wait3A_320 = tpu.memref_slice %arg4[%dma_wait3A_311, %dma_wait3A_318, %dma_wait3A_319] : memref<2x16x3072xf32, #tpu.memory_space<vmem>> -> memref<1x16x3072xf32, #tpu.memory_space<vmem>>
    %dma_wait3A_321 = tpu.memref_squeeze %dma_wait3A_320 : memref<1x16x3072xf32, #tpu.memory_space<vmem>> -> memref<16x3072xf32, #tpu.memory_space<vmem>>
    %dma_wait3A_322 = arith.constant 5376 : i32
    %dma_wait3A_323 = tpu.memref_slice %arg2[%add3A_241, %dma_wait3A_322] : memref<16384x8448xf32, #tpu.memory_space<hbm>> -> memref<16x3072xf32, #tpu.memory_space<hbm>>
    tpu.wait_dma2 semaphore(%arg6 : memref<!tpu.dma_semaphore, #tpu.memory_space<semaphore_mem>>) src(%dma_wait3A_323 : memref<16x3072xf32, #tpu.memory_space<hbm>>) dst(%dma_wait3A_321 : memref<16x3072xf32, #tpu.memory_space<vmem>>)
    %add3A_324 = arith.constant 80 : i32
    %add3A_325 = arith.addi %mul3A_2, %add3A_324 : i32
    %dma_start3A_326 = arith.constant 1 : i32
    %dma_start3A_327 = arith.constant 0 : i32
    %dma_start3A_328 = arith.constant 0 : i32
    %dma_start3A_329 = tpu.memref_slice %arg4[%dma_start3A_326, %dma_start3A_327, %dma_start3A_328] : memref<2x16x3072xf32, #tpu.memory_space<vmem>> -> memref<1x16x3072xf32, #tpu.memory_space<vmem>>
    %dma_start3A_330 = tpu.memref_squeeze %dma_start3A_329 : memref<1x16x3072xf32, #tpu.memory_space<vmem>> -> memref<16x3072xf32, #tpu.memory_space<vmem>>
    %dma_start3A_331 = arith.constant 0 : i32
    %dma_start3A_332 = tpu.memref_slice %arg3[%add3A_325, %dma_start3A_331] : memref<16384x3072xf32, #tpu.memory_space<hbm>> -> memref<16x3072xf32, #tpu.memory_space<hbm>>
    %dma_start3A_333 = arith.constant 0 : i32
    %dma_start3A_334 = tpu.memref_slice %arg3[%add3A_325, %dma_start3A_333] : memref<16384x3072xf32, #tpu.memory_space<hbm>> -> memref<16x3072xf32, #tpu.memory_space<hbm>>
    %dma_start3A_335 = arith.constant 0 : i32
    %dma_start3A_336 = arith.constant 0 : i32
    %dma_start3A_337 = tpu.memref_slice %arg4[%dma_start3A_326, %dma_start3A_335, %dma_start3A_336] : memref<2x16x3072xf32, #tpu.memory_space<vmem>> -> memref<1x16x3072xf32, #tpu.memory_space<vmem>>
    %dma_start3A_338 = tpu.memref_squeeze %dma_start3A_337 : memref<1x16x3072xf32, #tpu.memory_space<vmem>> -> memref<16x3072xf32, #tpu.memory_space<vmem>>
    tpu.enqueue_dma source(%dma_start3A_338 : memref<16x3072xf32, #tpu.memory_space<vmem>>) target(%dma_start3A_334 : memref<16x3072xf32, #tpu.memory_space<hbm>>) target_semaphore(%arg8 : memref<!tpu.dma_semaphore, #tpu.memory_space<semaphore_mem>>)
    %dma_wait3A_339 = arith.constant 1 : i32
    %dma_wait3A_340 = arith.constant 0 : i32
    %dma_wait3A_341 = arith.constant 0 : i32
    %dma_wait3A_342 = tpu.memref_slice %arg4[%dma_wait3A_339, %dma_wait3A_340, %dma_wait3A_341] : memref<2x16x3072xf32, #tpu.memory_space<vmem>> -> memref<1x16x3072xf32, #tpu.memory_space<vmem>>
    %dma_wait3A_343 = tpu.memref_squeeze %dma_wait3A_342 : memref<1x16x3072xf32, #tpu.memory_space<vmem>> -> memref<16x3072xf32, #tpu.memory_space<vmem>>
    %dma_wait3A_344 = arith.constant 0 : i32
    %dma_wait3A_345 = tpu.memref_slice %arg3[%add3A_325, %dma_wait3A_344] : memref<16384x3072xf32, #tpu.memory_space<hbm>> -> memref<16x3072xf32, #tpu.memory_space<hbm>>
    %dma_wait3A_346 = arith.constant 0 : i32
    %dma_wait3A_347 = tpu.memref_slice %arg3[%add3A_325, %dma_wait3A_346] : memref<16384x3072xf32, #tpu.memory_space<hbm>> -> memref<16x3072xf32, #tpu.memory_space<hbm>>
    %dma_wait3A_348 = arith.constant 0 : i32
    %dma_wait3A_349 = arith.constant 0 : i32
    %dma_wait3A_350 = tpu.memref_slice %arg4[%dma_wait3A_339, %dma_wait3A_348, %dma_wait3A_349] : memref<2x16x3072xf32, #tpu.memory_space<vmem>> -> memref<1x16x3072xf32, #tpu.memory_space<vmem>>
    %dma_wait3A_351 = tpu.memref_squeeze %dma_wait3A_350 : memref<1x16x3072xf32, #tpu.memory_space<vmem>> -> memref<16x3072xf32, #tpu.memory_space<vmem>>
    tpu.wait_dma2 semaphore(%arg8 : memref<!tpu.dma_semaphore, #tpu.memory_space<semaphore_mem>>) src(%dma_wait3A_351 : memref<16x3072xf32, #tpu.memory_space<vmem>>) dst(%dma_wait3A_347 : memref<16x3072xf32, #tpu.memory_space<hbm>>)
    %add3A_352 = arith.constant 112 : i32
    %add3A_353 = arith.addi %mul3A_2, %add3A_352 : i32
    %dma_start3A_354 = arith.constant 1 : i32
    %dma_start3A_355 = arith.constant 0 : i32
    %dma_start3A_356 = arith.constant 0 : i32
    %dma_start3A_357 = tpu.memref_slice %arg4[%dma_start3A_354, %dma_start3A_355, %dma_start3A_356] : memref<2x16x3072xf32, #tpu.memory_space<vmem>> -> memref<1x16x3072xf32, #tpu.memory_space<vmem>>
    %dma_start3A_358 = tpu.memref_squeeze %dma_start3A_357 : memref<1x16x3072xf32, #tpu.memory_space<vmem>> -> memref<16x3072xf32, #tpu.memory_space<vmem>>
    %dma_start3A_359 = arith.constant 5376 : i32
    %dma_start3A_360 = tpu.memref_slice %arg2[%add3A_353, %dma_start3A_359] : memref<16384x8448xf32, #tpu.memory_space<hbm>> -> memref<16x3072xf32, #tpu.memory_space<hbm>>
    %dma_start3A_361 = arith.constant 0 : i32
    %dma_start3A_362 = arith.constant 0 : i32
    %dma_start3A_363 = tpu.memref_slice %arg4[%dma_start3A_354, %dma_start3A_361, %dma_start3A_362] : memref<2x16x3072xf32, #tpu.memory_space<vmem>> -> memref<1x16x3072xf32, #tpu.memory_space<vmem>>
    %dma_start3A_364 = tpu.memref_squeeze %dma_start3A_363 : memref<1x16x3072xf32, #tpu.memory_space<vmem>> -> memref<16x3072xf32, #tpu.memory_space<vmem>>
    %dma_start3A_365 = arith.constant 5376 : i32
    %dma_start3A_366 = tpu.memref_slice %arg2[%add3A_353, %dma_start3A_365] : memref<16384x8448xf32, #tpu.memory_space<hbm>> -> memref<16x3072xf32, #tpu.memory_space<hbm>>
    tpu.enqueue_dma source(%dma_start3A_366 : memref<16x3072xf32, #tpu.memory_space<hbm>>) target(%dma_start3A_364 : memref<16x3072xf32, #tpu.memory_space<vmem>>) target_semaphore(%arg6 : memref<!tpu.dma_semaphore, #tpu.memory_space<semaphore_mem>>)
    %dma_wait3A_367 = arith.constant 0 : i32
    %dma_wait3A_368 = arith.constant 0 : i32
    %dma_wait3A_369 = arith.constant 0 : i32
    %dma_wait3A_370 = tpu.memref_slice %arg4[%dma_wait3A_367, %dma_wait3A_368, %dma_wait3A_369] : memref<2x16x3072xf32, #tpu.memory_space<vmem>> -> memref<1x16x3072xf32, #tpu.memory_space<vmem>>
    %dma_wait3A_371 = tpu.memref_squeeze %dma_wait3A_370 : memref<1x16x3072xf32, #tpu.memory_space<vmem>> -> memref<16x3072xf32, #tpu.memory_space<vmem>>
    %dma_wait3A_372 = arith.constant 5376 : i32
    %dma_wait3A_373 = tpu.memref_slice %arg2[%add3A_297, %dma_wait3A_372] : memref<16384x8448xf32, #tpu.memory_space<hbm>> -> memref<16x3072xf32, #tpu.memory_space<hbm>>
    %dma_wait3A_374 = arith.constant 0 : i32
    %dma_wait3A_375 = arith.constant 0 : i32
    %dma_wait3A_376 = tpu.memref_slice %arg4[%dma_wait3A_367, %dma_wait3A_374, %dma_wait3A_375] : memref<2x16x3072xf32, #tpu.memory_space<vmem>> -> memref<1x16x3072xf32, #tpu.memory_space<vmem>>
    %dma_wait3A_377 = tpu.memref_squeeze %dma_wait3A_376 : memref<1x16x3072xf32, #tpu.memory_space<vmem>> -> memref<16x3072xf32, #tpu.memory_space<vmem>>
    %dma_wait3A_378 = arith.constant 5376 : i32
    %dma_wait3A_379 = tpu.memref_slice %arg2[%add3A_297, %dma_wait3A_378] : memref<16384x8448xf32, #tpu.memory_space<hbm>> -> memref<16x3072xf32, #tpu.memory_space<hbm>>
    tpu.wait_dma2 semaphore(%arg5 : memref<!tpu.dma_semaphore, #tpu.memory_space<semaphore_mem>>) src(%dma_wait3A_379 : memref<16x3072xf32, #tpu.memory_space<hbm>>) dst(%dma_wait3A_377 : memref<16x3072xf32, #tpu.memory_space<vmem>>)
    %add3A_380 = arith.constant 96 : i32
    %add3A_381 = arith.addi %mul3A_2, %add3A_380 : i32
    %dma_start3A_382 = arith.constant 0 : i32
    %dma_start3A_383 = arith.constant 0 : i32
    %dma_start3A_384 = arith.constant 0 : i32
    %dma_start3A_385 = tpu.memref_slice %arg4[%dma_start3A_382, %dma_start3A_383, %dma_start3A_384] : memref<2x16x3072xf32, #tpu.memory_space<vmem>> -> memref<1x16x3072xf32, #tpu.memory_space<vmem>>
    %dma_start3A_386 = tpu.memref_squeeze %dma_start3A_385 : memref<1x16x3072xf32, #tpu.memory_space<vmem>> -> memref<16x3072xf32, #tpu.memory_space<vmem>>
    %dma_start3A_387 = arith.constant 0 : i32
    %dma_start3A_388 = tpu.memref_slice %arg3[%add3A_381, %dma_start3A_387] : memref<16384x3072xf32, #tpu.memory_space<hbm>> -> memref<16x3072xf32, #tpu.memory_space<hbm>>
    %dma_start3A_389 = arith.constant 0 : i32
    %dma_start3A_390 = tpu.memref_slice %arg3[%add3A_381, %dma_start3A_389] : memref<16384x3072xf32, #tpu.memory_space<hbm>> -> memref<16x3072xf32, #tpu.memory_space<hbm>>
    %dma_start3A_391 = arith.constant 0 : i32
    %dma_start3A_392 = arith.constant 0 : i32
    %dma_start3A_393 = tpu.memref_slice %arg4[%dma_start3A_382, %dma_start3A_391, %dma_start3A_392] : memref<2x16x3072xf32, #tpu.memory_space<vmem>> -> memref<1x16x3072xf32, #tpu.memory_space<vmem>>
    %dma_start3A_394 = tpu.memref_squeeze %dma_start3A_393 : memref<1x16x3072xf32, #tpu.memory_space<vmem>> -> memref<16x3072xf32, #tpu.memory_space<vmem>>
    tpu.enqueue_dma source(%dma_start3A_394 : memref<16x3072xf32, #tpu.memory_space<vmem>>) target(%dma_start3A_390 : memref<16x3072xf32, #tpu.memory_space<hbm>>) target_semaphore(%arg7 : memref<!tpu.dma_semaphore, #tpu.memory_space<semaphore_mem>>)
    %dma_wait3A_395 = arith.constant 0 : i32
    %dma_wait3A_396 = arith.constant 0 : i32
    %dma_wait3A_397 = arith.constant 0 : i32
    %dma_wait3A_398 = tpu.memref_slice %arg4[%dma_wait3A_395, %dma_wait3A_396, %dma_wait3A_397] : memref<2x16x3072xf32, #tpu.memory_space<vmem>> -> memref<1x16x3072xf32, #tpu.memory_space<vmem>>
    %dma_wait3A_399 = tpu.memref_squeeze %dma_wait3A_398 : memref<1x16x3072xf32, #tpu.memory_space<vmem>> -> memref<16x3072xf32, #tpu.memory_space<vmem>>
    %dma_wait3A_400 = arith.constant 0 : i32
    %dma_wait3A_401 = tpu.memref_slice %arg3[%add3A_381, %dma_wait3A_400] : memref<16384x3072xf32, #tpu.memory_space<hbm>> -> memref<16x3072xf32, #tpu.memory_space<hbm>>
    %dma_wait3A_402 = arith.constant 0 : i32
    %dma_wait3A_403 = tpu.memref_slice %arg3[%add3A_381, %dma_wait3A_402] : memref<16384x3072xf32, #tpu.memory_space<hbm>> -> memref<16x3072xf32, #tpu.memory_space<hbm>>
    %dma_wait3A_404 = arith.constant 0 : i32
    %dma_wait3A_405 = arith.constant 0 : i32
    %dma_wait3A_406 = tpu.memref_slice %arg4[%dma_wait3A_395, %dma_wait3A_404, %dma_wait3A_405] : memref<2x16x3072xf32, #tpu.memory_space<vmem>> -> memref<1x16x3072xf32, #tpu.memory_space<vmem>>
    %dma_wait3A_407 = tpu.memref_squeeze %dma_wait3A_406 : memref<1x16x3072xf32, #tpu.memory_space<vmem>> -> memref<16x3072xf32, #tpu.memory_space<vmem>>
    tpu.wait_dma2 semaphore(%arg7 : memref<!tpu.dma_semaphore, #tpu.memory_space<semaphore_mem>>) src(%dma_wait3A_407 : memref<16x3072xf32, #tpu.memory_space<vmem>>) dst(%dma_wait3A_403 : memref<16x3072xf32, #tpu.memory_space<hbm>>)
    %add3A_408 = arith.constant 128 : i32
    %add3A_409 = arith.addi %mul3A_2, %add3A_408 : i32
    %dma_start3A_410 = arith.constant 0 : i32
    %dma_start3A_411 = arith.constant 0 : i32
    %dma_start3A_412 = arith.constant 0 : i32
    %dma_start3A_413 = tpu.memref_slice %arg4[%dma_start3A_410, %dma_start3A_411, %dma_start3A_412] : memref<2x16x3072xf32, #tpu.memory_space<vmem>> -> memref<1x16x3072xf32, #tpu.memory_space<vmem>>
    %dma_start3A_414 = tpu.memref_squeeze %dma_start3A_413 : memref<1x16x3072xf32, #tpu.memory_space<vmem>> -> memref<16x3072xf32, #tpu.memory_space<vmem>>
    %dma_start3A_415 = arith.constant 5376 : i32
    %dma_start3A_416 = tpu.memref_slice %arg2[%add3A_409, %dma_start3A_415] : memref<16384x8448xf32, #tpu.memory_space<hbm>> -> memref<16x3072xf32, #tpu.memory_space<hbm>>
    %dma_start3A_417 = arith.constant 0 : i32
    %dma_start3A_418 = arith.constant 0 : i32
    %dma_start3A_419 = tpu.memref_slice %arg4[%dma_start3A_410, %dma_start3A_417, %dma_start3A_418] : memref<2x16x3072xf32, #tpu.memory_space<vmem>> -> memref<1x16x3072xf32, #tpu.memory_space<vmem>>
    %dma_start3A_420 = tpu.memref_squeeze %dma_start3A_419 : memref<1x16x3072xf32, #tpu.memory_space<vmem>> -> memref<16x3072xf32, #tpu.memory_space<vmem>>
    %dma_start3A_421 = arith.constant 5376 : i32
    %dma_start3A_422 = tpu.memref_slice %arg2[%add3A_409, %dma_start3A_421] : memref<16384x8448xf32, #tpu.memory_space<hbm>> -> memref<16x3072xf32, #tpu.memory_space<hbm>>
    tpu.enqueue_dma source(%dma_start3A_422 : memref<16x3072xf32, #tpu.memory_space<hbm>>) target(%dma_start3A_420 : memref<16x3072xf32, #tpu.memory_space<vmem>>) target_semaphore(%arg5 : memref<!tpu.dma_semaphore, #tpu.memory_space<semaphore_mem>>)
    %dma_wait3A_423 = arith.constant 1 : i32
    %dma_wait3A_424 = arith.constant 0 : i32
    %dma_wait3A_425 = arith.constant 0 : i32
    %dma_wait3A_426 = tpu.memref_slice %arg4[%dma_wait3A_423, %dma_wait3A_424, %dma_wait3A_425] : memref<2x16x3072xf32, #tpu.memory_space<vmem>> -> memref<1x16x3072xf32, #tpu.memory_space<vmem>>
    %dma_wait3A_427 = tpu.memref_squeeze %dma_wait3A_426 : memref<1x16x3072xf32, #tpu.memory_space<vmem>> -> memref<16x3072xf32, #tpu.memory_space<vmem>>
    %dma_wait3A_428 = arith.constant 5376 : i32
    %dma_wait3A_429 = tpu.memref_slice %arg2[%add3A_353, %dma_wait3A_428] : memref<16384x8448xf32, #tpu.memory_space<hbm>> -> memref<16x3072xf32, #tpu.memory_space<hbm>>
    %dma_wait3A_430 = arith.constant 0 : i32
    %dma_wait3A_431 = arith.constant 0 : i32
    %dma_wait3A_432 = tpu.memref_slice %arg4[%dma_wait3A_423, %dma_wait3A_430, %dma_wait3A_431] : memref<2x16x3072xf32, #tpu.memory_space<vmem>> -> memref<1x16x3072xf32, #tpu.memory_space<vmem>>
    %dma_wait3A_433 = tpu.memref_squeeze %dma_wait3A_432 : memref<1x16x3072xf32, #tpu.memory_space<vmem>> -> memref<16x3072xf32, #tpu.memory_space<vmem>>
    %dma_wait3A_434 = arith.constant 5376 : i32
    %dma_wait3A_435 = tpu.memref_slice %arg2[%add3A_353, %dma_wait3A_434] : memref<16384x8448xf32, #tpu.memory_space<hbm>> -> memref<16x3072xf32, #tpu.memory_space<hbm>>
    tpu.wait_dma2 semaphore(%arg6 : memref<!tpu.dma_semaphore, #tpu.memory_space<semaphore_mem>>) src(%dma_wait3A_435 : memref<16x3072xf32, #tpu.memory_space<hbm>>) dst(%dma_wait3A_433 : memref<16x3072xf32, #tpu.memory_space<vmem>>)
    %add3A_436 = arith.constant 112 : i32
    %add3A_437 = arith.addi %mul3A_2, %add3A_436 : i32
    %dma_start3A_438 = arith.constant 1 : i32
    %dma_start3A_439 = arith.constant 0 : i32
    %dma_start3A_440 = arith.constant 0 : i32
    %dma_start3A_441 = tpu.memref_slice %arg4[%dma_start3A_438, %dma_start3A_439, %dma_start3A_440] : memref<2x16x3072xf32, #tpu.memory_space<vmem>> -> memref<1x16x3072xf32, #tpu.memory_space<vmem>>
    %dma_start3A_442 = tpu.memref_squeeze %dma_start3A_441 : memref<1x16x3072xf32, #tpu.memory_space<vmem>> -> memref<16x3072xf32, #tpu.memory_space<vmem>>
    %dma_start3A_443 = arith.constant 0 : i32
    %dma_start3A_444 = tpu.memref_slice %arg3[%add3A_437, %dma_start3A_443] : memref<16384x3072xf32, #tpu.memory_space<hbm>> -> memref<16x3072xf32, #tpu.memory_space<hbm>>
    %dma_start3A_445 = arith.constant 0 : i32
    %dma_start3A_446 = tpu.memref_slice %arg3[%add3A_437, %dma_start3A_445] : memref<16384x3072xf32, #tpu.memory_space<hbm>> -> memref<16x3072xf32, #tpu.memory_space<hbm>>
    %dma_start3A_447 = arith.constant 0 : i32
    %dma_start3A_448 = arith.constant 0 : i32
    %dma_start3A_449 = tpu.memref_slice %arg4[%dma_start3A_438, %dma_start3A_447, %dma_start3A_448] : memref<2x16x3072xf32, #tpu.memory_space<vmem>> -> memref<1x16x3072xf32, #tpu.memory_space<vmem>>
    %dma_start3A_450 = tpu.memref_squeeze %dma_start3A_449 : memref<1x16x3072xf32, #tpu.memory_space<vmem>> -> memref<16x3072xf32, #tpu.memory_space<vmem>>
    tpu.enqueue_dma source(%dma_start3A_450 : memref<16x3072xf32, #tpu.memory_space<vmem>>) target(%dma_start3A_446 : memref<16x3072xf32, #tpu.memory_space<hbm>>) target_semaphore(%arg8 : memref<!tpu.dma_semaphore, #tpu.memory_space<semaphore_mem>>)
    %dma_wait3A_451 = arith.constant 1 : i32
    %dma_wait3A_452 = arith.constant 0 : i32
    %dma_wait3A_453 = arith.constant 0 : i32
    %dma_wait3A_454 = tpu.memref_slice %arg4[%dma_wait3A_451, %dma_wait3A_452, %dma_wait3A_453] : memref<2x16x3072xf32, #tpu.memory_space<vmem>> -> memref<1x16x3072xf32, #tpu.memory_space<vmem>>
    %dma_wait3A_455 = tpu.memref_squeeze %dma_wait3A_454 : memref<1x16x3072xf32, #tpu.memory_space<vmem>> -> memref<16x3072xf32, #tpu.memory_space<vmem>>
    %dma_wait3A_456 = arith.constant 0 : i32
    %dma_wait3A_457 = tpu.memref_slice %arg3[%add3A_437, %dma_wait3A_456] : memref<16384x3072xf32, #tpu.memory_space<hbm>> -> memref<16x3072xf32, #tpu.memory_space<hbm>>
    %dma_wait3A_458 = arith.constant 0 : i32
    %dma_wait3A_459 = tpu.memref_slice %arg3[%add3A_437, %dma_wait3A_458] : memref<16384x3072xf32, #tpu.memory_space<hbm>> -> memref<16x3072xf32, #tpu.memory_space<hbm>>
    %dma_wait3A_460 = arith.constant 0 : i32
    %dma_wait3A_461 = arith.constant 0 : i32
    %dma_wait3A_462 = tpu.memref_slice %arg4[%dma_wait3A_451, %dma_wait3A_460, %dma_wait3A_461] : memref<2x16x3072xf32, #tpu.memory_space<vmem>> -> memref<1x16x3072xf32, #tpu.memory_space<vmem>>
    %dma_wait3A_463 = tpu.memref_squeeze %dma_wait3A_462 : memref<1x16x3072xf32, #tpu.memory_space<vmem>> -> memref<16x3072xf32, #tpu.memory_space<vmem>>
    tpu.wait_dma2 semaphore(%arg8 : memref<!tpu.dma_semaphore, #tpu.memory_space<semaphore_mem>>) src(%dma_wait3A_463 : memref<16x3072xf32, #tpu.memory_space<vmem>>) dst(%dma_wait3A_459 : memref<16x3072xf32, #tpu.memory_space<hbm>>)
    %add3A_464 = arith.constant 144 : i32
    %add3A_465 = arith.addi %mul3A_2, %add3A_464 : i32
    %dma_start3A_466 = arith.constant 1 : i32
    %dma_start3A_467 = arith.constant 0 : i32
    %dma_start3A_468 = arith.constant 0 : i32
    %dma_start3A_469 = tpu.memref_slice %arg4[%dma_start3A_466, %dma_start3A_467, %dma_start3A_468] : memref<2x16x3072xf32, #tpu.memory_space<vmem>> -> memref<1x16x3072xf32, #tpu.memory_space<vmem>>
    %dma_start3A_470 = tpu.memref_squeeze %dma_start3A_469 : memref<1x16x3072xf32, #tpu.memory_space<vmem>> -> memref<16x3072xf32, #tpu.memory_space<vmem>>
    %dma_start3A_471 = arith.constant 5376 : i32
    %dma_start3A_472 = tpu.memref_slice %arg2[%add3A_465, %dma_start3A_471] : memref<16384x8448xf32, #tpu.memory_space<hbm>> -> memref<16x3072xf32, #tpu.memory_space<hbm>>
    %dma_start3A_473 = arith.constant 0 : i32
    %dma_start3A_474 = arith.constant 0 : i32
    %dma_start3A_475 = tpu.memref_slice %arg4[%dma_start3A_466, %dma_start3A_473, %dma_start3A_474] : memref<2x16x3072xf32, #tpu.memory_space<vmem>> -> memref<1x16x3072xf32, #tpu.memory_space<vmem>>
    %dma_start3A_476 = tpu.memref_squeeze %dma_start3A_475 : memref<1x16x3072xf32, #tpu.memory_space<vmem>> -> memref<16x3072xf32, #tpu.memory_space<vmem>>
    %dma_start3A_477 = arith.constant 5376 : i32
    %dma_start3A_478 = tpu.memref_slice %arg2[%add3A_465, %dma_start3A_477] : memref<16384x8448xf32, #tpu.memory_space<hbm>> -> memref<16x3072xf32, #tpu.memory_space<hbm>>
    tpu.enqueue_dma source(%dma_start3A_478 : memref<16x3072xf32, #tpu.memory_space<hbm>>) target(%dma_start3A_476 : memref<16x3072xf32, #tpu.memory_space<vmem>>) target_semaphore(%arg6 : memref<!tpu.dma_semaphore, #tpu.memory_space<semaphore_mem>>)
    %dma_wait3A_479 = arith.constant 0 : i32
    %dma_wait3A_480 = arith.constant 0 : i32
    %dma_wait3A_481 = arith.constant 0 : i32
    %dma_wait3A_482 = tpu.memref_slice %arg4[%dma_wait3A_479, %dma_wait3A_480, %dma_wait3A_481] : memref<2x16x3072xf32, #tpu.memory_space<vmem>> -> memref<1x16x3072xf32, #tpu.memory_space<vmem>>
    %dma_wait3A_483 = tpu.memref_squeeze %dma_wait3A_482 : memref<1x16x3072xf32, #tpu.memory_space<vmem>> -> memref<16x3072xf32, #tpu.memory_space<vmem>>
    %dma_wait3A_484 = arith.constant 5376 : i32
    %dma_wait3A_485 = tpu.memref_slice %arg2[%add3A_409, %dma_wait3A_484] : memref<16384x8448xf32, #tpu.memory_space<hbm>> -> memref<16x3072xf32, #tpu.memory_space<hbm>>
    %dma_wait3A_486 = arith.constant 0 : i32
    %dma_wait3A_487 = arith.constant 0 : i32
    %dma_wait3A_488 = tpu.memref_slice %arg4[%dma_wait3A_479, %dma_wait3A_486, %dma_wait3A_487] : memref<2x16x3072xf32, #tpu.memory_space<vmem>> -> memref<1x16x3072xf32, #tpu.memory_space<vmem>>
    %dma_wait3A_489 = tpu.memref_squeeze %dma_wait3A_488 : memref<1x16x3072xf32, #tpu.memory_space<vmem>> -> memref<16x3072xf32, #tpu.memory_space<vmem>>
    %dma_wait3A_490 = arith.constant 5376 : i32
    %dma_wait3A_491 = tpu.memref_slice %arg2[%add3A_409, %dma_wait3A_490] : memref<16384x8448xf32, #tpu.memory_space<hbm>> -> memref<16x3072xf32, #tpu.memory_space<hbm>>
    tpu.wait_dma2 semaphore(%arg5 : memref<!tpu.dma_semaphore, #tpu.memory_space<semaphore_mem>>) src(%dma_wait3A_491 : memref<16x3072xf32, #tpu.memory_space<hbm>>) dst(%dma_wait3A_489 : memref<16x3072xf32, #tpu.memory_space<vmem>>)
    %add3A_492 = arith.constant 128 : i32
    %add3A_493 = arith.addi %mul3A_2, %add3A_492 : i32
    %dma_start3A_494 = arith.constant 0 : i32
    %dma_start3A_495 = arith.constant 0 : i32
    %dma_start3A_496 = arith.constant 0 : i32
    %dma_start3A_497 = tpu.memref_slice %arg4[%dma_start3A_494, %dma_start3A_495, %dma_start3A_496] : memref<2x16x3072xf32, #tpu.memory_space<vmem>> -> memref<1x16x3072xf32, #tpu.memory_space<vmem>>
    %dma_start3A_498 = tpu.memref_squeeze %dma_start3A_497 : memref<1x16x3072xf32, #tpu.memory_space<vmem>> -> memref<16x3072xf32, #tpu.memory_space<vmem>>
    %dma_start3A_499 = arith.constant 0 : i32
    %dma_start3A_500 = tpu.memref_slice %arg3[%add3A_493, %dma_start3A_499] : memref<16384x3072xf32, #tpu.memory_space<hbm>> -> memref<16x3072xf32, #tpu.memory_space<hbm>>
    %dma_start3A_501 = arith.constant 0 : i32
    %dma_start3A_502 = tpu.memref_slice %arg3[%add3A_493, %dma_start3A_501] : memref<16384x3072xf32, #tpu.memory_space<hbm>> -> memref<16x3072xf32, #tpu.memory_space<hbm>>
    %dma_start3A_503 = arith.constant 0 : i32
    %dma_start3A_504 = arith.constant 0 : i32
    %dma_start3A_505 = tpu.memref_slice %arg4[%dma_start3A_494, %dma_start3A_503, %dma_start3A_504] : memref<2x16x3072xf32, #tpu.memory_space<vmem>> -> memref<1x16x3072xf32, #tpu.memory_space<vmem>>
    %dma_start3A_506 = tpu.memref_squeeze %dma_start3A_505 : memref<1x16x3072xf32, #tpu.memory_space<vmem>> -> memref<16x3072xf32, #tpu.memory_space<vmem>>
    tpu.enqueue_dma source(%dma_start3A_506 : memref<16x3072xf32, #tpu.memory_space<vmem>>) target(%dma_start3A_502 : memref<16x3072xf32, #tpu.memory_space<hbm>>) target_semaphore(%arg7 : memref<!tpu.dma_semaphore, #tpu.memory_space<semaphore_mem>>)
    %dma_wait3A_507 = arith.constant 0 : i32
    %dma_wait3A_508 = arith.constant 0 : i32
    %dma_wait3A_509 = arith.constant 0 : i32
    %dma_wait3A_510 = tpu.memref_slice %arg4[%dma_wait3A_507, %dma_wait3A_508, %dma_wait3A_509] : memref<2x16x3072xf32, #tpu.memory_space<vmem>> -> memref<1x16x3072xf32, #tpu.memory_space<vmem>>
    %dma_wait3A_511 = tpu.memref_squeeze %dma_wait3A_510 : memref<1x16x3072xf32, #tpu.memory_space<vmem>> -> memref<16x3072xf32, #tpu.memory_space<vmem>>
    %dma_wait3A_512 = arith.constant 0 : i32
    %dma_wait3A_513 = tpu.memref_slice %arg3[%add3A_493, %dma_wait3A_512] : memref<16384x3072xf32, #tpu.memory_space<hbm>> -> memref<16x3072xf32, #tpu.memory_space<hbm>>
    %dma_wait3A_514 = arith.constant 0 : i32
    %dma_wait3A_515 = tpu.memref_slice %arg3[%add3A_493, %dma_wait3A_514] : memref<16384x3072xf32, #tpu.memory_space<hbm>> -> memref<16x3072xf32, #tpu.memory_space<hbm>>
    %dma_wait3A_516 = arith.constant 0 : i32
    %dma_wait3A_517 = arith.constant 0 : i32
    %dma_wait3A_518 = tpu.memref_slice %arg4[%dma_wait3A_507, %dma_wait3A_516, %dma_wait3A_517] : memref<2x16x3072xf32, #tpu.memory_space<vmem>> -> memref<1x16x3072xf32, #tpu.memory_space<vmem>>
    %dma_wait3A_519 = tpu.memref_squeeze %dma_wait3A_518 : memref<1x16x3072xf32, #tpu.memory_space<vmem>> -> memref<16x3072xf32, #tpu.memory_space<vmem>>
    tpu.wait_dma2 semaphore(%arg7 : memref<!tpu.dma_semaphore, #tpu.memory_space<semaphore_mem>>) src(%dma_wait3A_519 : memref<16x3072xf32, #tpu.memory_space<vmem>>) dst(%dma_wait3A_515 : memref<16x3072xf32, #tpu.memory_space<hbm>>)
    %add3A_520 = arith.constant 160 : i32
    %add3A_521 = arith.addi %mul3A_2, %add3A_520 : i32
    %dma_start3A_522 = arith.constant 0 : i32
    %dma_start3A_523 = arith.constant 0 : i32
    %dma_start3A_524 = arith.constant 0 : i32
    %dma_start3A_525 = tpu.memref_slice %arg4[%dma_start3A_522, %dma_start3A_523, %dma_start3A_524] : memref<2x16x3072xf32, #tpu.memory_space<vmem>> -> memref<1x16x3072xf32, #tpu.memory_space<vmem>>
    %dma_start3A_526 = tpu.memref_squeeze %dma_start3A_525 : memref<1x16x3072xf32, #tpu.memory_space<vmem>> -> memref<16x3072xf32, #tpu.memory_space<vmem>>
    %dma_start3A_527 = arith.constant 5376 : i32
    %dma_start3A_528 = tpu.memref_slice %arg2[%add3A_521, %dma_start3A_527] : memref<16384x8448xf32, #tpu.memory_space<hbm>> -> memref<16x3072xf32, #tpu.memory_space<hbm>>
    %dma_start3A_529 = arith.constant 0 : i32
    %dma_start3A_530 = arith.constant 0 : i32
    %dma_start3A_531 = tpu.memref_slice %arg4[%dma_start3A_522, %dma_start3A_529, %dma_start3A_530] : memref<2x16x3072xf32, #tpu.memory_space<vmem>> -> memref<1x16x3072xf32, #tpu.memory_space<vmem>>
    %dma_start3A_532 = tpu.memref_squeeze %dma_start3A_531 : memref<1x16x3072xf32, #tpu.memory_space<vmem>> -> memref<16x3072xf32, #tpu.memory_space<vmem>>
    %dma_start3A_533 = arith.constant 5376 : i32
    %dma_start3A_534 = tpu.memref_slice %arg2[%add3A_521, %dma_start3A_533] : memref<16384x8448xf32, #tpu.memory_space<hbm>> -> memref<16x3072xf32, #tpu.memory_space<hbm>>
    tpu.enqueue_dma source(%dma_start3A_534 : memref<16x3072xf32, #tpu.memory_space<hbm>>) target(%dma_start3A_532 : memref<16x3072xf32, #tpu.memory_space<vmem>>) target_semaphore(%arg5 : memref<!tpu.dma_semaphore, #tpu.memory_space<semaphore_mem>>)
    %dma_wait3A_535 = arith.constant 1 : i32
    %dma_wait3A_536 = arith.constant 0 : i32
    %dma_wait3A_537 = arith.constant 0 : i32
    %dma_wait3A_538 = tpu.memref_slice %arg4[%dma_wait3A_535, %dma_wait3A_536, %dma_wait3A_537] : memref<2x16x3072xf32, #tpu.memory_space<vmem>> -> memref<1x16x3072xf32, #tpu.memory_space<vmem>>
    %dma_wait3A_539 = tpu.memref_squeeze %dma_wait3A_538 : memref<1x16x3072xf32, #tpu.memory_space<vmem>> -> memref<16x3072xf32, #tpu.memory_space<vmem>>
    %dma_wait3A_540 = arith.constant 5376 : i32
    %dma_wait3A_541 = tpu.memref_slice %arg2[%add3A_465, %dma_wait3A_540] : memref<16384x8448xf32, #tpu.memory_space<hbm>> -> memref<16x3072xf32, #tpu.memory_space<hbm>>
    %dma_wait3A_542 = arith.constant 0 : i32
    %dma_wait3A_543 = arith.constant 0 : i32
    %dma_wait3A_544 = tpu.memref_slice %arg4[%dma_wait3A_535, %dma_wait3A_542, %dma_wait3A_543] : memref<2x16x3072xf32, #tpu.memory_space<vmem>> -> memref<1x16x3072xf32, #tpu.memory_space<vmem>>
    %dma_wait3A_545 = tpu.memref_squeeze %dma_wait3A_544 : memref<1x16x3072xf32, #tpu.memory_space<vmem>> -> memref<16x3072xf32, #tpu.memory_space<vmem>>
    %dma_wait3A_546 = arith.constant 5376 : i32
    %dma_wait3A_547 = tpu.memref_slice %arg2[%add3A_465, %dma_wait3A_546] : memref<16384x8448xf32, #tpu.memory_space<hbm>> -> memref<16x3072xf32, #tpu.memory_space<hbm>>
    tpu.wait_dma2 semaphore(%arg6 : memref<!tpu.dma_semaphore, #tpu.memory_space<semaphore_mem>>) src(%dma_wait3A_547 : memref<16x3072xf32, #tpu.memory_space<hbm>>) dst(%dma_wait3A_545 : memref<16x3072xf32, #tpu.memory_space<vmem>>)
    %add3A_548 = arith.constant 144 : i32
    %add3A_549 = arith.addi %mul3A_2, %add3A_548 : i32
    %dma_start3A_550 = arith.constant 1 : i32
    %dma_start3A_551 = arith.constant 0 : i32
    %dma_start3A_552 = arith.constant 0 : i32
    %dma_start3A_553 = tpu.memref_slice %arg4[%dma_start3A_550, %dma_start3A_551, %dma_start3A_552] : memref<2x16x3072xf32, #tpu.memory_space<vmem>> -> memref<1x16x3072xf32, #tpu.memory_space<vmem>>
    %dma_start3A_554 = tpu.memref_squeeze %dma_start3A_553 : memref<1x16x3072xf32, #tpu.memory_space<vmem>> -> memref<16x3072xf32, #tpu.memory_space<vmem>>
    %dma_start3A_555 = arith.constant 0 : i32
    %dma_start3A_556 = tpu.memref_slice %arg3[%add3A_549, %dma_start3A_555] : memref<16384x3072xf32, #tpu.memory_space<hbm>> -> memref<16x3072xf32, #tpu.memory_space<hbm>>
    %dma_start3A_557 = arith.constant 0 : i32
    %dma_start3A_558 = tpu.memref_slice %arg3[%add3A_549, %dma_start3A_557] : memref<16384x3072xf32, #tpu.memory_space<hbm>> -> memref<16x3072xf32, #tpu.memory_space<hbm>>
    %dma_start3A_559 = arith.constant 0 : i32
    %dma_start3A_560 = arith.constant 0 : i32
    %dma_start3A_561 = tpu.memref_slice %arg4[%dma_start3A_550, %dma_start3A_559, %dma_start3A_560] : memref<2x16x3072xf32, #tpu.memory_space<vmem>> -> memref<1x16x3072xf32, #tpu.memory_space<vmem>>
    %dma_start3A_562 = tpu.memref_squeeze %dma_start3A_561 : memref<1x16x3072xf32, #tpu.memory_space<vmem>> -> memref<16x3072xf32, #tpu.memory_space<vmem>>
    tpu.enqueue_dma source(%dma_start3A_562 : memref<16x3072xf32, #tpu.memory_space<vmem>>) target(%dma_start3A_558 : memref<16x3072xf32, #tpu.memory_space<hbm>>) target_semaphore(%arg8 : memref<!tpu.dma_semaphore, #tpu.memory_space<semaphore_mem>>)
    %dma_wait3A_563 = arith.constant 1 : i32
    %dma_wait3A_564 = arith.constant 0 : i32
    %dma_wait3A_565 = arith.constant 0 : i32
    %dma_wait3A_566 = tpu.memref_slice %arg4[%dma_wait3A_563, %dma_wait3A_564, %dma_wait3A_565] : memref<2x16x3072xf32, #tpu.memory_space<vmem>> -> memref<1x16x3072xf32, #tpu.memory_space<vmem>>
    %dma_wait3A_567 = tpu.memref_squeeze %dma_wait3A_566 : memref<1x16x3072xf32, #tpu.memory_space<vmem>> -> memref<16x3072xf32, #tpu.memory_space<vmem>>
    %dma_wait3A_568 = arith.constant 0 : i32
    %dma_wait3A_569 = tpu.memref_slice %arg3[%add3A_549, %dma_wait3A_568] : memref<16384x3072xf32, #tpu.memory_space<hbm>> -> memref<16x3072xf32, #tpu.memory_space<hbm>>
    %dma_wait3A_570 = arith.constant 0 : i32
    %dma_wait3A_571 = tpu.memref_slice %arg3[%add3A_549, %dma_wait3A_570] : memref<16384x3072xf32, #tpu.memory_space<hbm>> -> memref<16x3072xf32, #tpu.memory_space<hbm>>
    %dma_wait3A_572 = arith.constant 0 : i32
    %dma_wait3A_573 = arith.constant 0 : i32
    %dma_wait3A_574 = tpu.memref_slice %arg4[%dma_wait3A_563, %dma_wait3A_572, %dma_wait3A_573] : memref<2x16x3072xf32, #tpu.memory_space<vmem>> -> memref<1x16x3072xf32, #tpu.memory_space<vmem>>
    %dma_wait3A_575 = tpu.memref_squeeze %dma_wait3A_574 : memref<1x16x3072xf32, #tpu.memory_space<vmem>> -> memref<16x3072xf32, #tpu.memory_space<vmem>>
    tpu.wait_dma2 semaphore(%arg8 : memref<!tpu.dma_semaphore, #tpu.memory_space<semaphore_mem>>) src(%dma_wait3A_575 : memref<16x3072xf32, #tpu.memory_space<vmem>>) dst(%dma_wait3A_571 : memref<16x3072xf32, #tpu.memory_space<hbm>>)
    %add3A_576 = arith.constant 176 : i32
    %add3A_577 = arith.addi %mul3A_2, %add3A_576 : i32
    %dma_start3A_578 = arith.constant 1 : i32
    %dma_start3A_579 = arith.constant 0 : i32
    %dma_start3A_580 = arith.constant 0 : i32
    %dma_start3A_581 = tpu.memref_slice %arg4[%dma_start3A_578, %dma_start3A_579, %dma_start3A_580] : memref<2x16x3072xf32, #tpu.memory_space<vmem>> -> memref<1x16x3072xf32, #tpu.memory_space<vmem>>
    %dma_start3A_582 = tpu.memref_squeeze %dma_start3A_581 : memref<1x16x3072xf32, #tpu.memory_space<vmem>> -> memref<16x3072xf32, #tpu.memory_space<vmem>>
    %dma_start3A_583 = arith.constant 5376 : i32
    %dma_start3A_584 = tpu.memref_slice %arg2[%add3A_577, %dma_start3A_583] : memref<16384x8448xf32, #tpu.memory_space<hbm>> -> memref<16x3072xf32, #tpu.memory_space<hbm>>
    %dma_start3A_585 = arith.constant 0 : i32
    %dma_start3A_586 = arith.constant 0 : i32
    %dma_start3A_587 = tpu.memref_slice %arg4[%dma_start3A_578, %dma_start3A_585, %dma_start3A_586] : memref<2x16x3072xf32, #tpu.memory_space<vmem>> -> memref<1x16x3072xf32, #tpu.memory_space<vmem>>
    %dma_start3A_588 = tpu.memref_squeeze %dma_start3A_587 : memref<1x16x3072xf32, #tpu.memory_space<vmem>> -> memref<16x3072xf32, #tpu.memory_space<vmem>>
    %dma_start3A_589 = arith.constant 5376 : i32
    %dma_start3A_590 = tpu.memref_slice %arg2[%add3A_577, %dma_start3A_589] : memref<16384x8448xf32, #tpu.memory_space<hbm>> -> memref<16x3072xf32, #tpu.memory_space<hbm>>
    tpu.enqueue_dma source(%dma_start3A_590 : memref<16x3072xf32, #tpu.memory_space<hbm>>) target(%dma_start3A_588 : memref<16x3072xf32, #tpu.memory_space<vmem>>) target_semaphore(%arg6 : memref<!tpu.dma_semaphore, #tpu.memory_space<semaphore_mem>>)
    %dma_wait3A_591 = arith.constant 0 : i32
    %dma_wait3A_592 = arith.constant 0 : i32
    %dma_wait3A_593 = arith.constant 0 : i32
    %dma_wait3A_594 = tpu.memref_slice %arg4[%dma_wait3A_591, %dma_wait3A_592, %dma_wait3A_593] : memref<2x16x3072xf32, #tpu.memory_space<vmem>> -> memref<1x16x3072xf32, #tpu.memory_space<vmem>>
    %dma_wait3A_595 = tpu.memref_squeeze %dma_wait3A_594 : memref<1x16x3072xf32, #tpu.memory_space<vmem>> -> memref<16x3072xf32, #tpu.memory_space<vmem>>
    %dma_wait3A_596 = arith.constant 5376 : i32
    %dma_wait3A_597 = tpu.memref_slice %arg2[%add3A_521, %dma_wait3A_596] : memref<16384x8448xf32, #tpu.memory_space<hbm>> -> memref<16x3072xf32, #tpu.memory_space<hbm>>
    %dma_wait3A_598 = arith.constant 0 : i32
    %dma_wait3A_599 = arith.constant 0 : i32
    %dma_wait3A_600 = tpu.memref_slice %arg4[%dma_wait3A_591, %dma_wait3A_598, %dma_wait3A_599] : memref<2x16x3072xf32, #tpu.memory_space<vmem>> -> memref<1x16x3072xf32, #tpu.memory_space<vmem>>
    %dma_wait3A_601 = tpu.memref_squeeze %dma_wait3A_600 : memref<1x16x3072xf32, #tpu.memory_space<vmem>> -> memref<16x3072xf32, #tpu.memory_space<vmem>>
    %dma_wait3A_602 = arith.constant 5376 : i32
    %dma_wait3A_603 = tpu.memref_slice %arg2[%add3A_521, %dma_wait3A_602] : memref<16384x8448xf32, #tpu.memory_space<hbm>> -> memref<16x3072xf32, #tpu.memory_space<hbm>>
    tpu.wait_dma2 semaphore(%arg5 : memref<!tpu.dma_semaphore, #tpu.memory_space<semaphore_mem>>) src(%dma_wait3A_603 : memref<16x3072xf32, #tpu.memory_space<hbm>>) dst(%dma_wait3A_601 : memref<16x3072xf32, #tpu.memory_space<vmem>>)
    %add3A_604 = arith.constant 160 : i32
    %add3A_605 = arith.addi %mul3A_2, %add3A_604 : i32
    %dma_start3A_606 = arith.constant 0 : i32
    %dma_start3A_607 = arith.constant 0 : i32
    %dma_start3A_608 = arith.constant 0 : i32
    %dma_start3A_609 = tpu.memref_slice %arg4[%dma_start3A_606, %dma_start3A_607, %dma_start3A_608] : memref<2x16x3072xf32, #tpu.memory_space<vmem>> -> memref<1x16x3072xf32, #tpu.memory_space<vmem>>
    %dma_start3A_610 = tpu.memref_squeeze %dma_start3A_609 : memref<1x16x3072xf32, #tpu.memory_space<vmem>> -> memref<16x3072xf32, #tpu.memory_space<vmem>>
    %dma_start3A_611 = arith.constant 0 : i32
    %dma_start3A_612 = tpu.memref_slice %arg3[%add3A_605, %dma_start3A_611] : memref<16384x3072xf32, #tpu.memory_space<hbm>> -> memref<16x3072xf32, #tpu.memory_space<hbm>>
    %dma_start3A_613 = arith.constant 0 : i32
    %dma_start3A_614 = tpu.memref_slice %arg3[%add3A_605, %dma_start3A_613] : memref<16384x3072xf32, #tpu.memory_space<hbm>> -> memref<16x3072xf32, #tpu.memory_space<hbm>>
    %dma_start3A_615 = arith.constant 0 : i32
    %dma_start3A_616 = arith.constant 0 : i32
    %dma_start3A_617 = tpu.memref_slice %arg4[%dma_start3A_606, %dma_start3A_615, %dma_start3A_616] : memref<2x16x3072xf32, #tpu.memory_space<vmem>> -> memref<1x16x3072xf32, #tpu.memory_space<vmem>>
    %dma_start3A_618 = tpu.memref_squeeze %dma_start3A_617 : memref<1x16x3072xf32, #tpu.memory_space<vmem>> -> memref<16x3072xf32, #tpu.memory_space<vmem>>
    tpu.enqueue_dma source(%dma_start3A_618 : memref<16x3072xf32, #tpu.memory_space<vmem>>) target(%dma_start3A_614 : memref<16x3072xf32, #tpu.memory_space<hbm>>) target_semaphore(%arg7 : memref<!tpu.dma_semaphore, #tpu.memory_space<semaphore_mem>>)
    %dma_wait3A_619 = arith.constant 0 : i32
    %dma_wait3A_620 = arith.constant 0 : i32
    %dma_wait3A_621 = arith.constant 0 : i32
    %dma_wait3A_622 = tpu.memref_slice %arg4[%dma_wait3A_619, %dma_wait3A_620, %dma_wait3A_621] : memref<2x16x3072xf32, #tpu.memory_space<vmem>> -> memref<1x16x3072xf32, #tpu.memory_space<vmem>>
    %dma_wait3A_623 = tpu.memref_squeeze %dma_wait3A_622 : memref<1x16x3072xf32, #tpu.memory_space<vmem>> -> memref<16x3072xf32, #tpu.memory_space<vmem>>
    %dma_wait3A_624 = arith.constant 0 : i32
    %dma_wait3A_625 = tpu.memref_slice %arg3[%add3A_605, %dma_wait3A_624] : memref<16384x3072xf32, #tpu.memory_space<hbm>> -> memref<16x3072xf32, #tpu.memory_space<hbm>>
    %dma_wait3A_626 = arith.constant 0 : i32
    %dma_wait3A_627 = tpu.memref_slice %arg3[%add3A_605, %dma_wait3A_626] : memref<16384x3072xf32, #tpu.memory_space<hbm>> -> memref<16x3072xf32, #tpu.memory_space<hbm>>
    %dma_wait3A_628 = arith.constant 0 : i32
    %dma_wait3A_629 = arith.constant 0 : i32
    %dma_wait3A_630 = tpu.memref_slice %arg4[%dma_wait3A_619, %dma_wait3A_628, %dma_wait3A_629] : memref<2x16x3072xf32, #tpu.memory_space<vmem>> -> memref<1x16x3072xf32, #tpu.memory_space<vmem>>
    %dma_wait3A_631 = tpu.memref_squeeze %dma_wait3A_630 : memref<1x16x3072xf32, #tpu.memory_space<vmem>> -> memref<16x3072xf32, #tpu.memory_space<vmem>>
    tpu.wait_dma2 semaphore(%arg7 : memref<!tpu.dma_semaphore, #tpu.memory_space<semaphore_mem>>) src(%dma_wait3A_631 : memref<16x3072xf32, #tpu.memory_space<vmem>>) dst(%dma_wait3A_627 : memref<16x3072xf32, #tpu.memory_space<hbm>>)
    %add3A_632 = arith.constant 192 : i32
    %add3A_633 = arith.addi %mul3A_2, %add3A_632 : i32
    %dma_start3A_634 = arith.constant 0 : i32
    %dma_start3A_635 = arith.constant 0 : i32
    %dma_start3A_636 = arith.constant 0 : i32
    %dma_start3A_637 = tpu.memref_slice %arg4[%dma_start3A_634, %dma_start3A_635, %dma_start3A_636] : memref<2x16x3072xf32, #tpu.memory_space<vmem>> -> memref<1x16x3072xf32, #tpu.memory_space<vmem>>
    %dma_start3A_638 = tpu.memref_squeeze %dma_start3A_637 : memref<1x16x3072xf32, #tpu.memory_space<vmem>> -> memref<16x3072xf32, #tpu.memory_space<vmem>>
    %dma_start3A_639 = arith.constant 5376 : i32
    %dma_start3A_640 = tpu.memref_slice %arg2[%add3A_633, %dma_start3A_639] : memref<16384x8448xf32, #tpu.memory_space<hbm>> -> memref<16x3072xf32, #tpu.memory_space<hbm>>
    %dma_start3A_641 = arith.constant 0 : i32
    %dma_start3A_642 = arith.constant 0 : i32
    %dma_start3A_643 = tpu.memref_slice %arg4[%dma_start3A_634, %dma_start3A_641, %dma_start3A_642] : memref<2x16x3072xf32, #tpu.memory_space<vmem>> -> memref<1x16x3072xf32, #tpu.memory_space<vmem>>
    %dma_start3A_644 = tpu.memref_squeeze %dma_start3A_643 : memref<1x16x3072xf32, #tpu.memory_space<vmem>> -> memref<16x3072xf32, #tpu.memory_space<vmem>>
    %dma_start3A_645 = arith.constant 5376 : i32
    %dma_start3A_646 = tpu.memref_slice %arg2[%add3A_633, %dma_start3A_645] : memref<16384x8448xf32, #tpu.memory_space<hbm>> -> memref<16x3072xf32, #tpu.memory_space<hbm>>
    tpu.enqueue_dma source(%dma_start3A_646 : memref<16x3072xf32, #tpu.memory_space<hbm>>) target(%dma_start3A_644 : memref<16x3072xf32, #tpu.memory_space<vmem>>) target_semaphore(%arg5 : memref<!tpu.dma_semaphore, #tpu.memory_space<semaphore_mem>>)
    %dma_wait3A_647 = arith.constant 1 : i32
    %dma_wait3A_648 = arith.constant 0 : i32
    %dma_wait3A_649 = arith.constant 0 : i32
    %dma_wait3A_650 = tpu.memref_slice %arg4[%dma_wait3A_647, %dma_wait3A_648, %dma_wait3A_649] : memref<2x16x3072xf32, #tpu.memory_space<vmem>> -> memref<1x16x3072xf32, #tpu.memory_space<vmem>>
    %dma_wait3A_651 = tpu.memref_squeeze %dma_wait3A_650 : memref<1x16x3072xf32, #tpu.memory_space<vmem>> -> memref<16x3072xf32, #tpu.memory_space<vmem>>
    %dma_wait3A_652 = arith.constant 5376 : i32
    %dma_wait3A_653 = tpu.memref_slice %arg2[%add3A_577, %dma_wait3A_652] : memref<16384x8448xf32, #tpu.memory_space<hbm>> -> memref<16x3072xf32, #tpu.memory_space<hbm>>
    %dma_wait3A_654 = arith.constant 0 : i32
    %dma_wait3A_655 = arith.constant 0 : i32
    %dma_wait3A_656 = tpu.memref_slice %arg4[%dma_wait3A_647, %dma_wait3A_654, %dma_wait3A_655] : memref<2x16x3072xf32, #tpu.memory_space<vmem>> -> memref<1x16x3072xf32, #tpu.memory_space<vmem>>
    %dma_wait3A_657 = tpu.memref_squeeze %dma_wait3A_656 : memref<1x16x3072xf32, #tpu.memory_space<vmem>> -> memref<16x3072xf32, #tpu.memory_space<vmem>>
    %dma_wait3A_658 = arith.constant 5376 : i32
    %dma_wait3A_659 = tpu.memref_slice %arg2[%add3A_577, %dma_wait3A_658] : memref<16384x8448xf32, #tpu.memory_space<hbm>> -> memref<16x3072xf32, #tpu.memory_space<hbm>>
    tpu.wait_dma2 semaphore(%arg6 : memref<!tpu.dma_semaphore, #tpu.memory_space<semaphore_mem>>) src(%dma_wait3A_659 : memref<16x3072xf32, #tpu.memory_space<hbm>>) dst(%dma_wait3A_657 : memref<16x3072xf32, #tpu.memory_space<vmem>>)
    %add3A_660 = arith.constant 176 : i32
    %add3A_661 = arith.addi %mul3A_2, %add3A_660 : i32
    %dma_start3A_662 = arith.constant 1 : i32
    %dma_start3A_663 = arith.constant 0 : i32
    %dma_start3A_664 = arith.constant 0 : i32
    %dma_start3A_665 = tpu.memref_slice %arg4[%dma_start3A_662, %dma_start3A_663, %dma_start3A_664] : memref<2x16x3072xf32, #tpu.memory_space<vmem>> -> memref<1x16x3072xf32, #tpu.memory_space<vmem>>
    %dma_start3A_666 = tpu.memref_squeeze %dma_start3A_665 : memref<1x16x3072xf32, #tpu.memory_space<vmem>> -> memref<16x3072xf32, #tpu.memory_space<vmem>>
    %dma_start3A_667 = arith.constant 0 : i32
    %dma_start3A_668 = tpu.memref_slice %arg3[%add3A_661, %dma_start3A_667] : memref<16384x3072xf32, #tpu.memory_space<hbm>> -> memref<16x3072xf32, #tpu.memory_space<hbm>>
    %dma_start3A_669 = arith.constant 0 : i32
    %dma_start3A_670 = tpu.memref_slice %arg3[%add3A_661, %dma_start3A_669] : memref<16384x3072xf32, #tpu.memory_space<hbm>> -> memref<16x3072xf32, #tpu.memory_space<hbm>>
    %dma_start3A_671 = arith.constant 0 : i32
    %dma_start3A_672 = arith.constant 0 : i32
    %dma_start3A_673 = tpu.memref_slice %arg4[%dma_start3A_662, %dma_start3A_671, %dma_start3A_672] : memref<2x16x3072xf32, #tpu.memory_space<vmem>> -> memref<1x16x3072xf32, #tpu.memory_space<vmem>>
    %dma_start3A_674 = tpu.memref_squeeze %dma_start3A_673 : memref<1x16x3072xf32, #tpu.memory_space<vmem>> -> memref<16x3072xf32, #tpu.memory_space<vmem>>
    tpu.enqueue_dma source(%dma_start3A_674 : memref<16x3072xf32, #tpu.memory_space<vmem>>) target(%dma_start3A_670 : memref<16x3072xf32, #tpu.memory_space<hbm>>) target_semaphore(%arg8 : memref<!tpu.dma_semaphore, #tpu.memory_space<semaphore_mem>>)
    %dma_wait3A_675 = arith.constant 1 : i32
    %dma_wait3A_676 = arith.constant 0 : i32
    %dma_wait3A_677 = arith.constant 0 : i32
    %dma_wait3A_678 = tpu.memref_slice %arg4[%dma_wait3A_675, %dma_wait3A_676, %dma_wait3A_677] : memref<2x16x3072xf32, #tpu.memory_space<vmem>> -> memref<1x16x3072xf32, #tpu.memory_space<vmem>>
    %dma_wait3A_679 = tpu.memref_squeeze %dma_wait3A_678 : memref<1x16x3072xf32, #tpu.memory_space<vmem>> -> memref<16x3072xf32, #tpu.memory_space<vmem>>
    %dma_wait3A_680 = arith.constant 0 : i32
    %dma_wait3A_681 = tpu.memref_slice %arg3[%add3A_661, %dma_wait3A_680] : memref<16384x3072xf32, #tpu.memory_space<hbm>> -> memref<16x3072xf32, #tpu.memory_space<hbm>>
    %dma_wait3A_682 = arith.constant 0 : i32
    %dma_wait3A_683 = tpu.memref_slice %arg3[%add3A_661, %dma_wait3A_682] : memref<16384x3072xf32, #tpu.memory_space<hbm>> -> memref<16x3072xf32, #tpu.memory_space<hbm>>
    %dma_wait3A_684 = arith.constant 0 : i32
    %dma_wait3A_685 = arith.constant 0 : i32
    %dma_wait3A_686 = tpu.memref_slice %arg4[%dma_wait3A_675, %dma_wait3A_684, %dma_wait3A_685] : memref<2x16x3072xf32, #tpu.memory_space<vmem>> -> memref<1x16x3072xf32, #tpu.memory_space<vmem>>
    %dma_wait3A_687 = tpu.memref_squeeze %dma_wait3A_686 : memref<1x16x3072xf32, #tpu.memory_space<vmem>> -> memref<16x3072xf32, #tpu.memory_space<vmem>>
    tpu.wait_dma2 semaphore(%arg8 : memref<!tpu.dma_semaphore, #tpu.memory_space<semaphore_mem>>) src(%dma_wait3A_687 : memref<16x3072xf32, #tpu.memory_space<vmem>>) dst(%dma_wait3A_683 : memref<16x3072xf32, #tpu.memory_space<hbm>>)
    %add3A_688 = arith.constant 208 : i32
    %add3A_689 = arith.addi %mul3A_2, %add3A_688 : i32
    %dma_start3A_690 = arith.constant 1 : i32
    %dma_start3A_691 = arith.constant 0 : i32
    %dma_start3A_692 = arith.constant 0 : i32
    %dma_start3A_693 = tpu.memref_slice %arg4[%dma_start3A_690, %dma_start3A_691, %dma_start3A_692] : memref<2x16x3072xf32, #tpu.memory_space<vmem>> -> memref<1x16x3072xf32, #tpu.memory_space<vmem>>
    %dma_start3A_694 = tpu.memref_squeeze %dma_start3A_693 : memref<1x16x3072xf32, #tpu.memory_space<vmem>> -> memref<16x3072xf32, #tpu.memory_space<vmem>>
    %dma_start3A_695 = arith.constant 5376 : i32
    %dma_start3A_696 = tpu.memref_slice %arg2[%add3A_689, %dma_start3A_695] : memref<16384x8448xf32, #tpu.memory_space<hbm>> -> memref<16x3072xf32, #tpu.memory_space<hbm>>
    %dma_start3A_697 = arith.constant 0 : i32
    %dma_start3A_698 = arith.constant 0 : i32
    %dma_start3A_699 = tpu.memref_slice %arg4[%dma_start3A_690, %dma_start3A_697, %dma_start3A_698] : memref<2x16x3072xf32, #tpu.memory_space<vmem>> -> memref<1x16x3072xf32, #tpu.memory_space<vmem>>
    %dma_start3A_700 = tpu.memref_squeeze %dma_start3A_699 : memref<1x16x3072xf32, #tpu.memory_space<vmem>> -> memref<16x3072xf32, #tpu.memory_space<vmem>>
    %dma_start3A_701 = arith.constant 5376 : i32
    %dma_start3A_702 = tpu.memref_slice %arg2[%add3A_689, %dma_start3A_701] : memref<16384x8448xf32, #tpu.memory_space<hbm>> -> memref<16x3072xf32, #tpu.memory_space<hbm>>
    tpu.enqueue_dma source(%dma_start3A_702 : memref<16x3072xf32, #tpu.memory_space<hbm>>) target(%dma_start3A_700 : memref<16x3072xf32, #tpu.memory_space<vmem>>) target_semaphore(%arg6 : memref<!tpu.dma_semaphore, #tpu.memory_space<semaphore_mem>>)
    %dma_wait3A_703 = arith.constant 0 : i32
    %dma_wait3A_704 = arith.constant 0 : i32
    %dma_wait3A_705 = arith.constant 0 : i32
    %dma_wait3A_706 = tpu.memref_slice %arg4[%dma_wait3A_703, %dma_wait3A_704, %dma_wait3A_705] : memref<2x16x3072xf32, #tpu.memory_space<vmem>> -> memref<1x16x3072xf32, #tpu.memory_space<vmem>>
    %dma_wait3A_707 = tpu.memref_squeeze %dma_wait3A_706 : memref<1x16x3072xf32, #tpu.memory_space<vmem>> -> memref<16x3072xf32, #tpu.memory_space<vmem>>
    %dma_wait3A_708 = arith.constant 5376 : i32
    %dma_wait3A_709 = tpu.memref_slice %arg2[%add3A_633, %dma_wait3A_708] : memref<16384x8448xf32, #tpu.memory_space<hbm>> -> memref<16x3072xf32, #tpu.memory_space<hbm>>
    %dma_wait3A_710 = arith.constant 0 : i32
    %dma_wait3A_711 = arith.constant 0 : i32
    %dma_wait3A_712 = tpu.memref_slice %arg4[%dma_wait3A_703, %dma_wait3A_710, %dma_wait3A_711] : memref<2x16x3072xf32, #tpu.memory_space<vmem>> -> memref<1x16x3072xf32, #tpu.memory_space<vmem>>
    %dma_wait3A_713 = tpu.memref_squeeze %dma_wait3A_712 : memref<1x16x3072xf32, #tpu.memory_space<vmem>> -> memref<16x3072xf32, #tpu.memory_space<vmem>>
    %dma_wait3A_714 = arith.constant 5376 : i32
    %dma_wait3A_715 = tpu.memref_slice %arg2[%add3A_633, %dma_wait3A_714] : memref<16384x8448xf32, #tpu.memory_space<hbm>> -> memref<16x3072xf32, #tpu.memory_space<hbm>>
    tpu.wait_dma2 semaphore(%arg5 : memref<!tpu.dma_semaphore, #tpu.memory_space<semaphore_mem>>) src(%dma_wait3A_715 : memref<16x3072xf32, #tpu.memory_space<hbm>>) dst(%dma_wait3A_713 : memref<16x3072xf32, #tpu.memory_space<vmem>>)
    %add3A_716 = arith.constant 192 : i32
    %add3A_717 = arith.addi %mul3A_2, %add3A_716 : i32
    %dma_start3A_718 = arith.constant 0 : i32
    %dma_start3A_719 = arith.constant 0 : i32
    %dma_start3A_720 = arith.constant 0 : i32
    %dma_start3A_721 = tpu.memref_slice %arg4[%dma_start3A_718, %dma_start3A_719, %dma_start3A_720] : memref<2x16x3072xf32, #tpu.memory_space<vmem>> -> memref<1x16x3072xf32, #tpu.memory_space<vmem>>
    %dma_start3A_722 = tpu.memref_squeeze %dma_start3A_721 : memref<1x16x3072xf32, #tpu.memory_space<vmem>> -> memref<16x3072xf32, #tpu.memory_space<vmem>>
    %dma_start3A_723 = arith.constant 0 : i32
    %dma_start3A_724 = tpu.memref_slice %arg3[%add3A_717, %dma_start3A_723] : memref<16384x3072xf32, #tpu.memory_space<hbm>> -> memref<16x3072xf32, #tpu.memory_space<hbm>>
    %dma_start3A_725 = arith.constant 0 : i32
    %dma_start3A_726 = tpu.memref_slice %arg3[%add3A_717, %dma_start3A_725] : memref<16384x3072xf32, #tpu.memory_space<hbm>> -> memref<16x3072xf32, #tpu.memory_space<hbm>>
    %dma_start3A_727 = arith.constant 0 : i32
    %dma_start3A_728 = arith.constant 0 : i32
    %dma_start3A_729 = tpu.memref_slice %arg4[%dma_start3A_718, %dma_start3A_727, %dma_start3A_728] : memref<2x16x3072xf32, #tpu.memory_space<vmem>> -> memref<1x16x3072xf32, #tpu.memory_space<vmem>>
    %dma_start3A_730 = tpu.memref_squeeze %dma_start3A_729 : memref<1x16x3072xf32, #tpu.memory_space<vmem>> -> memref<16x3072xf32, #tpu.memory_space<vmem>>
    tpu.enqueue_dma source(%dma_start3A_730 : memref<16x3072xf32, #tpu.memory_space<vmem>>) target(%dma_start3A_726 : memref<16x3072xf32, #tpu.memory_space<hbm>>) target_semaphore(%arg7 : memref<!tpu.dma_semaphore, #tpu.memory_space<semaphore_mem>>)
    %dma_wait3A_731 = arith.constant 0 : i32
    %dma_wait3A_732 = arith.constant 0 : i32
    %dma_wait3A_733 = arith.constant 0 : i32
    %dma_wait3A_734 = tpu.memref_slice %arg4[%dma_wait3A_731, %dma_wait3A_732, %dma_wait3A_733] : memref<2x16x3072xf32, #tpu.memory_space<vmem>> -> memref<1x16x3072xf32, #tpu.memory_space<vmem>>
    %dma_wait3A_735 = tpu.memref_squeeze %dma_wait3A_734 : memref<1x16x3072xf32, #tpu.memory_space<vmem>> -> memref<16x3072xf32, #tpu.memory_space<vmem>>
    %dma_wait3A_736 = arith.constant 0 : i32
    %dma_wait3A_737 = tpu.memref_slice %arg3[%add3A_717, %dma_wait3A_736] : memref<16384x3072xf32, #tpu.memory_space<hbm>> -> memref<16x3072xf32, #tpu.memory_space<hbm>>
    %dma_wait3A_738 = arith.constant 0 : i32
    %dma_wait3A_739 = tpu.memref_slice %arg3[%add3A_717, %dma_wait3A_738] : memref<16384x3072xf32, #tpu.memory_space<hbm>> -> memref<16x3072xf32, #tpu.memory_space<hbm>>
    %dma_wait3A_740 = arith.constant 0 : i32
    %dma_wait3A_741 = arith.constant 0 : i32
    %dma_wait3A_742 = tpu.memref_slice %arg4[%dma_wait3A_731, %dma_wait3A_740, %dma_wait3A_741] : memref<2x16x3072xf32, #tpu.memory_space<vmem>> -> memref<1x16x3072xf32, #tpu.memory_space<vmem>>
    %dma_wait3A_743 = tpu.memref_squeeze %dma_wait3A_742 : memref<1x16x3072xf32, #tpu.memory_space<vmem>> -> memref<16x3072xf32, #tpu.memory_space<vmem>>
    tpu.wait_dma2 semaphore(%arg7 : memref<!tpu.dma_semaphore, #tpu.memory_space<semaphore_mem>>) src(%dma_wait3A_743 : memref<16x3072xf32, #tpu.memory_space<vmem>>) dst(%dma_wait3A_739 : memref<16x3072xf32, #tpu.memory_space<hbm>>)
    %add3A_744 = arith.constant 224 : i32
    %add3A_745 = arith.addi %mul3A_2, %add3A_744 : i32
    %dma_start3A_746 = arith.constant 0 : i32
    %dma_start3A_747 = arith.constant 0 : i32
    %dma_start3A_748 = arith.constant 0 : i32
    %dma_start3A_749 = tpu.memref_slice %arg4[%dma_start3A_746, %dma_start3A_747, %dma_start3A_748] : memref<2x16x3072xf32, #tpu.memory_space<vmem>> -> memref<1x16x3072xf32, #tpu.memory_space<vmem>>
    %dma_start3A_750 = tpu.memref_squeeze %dma_start3A_749 : memref<1x16x3072xf32, #tpu.memory_space<vmem>> -> memref<16x3072xf32, #tpu.memory_space<vmem>>
    %dma_start3A_751 = arith.constant 5376 : i32
    %dma_start3A_752 = tpu.memref_slice %arg2[%add3A_745, %dma_start3A_751] : memref<16384x8448xf32, #tpu.memory_space<hbm>> -> memref<16x3072xf32, #tpu.memory_space<hbm>>
    %dma_start3A_753 = arith.constant 0 : i32
    %dma_start3A_754 = arith.constant 0 : i32
    %dma_start3A_755 = tpu.memref_slice %arg4[%dma_start3A_746, %dma_start3A_753, %dma_start3A_754] : memref<2x16x3072xf32, #tpu.memory_space<vmem>> -> memref<1x16x3072xf32, #tpu.memory_space<vmem>>
    %dma_start3A_756 = tpu.memref_squeeze %dma_start3A_755 : memref<1x16x3072xf32, #tpu.memory_space<vmem>> -> memref<16x3072xf32, #tpu.memory_space<vmem>>
    %dma_start3A_757 = arith.constant 5376 : i32
    %dma_start3A_758 = tpu.memref_slice %arg2[%add3A_745, %dma_start3A_757] : memref<16384x8448xf32, #tpu.memory_space<hbm>> -> memref<16x3072xf32, #tpu.memory_space<hbm>>
    tpu.enqueue_dma source(%dma_start3A_758 : memref<16x3072xf32, #tpu.memory_space<hbm>>) target(%dma_start3A_756 : memref<16x3072xf32, #tpu.memory_space<vmem>>) target_semaphore(%arg5 : memref<!tpu.dma_semaphore, #tpu.memory_space<semaphore_mem>>)
    %dma_wait3A_759 = arith.constant 1 : i32
    %dma_wait3A_760 = arith.constant 0 : i32
    %dma_wait3A_761 = arith.constant 0 : i32
    %dma_wait3A_762 = tpu.memref_slice %arg4[%dma_wait3A_759, %dma_wait3A_760, %dma_wait3A_761] : memref<2x16x3072xf32, #tpu.memory_space<vmem>> -> memref<1x16x3072xf32, #tpu.memory_space<vmem>>
    %dma_wait3A_763 = tpu.memref_squeeze %dma_wait3A_762 : memref<1x16x3072xf32, #tpu.memory_space<vmem>> -> memref<16x3072xf32, #tpu.memory_space<vmem>>
    %dma_wait3A_764 = arith.constant 5376 : i32
    %dma_wait3A_765 = tpu.memref_slice %arg2[%add3A_689, %dma_wait3A_764] : memref<16384x8448xf32, #tpu.memory_space<hbm>> -> memref<16x3072xf32, #tpu.memory_space<hbm>>
    %dma_wait3A_766 = arith.constant 0 : i32
    %dma_wait3A_767 = arith.constant 0 : i32
    %dma_wait3A_768 = tpu.memref_slice %arg4[%dma_wait3A_759, %dma_wait3A_766, %dma_wait3A_767] : memref<2x16x3072xf32, #tpu.memory_space<vmem>> -> memref<1x16x3072xf32, #tpu.memory_space<vmem>>
    %dma_wait3A_769 = tpu.memref_squeeze %dma_wait3A_768 : memref<1x16x3072xf32, #tpu.memory_space<vmem>> -> memref<16x3072xf32, #tpu.memory_space<vmem>>
    %dma_wait3A_770 = arith.constant 5376 : i32
    %dma_wait3A_771 = tpu.memref_slice %arg2[%add3A_689, %dma_wait3A_770] : memref<16384x8448xf32, #tpu.memory_space<hbm>> -> memref<16x3072xf32, #tpu.memory_space<hbm>>
    tpu.wait_dma2 semaphore(%arg6 : memref<!tpu.dma_semaphore, #tpu.memory_space<semaphore_mem>>) src(%dma_wait3A_771 : memref<16x3072xf32, #tpu.memory_space<hbm>>) dst(%dma_wait3A_769 : memref<16x3072xf32, #tpu.memory_space<vmem>>)
    %add3A_772 = arith.constant 208 : i32
    %add3A_773 = arith.addi %mul3A_2, %add3A_772 : i32
    %dma_start3A_774 = arith.constant 1 : i32
    %dma_start3A_775 = arith.constant 0 : i32
    %dma_start3A_776 = arith.constant 0 : i32
    %dma_start3A_777 = tpu.memref_slice %arg4[%dma_start3A_774, %dma_start3A_775, %dma_start3A_776] : memref<2x16x3072xf32, #tpu.memory_space<vmem>> -> memref<1x16x3072xf32, #tpu.memory_space<vmem>>
    %dma_start3A_778 = tpu.memref_squeeze %dma_start3A_777 : memref<1x16x3072xf32, #tpu.memory_space<vmem>> -> memref<16x3072xf32, #tpu.memory_space<vmem>>
    %dma_start3A_779 = arith.constant 0 : i32
    %dma_start3A_780 = tpu.memref_slice %arg3[%add3A_773, %dma_start3A_779] : memref<16384x3072xf32, #tpu.memory_space<hbm>> -> memref<16x3072xf32, #tpu.memory_space<hbm>>
    %dma_start3A_781 = arith.constant 0 : i32
    %dma_start3A_782 = tpu.memref_slice %arg3[%add3A_773, %dma_start3A_781] : memref<16384x3072xf32, #tpu.memory_space<hbm>> -> memref<16x3072xf32, #tpu.memory_space<hbm>>
    %dma_start3A_783 = arith.constant 0 : i32
    %dma_start3A_784 = arith.constant 0 : i32
    %dma_start3A_785 = tpu.memref_slice %arg4[%dma_start3A_774, %dma_start3A_783, %dma_start3A_784] : memref<2x16x3072xf32, #tpu.memory_space<vmem>> -> memref<1x16x3072xf32, #tpu.memory_space<vmem>>
    %dma_start3A_786 = tpu.memref_squeeze %dma_start3A_785 : memref<1x16x3072xf32, #tpu.memory_space<vmem>> -> memref<16x3072xf32, #tpu.memory_space<vmem>>
    tpu.enqueue_dma source(%dma_start3A_786 : memref<16x3072xf32, #tpu.memory_space<vmem>>) target(%dma_start3A_782 : memref<16x3072xf32, #tpu.memory_space<hbm>>) target_semaphore(%arg8 : memref<!tpu.dma_semaphore, #tpu.memory_space<semaphore_mem>>)
    %dma_wait3A_787 = arith.constant 1 : i32
    %dma_wait3A_788 = arith.constant 0 : i32
    %dma_wait3A_789 = arith.constant 0 : i32
    %dma_wait3A_790 = tpu.memref_slice %arg4[%dma_wait3A_787, %dma_wait3A_788, %dma_wait3A_789] : memref<2x16x3072xf32, #tpu.memory_space<vmem>> -> memref<1x16x3072xf32, #tpu.memory_space<vmem>>
    %dma_wait3A_791 = tpu.memref_squeeze %dma_wait3A_790 : memref<1x16x3072xf32, #tpu.memory_space<vmem>> -> memref<16x3072xf32, #tpu.memory_space<vmem>>
    %dma_wait3A_792 = arith.constant 0 : i32
    %dma_wait3A_793 = tpu.memref_slice %arg3[%add3A_773, %dma_wait3A_792] : memref<16384x3072xf32, #tpu.memory_space<hbm>> -> memref<16x3072xf32, #tpu.memory_space<hbm>>
    %dma_wait3A_794 = arith.constant 0 : i32
    %dma_wait3A_795 = tpu.memref_slice %arg3[%add3A_773, %dma_wait3A_794] : memref<16384x3072xf32, #tpu.memory_space<hbm>> -> memref<16x3072xf32, #tpu.memory_space<hbm>>
    %dma_wait3A_796 = arith.constant 0 : i32
    %dma_wait3A_797 = arith.constant 0 : i32
    %dma_wait3A_798 = tpu.memref_slice %arg4[%dma_wait3A_787, %dma_wait3A_796, %dma_wait3A_797] : memref<2x16x3072xf32, #tpu.memory_space<vmem>> -> memref<1x16x3072xf32, #tpu.memory_space<vmem>>
    %dma_wait3A_799 = tpu.memref_squeeze %dma_wait3A_798 : memref<1x16x3072xf32, #tpu.memory_space<vmem>> -> memref<16x3072xf32, #tpu.memory_space<vmem>>
    tpu.wait_dma2 semaphore(%arg8 : memref<!tpu.dma_semaphore, #tpu.memory_space<semaphore_mem>>) src(%dma_wait3A_799 : memref<16x3072xf32, #tpu.memory_space<vmem>>) dst(%dma_wait3A_795 : memref<16x3072xf32, #tpu.memory_space<hbm>>)
    %add3A_800 = arith.constant 240 : i32
    %add3A_801 = arith.addi %mul3A_2, %add3A_800 : i32
    %dma_start3A_802 = arith.constant 1 : i32
    %dma_start3A_803 = arith.constant 0 : i32
    %dma_start3A_804 = arith.constant 0 : i32
    %dma_start3A_805 = tpu.memref_slice %arg4[%dma_start3A_802, %dma_start3A_803, %dma_start3A_804] : memref<2x16x3072xf32, #tpu.memory_space<vmem>> -> memref<1x16x3072xf32, #tpu.memory_space<vmem>>
    %dma_start3A_806 = tpu.memref_squeeze %dma_start3A_805 : memref<1x16x3072xf32, #tpu.memory_space<vmem>> -> memref<16x3072xf32, #tpu.memory_space<vmem>>
    %dma_start3A_807 = arith.constant 5376 : i32
    %dma_start3A_808 = tpu.memref_slice %arg2[%add3A_801, %dma_start3A_807] : memref<16384x8448xf32, #tpu.memory_space<hbm>> -> memref<16x3072xf32, #tpu.memory_space<hbm>>
    %dma_start3A_809 = arith.constant 0 : i32
    %dma_start3A_810 = arith.constant 0 : i32
    %dma_start3A_811 = tpu.memref_slice %arg4[%dma_start3A_802, %dma_start3A_809, %dma_start3A_810] : memref<2x16x3072xf32, #tpu.memory_space<vmem>> -> memref<1x16x3072xf32, #tpu.memory_space<vmem>>
    %dma_start3A_812 = tpu.memref_squeeze %dma_start3A_811 : memref<1x16x3072xf32, #tpu.memory_space<vmem>> -> memref<16x3072xf32, #tpu.memory_space<vmem>>
    %dma_start3A_813 = arith.constant 5376 : i32
    %dma_start3A_814 = tpu.memref_slice %arg2[%add3A_801, %dma_start3A_813] : memref<16384x8448xf32, #tpu.memory_space<hbm>> -> memref<16x3072xf32, #tpu.memory_space<hbm>>
    tpu.enqueue_dma source(%dma_start3A_814 : memref<16x3072xf32, #tpu.memory_space<hbm>>) target(%dma_start3A_812 : memref<16x3072xf32, #tpu.memory_space<vmem>>) target_semaphore(%arg6 : memref<!tpu.dma_semaphore, #tpu.memory_space<semaphore_mem>>)
    %dma_wait3A_815 = arith.constant 0 : i32
    %dma_wait3A_816 = arith.constant 0 : i32
    %dma_wait3A_817 = arith.constant 0 : i32
    %dma_wait3A_818 = tpu.memref_slice %arg4[%dma_wait3A_815, %dma_wait3A_816, %dma_wait3A_817] : memref<2x16x3072xf32, #tpu.memory_space<vmem>> -> memref<1x16x3072xf32, #tpu.memory_space<vmem>>
    %dma_wait3A_819 = tpu.memref_squeeze %dma_wait3A_818 : memref<1x16x3072xf32, #tpu.memory_space<vmem>> -> memref<16x3072xf32, #tpu.memory_space<vmem>>
    %dma_wait3A_820 = arith.constant 5376 : i32
    %dma_wait3A_821 = tpu.memref_slice %arg2[%add3A_745, %dma_wait3A_820] : memref<16384x8448xf32, #tpu.memory_space<hbm>> -> memref<16x3072xf32, #tpu.memory_space<hbm>>
    %dma_wait3A_822 = arith.constant 0 : i32
    %dma_wait3A_823 = arith.constant 0 : i32
    %dma_wait3A_824 = tpu.memref_slice %arg4[%dma_wait3A_815, %dma_wait3A_822, %dma_wait3A_823] : memref<2x16x3072xf32, #tpu.memory_space<vmem>> -> memref<1x16x3072xf32, #tpu.memory_space<vmem>>
    %dma_wait3A_825 = tpu.memref_squeeze %dma_wait3A_824 : memref<1x16x3072xf32, #tpu.memory_space<vmem>> -> memref<16x3072xf32, #tpu.memory_space<vmem>>
    %dma_wait3A_826 = arith.constant 5376 : i32
    %dma_wait3A_827 = tpu.memref_slice %arg2[%add3A_745, %dma_wait3A_826] : memref<16384x8448xf32, #tpu.memory_space<hbm>> -> memref<16x3072xf32, #tpu.memory_space<hbm>>
    tpu.wait_dma2 semaphore(%arg5 : memref<!tpu.dma_semaphore, #tpu.memory_space<semaphore_mem>>) src(%dma_wait3A_827 : memref<16x3072xf32, #tpu.memory_space<hbm>>) dst(%dma_wait3A_825 : memref<16x3072xf32, #tpu.memory_space<vmem>>)
    %add3A_828 = arith.constant 224 : i32
    %add3A_829 = arith.addi %mul3A_2, %add3A_828 : i32
    %dma_start3A_830 = arith.constant 0 : i32
    %dma_start3A_831 = arith.constant 0 : i32
    %dma_start3A_832 = arith.constant 0 : i32
    %dma_start3A_833 = tpu.memref_slice %arg4[%dma_start3A_830, %dma_start3A_831, %dma_start3A_832] : memref<2x16x3072xf32, #tpu.memory_space<vmem>> -> memref<1x16x3072xf32, #tpu.memory_space<vmem>>
    %dma_start3A_834 = tpu.memref_squeeze %dma_start3A_833 : memref<1x16x3072xf32, #tpu.memory_space<vmem>> -> memref<16x3072xf32, #tpu.memory_space<vmem>>
    %dma_start3A_835 = arith.constant 0 : i32
    %dma_start3A_836 = tpu.memref_slice %arg3[%add3A_829, %dma_start3A_835] : memref<16384x3072xf32, #tpu.memory_space<hbm>> -> memref<16x3072xf32, #tpu.memory_space<hbm>>
    %dma_start3A_837 = arith.constant 0 : i32
    %dma_start3A_838 = tpu.memref_slice %arg3[%add3A_829, %dma_start3A_837] : memref<16384x3072xf32, #tpu.memory_space<hbm>> -> memref<16x3072xf32, #tpu.memory_space<hbm>>
    %dma_start3A_839 = arith.constant 0 : i32
    %dma_start3A_840 = arith.constant 0 : i32
    %dma_start3A_841 = tpu.memref_slice %arg4[%dma_start3A_830, %dma_start3A_839, %dma_start3A_840] : memref<2x16x3072xf32, #tpu.memory_space<vmem>> -> memref<1x16x3072xf32, #tpu.memory_space<vmem>>
    %dma_start3A_842 = tpu.memref_squeeze %dma_start3A_841 : memref<1x16x3072xf32, #tpu.memory_space<vmem>> -> memref<16x3072xf32, #tpu.memory_space<vmem>>
    tpu.enqueue_dma source(%dma_start3A_842 : memref<16x3072xf32, #tpu.memory_space<vmem>>) target(%dma_start3A_838 : memref<16x3072xf32, #tpu.memory_space<hbm>>) target_semaphore(%arg7 : memref<!tpu.dma_semaphore, #tpu.memory_space<semaphore_mem>>)
    %dma_wait3A_843 = arith.constant 0 : i32
    %dma_wait3A_844 = arith.constant 0 : i32
    %dma_wait3A_845 = arith.constant 0 : i32
    %dma_wait3A_846 = tpu.memref_slice %arg4[%dma_wait3A_843, %dma_wait3A_844, %dma_wait3A_845] : memref<2x16x3072xf32, #tpu.memory_space<vmem>> -> memref<1x16x3072xf32, #tpu.memory_space<vmem>>
    %dma_wait3A_847 = tpu.memref_squeeze %dma_wait3A_846 : memref<1x16x3072xf32, #tpu.memory_space<vmem>> -> memref<16x3072xf32, #tpu.memory_space<vmem>>
    %dma_wait3A_848 = arith.constant 0 : i32
    %dma_wait3A_849 = tpu.memref_slice %arg3[%add3A_829, %dma_wait3A_848] : memref<16384x3072xf32, #tpu.memory_space<hbm>> -> memref<16x3072xf32, #tpu.memory_space<hbm>>
    %dma_wait3A_850 = arith.constant 0 : i32
    %dma_wait3A_851 = tpu.memref_slice %arg3[%add3A_829, %dma_wait3A_850] : memref<16384x3072xf32, #tpu.memory_space<hbm>> -> memref<16x3072xf32, #tpu.memory_space<hbm>>
    %dma_wait3A_852 = arith.constant 0 : i32
    %dma_wait3A_853 = arith.constant 0 : i32
    %dma_wait3A_854 = tpu.memref_slice %arg4[%dma_wait3A_843, %dma_wait3A_852, %dma_wait3A_853] : memref<2x16x3072xf32, #tpu.memory_space<vmem>> -> memref<1x16x3072xf32, #tpu.memory_space<vmem>>
    %dma_wait3A_855 = tpu.memref_squeeze %dma_wait3A_854 : memref<1x16x3072xf32, #tpu.memory_space<vmem>> -> memref<16x3072xf32, #tpu.memory_space<vmem>>
    tpu.wait_dma2 semaphore(%arg7 : memref<!tpu.dma_semaphore, #tpu.memory_space<semaphore_mem>>) src(%dma_wait3A_855 : memref<16x3072xf32, #tpu.memory_space<vmem>>) dst(%dma_wait3A_851 : memref<16x3072xf32, #tpu.memory_space<hbm>>)
    %add3A_856 = arith.constant 256 : i32
    %add3A_857 = arith.addi %mul3A_2, %add3A_856 : i32
    %dma_start3A_858 = arith.constant 0 : i32
    %dma_start3A_859 = arith.constant 0 : i32
    %dma_start3A_860 = arith.constant 0 : i32
    %dma_start3A_861 = tpu.memref_slice %arg4[%dma_start3A_858, %dma_start3A_859, %dma_start3A_860] : memref<2x16x3072xf32, #tpu.memory_space<vmem>> -> memref<1x16x3072xf32, #tpu.memory_space<vmem>>
    %dma_start3A_862 = tpu.memref_squeeze %dma_start3A_861 : memref<1x16x3072xf32, #tpu.memory_space<vmem>> -> memref<16x3072xf32, #tpu.memory_space<vmem>>
    %dma_start3A_863 = arith.constant 5376 : i32
    %dma_start3A_864 = tpu.memref_slice %arg2[%add3A_857, %dma_start3A_863] : memref<16384x8448xf32, #tpu.memory_space<hbm>> -> memref<16x3072xf32, #tpu.memory_space<hbm>>
    %dma_start3A_865 = arith.constant 0 : i32
    %dma_start3A_866 = arith.constant 0 : i32
    %dma_start3A_867 = tpu.memref_slice %arg4[%dma_start3A_858, %dma_start3A_865, %dma_start3A_866] : memref<2x16x3072xf32, #tpu.memory_space<vmem>> -> memref<1x16x3072xf32, #tpu.memory_space<vmem>>
    %dma_start3A_868 = tpu.memref_squeeze %dma_start3A_867 : memref<1x16x3072xf32, #tpu.memory_space<vmem>> -> memref<16x3072xf32, #tpu.memory_space<vmem>>
    %dma_start3A_869 = arith.constant 5376 : i32
    %dma_start3A_870 = tpu.memref_slice %arg2[%add3A_857, %dma_start3A_869] : memref<16384x8448xf32, #tpu.memory_space<hbm>> -> memref<16x3072xf32, #tpu.memory_space<hbm>>
    tpu.enqueue_dma source(%dma_start3A_870 : memref<16x3072xf32, #tpu.memory_space<hbm>>) target(%dma_start3A_868 : memref<16x3072xf32, #tpu.memory_space<vmem>>) target_semaphore(%arg5 : memref<!tpu.dma_semaphore, #tpu.memory_space<semaphore_mem>>)
    %dma_wait3A_871 = arith.constant 1 : i32
    %dma_wait3A_872 = arith.constant 0 : i32
    %dma_wait3A_873 = arith.constant 0 : i32
    %dma_wait3A_874 = tpu.memref_slice %arg4[%dma_wait3A_871, %dma_wait3A_872, %dma_wait3A_873] : memref<2x16x3072xf32, #tpu.memory_space<vmem>> -> memref<1x16x3072xf32, #tpu.memory_space<vmem>>
    %dma_wait3A_875 = tpu.memref_squeeze %dma_wait3A_874 : memref<1x16x3072xf32, #tpu.memory_space<vmem>> -> memref<16x3072xf32, #tpu.memory_space<vmem>>
    %dma_wait3A_876 = arith.constant 5376 : i32
    %dma_wait3A_877 = tpu.memref_slice %arg2[%add3A_801, %dma_wait3A_876] : memref<16384x8448xf32, #tpu.memory_space<hbm>> -> memref<16x3072xf32, #tpu.memory_space<hbm>>
    %dma_wait3A_878 = arith.constant 0 : i32
    %dma_wait3A_879 = arith.constant 0 : i32
    %dma_wait3A_880 = tpu.memref_slice %arg4[%dma_wait3A_871, %dma_wait3A_878, %dma_wait3A_879] : memref<2x16x3072xf32, #tpu.memory_space<vmem>> -> memref<1x16x3072xf32, #tpu.memory_space<vmem>>
    %dma_wait3A_881 = tpu.memref_squeeze %dma_wait3A_880 : memref<1x16x3072xf32, #tpu.memory_space<vmem>> -> memref<16x3072xf32, #tpu.memory_space<vmem>>
    %dma_wait3A_882 = arith.constant 5376 : i32
    %dma_wait3A_883 = tpu.memref_slice %arg2[%add3A_801, %dma_wait3A_882] : memref<16384x8448xf32, #tpu.memory_space<hbm>> -> memref<16x3072xf32, #tpu.memory_space<hbm>>
    tpu.wait_dma2 semaphore(%arg6 : memref<!tpu.dma_semaphore, #tpu.memory_space<semaphore_mem>>) src(%dma_wait3A_883 : memref<16x3072xf32, #tpu.memory_space<hbm>>) dst(%dma_wait3A_881 : memref<16x3072xf32, #tpu.memory_space<vmem>>)
    %add3A_884 = arith.constant 240 : i32
    %add3A_885 = arith.addi %mul3A_2, %add3A_884 : i32
    %dma_start3A_886 = arith.constant 1 : i32
    %dma_start3A_887 = arith.constant 0 : i32
    %dma_start3A_888 = arith.constant 0 : i32
    %dma_start3A_889 = tpu.memref_slice %arg4[%dma_start3A_886, %dma_start3A_887, %dma_start3A_888] : memref<2x16x3072xf32, #tpu.memory_space<vmem>> -> memref<1x16x3072xf32, #tpu.memory_space<vmem>>
    %dma_start3A_890 = tpu.memref_squeeze %dma_start3A_889 : memref<1x16x3072xf32, #tpu.memory_space<vmem>> -> memref<16x3072xf32, #tpu.memory_space<vmem>>
    %dma_start3A_891 = arith.constant 0 : i32
    %dma_start3A_892 = tpu.memref_slice %arg3[%add3A_885, %dma_start3A_891] : memref<16384x3072xf32, #tpu.memory_space<hbm>> -> memref<16x3072xf32, #tpu.memory_space<hbm>>
    %dma_start3A_893 = arith.constant 0 : i32
    %dma_start3A_894 = tpu.memref_slice %arg3[%add3A_885, %dma_start3A_893] : memref<16384x3072xf32, #tpu.memory_space<hbm>> -> memref<16x3072xf32, #tpu.memory_space<hbm>>
    %dma_start3A_895 = arith.constant 0 : i32
    %dma_start3A_896 = arith.constant 0 : i32
    %dma_start3A_897 = tpu.memref_slice %arg4[%dma_start3A_886, %dma_start3A_895, %dma_start3A_896] : memref<2x16x3072xf32, #tpu.memory_space<vmem>> -> memref<1x16x3072xf32, #tpu.memory_space<vmem>>
    %dma_start3A_898 = tpu.memref_squeeze %dma_start3A_897 : memref<1x16x3072xf32, #tpu.memory_space<vmem>> -> memref<16x3072xf32, #tpu.memory_space<vmem>>
    tpu.enqueue_dma source(%dma_start3A_898 : memref<16x3072xf32, #tpu.memory_space<vmem>>) target(%dma_start3A_894 : memref<16x3072xf32, #tpu.memory_space<hbm>>) target_semaphore(%arg8 : memref<!tpu.dma_semaphore, #tpu.memory_space<semaphore_mem>>)
    %dma_wait3A_899 = arith.constant 1 : i32
    %dma_wait3A_900 = arith.constant 0 : i32
    %dma_wait3A_901 = arith.constant 0 : i32
    %dma_wait3A_902 = tpu.memref_slice %arg4[%dma_wait3A_899, %dma_wait3A_900, %dma_wait3A_901] : memref<2x16x3072xf32, #tpu.memory_space<vmem>> -> memref<1x16x3072xf32, #tpu.memory_space<vmem>>
    %dma_wait3A_903 = tpu.memref_squeeze %dma_wait3A_902 : memref<1x16x3072xf32, #tpu.memory_space<vmem>> -> memref<16x3072xf32, #tpu.memory_space<vmem>>
    %dma_wait3A_904 = arith.constant 0 : i32
    %dma_wait3A_905 = tpu.memref_slice %arg3[%add3A_885, %dma_wait3A_904] : memref<16384x3072xf32, #tpu.memory_space<hbm>> -> memref<16x3072xf32, #tpu.memory_space<hbm>>
    %dma_wait3A_906 = arith.constant 0 : i32
    %dma_wait3A_907 = tpu.memref_slice %arg3[%add3A_885, %dma_wait3A_906] : memref<16384x3072xf32, #tpu.memory_space<hbm>> -> memref<16x3072xf32, #tpu.memory_space<hbm>>
    %dma_wait3A_908 = arith.constant 0 : i32
    %dma_wait3A_909 = arith.constant 0 : i32
    %dma_wait3A_910 = tpu.memref_slice %arg4[%dma_wait3A_899, %dma_wait3A_908, %dma_wait3A_909] : memref<2x16x3072xf32, #tpu.memory_space<vmem>> -> memref<1x16x3072xf32, #tpu.memory_space<vmem>>
    %dma_wait3A_911 = tpu.memref_squeeze %dma_wait3A_910 : memref<1x16x3072xf32, #tpu.memory_space<vmem>> -> memref<16x3072xf32, #tpu.memory_space<vmem>>
    tpu.wait_dma2 semaphore(%arg8 : memref<!tpu.dma_semaphore, #tpu.memory_space<semaphore_mem>>) src(%dma_wait3A_911 : memref<16x3072xf32, #tpu.memory_space<vmem>>) dst(%dma_wait3A_907 : memref<16x3072xf32, #tpu.memory_space<hbm>>)
    %add3A_912 = arith.constant 272 : i32
    %add3A_913 = arith.addi %mul3A_2, %add3A_912 : i32
    %dma_start3A_914 = arith.constant 1 : i32
    %dma_start3A_915 = arith.constant 0 : i32
    %dma_start3A_916 = arith.constant 0 : i32
    %dma_start3A_917 = tpu.memref_slice %arg4[%dma_start3A_914, %dma_start3A_915, %dma_start3A_916] : memref<2x16x3072xf32, #tpu.memory_space<vmem>> -> memref<1x16x3072xf32, #tpu.memory_space<vmem>>
    %dma_start3A_918 = tpu.memref_squeeze %dma_start3A_917 : memref<1x16x3072xf32, #tpu.memory_space<vmem>> -> memref<16x3072xf32, #tpu.memory_space<vmem>>
    %dma_start3A_919 = arith.constant 5376 : i32
    %dma_start3A_920 = tpu.memref_slice %arg2[%add3A_913, %dma_start3A_919] : memref<16384x8448xf32, #tpu.memory_space<hbm>> -> memref<16x3072xf32, #tpu.memory_space<hbm>>
    %dma_start3A_921 = arith.constant 0 : i32
    %dma_start3A_922 = arith.constant 0 : i32
    %dma_start3A_923 = tpu.memref_slice %arg4[%dma_start3A_914, %dma_start3A_921, %dma_start3A_922] : memref<2x16x3072xf32, #tpu.memory_space<vmem>> -> memref<1x16x3072xf32, #tpu.memory_space<vmem>>
    %dma_start3A_924 = tpu.memref_squeeze %dma_start3A_923 : memref<1x16x3072xf32, #tpu.memory_space<vmem>> -> memref<16x3072xf32, #tpu.memory_space<vmem>>
    %dma_start3A_925 = arith.constant 5376 : i32
    %dma_start3A_926 = tpu.memref_slice %arg2[%add3A_913, %dma_start3A_925] : memref<16384x8448xf32, #tpu.memory_space<hbm>> -> memref<16x3072xf32, #tpu.memory_space<hbm>>
    tpu.enqueue_dma source(%dma_start3A_926 : memref<16x3072xf32, #tpu.memory_space<hbm>>) target(%dma_start3A_924 : memref<16x3072xf32, #tpu.memory_space<vmem>>) target_semaphore(%arg6 : memref<!tpu.dma_semaphore, #tpu.memory_space<semaphore_mem>>)
    %dma_wait3A_927 = arith.constant 0 : i32
    %dma_wait3A_928 = arith.constant 0 : i32
    %dma_wait3A_929 = arith.constant 0 : i32
    %dma_wait3A_930 = tpu.memref_slice %arg4[%dma_wait3A_927, %dma_wait3A_928, %dma_wait3A_929] : memref<2x16x3072xf32, #tpu.memory_space<vmem>> -> memref<1x16x3072xf32, #tpu.memory_space<vmem>>
    %dma_wait3A_931 = tpu.memref_squeeze %dma_wait3A_930 : memref<1x16x3072xf32, #tpu.memory_space<vmem>> -> memref<16x3072xf32, #tpu.memory_space<vmem>>
    %dma_wait3A_932 = arith.constant 5376 : i32
    %dma_wait3A_933 = tpu.memref_slice %arg2[%add3A_857, %dma_wait3A_932] : memref<16384x8448xf32, #tpu.memory_space<hbm>> -> memref<16x3072xf32, #tpu.memory_space<hbm>>
    %dma_wait3A_934 = arith.constant 0 : i32
    %dma_wait3A_935 = arith.constant 0 : i32
    %dma_wait3A_936 = tpu.memref_slice %arg4[%dma_wait3A_927, %dma_wait3A_934, %dma_wait3A_935] : memref<2x16x3072xf32, #tpu.memory_space<vmem>> -> memref<1x16x3072xf32, #tpu.memory_space<vmem>>
    %dma_wait3A_937 = tpu.memref_squeeze %dma_wait3A_936 : memref<1x16x3072xf32, #tpu.memory_space<vmem>> -> memref<16x3072xf32, #tpu.memory_space<vmem>>
    %dma_wait3A_938 = arith.constant 5376 : i32
    %dma_wait3A_939 = tpu.memref_slice %arg2[%add3A_857, %dma_wait3A_938] : memref<16384x8448xf32, #tpu.memory_space<hbm>> -> memref<16x3072xf32, #tpu.memory_space<hbm>>
    tpu.wait_dma2 semaphore(%arg5 : memref<!tpu.dma_semaphore, #tpu.memory_space<semaphore_mem>>) src(%dma_wait3A_939 : memref<16x3072xf32, #tpu.memory_space<hbm>>) dst(%dma_wait3A_937 : memref<16x3072xf32, #tpu.memory_space<vmem>>)
    %add3A_940 = arith.constant 256 : i32
    %add3A_941 = arith.addi %mul3A_2, %add3A_940 : i32
    %dma_start3A_942 = arith.constant 0 : i32
    %dma_start3A_943 = arith.constant 0 : i32
    %dma_start3A_944 = arith.constant 0 : i32
    %dma_start3A_945 = tpu.memref_slice %arg4[%dma_start3A_942, %dma_start3A_943, %dma_start3A_944] : memref<2x16x3072xf32, #tpu.memory_space<vmem>> -> memref<1x16x3072xf32, #tpu.memory_space<vmem>>
    %dma_start3A_946 = tpu.memref_squeeze %dma_start3A_945 : memref<1x16x3072xf32, #tpu.memory_space<vmem>> -> memref<16x3072xf32, #tpu.memory_space<vmem>>
    %dma_start3A_947 = arith.constant 0 : i32
    %dma_start3A_948 = tpu.memref_slice %arg3[%add3A_941, %dma_start3A_947] : memref<16384x3072xf32, #tpu.memory_space<hbm>> -> memref<16x3072xf32, #tpu.memory_space<hbm>>
    %dma_start3A_949 = arith.constant 0 : i32
    %dma_start3A_950 = tpu.memref_slice %arg3[%add3A_941, %dma_start3A_949] : memref<16384x3072xf32, #tpu.memory_space<hbm>> -> memref<16x3072xf32, #tpu.memory_space<hbm>>
    %dma_start3A_951 = arith.constant 0 : i32
    %dma_start3A_952 = arith.constant 0 : i32
    %dma_start3A_953 = tpu.memref_slice %arg4[%dma_start3A_942, %dma_start3A_951, %dma_start3A_952] : memref<2x16x3072xf32, #tpu.memory_space<vmem>> -> memref<1x16x3072xf32, #tpu.memory_space<vmem>>
    %dma_start3A_954 = tpu.memref_squeeze %dma_start3A_953 : memref<1x16x3072xf32, #tpu.memory_space<vmem>> -> memref<16x3072xf32, #tpu.memory_space<vmem>>
    tpu.enqueue_dma source(%dma_start3A_954 : memref<16x3072xf32, #tpu.memory_space<vmem>>) target(%dma_start3A_950 : memref<16x3072xf32, #tpu.memory_space<hbm>>) target_semaphore(%arg7 : memref<!tpu.dma_semaphore, #tpu.memory_space<semaphore_mem>>)
    %dma_wait3A_955 = arith.constant 0 : i32
    %dma_wait3A_956 = arith.constant 0 : i32
    %dma_wait3A_957 = arith.constant 0 : i32
    %dma_wait3A_958 = tpu.memref_slice %arg4[%dma_wait3A_955, %dma_wait3A_956, %dma_wait3A_957] : memref<2x16x3072xf32, #tpu.memory_space<vmem>> -> memref<1x16x3072xf32, #tpu.memory_space<vmem>>
    %dma_wait3A_959 = tpu.memref_squeeze %dma_wait3A_958 : memref<1x16x3072xf32, #tpu.memory_space<vmem>> -> memref<16x3072xf32, #tpu.memory_space<vmem>>
    %dma_wait3A_960 = arith.constant 0 : i32
    %dma_wait3A_961 = tpu.memref_slice %arg3[%add3A_941, %dma_wait3A_960] : memref<16384x3072xf32, #tpu.memory_space<hbm>> -> memref<16x3072xf32, #tpu.memory_space<hbm>>
    %dma_wait3A_962 = arith.constant 0 : i32
    %dma_wait3A_963 = tpu.memref_slice %arg3[%add3A_941, %dma_wait3A_962] : memref<16384x3072xf32, #tpu.memory_space<hbm>> -> memref<16x3072xf32, #tpu.memory_space<hbm>>
    %dma_wait3A_964 = arith.constant 0 : i32
    %dma_wait3A_965 = arith.constant 0 : i32
    %dma_wait3A_966 = tpu.memref_slice %arg4[%dma_wait3A_955, %dma_wait3A_964, %dma_wait3A_965] : memref<2x16x3072xf32, #tpu.memory_space<vmem>> -> memref<1x16x3072xf32, #tpu.memory_space<vmem>>
    %dma_wait3A_967 = tpu.memref_squeeze %dma_wait3A_966 : memref<1x16x3072xf32, #tpu.memory_space<vmem>> -> memref<16x3072xf32, #tpu.memory_space<vmem>>
    tpu.wait_dma2 semaphore(%arg7 : memref<!tpu.dma_semaphore, #tpu.memory_space<semaphore_mem>>) src(%dma_wait3A_967 : memref<16x3072xf32, #tpu.memory_space<vmem>>) dst(%dma_wait3A_963 : memref<16x3072xf32, #tpu.memory_space<hbm>>)
    %add3A_968 = arith.constant 288 : i32
    %add3A_969 = arith.addi %mul3A_2, %add3A_968 : i32
    %dma_start3A_970 = arith.constant 0 : i32
    %dma_start3A_971 = arith.constant 0 : i32
    %dma_start3A_972 = arith.constant 0 : i32
    %dma_start3A_973 = tpu.memref_slice %arg4[%dma_start3A_970, %dma_start3A_971, %dma_start3A_972] : memref<2x16x3072xf32, #tpu.memory_space<vmem>> -> memref<1x16x3072xf32, #tpu.memory_space<vmem>>
    %dma_start3A_974 = tpu.memref_squeeze %dma_start3A_973 : memref<1x16x3072xf32, #tpu.memory_space<vmem>> -> memref<16x3072xf32, #tpu.memory_space<vmem>>
    %dma_start3A_975 = arith.constant 5376 : i32
    %dma_start3A_976 = tpu.memref_slice %arg2[%add3A_969, %dma_start3A_975] : memref<16384x8448xf32, #tpu.memory_space<hbm>> -> memref<16x3072xf32, #tpu.memory_space<hbm>>
    %dma_start3A_977 = arith.constant 0 : i32
    %dma_start3A_978 = arith.constant 0 : i32
    %dma_start3A_979 = tpu.memref_slice %arg4[%dma_start3A_970, %dma_start3A_977, %dma_start3A_978] : memref<2x16x3072xf32, #tpu.memory_space<vmem>> -> memref<1x16x3072xf32, #tpu.memory_space<vmem>>
    %dma_start3A_980 = tpu.memref_squeeze %dma_start3A_979 : memref<1x16x3072xf32, #tpu.memory_space<vmem>> -> memref<16x3072xf32, #tpu.memory_space<vmem>>
    %dma_start3A_981 = arith.constant 5376 : i32
    %dma_start3A_982 = tpu.memref_slice %arg2[%add3A_969, %dma_start3A_981] : memref<16384x8448xf32, #tpu.memory_space<hbm>> -> memref<16x3072xf32, #tpu.memory_space<hbm>>
    tpu.enqueue_dma source(%dma_start3A_982 : memref<16x3072xf32, #tpu.memory_space<hbm>>) target(%dma_start3A_980 : memref<16x3072xf32, #tpu.memory_space<vmem>>) target_semaphore(%arg5 : memref<!tpu.dma_semaphore, #tpu.memory_space<semaphore_mem>>)
    %dma_wait3A_983 = arith.constant 1 : i32
    %dma_wait3A_984 = arith.constant 0 : i32
    %dma_wait3A_985 = arith.constant 0 : i32
    %dma_wait3A_986 = tpu.memref_slice %arg4[%dma_wait3A_983, %dma_wait3A_984, %dma_wait3A_985] : memref<2x16x3072xf32, #tpu.memory_space<vmem>> -> memref<1x16x3072xf32, #tpu.memory_space<vmem>>
    %dma_wait3A_987 = tpu.memref_squeeze %dma_wait3A_986 : memref<1x16x3072xf32, #tpu.memory_space<vmem>> -> memref<16x3072xf32, #tpu.memory_space<vmem>>
    %dma_wait3A_988 = arith.constant 5376 : i32
    %dma_wait3A_989 = tpu.memref_slice %arg2[%add3A_913, %dma_wait3A_988] : memref<16384x8448xf32, #tpu.memory_space<hbm>> -> memref<16x3072xf32, #tpu.memory_space<hbm>>
    %dma_wait3A_990 = arith.constant 0 : i32
    %dma_wait3A_991 = arith.constant 0 : i32
    %dma_wait3A_992 = tpu.memref_slice %arg4[%dma_wait3A_983, %dma_wait3A_990, %dma_wait3A_991] : memref<2x16x3072xf32, #tpu.memory_space<vmem>> -> memref<1x16x3072xf32, #tpu.memory_space<vmem>>
    %dma_wait3A_993 = tpu.memref_squeeze %dma_wait3A_992 : memref<1x16x3072xf32, #tpu.memory_space<vmem>> -> memref<16x3072xf32, #tpu.memory_space<vmem>>
    %dma_wait3A_994 = arith.constant 5376 : i32
    %dma_wait3A_995 = tpu.memref_slice %arg2[%add3A_913, %dma_wait3A_994] : memref<16384x8448xf32, #tpu.memory_space<hbm>> -> memref<16x3072xf32, #tpu.memory_space<hbm>>
    tpu.wait_dma2 semaphore(%arg6 : memref<!tpu.dma_semaphore, #tpu.memory_space<semaphore_mem>>) src(%dma_wait3A_995 : memref<16x3072xf32, #tpu.memory_space<hbm>>) dst(%dma_wait3A_993 : memref<16x3072xf32, #tpu.memory_space<vmem>>)
    %add3A_996 = arith.constant 272 : i32
    %add3A_997 = arith.addi %mul3A_2, %add3A_996 : i32
    %dma_start3A_998 = arith.constant 1 : i32
    %dma_start3A_999 = arith.constant 0 : i32
    %dma_start3A_1000 = arith.constant 0 : i32
    %dma_start3A_1001 = tpu.memref_slice %arg4[%dma_start3A_998, %dma_start3A_999, %dma_start3A_1000] : memref<2x16x3072xf32, #tpu.memory_space<vmem>> -> memref<1x16x3072xf32, #tpu.memory_space<vmem>>
    %dma_start3A_1002 = tpu.memref_squeeze %dma_start3A_1001 : memref<1x16x3072xf32, #tpu.memory_space<vmem>> -> memref<16x3072xf32, #tpu.memory_space<vmem>>
    %dma_start3A_1003 = arith.constant 0 : i32
    %dma_start3A_1004 = tpu.memref_slice %arg3[%add3A_997, %dma_start3A_1003] : memref<16384x3072xf32, #tpu.memory_space<hbm>> -> memref<16x3072xf32, #tpu.memory_space<hbm>>
    %dma_start3A_1005 = arith.constant 0 : i32
    %dma_start3A_1006 = tpu.memref_slice %arg3[%add3A_997, %dma_start3A_1005] : memref<16384x3072xf32, #tpu.memory_space<hbm>> -> memref<16x3072xf32, #tpu.memory_space<hbm>>
    %dma_start3A_1007 = arith.constant 0 : i32
    %dma_start3A_1008 = arith.constant 0 : i32
    %dma_start3A_1009 = tpu.memref_slice %arg4[%dma_start3A_998, %dma_start3A_1007, %dma_start3A_1008] : memref<2x16x3072xf32, #tpu.memory_space<vmem>> -> memref<1x16x3072xf32, #tpu.memory_space<vmem>>
    %dma_start3A_1010 = tpu.memref_squeeze %dma_start3A_1009 : memref<1x16x3072xf32, #tpu.memory_space<vmem>> -> memref<16x3072xf32, #tpu.memory_space<vmem>>
    tpu.enqueue_dma source(%dma_start3A_1010 : memref<16x3072xf32, #tpu.memory_space<vmem>>) target(%dma_start3A_1006 : memref<16x3072xf32, #tpu.memory_space<hbm>>) target_semaphore(%arg8 : memref<!tpu.dma_semaphore, #tpu.memory_space<semaphore_mem>>)
    %dma_wait3A_1011 = arith.constant 1 : i32
    %dma_wait3A_1012 = arith.constant 0 : i32
    %dma_wait3A_1013 = arith.constant 0 : i32
    %dma_wait3A_1014 = tpu.memref_slice %arg4[%dma_wait3A_1011, %dma_wait3A_1012, %dma_wait3A_1013] : memref<2x16x3072xf32, #tpu.memory_space<vmem>> -> memref<1x16x3072xf32, #tpu.memory_space<vmem>>
    %dma_wait3A_1015 = tpu.memref_squeeze %dma_wait3A_1014 : memref<1x16x3072xf32, #tpu.memory_space<vmem>> -> memref<16x3072xf32, #tpu.memory_space<vmem>>
    %dma_wait3A_1016 = arith.constant 0 : i32
    %dma_wait3A_1017 = tpu.memref_slice %arg3[%add3A_997, %dma_wait3A_1016] : memref<16384x3072xf32, #tpu.memory_space<hbm>> -> memref<16x3072xf32, #tpu.memory_space<hbm>>
    %dma_wait3A_1018 = arith.constant 0 : i32
    %dma_wait3A_1019 = tpu.memref_slice %arg3[%add3A_997, %dma_wait3A_1018] : memref<16384x3072xf32, #tpu.memory_space<hbm>> -> memref<16x3072xf32, #tpu.memory_space<hbm>>
    %dma_wait3A_1020 = arith.constant 0 : i32
    %dma_wait3A_1021 = arith.constant 0 : i32
    %dma_wait3A_1022 = tpu.memref_slice %arg4[%dma_wait3A_1011, %dma_wait3A_1020, %dma_wait3A_1021] : memref<2x16x3072xf32, #tpu.memory_space<vmem>> -> memref<1x16x3072xf32, #tpu.memory_space<vmem>>
    %dma_wait3A_1023 = tpu.memref_squeeze %dma_wait3A_1022 : memref<1x16x3072xf32, #tpu.memory_space<vmem>> -> memref<16x3072xf32, #tpu.memory_space<vmem>>
    tpu.wait_dma2 semaphore(%arg8 : memref<!tpu.dma_semaphore, #tpu.memory_space<semaphore_mem>>) src(%dma_wait3A_1023 : memref<16x3072xf32, #tpu.memory_space<vmem>>) dst(%dma_wait3A_1019 : memref<16x3072xf32, #tpu.memory_space<hbm>>)
    %add3A_1024 = arith.constant 304 : i32
    %add3A_1025 = arith.addi %mul3A_2, %add3A_1024 : i32
    %dma_start3A_1026 = arith.constant 1 : i32
    %dma_start3A_1027 = arith.constant 0 : i32
    %dma_start3A_1028 = arith.constant 0 : i32
    %dma_start3A_1029 = tpu.memref_slice %arg4[%dma_start3A_1026, %dma_start3A_1027, %dma_start3A_1028] : memref<2x16x3072xf32, #tpu.memory_space<vmem>> -> memref<1x16x3072xf32, #tpu.memory_space<vmem>>
    %dma_start3A_1030 = tpu.memref_squeeze %dma_start3A_1029 : memref<1x16x3072xf32, #tpu.memory_space<vmem>> -> memref<16x3072xf32, #tpu.memory_space<vmem>>
    %dma_start3A_1031 = arith.constant 5376 : i32
    %dma_start3A_1032 = tpu.memref_slice %arg2[%add3A_1025, %dma_start3A_1031] : memref<16384x8448xf32, #tpu.memory_space<hbm>> -> memref<16x3072xf32, #tpu.memory_space<hbm>>
    %dma_start3A_1033 = arith.constant 0 : i32
    %dma_start3A_1034 = arith.constant 0 : i32
    %dma_start3A_1035 = tpu.memref_slice %arg4[%dma_start3A_1026, %dma_start3A_1033, %dma_start3A_1034] : memref<2x16x3072xf32, #tpu.memory_space<vmem>> -> memref<1x16x3072xf32, #tpu.memory_space<vmem>>
    %dma_start3A_1036 = tpu.memref_squeeze %dma_start3A_1035 : memref<1x16x3072xf32, #tpu.memory_space<vmem>> -> memref<16x3072xf32, #tpu.memory_space<vmem>>
    %dma_start3A_1037 = arith.constant 5376 : i32
    %dma_start3A_1038 = tpu.memref_slice %arg2[%add3A_1025, %dma_start3A_1037] : memref<16384x8448xf32, #tpu.memory_space<hbm>> -> memref<16x3072xf32, #tpu.memory_space<hbm>>
    tpu.enqueue_dma source(%dma_start3A_1038 : memref<16x3072xf32, #tpu.memory_space<hbm>>) target(%dma_start3A_1036 : memref<16x3072xf32, #tpu.memory_space<vmem>>) target_semaphore(%arg6 : memref<!tpu.dma_semaphore, #tpu.memory_space<semaphore_mem>>)
    %dma_wait3A_1039 = arith.constant 0 : i32
    %dma_wait3A_1040 = arith.constant 0 : i32
    %dma_wait3A_1041 = arith.constant 0 : i32
    %dma_wait3A_1042 = tpu.memref_slice %arg4[%dma_wait3A_1039, %dma_wait3A_1040, %dma_wait3A_1041] : memref<2x16x3072xf32, #tpu.memory_space<vmem>> -> memref<1x16x3072xf32, #tpu.memory_space<vmem>>
    %dma_wait3A_1043 = tpu.memref_squeeze %dma_wait3A_1042 : memref<1x16x3072xf32, #tpu.memory_space<vmem>> -> memref<16x3072xf32, #tpu.memory_space<vmem>>
    %dma_wait3A_1044 = arith.constant 5376 : i32
    %dma_wait3A_1045 = tpu.memref_slice %arg2[%add3A_969, %dma_wait3A_1044] : memref<16384x8448xf32, #tpu.memory_space<hbm>> -> memref<16x3072xf32, #tpu.memory_space<hbm>>
    %dma_wait3A_1046 = arith.constant 0 : i32
    %dma_wait3A_1047 = arith.constant 0 : i32
    %dma_wait3A_1048 = tpu.memref_slice %arg4[%dma_wait3A_1039, %dma_wait3A_1046, %dma_wait3A_1047] : memref<2x16x3072xf32, #tpu.memory_space<vmem>> -> memref<1x16x3072xf32, #tpu.memory_space<vmem>>
    %dma_wait3A_1049 = tpu.memref_squeeze %dma_wait3A_1048 : memref<1x16x3072xf32, #tpu.memory_space<vmem>> -> memref<16x3072xf32, #tpu.memory_space<vmem>>
    %dma_wait3A_1050 = arith.constant 5376 : i32
    %dma_wait3A_1051 = tpu.memref_slice %arg2[%add3A_969, %dma_wait3A_1050] : memref<16384x8448xf32, #tpu.memory_space<hbm>> -> memref<16x3072xf32, #tpu.memory_space<hbm>>
    tpu.wait_dma2 semaphore(%arg5 : memref<!tpu.dma_semaphore, #tpu.memory_space<semaphore_mem>>) src(%dma_wait3A_1051 : memref<16x3072xf32, #tpu.memory_space<hbm>>) dst(%dma_wait3A_1049 : memref<16x3072xf32, #tpu.memory_space<vmem>>)
    %add3A_1052 = arith.constant 288 : i32
    %add3A_1053 = arith.addi %mul3A_2, %add3A_1052 : i32
    %dma_start3A_1054 = arith.constant 0 : i32
    %dma_start3A_1055 = arith.constant 0 : i32
    %dma_start3A_1056 = arith.constant 0 : i32
    %dma_start3A_1057 = tpu.memref_slice %arg4[%dma_start3A_1054, %dma_start3A_1055, %dma_start3A_1056] : memref<2x16x3072xf32, #tpu.memory_space<vmem>> -> memref<1x16x3072xf32, #tpu.memory_space<vmem>>
    %dma_start3A_1058 = tpu.memref_squeeze %dma_start3A_1057 : memref<1x16x3072xf32, #tpu.memory_space<vmem>> -> memref<16x3072xf32, #tpu.memory_space<vmem>>
    %dma_start3A_1059 = arith.constant 0 : i32
    %dma_start3A_1060 = tpu.memref_slice %arg3[%add3A_1053, %dma_start3A_1059] : memref<16384x3072xf32, #tpu.memory_space<hbm>> -> memref<16x3072xf32, #tpu.memory_space<hbm>>
    %dma_start3A_1061 = arith.constant 0 : i32
    %dma_start3A_1062 = tpu.memref_slice %arg3[%add3A_1053, %dma_start3A_1061] : memref<16384x3072xf32, #tpu.memory_space<hbm>> -> memref<16x3072xf32, #tpu.memory_space<hbm>>
    %dma_start3A_1063 = arith.constant 0 : i32
    %dma_start3A_1064 = arith.constant 0 : i32
    %dma_start3A_1065 = tpu.memref_slice %arg4[%dma_start3A_1054, %dma_start3A_1063, %dma_start3A_1064] : memref<2x16x3072xf32, #tpu.memory_space<vmem>> -> memref<1x16x3072xf32, #tpu.memory_space<vmem>>
    %dma_start3A_1066 = tpu.memref_squeeze %dma_start3A_1065 : memref<1x16x3072xf32, #tpu.memory_space<vmem>> -> memref<16x3072xf32, #tpu.memory_space<vmem>>
    tpu.enqueue_dma source(%dma_start3A_1066 : memref<16x3072xf32, #tpu.memory_space<vmem>>) target(%dma_start3A_1062 : memref<16x3072xf32, #tpu.memory_space<hbm>>) target_semaphore(%arg7 : memref<!tpu.dma_semaphore, #tpu.memory_space<semaphore_mem>>)
    %dma_wait3A_1067 = arith.constant 0 : i32
    %dma_wait3A_1068 = arith.constant 0 : i32
    %dma_wait3A_1069 = arith.constant 0 : i32
    %dma_wait3A_1070 = tpu.memref_slice %arg4[%dma_wait3A_1067, %dma_wait3A_1068, %dma_wait3A_1069] : memref<2x16x3072xf32, #tpu.memory_space<vmem>> -> memref<1x16x3072xf32, #tpu.memory_space<vmem>>
    %dma_wait3A_1071 = tpu.memref_squeeze %dma_wait3A_1070 : memref<1x16x3072xf32, #tpu.memory_space<vmem>> -> memref<16x3072xf32, #tpu.memory_space<vmem>>
    %dma_wait3A_1072 = arith.constant 0 : i32
    %dma_wait3A_1073 = tpu.memref_slice %arg3[%add3A_1053, %dma_wait3A_1072] : memref<16384x3072xf32, #tpu.memory_space<hbm>> -> memref<16x3072xf32, #tpu.memory_space<hbm>>
    %dma_wait3A_1074 = arith.constant 0 : i32
    %dma_wait3A_1075 = tpu.memref_slice %arg3[%add3A_1053, %dma_wait3A_1074] : memref<16384x3072xf32, #tpu.memory_space<hbm>> -> memref<16x3072xf32, #tpu.memory_space<hbm>>
    %dma_wait3A_1076 = arith.constant 0 : i32
    %dma_wait3A_1077 = arith.constant 0 : i32
    %dma_wait3A_1078 = tpu.memref_slice %arg4[%dma_wait3A_1067, %dma_wait3A_1076, %dma_wait3A_1077] : memref<2x16x3072xf32, #tpu.memory_space<vmem>> -> memref<1x16x3072xf32, #tpu.memory_space<vmem>>
    %dma_wait3A_1079 = tpu.memref_squeeze %dma_wait3A_1078 : memref<1x16x3072xf32, #tpu.memory_space<vmem>> -> memref<16x3072xf32, #tpu.memory_space<vmem>>
    tpu.wait_dma2 semaphore(%arg7 : memref<!tpu.dma_semaphore, #tpu.memory_space<semaphore_mem>>) src(%dma_wait3A_1079 : memref<16x3072xf32, #tpu.memory_space<vmem>>) dst(%dma_wait3A_1075 : memref<16x3072xf32, #tpu.memory_space<hbm>>)
    %add3A_1080 = arith.constant 320 : i32
    %add3A_1081 = arith.addi %mul3A_2, %add3A_1080 : i32
    %dma_start3A_1082 = arith.constant 0 : i32
    %dma_start3A_1083 = arith.constant 0 : i32
    %dma_start3A_1084 = arith.constant 0 : i32
    %dma_start3A_1085 = tpu.memref_slice %arg4[%dma_start3A_1082, %dma_start3A_1083, %dma_start3A_1084] : memref<2x16x3072xf32, #tpu.memory_space<vmem>> -> memref<1x16x3072xf32, #tpu.memory_space<vmem>>
    %dma_start3A_1086 = tpu.memref_squeeze %dma_start3A_1085 : memref<1x16x3072xf32, #tpu.memory_space<vmem>> -> memref<16x3072xf32, #tpu.memory_space<vmem>>
    %dma_start3A_1087 = arith.constant 5376 : i32
    %dma_start3A_1088 = tpu.memref_slice %arg2[%add3A_1081, %dma_start3A_1087] : memref<16384x8448xf32, #tpu.memory_space<hbm>> -> memref<16x3072xf32, #tpu.memory_space<hbm>>
    %dma_start3A_1089 = arith.constant 0 : i32
    %dma_start3A_1090 = arith.constant 0 : i32
    %dma_start3A_1091 = tpu.memref_slice %arg4[%dma_start3A_1082, %dma_start3A_1089, %dma_start3A_1090] : memref<2x16x3072xf32, #tpu.memory_space<vmem>> -> memref<1x16x3072xf32, #tpu.memory_space<vmem>>
    %dma_start3A_1092 = tpu.memref_squeeze %dma_start3A_1091 : memref<1x16x3072xf32, #tpu.memory_space<vmem>> -> memref<16x3072xf32, #tpu.memory_space<vmem>>
    %dma_start3A_1093 = arith.constant 5376 : i32
    %dma_start3A_1094 = tpu.memref_slice %arg2[%add3A_1081, %dma_start3A_1093] : memref<16384x8448xf32, #tpu.memory_space<hbm>> -> memref<16x3072xf32, #tpu.memory_space<hbm>>
    tpu.enqueue_dma source(%dma_start3A_1094 : memref<16x3072xf32, #tpu.memory_space<hbm>>) target(%dma_start3A_1092 : memref<16x3072xf32, #tpu.memory_space<vmem>>) target_semaphore(%arg5 : memref<!tpu.dma_semaphore, #tpu.memory_space<semaphore_mem>>)
    %dma_wait3A_1095 = arith.constant 1 : i32
    %dma_wait3A_1096 = arith.constant 0 : i32
    %dma_wait3A_1097 = arith.constant 0 : i32
    %dma_wait3A_1098 = tpu.memref_slice %arg4[%dma_wait3A_1095, %dma_wait3A_1096, %dma_wait3A_1097] : memref<2x16x3072xf32, #tpu.memory_space<vmem>> -> memref<1x16x3072xf32, #tpu.memory_space<vmem>>
    %dma_wait3A_1099 = tpu.memref_squeeze %dma_wait3A_1098 : memref<1x16x3072xf32, #tpu.memory_space<vmem>> -> memref<16x3072xf32, #tpu.memory_space<vmem>>
    %dma_wait3A_1100 = arith.constant 5376 : i32
    %dma_wait3A_1101 = tpu.memref_slice %arg2[%add3A_1025, %dma_wait3A_1100] : memref<16384x8448xf32, #tpu.memory_space<hbm>> -> memref<16x3072xf32, #tpu.memory_space<hbm>>
    %dma_wait3A_1102 = arith.constant 0 : i32
    %dma_wait3A_1103 = arith.constant 0 : i32
    %dma_wait3A_1104 = tpu.memref_slice %arg4[%dma_wait3A_1095, %dma_wait3A_1102, %dma_wait3A_1103] : memref<2x16x3072xf32, #tpu.memory_space<vmem>> -> memref<1x16x3072xf32, #tpu.memory_space<vmem>>
    %dma_wait3A_1105 = tpu.memref_squeeze %dma_wait3A_1104 : memref<1x16x3072xf32, #tpu.memory_space<vmem>> -> memref<16x3072xf32, #tpu.memory_space<vmem>>
    %dma_wait3A_1106 = arith.constant 5376 : i32
    %dma_wait3A_1107 = tpu.memref_slice %arg2[%add3A_1025, %dma_wait3A_1106] : memref<16384x8448xf32, #tpu.memory_space<hbm>> -> memref<16x3072xf32, #tpu.memory_space<hbm>>
    tpu.wait_dma2 semaphore(%arg6 : memref<!tpu.dma_semaphore, #tpu.memory_space<semaphore_mem>>) src(%dma_wait3A_1107 : memref<16x3072xf32, #tpu.memory_space<hbm>>) dst(%dma_wait3A_1105 : memref<16x3072xf32, #tpu.memory_space<vmem>>)
    %add3A_1108 = arith.constant 304 : i32
    %add3A_1109 = arith.addi %mul3A_2, %add3A_1108 : i32
    %dma_start3A_1110 = arith.constant 1 : i32
    %dma_start3A_1111 = arith.constant 0 : i32
    %dma_start3A_1112 = arith.constant 0 : i32
    %dma_start3A_1113 = tpu.memref_slice %arg4[%dma_start3A_1110, %dma_start3A_1111, %dma_start3A_1112] : memref<2x16x3072xf32, #tpu.memory_space<vmem>> -> memref<1x16x3072xf32, #tpu.memory_space<vmem>>
    %dma_start3A_1114 = tpu.memref_squeeze %dma_start3A_1113 : memref<1x16x3072xf32, #tpu.memory_space<vmem>> -> memref<16x3072xf32, #tpu.memory_space<vmem>>
    %dma_start3A_1115 = arith.constant 0 : i32
    %dma_start3A_1116 = tpu.memref_slice %arg3[%add3A_1109, %dma_start3A_1115] : memref<16384x3072xf32, #tpu.memory_space<hbm>> -> memref<16x3072xf32, #tpu.memory_space<hbm>>
    %dma_start3A_1117 = arith.constant 0 : i32
    %dma_start3A_1118 = tpu.memref_slice %arg3[%add3A_1109, %dma_start3A_1117] : memref<16384x3072xf32, #tpu.memory_space<hbm>> -> memref<16x3072xf32, #tpu.memory_space<hbm>>
    %dma_start3A_1119 = arith.constant 0 : i32
    %dma_start3A_1120 = arith.constant 0 : i32
    %dma_start3A_1121 = tpu.memref_slice %arg4[%dma_start3A_1110, %dma_start3A_1119, %dma_start3A_1120] : memref<2x16x3072xf32, #tpu.memory_space<vmem>> -> memref<1x16x3072xf32, #tpu.memory_space<vmem>>
    %dma_start3A_1122 = tpu.memref_squeeze %dma_start3A_1121 : memref<1x16x3072xf32, #tpu.memory_space<vmem>> -> memref<16x3072xf32, #tpu.memory_space<vmem>>
    tpu.enqueue_dma source(%dma_start3A_1122 : memref<16x3072xf32, #tpu.memory_space<vmem>>) target(%dma_start3A_1118 : memref<16x3072xf32, #tpu.memory_space<hbm>>) target_semaphore(%arg8 : memref<!tpu.dma_semaphore, #tpu.memory_space<semaphore_mem>>)
    %dma_wait3A_1123 = arith.constant 1 : i32
    %dma_wait3A_1124 = arith.constant 0 : i32
    %dma_wait3A_1125 = arith.constant 0 : i32
    %dma_wait3A_1126 = tpu.memref_slice %arg4[%dma_wait3A_1123, %dma_wait3A_1124, %dma_wait3A_1125] : memref<2x16x3072xf32, #tpu.memory_space<vmem>> -> memref<1x16x3072xf32, #tpu.memory_space<vmem>>
    %dma_wait3A_1127 = tpu.memref_squeeze %dma_wait3A_1126 : memref<1x16x3072xf32, #tpu.memory_space<vmem>> -> memref<16x3072xf32, #tpu.memory_space<vmem>>
    %dma_wait3A_1128 = arith.constant 0 : i32
    %dma_wait3A_1129 = tpu.memref_slice %arg3[%add3A_1109, %dma_wait3A_1128] : memref<16384x3072xf32, #tpu.memory_space<hbm>> -> memref<16x3072xf32, #tpu.memory_space<hbm>>
    %dma_wait3A_1130 = arith.constant 0 : i32
    %dma_wait3A_1131 = tpu.memref_slice %arg3[%add3A_1109, %dma_wait3A_1130] : memref<16384x3072xf32, #tpu.memory_space<hbm>> -> memref<16x3072xf32, #tpu.memory_space<hbm>>
    %dma_wait3A_1132 = arith.constant 0 : i32
    %dma_wait3A_1133 = arith.constant 0 : i32
    %dma_wait3A_1134 = tpu.memref_slice %arg4[%dma_wait3A_1123, %dma_wait3A_1132, %dma_wait3A_1133] : memref<2x16x3072xf32, #tpu.memory_space<vmem>> -> memref<1x16x3072xf32, #tpu.memory_space<vmem>>
    %dma_wait3A_1135 = tpu.memref_squeeze %dma_wait3A_1134 : memref<1x16x3072xf32, #tpu.memory_space<vmem>> -> memref<16x3072xf32, #tpu.memory_space<vmem>>
    tpu.wait_dma2 semaphore(%arg8 : memref<!tpu.dma_semaphore, #tpu.memory_space<semaphore_mem>>) src(%dma_wait3A_1135 : memref<16x3072xf32, #tpu.memory_space<vmem>>) dst(%dma_wait3A_1131 : memref<16x3072xf32, #tpu.memory_space<hbm>>)
    %add3A_1136 = arith.constant 336 : i32
    %add3A_1137 = arith.addi %mul3A_2, %add3A_1136 : i32
    %dma_start3A_1138 = arith.constant 1 : i32
    %dma_start3A_1139 = arith.constant 0 : i32
    %dma_start3A_1140 = arith.constant 0 : i32
    %dma_start3A_1141 = tpu.memref_slice %arg4[%dma_start3A_1138, %dma_start3A_1139, %dma_start3A_1140] : memref<2x16x3072xf32, #tpu.memory_space<vmem>> -> memref<1x16x3072xf32, #tpu.memory_space<vmem>>
    %dma_start3A_1142 = tpu.memref_squeeze %dma_start3A_1141 : memref<1x16x3072xf32, #tpu.memory_space<vmem>> -> memref<16x3072xf32, #tpu.memory_space<vmem>>
    %dma_start3A_1143 = arith.constant 5376 : i32
    %dma_start3A_1144 = tpu.memref_slice %arg2[%add3A_1137, %dma_start3A_1143] : memref<16384x8448xf32, #tpu.memory_space<hbm>> -> memref<16x3072xf32, #tpu.memory_space<hbm>>
    %dma_start3A_1145 = arith.constant 0 : i32
    %dma_start3A_1146 = arith.constant 0 : i32
    %dma_start3A_1147 = tpu.memref_slice %arg4[%dma_start3A_1138, %dma_start3A_1145, %dma_start3A_1146] : memref<2x16x3072xf32, #tpu.memory_space<vmem>> -> memref<1x16x3072xf32, #tpu.memory_space<vmem>>
    %dma_start3A_1148 = tpu.memref_squeeze %dma_start3A_1147 : memref<1x16x3072xf32, #tpu.memory_space<vmem>> -> memref<16x3072xf32, #tpu.memory_space<vmem>>
    %dma_start3A_1149 = arith.constant 5376 : i32
    %dma_start3A_1150 = tpu.memref_slice %arg2[%add3A_1137, %dma_start3A_1149] : memref<16384x8448xf32, #tpu.memory_space<hbm>> -> memref<16x3072xf32, #tpu.memory_space<hbm>>
    tpu.enqueue_dma source(%dma_start3A_1150 : memref<16x3072xf32, #tpu.memory_space<hbm>>) target(%dma_start3A_1148 : memref<16x3072xf32, #tpu.memory_space<vmem>>) target_semaphore(%arg6 : memref<!tpu.dma_semaphore, #tpu.memory_space<semaphore_mem>>)
    %dma_wait3A_1151 = arith.constant 0 : i32
    %dma_wait3A_1152 = arith.constant 0 : i32
    %dma_wait3A_1153 = arith.constant 0 : i32
    %dma_wait3A_1154 = tpu.memref_slice %arg4[%dma_wait3A_1151, %dma_wait3A_1152, %dma_wait3A_1153] : memref<2x16x3072xf32, #tpu.memory_space<vmem>> -> memref<1x16x3072xf32, #tpu.memory_space<vmem>>
    %dma_wait3A_1155 = tpu.memref_squeeze %dma_wait3A_1154 : memref<1x16x3072xf32, #tpu.memory_space<vmem>> -> memref<16x3072xf32, #tpu.memory_space<vmem>>
    %dma_wait3A_1156 = arith.constant 5376 : i32
    %dma_wait3A_1157 = tpu.memref_slice %arg2[%add3A_1081, %dma_wait3A_1156] : memref<16384x8448xf32, #tpu.memory_space<hbm>> -> memref<16x3072xf32, #tpu.memory_space<hbm>>
    %dma_wait3A_1158 = arith.constant 0 : i32
    %dma_wait3A_1159 = arith.constant 0 : i32
    %dma_wait3A_1160 = tpu.memref_slice %arg4[%dma_wait3A_1151, %dma_wait3A_1158, %dma_wait3A_1159] : memref<2x16x3072xf32, #tpu.memory_space<vmem>> -> memref<1x16x3072xf32, #tpu.memory_space<vmem>>
    %dma_wait3A_1161 = tpu.memref_squeeze %dma_wait3A_1160 : memref<1x16x3072xf32, #tpu.memory_space<vmem>> -> memref<16x3072xf32, #tpu.memory_space<vmem>>
    %dma_wait3A_1162 = arith.constant 5376 : i32
    %dma_wait3A_1163 = tpu.memref_slice %arg2[%add3A_1081, %dma_wait3A_1162] : memref<16384x8448xf32, #tpu.memory_space<hbm>> -> memref<16x3072xf32, #tpu.memory_space<hbm>>
    tpu.wait_dma2 semaphore(%arg5 : memref<!tpu.dma_semaphore, #tpu.memory_space<semaphore_mem>>) src(%dma_wait3A_1163 : memref<16x3072xf32, #tpu.memory_space<hbm>>) dst(%dma_wait3A_1161 : memref<16x3072xf32, #tpu.memory_space<vmem>>)
    %add3A_1164 = arith.constant 320 : i32
    %add3A_1165 = arith.addi %mul3A_2, %add3A_1164 : i32
    %dma_start3A_1166 = arith.constant 0 : i32
    %dma_start3A_1167 = arith.constant 0 : i32
    %dma_start3A_1168 = arith.constant 0 : i32
    %dma_start3A_1169 = tpu.memref_slice %arg4[%dma_start3A_1166, %dma_start3A_1167, %dma_start3A_1168] : memref<2x16x3072xf32, #tpu.memory_space<vmem>> -> memref<1x16x3072xf32, #tpu.memory_space<vmem>>
    %dma_start3A_1170 = tpu.memref_squeeze %dma_start3A_1169 : memref<1x16x3072xf32, #tpu.memory_space<vmem>> -> memref<16x3072xf32, #tpu.memory_space<vmem>>
    %dma_start3A_1171 = arith.constant 0 : i32
    %dma_start3A_1172 = tpu.memref_slice %arg3[%add3A_1165, %dma_start3A_1171] : memref<16384x3072xf32, #tpu.memory_space<hbm>> -> memref<16x3072xf32, #tpu.memory_space<hbm>>
    %dma_start3A_1173 = arith.constant 0 : i32
    %dma_start3A_1174 = tpu.memref_slice %arg3[%add3A_1165, %dma_start3A_1173] : memref<16384x3072xf32, #tpu.memory_space<hbm>> -> memref<16x3072xf32, #tpu.memory_space<hbm>>
    %dma_start3A_1175 = arith.constant 0 : i32
    %dma_start3A_1176 = arith.constant 0 : i32
    %dma_start3A_1177 = tpu.memref_slice %arg4[%dma_start3A_1166, %dma_start3A_1175, %dma_start3A_1176] : memref<2x16x3072xf32, #tpu.memory_space<vmem>> -> memref<1x16x3072xf32, #tpu.memory_space<vmem>>
    %dma_start3A_1178 = tpu.memref_squeeze %dma_start3A_1177 : memref<1x16x3072xf32, #tpu.memory_space<vmem>> -> memref<16x3072xf32, #tpu.memory_space<vmem>>
    tpu.enqueue_dma source(%dma_start3A_1178 : memref<16x3072xf32, #tpu.memory_space<vmem>>) target(%dma_start3A_1174 : memref<16x3072xf32, #tpu.memory_space<hbm>>) target_semaphore(%arg7 : memref<!tpu.dma_semaphore, #tpu.memory_space<semaphore_mem>>)
    %dma_wait3A_1179 = arith.constant 0 : i32
    %dma_wait3A_1180 = arith.constant 0 : i32
    %dma_wait3A_1181 = arith.constant 0 : i32
    %dma_wait3A_1182 = tpu.memref_slice %arg4[%dma_wait3A_1179, %dma_wait3A_1180, %dma_wait3A_1181] : memref<2x16x3072xf32, #tpu.memory_space<vmem>> -> memref<1x16x3072xf32, #tpu.memory_space<vmem>>
    %dma_wait3A_1183 = tpu.memref_squeeze %dma_wait3A_1182 : memref<1x16x3072xf32, #tpu.memory_space<vmem>> -> memref<16x3072xf32, #tpu.memory_space<vmem>>
    %dma_wait3A_1184 = arith.constant 0 : i32
    %dma_wait3A_1185 = tpu.memref_slice %arg3[%add3A_1165, %dma_wait3A_1184] : memref<16384x3072xf32, #tpu.memory_space<hbm>> -> memref<16x3072xf32, #tpu.memory_space<hbm>>
    %dma_wait3A_1186 = arith.constant 0 : i32
    %dma_wait3A_1187 = tpu.memref_slice %arg3[%add3A_1165, %dma_wait3A_1186] : memref<16384x3072xf32, #tpu.memory_space<hbm>> -> memref<16x3072xf32, #tpu.memory_space<hbm>>
    %dma_wait3A_1188 = arith.constant 0 : i32
    %dma_wait3A_1189 = arith.constant 0 : i32
    %dma_wait3A_1190 = tpu.memref_slice %arg4[%dma_wait3A_1179, %dma_wait3A_1188, %dma_wait3A_1189] : memref<2x16x3072xf32, #tpu.memory_space<vmem>> -> memref<1x16x3072xf32, #tpu.memory_space<vmem>>
    %dma_wait3A_1191 = tpu.memref_squeeze %dma_wait3A_1190 : memref<1x16x3072xf32, #tpu.memory_space<vmem>> -> memref<16x3072xf32, #tpu.memory_space<vmem>>
    tpu.wait_dma2 semaphore(%arg7 : memref<!tpu.dma_semaphore, #tpu.memory_space<semaphore_mem>>) src(%dma_wait3A_1191 : memref<16x3072xf32, #tpu.memory_space<vmem>>) dst(%dma_wait3A_1187 : memref<16x3072xf32, #tpu.memory_space<hbm>>)
    %add3A_1192 = arith.constant 352 : i32
    %add3A_1193 = arith.addi %mul3A_2, %add3A_1192 : i32
    %dma_start3A_1194 = arith.constant 0 : i32
    %dma_start3A_1195 = arith.constant 0 : i32
    %dma_start3A_1196 = arith.constant 0 : i32
    %dma_start3A_1197 = tpu.memref_slice %arg4[%dma_start3A_1194, %dma_start3A_1195, %dma_start3A_1196] : memref<2x16x3072xf32, #tpu.memory_space<vmem>> -> memref<1x16x3072xf32, #tpu.memory_space<vmem>>
    %dma_start3A_1198 = tpu.memref_squeeze %dma_start3A_1197 : memref<1x16x3072xf32, #tpu.memory_space<vmem>> -> memref<16x3072xf32, #tpu.memory_space<vmem>>
    %dma_start3A_1199 = arith.constant 5376 : i32
    %dma_start3A_1200 = tpu.memref_slice %arg2[%add3A_1193, %dma_start3A_1199] : memref<16384x8448xf32, #tpu.memory_space<hbm>> -> memref<16x3072xf32, #tpu.memory_space<hbm>>
    %dma_start3A_1201 = arith.constant 0 : i32
    %dma_start3A_1202 = arith.constant 0 : i32
    %dma_start3A_1203 = tpu.memref_slice %arg4[%dma_start3A_1194, %dma_start3A_1201, %dma_start3A_1202] : memref<2x16x3072xf32, #tpu.memory_space<vmem>> -> memref<1x16x3072xf32, #tpu.memory_space<vmem>>
    %dma_start3A_1204 = tpu.memref_squeeze %dma_start3A_1203 : memref<1x16x3072xf32, #tpu.memory_space<vmem>> -> memref<16x3072xf32, #tpu.memory_space<vmem>>
    %dma_start3A_1205 = arith.constant 5376 : i32
    %dma_start3A_1206 = tpu.memref_slice %arg2[%add3A_1193, %dma_start3A_1205] : memref<16384x8448xf32, #tpu.memory_space<hbm>> -> memref<16x3072xf32, #tpu.memory_space<hbm>>
    tpu.enqueue_dma source(%dma_start3A_1206 : memref<16x3072xf32, #tpu.memory_space<hbm>>) target(%dma_start3A_1204 : memref<16x3072xf32, #tpu.memory_space<vmem>>) target_semaphore(%arg5 : memref<!tpu.dma_semaphore, #tpu.memory_space<semaphore_mem>>)
    %dma_wait3A_1207 = arith.constant 1 : i32
    %dma_wait3A_1208 = arith.constant 0 : i32
    %dma_wait3A_1209 = arith.constant 0 : i32
    %dma_wait3A_1210 = tpu.memref_slice %arg4[%dma_wait3A_1207, %dma_wait3A_1208, %dma_wait3A_1209] : memref<2x16x3072xf32, #tpu.memory_space<vmem>> -> memref<1x16x3072xf32, #tpu.memory_space<vmem>>
    %dma_wait3A_1211 = tpu.memref_squeeze %dma_wait3A_1210 : memref<1x16x3072xf32, #tpu.memory_space<vmem>> -> memref<16x3072xf32, #tpu.memory_space<vmem>>
    %dma_wait3A_1212 = arith.constant 5376 : i32
    %dma_wait3A_1213 = tpu.memref_slice %arg2[%add3A_1137, %dma_wait3A_1212] : memref<16384x8448xf32, #tpu.memory_space<hbm>> -> memref<16x3072xf32, #tpu.memory_space<hbm>>
    %dma_wait3A_1214 = arith.constant 0 : i32
    %dma_wait3A_1215 = arith.constant 0 : i32
    %dma_wait3A_1216 = tpu.memref_slice %arg4[%dma_wait3A_1207, %dma_wait3A_1214, %dma_wait3A_1215] : memref<2x16x3072xf32, #tpu.memory_space<vmem>> -> memref<1x16x3072xf32, #tpu.memory_space<vmem>>
    %dma_wait3A_1217 = tpu.memref_squeeze %dma_wait3A_1216 : memref<1x16x3072xf32, #tpu.memory_space<vmem>> -> memref<16x3072xf32, #tpu.memory_space<vmem>>
    %dma_wait3A_1218 = arith.constant 5376 : i32
    %dma_wait3A_1219 = tpu.memref_slice %arg2[%add3A_1137, %dma_wait3A_1218] : memref<16384x8448xf32, #tpu.memory_space<hbm>> -> memref<16x3072xf32, #tpu.memory_space<hbm>>
    tpu.wait_dma2 semaphore(%arg6 : memref<!tpu.dma_semaphore, #tpu.memory_space<semaphore_mem>>) src(%dma_wait3A_1219 : memref<16x3072xf32, #tpu.memory_space<hbm>>) dst(%dma_wait3A_1217 : memref<16x3072xf32, #tpu.memory_space<vmem>>)
    %add3A_1220 = arith.constant 336 : i32
    %add3A_1221 = arith.addi %mul3A_2, %add3A_1220 : i32
    %dma_start3A_1222 = arith.constant 1 : i32
    %dma_start3A_1223 = arith.constant 0 : i32
    %dma_start3A_1224 = arith.constant 0 : i32
    %dma_start3A_1225 = tpu.memref_slice %arg4[%dma_start3A_1222, %dma_start3A_1223, %dma_start3A_1224] : memref<2x16x3072xf32, #tpu.memory_space<vmem>> -> memref<1x16x3072xf32, #tpu.memory_space<vmem>>
    %dma_start3A_1226 = tpu.memref_squeeze %dma_start3A_1225 : memref<1x16x3072xf32, #tpu.memory_space<vmem>> -> memref<16x3072xf32, #tpu.memory_space<vmem>>
    %dma_start3A_1227 = arith.constant 0 : i32
    %dma_start3A_1228 = tpu.memref_slice %arg3[%add3A_1221, %dma_start3A_1227] : memref<16384x3072xf32, #tpu.memory_space<hbm>> -> memref<16x3072xf32, #tpu.memory_space<hbm>>
    %dma_start3A_1229 = arith.constant 0 : i32
    %dma_start3A_1230 = tpu.memref_slice %arg3[%add3A_1221, %dma_start3A_1229] : memref<16384x3072xf32, #tpu.memory_space<hbm>> -> memref<16x3072xf32, #tpu.memory_space<hbm>>
    %dma_start3A_1231 = arith.constant 0 : i32
    %dma_start3A_1232 = arith.constant 0 : i32
    %dma_start3A_1233 = tpu.memref_slice %arg4[%dma_start3A_1222, %dma_start3A_1231, %dma_start3A_1232] : memref<2x16x3072xf32, #tpu.memory_space<vmem>> -> memref<1x16x3072xf32, #tpu.memory_space<vmem>>
    %dma_start3A_1234 = tpu.memref_squeeze %dma_start3A_1233 : memref<1x16x3072xf32, #tpu.memory_space<vmem>> -> memref<16x3072xf32, #tpu.memory_space<vmem>>
    tpu.enqueue_dma source(%dma_start3A_1234 : memref<16x3072xf32, #tpu.memory_space<vmem>>) target(%dma_start3A_1230 : memref<16x3072xf32, #tpu.memory_space<hbm>>) target_semaphore(%arg8 : memref<!tpu.dma_semaphore, #tpu.memory_space<semaphore_mem>>)
    %dma_wait3A_1235 = arith.constant 1 : i32
    %dma_wait3A_1236 = arith.constant 0 : i32
    %dma_wait3A_1237 = arith.constant 0 : i32
    %dma_wait3A_1238 = tpu.memref_slice %arg4[%dma_wait3A_1235, %dma_wait3A_1236, %dma_wait3A_1237] : memref<2x16x3072xf32, #tpu.memory_space<vmem>> -> memref<1x16x3072xf32, #tpu.memory_space<vmem>>
    %dma_wait3A_1239 = tpu.memref_squeeze %dma_wait3A_1238 : memref<1x16x3072xf32, #tpu.memory_space<vmem>> -> memref<16x3072xf32, #tpu.memory_space<vmem>>
    %dma_wait3A_1240 = arith.constant 0 : i32
    %dma_wait3A_1241 = tpu.memref_slice %arg3[%add3A_1221, %dma_wait3A_1240] : memref<16384x3072xf32, #tpu.memory_space<hbm>> -> memref<16x3072xf32, #tpu.memory_space<hbm>>
    %dma_wait3A_1242 = arith.constant 0 : i32
    %dma_wait3A_1243 = tpu.memref_slice %arg3[%add3A_1221, %dma_wait3A_1242] : memref<16384x3072xf32, #tpu.memory_space<hbm>> -> memref<16x3072xf32, #tpu.memory_space<hbm>>
    %dma_wait3A_1244 = arith.constant 0 : i32
    %dma_wait3A_1245 = arith.constant 0 : i32
    %dma_wait3A_1246 = tpu.memref_slice %arg4[%dma_wait3A_1235, %dma_wait3A_1244, %dma_wait3A_1245] : memref<2x16x3072xf32, #tpu.memory_space<vmem>> -> memref<1x16x3072xf32, #tpu.memory_space<vmem>>
    %dma_wait3A_1247 = tpu.memref_squeeze %dma_wait3A_1246 : memref<1x16x3072xf32, #tpu.memory_space<vmem>> -> memref<16x3072xf32, #tpu.memory_space<vmem>>
    tpu.wait_dma2 semaphore(%arg8 : memref<!tpu.dma_semaphore, #tpu.memory_space<semaphore_mem>>) src(%dma_wait3A_1247 : memref<16x3072xf32, #tpu.memory_space<vmem>>) dst(%dma_wait3A_1243 : memref<16x3072xf32, #tpu.memory_space<hbm>>)
    %add3A_1248 = arith.constant 368 : i32
    %add3A_1249 = arith.addi %mul3A_2, %add3A_1248 : i32
    %dma_start3A_1250 = arith.constant 1 : i32
    %dma_start3A_1251 = arith.constant 0 : i32
    %dma_start3A_1252 = arith.constant 0 : i32
    %dma_start3A_1253 = tpu.memref_slice %arg4[%dma_start3A_1250, %dma_start3A_1251, %dma_start3A_1252] : memref<2x16x3072xf32, #tpu.memory_space<vmem>> -> memref<1x16x3072xf32, #tpu.memory_space<vmem>>
    %dma_start3A_1254 = tpu.memref_squeeze %dma_start3A_1253 : memref<1x16x3072xf32, #tpu.memory_space<vmem>> -> memref<16x3072xf32, #tpu.memory_space<vmem>>
    %dma_start3A_1255 = arith.constant 5376 : i32
    %dma_start3A_1256 = tpu.memref_slice %arg2[%add3A_1249, %dma_start3A_1255] : memref<16384x8448xf32, #tpu.memory_space<hbm>> -> memref<16x3072xf32, #tpu.memory_space<hbm>>
    %dma_start3A_1257 = arith.constant 0 : i32
    %dma_start3A_1258 = arith.constant 0 : i32
    %dma_start3A_1259 = tpu.memref_slice %arg4[%dma_start3A_1250, %dma_start3A_1257, %dma_start3A_1258] : memref<2x16x3072xf32, #tpu.memory_space<vmem>> -> memref<1x16x3072xf32, #tpu.memory_space<vmem>>
    %dma_start3A_1260 = tpu.memref_squeeze %dma_start3A_1259 : memref<1x16x3072xf32, #tpu.memory_space<vmem>> -> memref<16x3072xf32, #tpu.memory_space<vmem>>
    %dma_start3A_1261 = arith.constant 5376 : i32
    %dma_start3A_1262 = tpu.memref_slice %arg2[%add3A_1249, %dma_start3A_1261] : memref<16384x8448xf32, #tpu.memory_space<hbm>> -> memref<16x3072xf32, #tpu.memory_space<hbm>>
    tpu.enqueue_dma source(%dma_start3A_1262 : memref<16x3072xf32, #tpu.memory_space<hbm>>) target(%dma_start3A_1260 : memref<16x3072xf32, #tpu.memory_space<vmem>>) target_semaphore(%arg6 : memref<!tpu.dma_semaphore, #tpu.memory_space<semaphore_mem>>)
    %dma_wait3A_1263 = arith.constant 0 : i32
    %dma_wait3A_1264 = arith.constant 0 : i32
    %dma_wait3A_1265 = arith.constant 0 : i32
    %dma_wait3A_1266 = tpu.memref_slice %arg4[%dma_wait3A_1263, %dma_wait3A_1264, %dma_wait3A_1265] : memref<2x16x3072xf32, #tpu.memory_space<vmem>> -> memref<1x16x3072xf32, #tpu.memory_space<vmem>>
    %dma_wait3A_1267 = tpu.memref_squeeze %dma_wait3A_1266 : memref<1x16x3072xf32, #tpu.memory_space<vmem>> -> memref<16x3072xf32, #tpu.memory_space<vmem>>
    %dma_wait3A_1268 = arith.constant 5376 : i32
    %dma_wait3A_1269 = tpu.memref_slice %arg2[%add3A_1193, %dma_wait3A_1268] : memref<16384x8448xf32, #tpu.memory_space<hbm>> -> memref<16x3072xf32, #tpu.memory_space<hbm>>
    %dma_wait3A_1270 = arith.constant 0 : i32
    %dma_wait3A_1271 = arith.constant 0 : i32
    %dma_wait3A_1272 = tpu.memref_slice %arg4[%dma_wait3A_1263, %dma_wait3A_1270, %dma_wait3A_1271] : memref<2x16x3072xf32, #tpu.memory_space<vmem>> -> memref<1x16x3072xf32, #tpu.memory_space<vmem>>
    %dma_wait3A_1273 = tpu.memref_squeeze %dma_wait3A_1272 : memref<1x16x3072xf32, #tpu.memory_space<vmem>> -> memref<16x3072xf32, #tpu.memory_space<vmem>>
    %dma_wait3A_1274 = arith.constant 5376 : i32
    %dma_wait3A_1275 = tpu.memref_slice %arg2[%add3A_1193, %dma_wait3A_1274] : memref<16384x8448xf32, #tpu.memory_space<hbm>> -> memref<16x3072xf32, #tpu.memory_space<hbm>>
    tpu.wait_dma2 semaphore(%arg5 : memref<!tpu.dma_semaphore, #tpu.memory_space<semaphore_mem>>) src(%dma_wait3A_1275 : memref<16x3072xf32, #tpu.memory_space<hbm>>) dst(%dma_wait3A_1273 : memref<16x3072xf32, #tpu.memory_space<vmem>>)
    %add3A_1276 = arith.constant 352 : i32
    %add3A_1277 = arith.addi %mul3A_2, %add3A_1276 : i32
    %dma_start3A_1278 = arith.constant 0 : i32
    %dma_start3A_1279 = arith.constant 0 : i32
    %dma_start3A_1280 = arith.constant 0 : i32
    %dma_start3A_1281 = tpu.memref_slice %arg4[%dma_start3A_1278, %dma_start3A_1279, %dma_start3A_1280] : memref<2x16x3072xf32, #tpu.memory_space<vmem>> -> memref<1x16x3072xf32, #tpu.memory_space<vmem>>
    %dma_start3A_1282 = tpu.memref_squeeze %dma_start3A_1281 : memref<1x16x3072xf32, #tpu.memory_space<vmem>> -> memref<16x3072xf32, #tpu.memory_space<vmem>>
    %dma_start3A_1283 = arith.constant 0 : i32
    %dma_start3A_1284 = tpu.memref_slice %arg3[%add3A_1277, %dma_start3A_1283] : memref<16384x3072xf32, #tpu.memory_space<hbm>> -> memref<16x3072xf32, #tpu.memory_space<hbm>>
    %dma_start3A_1285 = arith.constant 0 : i32
    %dma_start3A_1286 = tpu.memref_slice %arg3[%add3A_1277, %dma_start3A_1285] : memref<16384x3072xf32, #tpu.memory_space<hbm>> -> memref<16x3072xf32, #tpu.memory_space<hbm>>
    %dma_start3A_1287 = arith.constant 0 : i32
    %dma_start3A_1288 = arith.constant 0 : i32
    %dma_start3A_1289 = tpu.memref_slice %arg4[%dma_start3A_1278, %dma_start3A_1287, %dma_start3A_1288] : memref<2x16x3072xf32, #tpu.memory_space<vmem>> -> memref<1x16x3072xf32, #tpu.memory_space<vmem>>
    %dma_start3A_1290 = tpu.memref_squeeze %dma_start3A_1289 : memref<1x16x3072xf32, #tpu.memory_space<vmem>> -> memref<16x3072xf32, #tpu.memory_space<vmem>>
    tpu.enqueue_dma source(%dma_start3A_1290 : memref<16x3072xf32, #tpu.memory_space<vmem>>) target(%dma_start3A_1286 : memref<16x3072xf32, #tpu.memory_space<hbm>>) target_semaphore(%arg7 : memref<!tpu.dma_semaphore, #tpu.memory_space<semaphore_mem>>)
    %dma_wait3A_1291 = arith.constant 0 : i32
    %dma_wait3A_1292 = arith.constant 0 : i32
    %dma_wait3A_1293 = arith.constant 0 : i32
    %dma_wait3A_1294 = tpu.memref_slice %arg4[%dma_wait3A_1291, %dma_wait3A_1292, %dma_wait3A_1293] : memref<2x16x3072xf32, #tpu.memory_space<vmem>> -> memref<1x16x3072xf32, #tpu.memory_space<vmem>>
    %dma_wait3A_1295 = tpu.memref_squeeze %dma_wait3A_1294 : memref<1x16x3072xf32, #tpu.memory_space<vmem>> -> memref<16x3072xf32, #tpu.memory_space<vmem>>
    %dma_wait3A_1296 = arith.constant 0 : i32
    %dma_wait3A_1297 = tpu.memref_slice %arg3[%add3A_1277, %dma_wait3A_1296] : memref<16384x3072xf32, #tpu.memory_space<hbm>> -> memref<16x3072xf32, #tpu.memory_space<hbm>>
    %dma_wait3A_1298 = arith.constant 0 : i32
    %dma_wait3A_1299 = tpu.memref_slice %arg3[%add3A_1277, %dma_wait3A_1298] : memref<16384x3072xf32, #tpu.memory_space<hbm>> -> memref<16x3072xf32, #tpu.memory_space<hbm>>
    %dma_wait3A_1300 = arith.constant 0 : i32
    %dma_wait3A_1301 = arith.constant 0 : i32
    %dma_wait3A_1302 = tpu.memref_slice %arg4[%dma_wait3A_1291, %dma_wait3A_1300, %dma_wait3A_1301] : memref<2x16x3072xf32, #tpu.memory_space<vmem>> -> memref<1x16x3072xf32, #tpu.memory_space<vmem>>
    %dma_wait3A_1303 = tpu.memref_squeeze %dma_wait3A_1302 : memref<1x16x3072xf32, #tpu.memory_space<vmem>> -> memref<16x3072xf32, #tpu.memory_space<vmem>>
    tpu.wait_dma2 semaphore(%arg7 : memref<!tpu.dma_semaphore, #tpu.memory_space<semaphore_mem>>) src(%dma_wait3A_1303 : memref<16x3072xf32, #tpu.memory_space<vmem>>) dst(%dma_wait3A_1299 : memref<16x3072xf32, #tpu.memory_space<hbm>>)
    %add3A_1304 = arith.constant 384 : i32
    %add3A_1305 = arith.addi %mul3A_2, %add3A_1304 : i32
    %dma_start3A_1306 = arith.constant 0 : i32
    %dma_start3A_1307 = arith.constant 0 : i32
    %dma_start3A_1308 = arith.constant 0 : i32
    %dma_start3A_1309 = tpu.memref_slice %arg4[%dma_start3A_1306, %dma_start3A_1307, %dma_start3A_1308] : memref<2x16x3072xf32, #tpu.memory_space<vmem>> -> memref<1x16x3072xf32, #tpu.memory_space<vmem>>
    %dma_start3A_1310 = tpu.memref_squeeze %dma_start3A_1309 : memref<1x16x3072xf32, #tpu.memory_space<vmem>> -> memref<16x3072xf32, #tpu.memory_space<vmem>>
    %dma_start3A_1311 = arith.constant 5376 : i32
    %dma_start3A_1312 = tpu.memref_slice %arg2[%add3A_1305, %dma_start3A_1311] : memref<16384x8448xf32, #tpu.memory_space<hbm>> -> memref<16x3072xf32, #tpu.memory_space<hbm>>
    %dma_start3A_1313 = arith.constant 0 : i32
    %dma_start3A_1314 = arith.constant 0 : i32
    %dma_start3A_1315 = tpu.memref_slice %arg4[%dma_start3A_1306, %dma_start3A_1313, %dma_start3A_1314] : memref<2x16x3072xf32, #tpu.memory_space<vmem>> -> memref<1x16x3072xf32, #tpu.memory_space<vmem>>
    %dma_start3A_1316 = tpu.memref_squeeze %dma_start3A_1315 : memref<1x16x3072xf32, #tpu.memory_space<vmem>> -> memref<16x3072xf32, #tpu.memory_space<vmem>>
    %dma_start3A_1317 = arith.constant 5376 : i32
    %dma_start3A_1318 = tpu.memref_slice %arg2[%add3A_1305, %dma_start3A_1317] : memref<16384x8448xf32, #tpu.memory_space<hbm>> -> memref<16x3072xf32, #tpu.memory_space<hbm>>
    tpu.enqueue_dma source(%dma_start3A_1318 : memref<16x3072xf32, #tpu.memory_space<hbm>>) target(%dma_start3A_1316 : memref<16x3072xf32, #tpu.memory_space<vmem>>) target_semaphore(%arg5 : memref<!tpu.dma_semaphore, #tpu.memory_space<semaphore_mem>>)
    %dma_wait3A_1319 = arith.constant 1 : i32
    %dma_wait3A_1320 = arith.constant 0 : i32
    %dma_wait3A_1321 = arith.constant 0 : i32
    %dma_wait3A_1322 = tpu.memref_slice %arg4[%dma_wait3A_1319, %dma_wait3A_1320, %dma_wait3A_1321] : memref<2x16x3072xf32, #tpu.memory_space<vmem>> -> memref<1x16x3072xf32, #tpu.memory_space<vmem>>
    %dma_wait3A_1323 = tpu.memref_squeeze %dma_wait3A_1322 : memref<1x16x3072xf32, #tpu.memory_space<vmem>> -> memref<16x3072xf32, #tpu.memory_space<vmem>>
    %dma_wait3A_1324 = arith.constant 5376 : i32
    %dma_wait3A_1325 = tpu.memref_slice %arg2[%add3A_1249, %dma_wait3A_1324] : memref<16384x8448xf32, #tpu.memory_space<hbm>> -> memref<16x3072xf32, #tpu.memory_space<hbm>>
    %dma_wait3A_1326 = arith.constant 0 : i32
    %dma_wait3A_1327 = arith.constant 0 : i32
    %dma_wait3A_1328 = tpu.memref_slice %arg4[%dma_wait3A_1319, %dma_wait3A_1326, %dma_wait3A_1327] : memref<2x16x3072xf32, #tpu.memory_space<vmem>> -> memref<1x16x3072xf32, #tpu.memory_space<vmem>>
    %dma_wait3A_1329 = tpu.memref_squeeze %dma_wait3A_1328 : memref<1x16x3072xf32, #tpu.memory_space<vmem>> -> memref<16x3072xf32, #tpu.memory_space<vmem>>
    %dma_wait3A_1330 = arith.constant 5376 : i32
    %dma_wait3A_1331 = tpu.memref_slice %arg2[%add3A_1249, %dma_wait3A_1330] : memref<16384x8448xf32, #tpu.memory_space<hbm>> -> memref<16x3072xf32, #tpu.memory_space<hbm>>
    tpu.wait_dma2 semaphore(%arg6 : memref<!tpu.dma_semaphore, #tpu.memory_space<semaphore_mem>>) src(%dma_wait3A_1331 : memref<16x3072xf32, #tpu.memory_space<hbm>>) dst(%dma_wait3A_1329 : memref<16x3072xf32, #tpu.memory_space<vmem>>)
    %add3A_1332 = arith.constant 368 : i32
    %add3A_1333 = arith.addi %mul3A_2, %add3A_1332 : i32
    %dma_start3A_1334 = arith.constant 1 : i32
    %dma_start3A_1335 = arith.constant 0 : i32
    %dma_start3A_1336 = arith.constant 0 : i32
    %dma_start3A_1337 = tpu.memref_slice %arg4[%dma_start3A_1334, %dma_start3A_1335, %dma_start3A_1336] : memref<2x16x3072xf32, #tpu.memory_space<vmem>> -> memref<1x16x3072xf32, #tpu.memory_space<vmem>>
    %dma_start3A_1338 = tpu.memref_squeeze %dma_start3A_1337 : memref<1x16x3072xf32, #tpu.memory_space<vmem>> -> memref<16x3072xf32, #tpu.memory_space<vmem>>
    %dma_start3A_1339 = arith.constant 0 : i32
    %dma_start3A_1340 = tpu.memref_slice %arg3[%add3A_1333, %dma_start3A_1339] : memref<16384x3072xf32, #tpu.memory_space<hbm>> -> memref<16x3072xf32, #tpu.memory_space<hbm>>
    %dma_start3A_1341 = arith.constant 0 : i32
    %dma_start3A_1342 = tpu.memref_slice %arg3[%add3A_1333, %dma_start3A_1341] : memref<16384x3072xf32, #tpu.memory_space<hbm>> -> memref<16x3072xf32, #tpu.memory_space<hbm>>
    %dma_start3A_1343 = arith.constant 0 : i32
    %dma_start3A_1344 = arith.constant 0 : i32
    %dma_start3A_1345 = tpu.memref_slice %arg4[%dma_start3A_1334, %dma_start3A_1343, %dma_start3A_1344] : memref<2x16x3072xf32, #tpu.memory_space<vmem>> -> memref<1x16x3072xf32, #tpu.memory_space<vmem>>
    %dma_start3A_1346 = tpu.memref_squeeze %dma_start3A_1345 : memref<1x16x3072xf32, #tpu.memory_space<vmem>> -> memref<16x3072xf32, #tpu.memory_space<vmem>>
    tpu.enqueue_dma source(%dma_start3A_1346 : memref<16x3072xf32, #tpu.memory_space<vmem>>) target(%dma_start3A_1342 : memref<16x3072xf32, #tpu.memory_space<hbm>>) target_semaphore(%arg8 : memref<!tpu.dma_semaphore, #tpu.memory_space<semaphore_mem>>)
    %dma_wait3A_1347 = arith.constant 1 : i32
    %dma_wait3A_1348 = arith.constant 0 : i32
    %dma_wait3A_1349 = arith.constant 0 : i32
    %dma_wait3A_1350 = tpu.memref_slice %arg4[%dma_wait3A_1347, %dma_wait3A_1348, %dma_wait3A_1349] : memref<2x16x3072xf32, #tpu.memory_space<vmem>> -> memref<1x16x3072xf32, #tpu.memory_space<vmem>>
    %dma_wait3A_1351 = tpu.memref_squeeze %dma_wait3A_1350 : memref<1x16x3072xf32, #tpu.memory_space<vmem>> -> memref<16x3072xf32, #tpu.memory_space<vmem>>
    %dma_wait3A_1352 = arith.constant 0 : i32
    %dma_wait3A_1353 = tpu.memref_slice %arg3[%add3A_1333, %dma_wait3A_1352] : memref<16384x3072xf32, #tpu.memory_space<hbm>> -> memref<16x3072xf32, #tpu.memory_space<hbm>>
    %dma_wait3A_1354 = arith.constant 0 : i32
    %dma_wait3A_1355 = tpu.memref_slice %arg3[%add3A_1333, %dma_wait3A_1354] : memref<16384x3072xf32, #tpu.memory_space<hbm>> -> memref<16x3072xf32, #tpu.memory_space<hbm>>
    %dma_wait3A_1356 = arith.constant 0 : i32
    %dma_wait3A_1357 = arith.constant 0 : i32
    %dma_wait3A_1358 = tpu.memref_slice %arg4[%dma_wait3A_1347, %dma_wait3A_1356, %dma_wait3A_1357] : memref<2x16x3072xf32, #tpu.memory_space<vmem>> -> memref<1x16x3072xf32, #tpu.memory_space<vmem>>
    %dma_wait3A_1359 = tpu.memref_squeeze %dma_wait3A_1358 : memref<1x16x3072xf32, #tpu.memory_space<vmem>> -> memref<16x3072xf32, #tpu.memory_space<vmem>>
    tpu.wait_dma2 semaphore(%arg8 : memref<!tpu.dma_semaphore, #tpu.memory_space<semaphore_mem>>) src(%dma_wait3A_1359 : memref<16x3072xf32, #tpu.memory_space<vmem>>) dst(%dma_wait3A_1355 : memref<16x3072xf32, #tpu.memory_space<hbm>>)
    %add3A_1360 = arith.constant 400 : i32
    %add3A_1361 = arith.addi %mul3A_2, %add3A_1360 : i32
    %dma_start3A_1362 = arith.constant 1 : i32
    %dma_start3A_1363 = arith.constant 0 : i32
    %dma_start3A_1364 = arith.constant 0 : i32
    %dma_start3A_1365 = tpu.memref_slice %arg4[%dma_start3A_1362, %dma_start3A_1363, %dma_start3A_1364] : memref<2x16x3072xf32, #tpu.memory_space<vmem>> -> memref<1x16x3072xf32, #tpu.memory_space<vmem>>
    %dma_start3A_1366 = tpu.memref_squeeze %dma_start3A_1365 : memref<1x16x3072xf32, #tpu.memory_space<vmem>> -> memref<16x3072xf32, #tpu.memory_space<vmem>>
    %dma_start3A_1367 = arith.constant 5376 : i32
    %dma_start3A_1368 = tpu.memref_slice %arg2[%add3A_1361, %dma_start3A_1367] : memref<16384x8448xf32, #tpu.memory_space<hbm>> -> memref<16x3072xf32, #tpu.memory_space<hbm>>
    %dma_start3A_1369 = arith.constant 0 : i32
    %dma_start3A_1370 = arith.constant 0 : i32
    %dma_start3A_1371 = tpu.memref_slice %arg4[%dma_start3A_1362, %dma_start3A_1369, %dma_start3A_1370] : memref<2x16x3072xf32, #tpu.memory_space<vmem>> -> memref<1x16x3072xf32, #tpu.memory_space<vmem>>
    %dma_start3A_1372 = tpu.memref_squeeze %dma_start3A_1371 : memref<1x16x3072xf32, #tpu.memory_space<vmem>> -> memref<16x3072xf32, #tpu.memory_space<vmem>>
    %dma_start3A_1373 = arith.constant 5376 : i32
    %dma_start3A_1374 = tpu.memref_slice %arg2[%add3A_1361, %dma_start3A_1373] : memref<16384x8448xf32, #tpu.memory_space<hbm>> -> memref<16x3072xf32, #tpu.memory_space<hbm>>
    tpu.enqueue_dma source(%dma_start3A_1374 : memref<16x3072xf32, #tpu.memory_space<hbm>>) target(%dma_start3A_1372 : memref<16x3072xf32, #tpu.memory_space<vmem>>) target_semaphore(%arg6 : memref<!tpu.dma_semaphore, #tpu.memory_space<semaphore_mem>>)
    %dma_wait3A_1375 = arith.constant 0 : i32
    %dma_wait3A_1376 = arith.constant 0 : i32
    %dma_wait3A_1377 = arith.constant 0 : i32
    %dma_wait3A_1378 = tpu.memref_slice %arg4[%dma_wait3A_1375, %dma_wait3A_1376, %dma_wait3A_1377] : memref<2x16x3072xf32, #tpu.memory_space<vmem>> -> memref<1x16x3072xf32, #tpu.memory_space<vmem>>
    %dma_wait3A_1379 = tpu.memref_squeeze %dma_wait3A_1378 : memref<1x16x3072xf32, #tpu.memory_space<vmem>> -> memref<16x3072xf32, #tpu.memory_space<vmem>>
    %dma_wait3A_1380 = arith.constant 5376 : i32
    %dma_wait3A_1381 = tpu.memref_slice %arg2[%add3A_1305, %dma_wait3A_1380] : memref<16384x8448xf32, #tpu.memory_space<hbm>> -> memref<16x3072xf32, #tpu.memory_space<hbm>>
    %dma_wait3A_1382 = arith.constant 0 : i32
    %dma_wait3A_1383 = arith.constant 0 : i32
    %dma_wait3A_1384 = tpu.memref_slice %arg4[%dma_wait3A_1375, %dma_wait3A_1382, %dma_wait3A_1383] : memref<2x16x3072xf32, #tpu.memory_space<vmem>> -> memref<1x16x3072xf32, #tpu.memory_space<vmem>>
    %dma_wait3A_1385 = tpu.memref_squeeze %dma_wait3A_1384 : memref<1x16x3072xf32, #tpu.memory_space<vmem>> -> memref<16x3072xf32, #tpu.memory_space<vmem>>
    %dma_wait3A_1386 = arith.constant 5376 : i32
    %dma_wait3A_1387 = tpu.memref_slice %arg2[%add3A_1305, %dma_wait3A_1386] : memref<16384x8448xf32, #tpu.memory_space<hbm>> -> memref<16x3072xf32, #tpu.memory_space<hbm>>
    tpu.wait_dma2 semaphore(%arg5 : memref<!tpu.dma_semaphore, #tpu.memory_space<semaphore_mem>>) src(%dma_wait3A_1387 : memref<16x3072xf32, #tpu.memory_space<hbm>>) dst(%dma_wait3A_1385 : memref<16x3072xf32, #tpu.memory_space<vmem>>)
    %add3A_1388 = arith.constant 384 : i32
    %add3A_1389 = arith.addi %mul3A_2, %add3A_1388 : i32
    %dma_start3A_1390 = arith.constant 0 : i32
    %dma_start3A_1391 = arith.constant 0 : i32
    %dma_start3A_1392 = arith.constant 0 : i32
    %dma_start3A_1393 = tpu.memref_slice %arg4[%dma_start3A_1390, %dma_start3A_1391, %dma_start3A_1392] : memref<2x16x3072xf32, #tpu.memory_space<vmem>> -> memref<1x16x3072xf32, #tpu.memory_space<vmem>>
    %dma_start3A_1394 = tpu.memref_squeeze %dma_start3A_1393 : memref<1x16x3072xf32, #tpu.memory_space<vmem>> -> memref<16x3072xf32, #tpu.memory_space<vmem>>
    %dma_start3A_1395 = arith.constant 0 : i32
    %dma_start3A_1396 = tpu.memref_slice %arg3[%add3A_1389, %dma_start3A_1395] : memref<16384x3072xf32, #tpu.memory_space<hbm>> -> memref<16x3072xf32, #tpu.memory_space<hbm>>
    %dma_start3A_1397 = arith.constant 0 : i32
    %dma_start3A_1398 = tpu.memref_slice %arg3[%add3A_1389, %dma_start3A_1397] : memref<16384x3072xf32, #tpu.memory_space<hbm>> -> memref<16x3072xf32, #tpu.memory_space<hbm>>
    %dma_start3A_1399 = arith.constant 0 : i32
    %dma_start3A_1400 = arith.constant 0 : i32
    %dma_start3A_1401 = tpu.memref_slice %arg4[%dma_start3A_1390, %dma_start3A_1399, %dma_start3A_1400] : memref<2x16x3072xf32, #tpu.memory_space<vmem>> -> memref<1x16x3072xf32, #tpu.memory_space<vmem>>
    %dma_start3A_1402 = tpu.memref_squeeze %dma_start3A_1401 : memref<1x16x3072xf32, #tpu.memory_space<vmem>> -> memref<16x3072xf32, #tpu.memory_space<vmem>>
    tpu.enqueue_dma source(%dma_start3A_1402 : memref<16x3072xf32, #tpu.memory_space<vmem>>) target(%dma_start3A_1398 : memref<16x3072xf32, #tpu.memory_space<hbm>>) target_semaphore(%arg7 : memref<!tpu.dma_semaphore, #tpu.memory_space<semaphore_mem>>)
    %dma_wait3A_1403 = arith.constant 0 : i32
    %dma_wait3A_1404 = arith.constant 0 : i32
    %dma_wait3A_1405 = arith.constant 0 : i32
    %dma_wait3A_1406 = tpu.memref_slice %arg4[%dma_wait3A_1403, %dma_wait3A_1404, %dma_wait3A_1405] : memref<2x16x3072xf32, #tpu.memory_space<vmem>> -> memref<1x16x3072xf32, #tpu.memory_space<vmem>>
    %dma_wait3A_1407 = tpu.memref_squeeze %dma_wait3A_1406 : memref<1x16x3072xf32, #tpu.memory_space<vmem>> -> memref<16x3072xf32, #tpu.memory_space<vmem>>
    %dma_wait3A_1408 = arith.constant 0 : i32
    %dma_wait3A_1409 = tpu.memref_slice %arg3[%add3A_1389, %dma_wait3A_1408] : memref<16384x3072xf32, #tpu.memory_space<hbm>> -> memref<16x3072xf32, #tpu.memory_space<hbm>>
    %dma_wait3A_1410 = arith.constant 0 : i32
    %dma_wait3A_1411 = tpu.memref_slice %arg3[%add3A_1389, %dma_wait3A_1410] : memref<16384x3072xf32, #tpu.memory_space<hbm>> -> memref<16x3072xf32, #tpu.memory_space<hbm>>
    %dma_wait3A_1412 = arith.constant 0 : i32
    %dma_wait3A_1413 = arith.constant 0 : i32
    %dma_wait3A_1414 = tpu.memref_slice %arg4[%dma_wait3A_1403, %dma_wait3A_1412, %dma_wait3A_1413] : memref<2x16x3072xf32, #tpu.memory_space<vmem>> -> memref<1x16x3072xf32, #tpu.memory_space<vmem>>
    %dma_wait3A_1415 = tpu.memref_squeeze %dma_wait3A_1414 : memref<1x16x3072xf32, #tpu.memory_space<vmem>> -> memref<16x3072xf32, #tpu.memory_space<vmem>>
    tpu.wait_dma2 semaphore(%arg7 : memref<!tpu.dma_semaphore, #tpu.memory_space<semaphore_mem>>) src(%dma_wait3A_1415 : memref<16x3072xf32, #tpu.memory_space<vmem>>) dst(%dma_wait3A_1411 : memref<16x3072xf32, #tpu.memory_space<hbm>>)
    %add3A_1416 = arith.constant 416 : i32
    %add3A_1417 = arith.addi %mul3A_2, %add3A_1416 : i32
    %dma_start3A_1418 = arith.constant 0 : i32
    %dma_start3A_1419 = arith.constant 0 : i32
    %dma_start3A_1420 = arith.constant 0 : i32
    %dma_start3A_1421 = tpu.memref_slice %arg4[%dma_start3A_1418, %dma_start3A_1419, %dma_start3A_1420] : memref<2x16x3072xf32, #tpu.memory_space<vmem>> -> memref<1x16x3072xf32, #tpu.memory_space<vmem>>
    %dma_start3A_1422 = tpu.memref_squeeze %dma_start3A_1421 : memref<1x16x3072xf32, #tpu.memory_space<vmem>> -> memref<16x3072xf32, #tpu.memory_space<vmem>>
    %dma_start3A_1423 = arith.constant 5376 : i32
    %dma_start3A_1424 = tpu.memref_slice %arg2[%add3A_1417, %dma_start3A_1423] : memref<16384x8448xf32, #tpu.memory_space<hbm>> -> memref<16x3072xf32, #tpu.memory_space<hbm>>
    %dma_start3A_1425 = arith.constant 0 : i32
    %dma_start3A_1426 = arith.constant 0 : i32
    %dma_start3A_1427 = tpu.memref_slice %arg4[%dma_start3A_1418, %dma_start3A_1425, %dma_start3A_1426] : memref<2x16x3072xf32, #tpu.memory_space<vmem>> -> memref<1x16x3072xf32, #tpu.memory_space<vmem>>
    %dma_start3A_1428 = tpu.memref_squeeze %dma_start3A_1427 : memref<1x16x3072xf32, #tpu.memory_space<vmem>> -> memref<16x3072xf32, #tpu.memory_space<vmem>>
    %dma_start3A_1429 = arith.constant 5376 : i32
    %dma_start3A_1430 = tpu.memref_slice %arg2[%add3A_1417, %dma_start3A_1429] : memref<16384x8448xf32, #tpu.memory_space<hbm>> -> memref<16x3072xf32, #tpu.memory_space<hbm>>
    tpu.enqueue_dma source(%dma_start3A_1430 : memref<16x3072xf32, #tpu.memory_space<hbm>>) target(%dma_start3A_1428 : memref<16x3072xf32, #tpu.memory_space<vmem>>) target_semaphore(%arg5 : memref<!tpu.dma_semaphore, #tpu.memory_space<semaphore_mem>>)
    %dma_wait3A_1431 = arith.constant 1 : i32
    %dma_wait3A_1432 = arith.constant 0 : i32
    %dma_wait3A_1433 = arith.constant 0 : i32
    %dma_wait3A_1434 = tpu.memref_slice %arg4[%dma_wait3A_1431, %dma_wait3A_1432, %dma_wait3A_1433] : memref<2x16x3072xf32, #tpu.memory_space<vmem>> -> memref<1x16x3072xf32, #tpu.memory_space<vmem>>
    %dma_wait3A_1435 = tpu.memref_squeeze %dma_wait3A_1434 : memref<1x16x3072xf32, #tpu.memory_space<vmem>> -> memref<16x3072xf32, #tpu.memory_space<vmem>>
    %dma_wait3A_1436 = arith.constant 5376 : i32
    %dma_wait3A_1437 = tpu.memref_slice %arg2[%add3A_1361, %dma_wait3A_1436] : memref<16384x8448xf32, #tpu.memory_space<hbm>> -> memref<16x3072xf32, #tpu.memory_space<hbm>>
    %dma_wait3A_1438 = arith.constant 0 : i32
    %dma_wait3A_1439 = arith.constant 0 : i32
    %dma_wait3A_1440 = tpu.memref_slice %arg4[%dma_wait3A_1431, %dma_wait3A_1438, %dma_wait3A_1439] : memref<2x16x3072xf32, #tpu.memory_space<vmem>> -> memref<1x16x3072xf32, #tpu.memory_space<vmem>>
    %dma_wait3A_1441 = tpu.memref_squeeze %dma_wait3A_1440 : memref<1x16x3072xf32, #tpu.memory_space<vmem>> -> memref<16x3072xf32, #tpu.memory_space<vmem>>
    %dma_wait3A_1442 = arith.constant 5376 : i32
    %dma_wait3A_1443 = tpu.memref_slice %arg2[%add3A_1361, %dma_wait3A_1442] : memref<16384x8448xf32, #tpu.memory_space<hbm>> -> memref<16x3072xf32, #tpu.memory_space<hbm>>
    tpu.wait_dma2 semaphore(%arg6 : memref<!tpu.dma_semaphore, #tpu.memory_space<semaphore_mem>>) src(%dma_wait3A_1443 : memref<16x3072xf32, #tpu.memory_space<hbm>>) dst(%dma_wait3A_1441 : memref<16x3072xf32, #tpu.memory_space<vmem>>)
    %add3A_1444 = arith.constant 400 : i32
    %add3A_1445 = arith.addi %mul3A_2, %add3A_1444 : i32
    %dma_start3A_1446 = arith.constant 1 : i32
    %dma_start3A_1447 = arith.constant 0 : i32
    %dma_start3A_1448 = arith.constant 0 : i32
    %dma_start3A_1449 = tpu.memref_slice %arg4[%dma_start3A_1446, %dma_start3A_1447, %dma_start3A_1448] : memref<2x16x3072xf32, #tpu.memory_space<vmem>> -> memref<1x16x3072xf32, #tpu.memory_space<vmem>>
    %dma_start3A_1450 = tpu.memref_squeeze %dma_start3A_1449 : memref<1x16x3072xf32, #tpu.memory_space<vmem>> -> memref<16x3072xf32, #tpu.memory_space<vmem>>
    %dma_start3A_1451 = arith.constant 0 : i32
    %dma_start3A_1452 = tpu.memref_slice %arg3[%add3A_1445, %dma_start3A_1451] : memref<16384x3072xf32, #tpu.memory_space<hbm>> -> memref<16x3072xf32, #tpu.memory_space<hbm>>
    %dma_start3A_1453 = arith.constant 0 : i32
    %dma_start3A_1454 = tpu.memref_slice %arg3[%add3A_1445, %dma_start3A_1453] : memref<16384x3072xf32, #tpu.memory_space<hbm>> -> memref<16x3072xf32, #tpu.memory_space<hbm>>
    %dma_start3A_1455 = arith.constant 0 : i32
    %dma_start3A_1456 = arith.constant 0 : i32
    %dma_start3A_1457 = tpu.memref_slice %arg4[%dma_start3A_1446, %dma_start3A_1455, %dma_start3A_1456] : memref<2x16x3072xf32, #tpu.memory_space<vmem>> -> memref<1x16x3072xf32, #tpu.memory_space<vmem>>
    %dma_start3A_1458 = tpu.memref_squeeze %dma_start3A_1457 : memref<1x16x3072xf32, #tpu.memory_space<vmem>> -> memref<16x3072xf32, #tpu.memory_space<vmem>>
    tpu.enqueue_dma source(%dma_start3A_1458 : memref<16x3072xf32, #tpu.memory_space<vmem>>) target(%dma_start3A_1454 : memref<16x3072xf32, #tpu.memory_space<hbm>>) target_semaphore(%arg8 : memref<!tpu.dma_semaphore, #tpu.memory_space<semaphore_mem>>)
    %dma_wait3A_1459 = arith.constant 1 : i32
    %dma_wait3A_1460 = arith.constant 0 : i32
    %dma_wait3A_1461 = arith.constant 0 : i32
    %dma_wait3A_1462 = tpu.memref_slice %arg4[%dma_wait3A_1459, %dma_wait3A_1460, %dma_wait3A_1461] : memref<2x16x3072xf32, #tpu.memory_space<vmem>> -> memref<1x16x3072xf32, #tpu.memory_space<vmem>>
    %dma_wait3A_1463 = tpu.memref_squeeze %dma_wait3A_1462 : memref<1x16x3072xf32, #tpu.memory_space<vmem>> -> memref<16x3072xf32, #tpu.memory_space<vmem>>
    %dma_wait3A_1464 = arith.constant 0 : i32
    %dma_wait3A_1465 = tpu.memref_slice %arg3[%add3A_1445, %dma_wait3A_1464] : memref<16384x3072xf32, #tpu.memory_space<hbm>> -> memref<16x3072xf32, #tpu.memory_space<hbm>>
    %dma_wait3A_1466 = arith.constant 0 : i32
    %dma_wait3A_1467 = tpu.memref_slice %arg3[%add3A_1445, %dma_wait3A_1466] : memref<16384x3072xf32, #tpu.memory_space<hbm>> -> memref<16x3072xf32, #tpu.memory_space<hbm>>
    %dma_wait3A_1468 = arith.constant 0 : i32
    %dma_wait3A_1469 = arith.constant 0 : i32
    %dma_wait3A_1470 = tpu.memref_slice %arg4[%dma_wait3A_1459, %dma_wait3A_1468, %dma_wait3A_1469] : memref<2x16x3072xf32, #tpu.memory_space<vmem>> -> memref<1x16x3072xf32, #tpu.memory_space<vmem>>
    %dma_wait3A_1471 = tpu.memref_squeeze %dma_wait3A_1470 : memref<1x16x3072xf32, #tpu.memory_space<vmem>> -> memref<16x3072xf32, #tpu.memory_space<vmem>>
    tpu.wait_dma2 semaphore(%arg8 : memref<!tpu.dma_semaphore, #tpu.memory_space<semaphore_mem>>) src(%dma_wait3A_1471 : memref<16x3072xf32, #tpu.memory_space<vmem>>) dst(%dma_wait3A_1467 : memref<16x3072xf32, #tpu.memory_space<hbm>>)
    %add3A_1472 = arith.constant 432 : i32
    %add3A_1473 = arith.addi %mul3A_2, %add3A_1472 : i32
    %dma_start3A_1474 = arith.constant 1 : i32
    %dma_start3A_1475 = arith.constant 0 : i32
    %dma_start3A_1476 = arith.constant 0 : i32
    %dma_start3A_1477 = tpu.memref_slice %arg4[%dma_start3A_1474, %dma_start3A_1475, %dma_start3A_1476] : memref<2x16x3072xf32, #tpu.memory_space<vmem>> -> memref<1x16x3072xf32, #tpu.memory_space<vmem>>
    %dma_start3A_1478 = tpu.memref_squeeze %dma_start3A_1477 : memref<1x16x3072xf32, #tpu.memory_space<vmem>> -> memref<16x3072xf32, #tpu.memory_space<vmem>>
    %dma_start3A_1479 = arith.constant 5376 : i32
    %dma_start3A_1480 = tpu.memref_slice %arg2[%add3A_1473, %dma_start3A_1479] : memref<16384x8448xf32, #tpu.memory_space<hbm>> -> memref<16x3072xf32, #tpu.memory_space<hbm>>
    %dma_start3A_1481 = arith.constant 0 : i32
    %dma_start3A_1482 = arith.constant 0 : i32
    %dma_start3A_1483 = tpu.memref_slice %arg4[%dma_start3A_1474, %dma_start3A_1481, %dma_start3A_1482] : memref<2x16x3072xf32, #tpu.memory_space<vmem>> -> memref<1x16x3072xf32, #tpu.memory_space<vmem>>
    %dma_start3A_1484 = tpu.memref_squeeze %dma_start3A_1483 : memref<1x16x3072xf32, #tpu.memory_space<vmem>> -> memref<16x3072xf32, #tpu.memory_space<vmem>>
    %dma_start3A_1485 = arith.constant 5376 : i32
    %dma_start3A_1486 = tpu.memref_slice %arg2[%add3A_1473, %dma_start3A_1485] : memref<16384x8448xf32, #tpu.memory_space<hbm>> -> memref<16x3072xf32, #tpu.memory_space<hbm>>
    tpu.enqueue_dma source(%dma_start3A_1486 : memref<16x3072xf32, #tpu.memory_space<hbm>>) target(%dma_start3A_1484 : memref<16x3072xf32, #tpu.memory_space<vmem>>) target_semaphore(%arg6 : memref<!tpu.dma_semaphore, #tpu.memory_space<semaphore_mem>>)
    %dma_wait3A_1487 = arith.constant 0 : i32
    %dma_wait3A_1488 = arith.constant 0 : i32
    %dma_wait3A_1489 = arith.constant 0 : i32
    %dma_wait3A_1490 = tpu.memref_slice %arg4[%dma_wait3A_1487, %dma_wait3A_1488, %dma_wait3A_1489] : memref<2x16x3072xf32, #tpu.memory_space<vmem>> -> memref<1x16x3072xf32, #tpu.memory_space<vmem>>
    %dma_wait3A_1491 = tpu.memref_squeeze %dma_wait3A_1490 : memref<1x16x3072xf32, #tpu.memory_space<vmem>> -> memref<16x3072xf32, #tpu.memory_space<vmem>>
    %dma_wait3A_1492 = arith.constant 5376 : i32
    %dma_wait3A_1493 = tpu.memref_slice %arg2[%add3A_1417, %dma_wait3A_1492] : memref<16384x8448xf32, #tpu.memory_space<hbm>> -> memref<16x3072xf32, #tpu.memory_space<hbm>>
    %dma_wait3A_1494 = arith.constant 0 : i32
    %dma_wait3A_1495 = arith.constant 0 : i32
    %dma_wait3A_1496 = tpu.memref_slice %arg4[%dma_wait3A_1487, %dma_wait3A_1494, %dma_wait3A_1495] : memref<2x16x3072xf32, #tpu.memory_space<vmem>> -> memref<1x16x3072xf32, #tpu.memory_space<vmem>>
    %dma_wait3A_1497 = tpu.memref_squeeze %dma_wait3A_1496 : memref<1x16x3072xf32, #tpu.memory_space<vmem>> -> memref<16x3072xf32, #tpu.memory_space<vmem>>
    %dma_wait3A_1498 = arith.constant 5376 : i32
    %dma_wait3A_1499 = tpu.memref_slice %arg2[%add3A_1417, %dma_wait3A_1498] : memref<16384x8448xf32, #tpu.memory_space<hbm>> -> memref<16x3072xf32, #tpu.memory_space<hbm>>
    tpu.wait_dma2 semaphore(%arg5 : memref<!tpu.dma_semaphore, #tpu.memory_space<semaphore_mem>>) src(%dma_wait3A_1499 : memref<16x3072xf32, #tpu.memory_space<hbm>>) dst(%dma_wait3A_1497 : memref<16x3072xf32, #tpu.memory_space<vmem>>)
    %add3A_1500 = arith.constant 416 : i32
    %add3A_1501 = arith.addi %mul3A_2, %add3A_1500 : i32
    %dma_start3A_1502 = arith.constant 0 : i32
    %dma_start3A_1503 = arith.constant 0 : i32
    %dma_start3A_1504 = arith.constant 0 : i32
    %dma_start3A_1505 = tpu.memref_slice %arg4[%dma_start3A_1502, %dma_start3A_1503, %dma_start3A_1504] : memref<2x16x3072xf32, #tpu.memory_space<vmem>> -> memref<1x16x3072xf32, #tpu.memory_space<vmem>>
    %dma_start3A_1506 = tpu.memref_squeeze %dma_start3A_1505 : memref<1x16x3072xf32, #tpu.memory_space<vmem>> -> memref<16x3072xf32, #tpu.memory_space<vmem>>
    %dma_start3A_1507 = arith.constant 0 : i32
    %dma_start3A_1508 = tpu.memref_slice %arg3[%add3A_1501, %dma_start3A_1507] : memref<16384x3072xf32, #tpu.memory_space<hbm>> -> memref<16x3072xf32, #tpu.memory_space<hbm>>
    %dma_start3A_1509 = arith.constant 0 : i32
    %dma_start3A_1510 = tpu.memref_slice %arg3[%add3A_1501, %dma_start3A_1509] : memref<16384x3072xf32, #tpu.memory_space<hbm>> -> memref<16x3072xf32, #tpu.memory_space<hbm>>
    %dma_start3A_1511 = arith.constant 0 : i32
    %dma_start3A_1512 = arith.constant 0 : i32
    %dma_start3A_1513 = tpu.memref_slice %arg4[%dma_start3A_1502, %dma_start3A_1511, %dma_start3A_1512] : memref<2x16x3072xf32, #tpu.memory_space<vmem>> -> memref<1x16x3072xf32, #tpu.memory_space<vmem>>
    %dma_start3A_1514 = tpu.memref_squeeze %dma_start3A_1513 : memref<1x16x3072xf32, #tpu.memory_space<vmem>> -> memref<16x3072xf32, #tpu.memory_space<vmem>>
    tpu.enqueue_dma source(%dma_start3A_1514 : memref<16x3072xf32, #tpu.memory_space<vmem>>) target(%dma_start3A_1510 : memref<16x3072xf32, #tpu.memory_space<hbm>>) target_semaphore(%arg7 : memref<!tpu.dma_semaphore, #tpu.memory_space<semaphore_mem>>)
    %dma_wait3A_1515 = arith.constant 0 : i32
    %dma_wait3A_1516 = arith.constant 0 : i32
    %dma_wait3A_1517 = arith.constant 0 : i32
    %dma_wait3A_1518 = tpu.memref_slice %arg4[%dma_wait3A_1515, %dma_wait3A_1516, %dma_wait3A_1517] : memref<2x16x3072xf32, #tpu.memory_space<vmem>> -> memref<1x16x3072xf32, #tpu.memory_space<vmem>>
    %dma_wait3A_1519 = tpu.memref_squeeze %dma_wait3A_1518 : memref<1x16x3072xf32, #tpu.memory_space<vmem>> -> memref<16x3072xf32, #tpu.memory_space<vmem>>
    %dma_wait3A_1520 = arith.constant 0 : i32
    %dma_wait3A_1521 = tpu.memref_slice %arg3[%add3A_1501, %dma_wait3A_1520] : memref<16384x3072xf32, #tpu.memory_space<hbm>> -> memref<16x3072xf32, #tpu.memory_space<hbm>>
    %dma_wait3A_1522 = arith.constant 0 : i32
    %dma_wait3A_1523 = tpu.memref_slice %arg3[%add3A_1501, %dma_wait3A_1522] : memref<16384x3072xf32, #tpu.memory_space<hbm>> -> memref<16x3072xf32, #tpu.memory_space<hbm>>
    %dma_wait3A_1524 = arith.constant 0 : i32
    %dma_wait3A_1525 = arith.constant 0 : i32
    %dma_wait3A_1526 = tpu.memref_slice %arg4[%dma_wait3A_1515, %dma_wait3A_1524, %dma_wait3A_1525] : memref<2x16x3072xf32, #tpu.memory_space<vmem>> -> memref<1x16x3072xf32, #tpu.memory_space<vmem>>
    %dma_wait3A_1527 = tpu.memref_squeeze %dma_wait3A_1526 : memref<1x16x3072xf32, #tpu.memory_space<vmem>> -> memref<16x3072xf32, #tpu.memory_space<vmem>>
    tpu.wait_dma2 semaphore(%arg7 : memref<!tpu.dma_semaphore, #tpu.memory_space<semaphore_mem>>) src(%dma_wait3A_1527 : memref<16x3072xf32, #tpu.memory_space<vmem>>) dst(%dma_wait3A_1523 : memref<16x3072xf32, #tpu.memory_space<hbm>>)
    %add3A_1528 = arith.constant 448 : i32
    %add3A_1529 = arith.addi %mul3A_2, %add3A_1528 : i32
    %dma_start3A_1530 = arith.constant 0 : i32
    %dma_start3A_1531 = arith.constant 0 : i32
    %dma_start3A_1532 = arith.constant 0 : i32
    %dma_start3A_1533 = tpu.memref_slice %arg4[%dma_start3A_1530, %dma_start3A_1531, %dma_start3A_1532] : memref<2x16x3072xf32, #tpu.memory_space<vmem>> -> memref<1x16x3072xf32, #tpu.memory_space<vmem>>
    %dma_start3A_1534 = tpu.memref_squeeze %dma_start3A_1533 : memref<1x16x3072xf32, #tpu.memory_space<vmem>> -> memref<16x3072xf32, #tpu.memory_space<vmem>>
    %dma_start3A_1535 = arith.constant 5376 : i32
    %dma_start3A_1536 = tpu.memref_slice %arg2[%add3A_1529, %dma_start3A_1535] : memref<16384x8448xf32, #tpu.memory_space<hbm>> -> memref<16x3072xf32, #tpu.memory_space<hbm>>
    %dma_start3A_1537 = arith.constant 0 : i32
    %dma_start3A_1538 = arith.constant 0 : i32
    %dma_start3A_1539 = tpu.memref_slice %arg4[%dma_start3A_1530, %dma_start3A_1537, %dma_start3A_1538] : memref<2x16x3072xf32, #tpu.memory_space<vmem>> -> memref<1x16x3072xf32, #tpu.memory_space<vmem>>
    %dma_start3A_1540 = tpu.memref_squeeze %dma_start3A_1539 : memref<1x16x3072xf32, #tpu.memory_space<vmem>> -> memref<16x3072xf32, #tpu.memory_space<vmem>>
    %dma_start3A_1541 = arith.constant 5376 : i32
    %dma_start3A_1542 = tpu.memref_slice %arg2[%add3A_1529, %dma_start3A_1541] : memref<16384x8448xf32, #tpu.memory_space<hbm>> -> memref<16x3072xf32, #tpu.memory_space<hbm>>
    tpu.enqueue_dma source(%dma_start3A_1542 : memref<16x3072xf32, #tpu.memory_space<hbm>>) target(%dma_start3A_1540 : memref<16x3072xf32, #tpu.memory_space<vmem>>) target_semaphore(%arg5 : memref<!tpu.dma_semaphore, #tpu.memory_space<semaphore_mem>>)
    %dma_wait3A_1543 = arith.constant 1 : i32
    %dma_wait3A_1544 = arith.constant 0 : i32
    %dma_wait3A_1545 = arith.constant 0 : i32
    %dma_wait3A_1546 = tpu.memref_slice %arg4[%dma_wait3A_1543, %dma_wait3A_1544, %dma_wait3A_1545] : memref<2x16x3072xf32, #tpu.memory_space<vmem>> -> memref<1x16x3072xf32, #tpu.memory_space<vmem>>
    %dma_wait3A_1547 = tpu.memref_squeeze %dma_wait3A_1546 : memref<1x16x3072xf32, #tpu.memory_space<vmem>> -> memref<16x3072xf32, #tpu.memory_space<vmem>>
    %dma_wait3A_1548 = arith.constant 5376 : i32
    %dma_wait3A_1549 = tpu.memref_slice %arg2[%add3A_1473, %dma_wait3A_1548] : memref<16384x8448xf32, #tpu.memory_space<hbm>> -> memref<16x3072xf32, #tpu.memory_space<hbm>>
    %dma_wait3A_1550 = arith.constant 0 : i32
    %dma_wait3A_1551 = arith.constant 0 : i32
    %dma_wait3A_1552 = tpu.memref_slice %arg4[%dma_wait3A_1543, %dma_wait3A_1550, %dma_wait3A_1551] : memref<2x16x3072xf32, #tpu.memory_space<vmem>> -> memref<1x16x3072xf32, #tpu.memory_space<vmem>>
    %dma_wait3A_1553 = tpu.memref_squeeze %dma_wait3A_1552 : memref<1x16x3072xf32, #tpu.memory_space<vmem>> -> memref<16x3072xf32, #tpu.memory_space<vmem>>
    %dma_wait3A_1554 = arith.constant 5376 : i32
    %dma_wait3A_1555 = tpu.memref_slice %arg2[%add3A_1473, %dma_wait3A_1554] : memref<16384x8448xf32, #tpu.memory_space<hbm>> -> memref<16x3072xf32, #tpu.memory_space<hbm>>
    tpu.wait_dma2 semaphore(%arg6 : memref<!tpu.dma_semaphore, #tpu.memory_space<semaphore_mem>>) src(%dma_wait3A_1555 : memref<16x3072xf32, #tpu.memory_space<hbm>>) dst(%dma_wait3A_1553 : memref<16x3072xf32, #tpu.memory_space<vmem>>)
    %add3A_1556 = arith.constant 432 : i32
    %add3A_1557 = arith.addi %mul3A_2, %add3A_1556 : i32
    %dma_start3A_1558 = arith.constant 1 : i32
    %dma_start3A_1559 = arith.constant 0 : i32
    %dma_start3A_1560 = arith.constant 0 : i32
    %dma_start3A_1561 = tpu.memref_slice %arg4[%dma_start3A_1558, %dma_start3A_1559, %dma_start3A_1560] : memref<2x16x3072xf32, #tpu.memory_space<vmem>> -> memref<1x16x3072xf32, #tpu.memory_space<vmem>>
    %dma_start3A_1562 = tpu.memref_squeeze %dma_start3A_1561 : memref<1x16x3072xf32, #tpu.memory_space<vmem>> -> memref<16x3072xf32, #tpu.memory_space<vmem>>
    %dma_start3A_1563 = arith.constant 0 : i32
    %dma_start3A_1564 = tpu.memref_slice %arg3[%add3A_1557, %dma_start3A_1563] : memref<16384x3072xf32, #tpu.memory_space<hbm>> -> memref<16x3072xf32, #tpu.memory_space<hbm>>
    %dma_start3A_1565 = arith.constant 0 : i32
    %dma_start3A_1566 = tpu.memref_slice %arg3[%add3A_1557, %dma_start3A_1565] : memref<16384x3072xf32, #tpu.memory_space<hbm>> -> memref<16x3072xf32, #tpu.memory_space<hbm>>
    %dma_start3A_1567 = arith.constant 0 : i32
    %dma_start3A_1568 = arith.constant 0 : i32
    %dma_start3A_1569 = tpu.memref_slice %arg4[%dma_start3A_1558, %dma_start3A_1567, %dma_start3A_1568] : memref<2x16x3072xf32, #tpu.memory_space<vmem>> -> memref<1x16x3072xf32, #tpu.memory_space<vmem>>
    %dma_start3A_1570 = tpu.memref_squeeze %dma_start3A_1569 : memref<1x16x3072xf32, #tpu.memory_space<vmem>> -> memref<16x3072xf32, #tpu.memory_space<vmem>>
    tpu.enqueue_dma source(%dma_start3A_1570 : memref<16x3072xf32, #tpu.memory_space<vmem>>) target(%dma_start3A_1566 : memref<16x3072xf32, #tpu.memory_space<hbm>>) target_semaphore(%arg8 : memref<!tpu.dma_semaphore, #tpu.memory_space<semaphore_mem>>)
    %dma_wait3A_1571 = arith.constant 1 : i32
    %dma_wait3A_1572 = arith.constant 0 : i32
    %dma_wait3A_1573 = arith.constant 0 : i32
    %dma_wait3A_1574 = tpu.memref_slice %arg4[%dma_wait3A_1571, %dma_wait3A_1572, %dma_wait3A_1573] : memref<2x16x3072xf32, #tpu.memory_space<vmem>> -> memref<1x16x3072xf32, #tpu.memory_space<vmem>>
    %dma_wait3A_1575 = tpu.memref_squeeze %dma_wait3A_1574 : memref<1x16x3072xf32, #tpu.memory_space<vmem>> -> memref<16x3072xf32, #tpu.memory_space<vmem>>
    %dma_wait3A_1576 = arith.constant 0 : i32
    %dma_wait3A_1577 = tpu.memref_slice %arg3[%add3A_1557, %dma_wait3A_1576] : memref<16384x3072xf32, #tpu.memory_space<hbm>> -> memref<16x3072xf32, #tpu.memory_space<hbm>>
    %dma_wait3A_1578 = arith.constant 0 : i32
    %dma_wait3A_1579 = tpu.memref_slice %arg3[%add3A_1557, %dma_wait3A_1578] : memref<16384x3072xf32, #tpu.memory_space<hbm>> -> memref<16x3072xf32, #tpu.memory_space<hbm>>
    %dma_wait3A_1580 = arith.constant 0 : i32
    %dma_wait3A_1581 = arith.constant 0 : i32
    %dma_wait3A_1582 = tpu.memref_slice %arg4[%dma_wait3A_1571, %dma_wait3A_1580, %dma_wait3A_1581] : memref<2x16x3072xf32, #tpu.memory_space<vmem>> -> memref<1x16x3072xf32, #tpu.memory_space<vmem>>
    %dma_wait3A_1583 = tpu.memref_squeeze %dma_wait3A_1582 : memref<1x16x3072xf32, #tpu.memory_space<vmem>> -> memref<16x3072xf32, #tpu.memory_space<vmem>>
    tpu.wait_dma2 semaphore(%arg8 : memref<!tpu.dma_semaphore, #tpu.memory_space<semaphore_mem>>) src(%dma_wait3A_1583 : memref<16x3072xf32, #tpu.memory_space<vmem>>) dst(%dma_wait3A_1579 : memref<16x3072xf32, #tpu.memory_space<hbm>>)
    %add3A_1584 = arith.constant 464 : i32
    %add3A_1585 = arith.addi %mul3A_2, %add3A_1584 : i32
    %dma_start3A_1586 = arith.constant 1 : i32
    %dma_start3A_1587 = arith.constant 0 : i32
    %dma_start3A_1588 = arith.constant 0 : i32
    %dma_start3A_1589 = tpu.memref_slice %arg4[%dma_start3A_1586, %dma_start3A_1587, %dma_start3A_1588] : memref<2x16x3072xf32, #tpu.memory_space<vmem>> -> memref<1x16x3072xf32, #tpu.memory_space<vmem>>
    %dma_start3A_1590 = tpu.memref_squeeze %dma_start3A_1589 : memref<1x16x3072xf32, #tpu.memory_space<vmem>> -> memref<16x3072xf32, #tpu.memory_space<vmem>>
    %dma_start3A_1591 = arith.constant 5376 : i32
    %dma_start3A_1592 = tpu.memref_slice %arg2[%add3A_1585, %dma_start3A_1591] : memref<16384x8448xf32, #tpu.memory_space<hbm>> -> memref<16x3072xf32, #tpu.memory_space<hbm>>
    %dma_start3A_1593 = arith.constant 0 : i32
    %dma_start3A_1594 = arith.constant 0 : i32
    %dma_start3A_1595 = tpu.memref_slice %arg4[%dma_start3A_1586, %dma_start3A_1593, %dma_start3A_1594] : memref<2x16x3072xf32, #tpu.memory_space<vmem>> -> memref<1x16x3072xf32, #tpu.memory_space<vmem>>
    %dma_start3A_1596 = tpu.memref_squeeze %dma_start3A_1595 : memref<1x16x3072xf32, #tpu.memory_space<vmem>> -> memref<16x3072xf32, #tpu.memory_space<vmem>>
    %dma_start3A_1597 = arith.constant 5376 : i32
    %dma_start3A_1598 = tpu.memref_slice %arg2[%add3A_1585, %dma_start3A_1597] : memref<16384x8448xf32, #tpu.memory_space<hbm>> -> memref<16x3072xf32, #tpu.memory_space<hbm>>
    tpu.enqueue_dma source(%dma_start3A_1598 : memref<16x3072xf32, #tpu.memory_space<hbm>>) target(%dma_start3A_1596 : memref<16x3072xf32, #tpu.memory_space<vmem>>) target_semaphore(%arg6 : memref<!tpu.dma_semaphore, #tpu.memory_space<semaphore_mem>>)
    %dma_wait3A_1599 = arith.constant 0 : i32
    %dma_wait3A_1600 = arith.constant 0 : i32
    %dma_wait3A_1601 = arith.constant 0 : i32
    %dma_wait3A_1602 = tpu.memref_slice %arg4[%dma_wait3A_1599, %dma_wait3A_1600, %dma_wait3A_1601] : memref<2x16x3072xf32, #tpu.memory_space<vmem>> -> memref<1x16x3072xf32, #tpu.memory_space<vmem>>
    %dma_wait3A_1603 = tpu.memref_squeeze %dma_wait3A_1602 : memref<1x16x3072xf32, #tpu.memory_space<vmem>> -> memref<16x3072xf32, #tpu.memory_space<vmem>>
    %dma_wait3A_1604 = arith.constant 5376 : i32
    %dma_wait3A_1605 = tpu.memref_slice %arg2[%add3A_1529, %dma_wait3A_1604] : memref<16384x8448xf32, #tpu.memory_space<hbm>> -> memref<16x3072xf32, #tpu.memory_space<hbm>>
    %dma_wait3A_1606 = arith.constant 0 : i32
    %dma_wait3A_1607 = arith.constant 0 : i32
    %dma_wait3A_1608 = tpu.memref_slice %arg4[%dma_wait3A_1599, %dma_wait3A_1606, %dma_wait3A_1607] : memref<2x16x3072xf32, #tpu.memory_space<vmem>> -> memref<1x16x3072xf32, #tpu.memory_space<vmem>>
    %dma_wait3A_1609 = tpu.memref_squeeze %dma_wait3A_1608 : memref<1x16x3072xf32, #tpu.memory_space<vmem>> -> memref<16x3072xf32, #tpu.memory_space<vmem>>
    %dma_wait3A_1610 = arith.constant 5376 : i32
    %dma_wait3A_1611 = tpu.memref_slice %arg2[%add3A_1529, %dma_wait3A_1610] : memref<16384x8448xf32, #tpu.memory_space<hbm>> -> memref<16x3072xf32, #tpu.memory_space<hbm>>
    tpu.wait_dma2 semaphore(%arg5 : memref<!tpu.dma_semaphore, #tpu.memory_space<semaphore_mem>>) src(%dma_wait3A_1611 : memref<16x3072xf32, #tpu.memory_space<hbm>>) dst(%dma_wait3A_1609 : memref<16x3072xf32, #tpu.memory_space<vmem>>)
    %add3A_1612 = arith.constant 448 : i32
    %add3A_1613 = arith.addi %mul3A_2, %add3A_1612 : i32
    %dma_start3A_1614 = arith.constant 0 : i32
    %dma_start3A_1615 = arith.constant 0 : i32
    %dma_start3A_1616 = arith.constant 0 : i32
    %dma_start3A_1617 = tpu.memref_slice %arg4[%dma_start3A_1614, %dma_start3A_1615, %dma_start3A_1616] : memref<2x16x3072xf32, #tpu.memory_space<vmem>> -> memref<1x16x3072xf32, #tpu.memory_space<vmem>>
    %dma_start3A_1618 = tpu.memref_squeeze %dma_start3A_1617 : memref<1x16x3072xf32, #tpu.memory_space<vmem>> -> memref<16x3072xf32, #tpu.memory_space<vmem>>
    %dma_start3A_1619 = arith.constant 0 : i32
    %dma_start3A_1620 = tpu.memref_slice %arg3[%add3A_1613, %dma_start3A_1619] : memref<16384x3072xf32, #tpu.memory_space<hbm>> -> memref<16x3072xf32, #tpu.memory_space<hbm>>
    %dma_start3A_1621 = arith.constant 0 : i32
    %dma_start3A_1622 = tpu.memref_slice %arg3[%add3A_1613, %dma_start3A_1621] : memref<16384x3072xf32, #tpu.memory_space<hbm>> -> memref<16x3072xf32, #tpu.memory_space<hbm>>
    %dma_start3A_1623 = arith.constant 0 : i32
    %dma_start3A_1624 = arith.constant 0 : i32
    %dma_start3A_1625 = tpu.memref_slice %arg4[%dma_start3A_1614, %dma_start3A_1623, %dma_start3A_1624] : memref<2x16x3072xf32, #tpu.memory_space<vmem>> -> memref<1x16x3072xf32, #tpu.memory_space<vmem>>
    %dma_start3A_1626 = tpu.memref_squeeze %dma_start3A_1625 : memref<1x16x3072xf32, #tpu.memory_space<vmem>> -> memref<16x3072xf32, #tpu.memory_space<vmem>>
    tpu.enqueue_dma source(%dma_start3A_1626 : memref<16x3072xf32, #tpu.memory_space<vmem>>) target(%dma_start3A_1622 : memref<16x3072xf32, #tpu.memory_space<hbm>>) target_semaphore(%arg7 : memref<!tpu.dma_semaphore, #tpu.memory_space<semaphore_mem>>)
    %dma_wait3A_1627 = arith.constant 0 : i32
    %dma_wait3A_1628 = arith.constant 0 : i32
    %dma_wait3A_1629 = arith.constant 0 : i32
    %dma_wait3A_1630 = tpu.memref_slice %arg4[%dma_wait3A_1627, %dma_wait3A_1628, %dma_wait3A_1629] : memref<2x16x3072xf32, #tpu.memory_space<vmem>> -> memref<1x16x3072xf32, #tpu.memory_space<vmem>>
    %dma_wait3A_1631 = tpu.memref_squeeze %dma_wait3A_1630 : memref<1x16x3072xf32, #tpu.memory_space<vmem>> -> memref<16x3072xf32, #tpu.memory_space<vmem>>
    %dma_wait3A_1632 = arith.constant 0 : i32
    %dma_wait3A_1633 = tpu.memref_slice %arg3[%add3A_1613, %dma_wait3A_1632] : memref<16384x3072xf32, #tpu.memory_space<hbm>> -> memref<16x3072xf32, #tpu.memory_space<hbm>>
    %dma_wait3A_1634 = arith.constant 0 : i32
    %dma_wait3A_1635 = tpu.memref_slice %arg3[%add3A_1613, %dma_wait3A_1634] : memref<16384x3072xf32, #tpu.memory_space<hbm>> -> memref<16x3072xf32, #tpu.memory_space<hbm>>
    %dma_wait3A_1636 = arith.constant 0 : i32
    %dma_wait3A_1637 = arith.constant 0 : i32
    %dma_wait3A_1638 = tpu.memref_slice %arg4[%dma_wait3A_1627, %dma_wait3A_1636, %dma_wait3A_1637] : memref<2x16x3072xf32, #tpu.memory_space<vmem>> -> memref<1x16x3072xf32, #tpu.memory_space<vmem>>
    %dma_wait3A_1639 = tpu.memref_squeeze %dma_wait3A_1638 : memref<1x16x3072xf32, #tpu.memory_space<vmem>> -> memref<16x3072xf32, #tpu.memory_space<vmem>>
    tpu.wait_dma2 semaphore(%arg7 : memref<!tpu.dma_semaphore, #tpu.memory_space<semaphore_mem>>) src(%dma_wait3A_1639 : memref<16x3072xf32, #tpu.memory_space<vmem>>) dst(%dma_wait3A_1635 : memref<16x3072xf32, #tpu.memory_space<hbm>>)
    %add3A_1640 = arith.constant 480 : i32
    %add3A_1641 = arith.addi %mul3A_2, %add3A_1640 : i32
    %dma_start3A_1642 = arith.constant 0 : i32
    %dma_start3A_1643 = arith.constant 0 : i32
    %dma_start3A_1644 = arith.constant 0 : i32
    %dma_start3A_1645 = tpu.memref_slice %arg4[%dma_start3A_1642, %dma_start3A_1643, %dma_start3A_1644] : memref<2x16x3072xf32, #tpu.memory_space<vmem>> -> memref<1x16x3072xf32, #tpu.memory_space<vmem>>
    %dma_start3A_1646 = tpu.memref_squeeze %dma_start3A_1645 : memref<1x16x3072xf32, #tpu.memory_space<vmem>> -> memref<16x3072xf32, #tpu.memory_space<vmem>>
    %dma_start3A_1647 = arith.constant 5376 : i32
    %dma_start3A_1648 = tpu.memref_slice %arg2[%add3A_1641, %dma_start3A_1647] : memref<16384x8448xf32, #tpu.memory_space<hbm>> -> memref<16x3072xf32, #tpu.memory_space<hbm>>
    %dma_start3A_1649 = arith.constant 0 : i32
    %dma_start3A_1650 = arith.constant 0 : i32
    %dma_start3A_1651 = tpu.memref_slice %arg4[%dma_start3A_1642, %dma_start3A_1649, %dma_start3A_1650] : memref<2x16x3072xf32, #tpu.memory_space<vmem>> -> memref<1x16x3072xf32, #tpu.memory_space<vmem>>
    %dma_start3A_1652 = tpu.memref_squeeze %dma_start3A_1651 : memref<1x16x3072xf32, #tpu.memory_space<vmem>> -> memref<16x3072xf32, #tpu.memory_space<vmem>>
    %dma_start3A_1653 = arith.constant 5376 : i32
    %dma_start3A_1654 = tpu.memref_slice %arg2[%add3A_1641, %dma_start3A_1653] : memref<16384x8448xf32, #tpu.memory_space<hbm>> -> memref<16x3072xf32, #tpu.memory_space<hbm>>
    tpu.enqueue_dma source(%dma_start3A_1654 : memref<16x3072xf32, #tpu.memory_space<hbm>>) target(%dma_start3A_1652 : memref<16x3072xf32, #tpu.memory_space<vmem>>) target_semaphore(%arg5 : memref<!tpu.dma_semaphore, #tpu.memory_space<semaphore_mem>>)
    %dma_wait3A_1655 = arith.constant 1 : i32
    %dma_wait3A_1656 = arith.constant 0 : i32
    %dma_wait3A_1657 = arith.constant 0 : i32
    %dma_wait3A_1658 = tpu.memref_slice %arg4[%dma_wait3A_1655, %dma_wait3A_1656, %dma_wait3A_1657] : memref<2x16x3072xf32, #tpu.memory_space<vmem>> -> memref<1x16x3072xf32, #tpu.memory_space<vmem>>
    %dma_wait3A_1659 = tpu.memref_squeeze %dma_wait3A_1658 : memref<1x16x3072xf32, #tpu.memory_space<vmem>> -> memref<16x3072xf32, #tpu.memory_space<vmem>>
    %dma_wait3A_1660 = arith.constant 5376 : i32
    %dma_wait3A_1661 = tpu.memref_slice %arg2[%add3A_1585, %dma_wait3A_1660] : memref<16384x8448xf32, #tpu.memory_space<hbm>> -> memref<16x3072xf32, #tpu.memory_space<hbm>>
    %dma_wait3A_1662 = arith.constant 0 : i32
    %dma_wait3A_1663 = arith.constant 0 : i32
    %dma_wait3A_1664 = tpu.memref_slice %arg4[%dma_wait3A_1655, %dma_wait3A_1662, %dma_wait3A_1663] : memref<2x16x3072xf32, #tpu.memory_space<vmem>> -> memref<1x16x3072xf32, #tpu.memory_space<vmem>>
    %dma_wait3A_1665 = tpu.memref_squeeze %dma_wait3A_1664 : memref<1x16x3072xf32, #tpu.memory_space<vmem>> -> memref<16x3072xf32, #tpu.memory_space<vmem>>
    %dma_wait3A_1666 = arith.constant 5376 : i32
    %dma_wait3A_1667 = tpu.memref_slice %arg2[%add3A_1585, %dma_wait3A_1666] : memref<16384x8448xf32, #tpu.memory_space<hbm>> -> memref<16x3072xf32, #tpu.memory_space<hbm>>
    tpu.wait_dma2 semaphore(%arg6 : memref<!tpu.dma_semaphore, #tpu.memory_space<semaphore_mem>>) src(%dma_wait3A_1667 : memref<16x3072xf32, #tpu.memory_space<hbm>>) dst(%dma_wait3A_1665 : memref<16x3072xf32, #tpu.memory_space<vmem>>)
    %add3A_1668 = arith.constant 464 : i32
    %add3A_1669 = arith.addi %mul3A_2, %add3A_1668 : i32
    %dma_start3A_1670 = arith.constant 1 : i32
    %dma_start3A_1671 = arith.constant 0 : i32
    %dma_start3A_1672 = arith.constant 0 : i32
    %dma_start3A_1673 = tpu.memref_slice %arg4[%dma_start3A_1670, %dma_start3A_1671, %dma_start3A_1672] : memref<2x16x3072xf32, #tpu.memory_space<vmem>> -> memref<1x16x3072xf32, #tpu.memory_space<vmem>>
    %dma_start3A_1674 = tpu.memref_squeeze %dma_start3A_1673 : memref<1x16x3072xf32, #tpu.memory_space<vmem>> -> memref<16x3072xf32, #tpu.memory_space<vmem>>
    %dma_start3A_1675 = arith.constant 0 : i32
    %dma_start3A_1676 = tpu.memref_slice %arg3[%add3A_1669, %dma_start3A_1675] : memref<16384x3072xf32, #tpu.memory_space<hbm>> -> memref<16x3072xf32, #tpu.memory_space<hbm>>
    %dma_start3A_1677 = arith.constant 0 : i32
    %dma_start3A_1678 = tpu.memref_slice %arg3[%add3A_1669, %dma_start3A_1677] : memref<16384x3072xf32, #tpu.memory_space<hbm>> -> memref<16x3072xf32, #tpu.memory_space<hbm>>
    %dma_start3A_1679 = arith.constant 0 : i32
    %dma_start3A_1680 = arith.constant 0 : i32
    %dma_start3A_1681 = tpu.memref_slice %arg4[%dma_start3A_1670, %dma_start3A_1679, %dma_start3A_1680] : memref<2x16x3072xf32, #tpu.memory_space<vmem>> -> memref<1x16x3072xf32, #tpu.memory_space<vmem>>
    %dma_start3A_1682 = tpu.memref_squeeze %dma_start3A_1681 : memref<1x16x3072xf32, #tpu.memory_space<vmem>> -> memref<16x3072xf32, #tpu.memory_space<vmem>>
    tpu.enqueue_dma source(%dma_start3A_1682 : memref<16x3072xf32, #tpu.memory_space<vmem>>) target(%dma_start3A_1678 : memref<16x3072xf32, #tpu.memory_space<hbm>>) target_semaphore(%arg8 : memref<!tpu.dma_semaphore, #tpu.memory_space<semaphore_mem>>)
    %dma_wait3A_1683 = arith.constant 1 : i32
    %dma_wait3A_1684 = arith.constant 0 : i32
    %dma_wait3A_1685 = arith.constant 0 : i32
    %dma_wait3A_1686 = tpu.memref_slice %arg4[%dma_wait3A_1683, %dma_wait3A_1684, %dma_wait3A_1685] : memref<2x16x3072xf32, #tpu.memory_space<vmem>> -> memref<1x16x3072xf32, #tpu.memory_space<vmem>>
    %dma_wait3A_1687 = tpu.memref_squeeze %dma_wait3A_1686 : memref<1x16x3072xf32, #tpu.memory_space<vmem>> -> memref<16x3072xf32, #tpu.memory_space<vmem>>
    %dma_wait3A_1688 = arith.constant 0 : i32
    %dma_wait3A_1689 = tpu.memref_slice %arg3[%add3A_1669, %dma_wait3A_1688] : memref<16384x3072xf32, #tpu.memory_space<hbm>> -> memref<16x3072xf32, #tpu.memory_space<hbm>>
    %dma_wait3A_1690 = arith.constant 0 : i32
    %dma_wait3A_1691 = tpu.memref_slice %arg3[%add3A_1669, %dma_wait3A_1690] : memref<16384x3072xf32, #tpu.memory_space<hbm>> -> memref<16x3072xf32, #tpu.memory_space<hbm>>
    %dma_wait3A_1692 = arith.constant 0 : i32
    %dma_wait3A_1693 = arith.constant 0 : i32
    %dma_wait3A_1694 = tpu.memref_slice %arg4[%dma_wait3A_1683, %dma_wait3A_1692, %dma_wait3A_1693] : memref<2x16x3072xf32, #tpu.memory_space<vmem>> -> memref<1x16x3072xf32, #tpu.memory_space<vmem>>
    %dma_wait3A_1695 = tpu.memref_squeeze %dma_wait3A_1694 : memref<1x16x3072xf32, #tpu.memory_space<vmem>> -> memref<16x3072xf32, #tpu.memory_space<vmem>>
    tpu.wait_dma2 semaphore(%arg8 : memref<!tpu.dma_semaphore, #tpu.memory_space<semaphore_mem>>) src(%dma_wait3A_1695 : memref<16x3072xf32, #tpu.memory_space<vmem>>) dst(%dma_wait3A_1691 : memref<16x3072xf32, #tpu.memory_space<hbm>>)
    %add3A_1696 = arith.constant 496 : i32
    %add3A_1697 = arith.addi %mul3A_2, %add3A_1696 : i32
    %dma_start3A_1698 = arith.constant 1 : i32
    %dma_start3A_1699 = arith.constant 0 : i32
    %dma_start3A_1700 = arith.constant 0 : i32
    %dma_start3A_1701 = tpu.memref_slice %arg4[%dma_start3A_1698, %dma_start3A_1699, %dma_start3A_1700] : memref<2x16x3072xf32, #tpu.memory_space<vmem>> -> memref<1x16x3072xf32, #tpu.memory_space<vmem>>
    %dma_start3A_1702 = tpu.memref_squeeze %dma_start3A_1701 : memref<1x16x3072xf32, #tpu.memory_space<vmem>> -> memref<16x3072xf32, #tpu.memory_space<vmem>>
    %dma_start3A_1703 = arith.constant 5376 : i32
    %dma_start3A_1704 = tpu.memref_slice %arg2[%add3A_1697, %dma_start3A_1703] : memref<16384x8448xf32, #tpu.memory_space<hbm>> -> memref<16x3072xf32, #tpu.memory_space<hbm>>
    %dma_start3A_1705 = arith.constant 0 : i32
    %dma_start3A_1706 = arith.constant 0 : i32
    %dma_start3A_1707 = tpu.memref_slice %arg4[%dma_start3A_1698, %dma_start3A_1705, %dma_start3A_1706] : memref<2x16x3072xf32, #tpu.memory_space<vmem>> -> memref<1x16x3072xf32, #tpu.memory_space<vmem>>
    %dma_start3A_1708 = tpu.memref_squeeze %dma_start3A_1707 : memref<1x16x3072xf32, #tpu.memory_space<vmem>> -> memref<16x3072xf32, #tpu.memory_space<vmem>>
    %dma_start3A_1709 = arith.constant 5376 : i32
    %dma_start3A_1710 = tpu.memref_slice %arg2[%add3A_1697, %dma_start3A_1709] : memref<16384x8448xf32, #tpu.memory_space<hbm>> -> memref<16x3072xf32, #tpu.memory_space<hbm>>
    tpu.enqueue_dma source(%dma_start3A_1710 : memref<16x3072xf32, #tpu.memory_space<hbm>>) target(%dma_start3A_1708 : memref<16x3072xf32, #tpu.memory_space<vmem>>) target_semaphore(%arg6 : memref<!tpu.dma_semaphore, #tpu.memory_space<semaphore_mem>>)
    %dma_wait3A_1711 = arith.constant 0 : i32
    %dma_wait3A_1712 = arith.constant 0 : i32
    %dma_wait3A_1713 = arith.constant 0 : i32
    %dma_wait3A_1714 = tpu.memref_slice %arg4[%dma_wait3A_1711, %dma_wait3A_1712, %dma_wait3A_1713] : memref<2x16x3072xf32, #tpu.memory_space<vmem>> -> memref<1x16x3072xf32, #tpu.memory_space<vmem>>
    %dma_wait3A_1715 = tpu.memref_squeeze %dma_wait3A_1714 : memref<1x16x3072xf32, #tpu.memory_space<vmem>> -> memref<16x3072xf32, #tpu.memory_space<vmem>>
    %dma_wait3A_1716 = arith.constant 5376 : i32
    %dma_wait3A_1717 = tpu.memref_slice %arg2[%add3A_1641, %dma_wait3A_1716] : memref<16384x8448xf32, #tpu.memory_space<hbm>> -> memref<16x3072xf32, #tpu.memory_space<hbm>>
    %dma_wait3A_1718 = arith.constant 0 : i32
    %dma_wait3A_1719 = arith.constant 0 : i32
    %dma_wait3A_1720 = tpu.memref_slice %arg4[%dma_wait3A_1711, %dma_wait3A_1718, %dma_wait3A_1719] : memref<2x16x3072xf32, #tpu.memory_space<vmem>> -> memref<1x16x3072xf32, #tpu.memory_space<vmem>>
    %dma_wait3A_1721 = tpu.memref_squeeze %dma_wait3A_1720 : memref<1x16x3072xf32, #tpu.memory_space<vmem>> -> memref<16x3072xf32, #tpu.memory_space<vmem>>
    %dma_wait3A_1722 = arith.constant 5376 : i32
    %dma_wait3A_1723 = tpu.memref_slice %arg2[%add3A_1641, %dma_wait3A_1722] : memref<16384x8448xf32, #tpu.memory_space<hbm>> -> memref<16x3072xf32, #tpu.memory_space<hbm>>
    tpu.wait_dma2 semaphore(%arg5 : memref<!tpu.dma_semaphore, #tpu.memory_space<semaphore_mem>>) src(%dma_wait3A_1723 : memref<16x3072xf32, #tpu.memory_space<hbm>>) dst(%dma_wait3A_1721 : memref<16x3072xf32, #tpu.memory_space<vmem>>)
    %add3A_1724 = arith.constant 480 : i32
    %add3A_1725 = arith.addi %mul3A_2, %add3A_1724 : i32
    %dma_start3A_1726 = arith.constant 0 : i32
    %dma_start3A_1727 = arith.constant 0 : i32
    %dma_start3A_1728 = arith.constant 0 : i32
    %dma_start3A_1729 = tpu.memref_slice %arg4[%dma_start3A_1726, %dma_start3A_1727, %dma_start3A_1728] : memref<2x16x3072xf32, #tpu.memory_space<vmem>> -> memref<1x16x3072xf32, #tpu.memory_space<vmem>>
    %dma_start3A_1730 = tpu.memref_squeeze %dma_start3A_1729 : memref<1x16x3072xf32, #tpu.memory_space<vmem>> -> memref<16x3072xf32, #tpu.memory_space<vmem>>
    %dma_start3A_1731 = arith.constant 0 : i32
    %dma_start3A_1732 = tpu.memref_slice %arg3[%add3A_1725, %dma_start3A_1731] : memref<16384x3072xf32, #tpu.memory_space<hbm>> -> memref<16x3072xf32, #tpu.memory_space<hbm>>
    %dma_start3A_1733 = arith.constant 0 : i32
    %dma_start3A_1734 = tpu.memref_slice %arg3[%add3A_1725, %dma_start3A_1733] : memref<16384x3072xf32, #tpu.memory_space<hbm>> -> memref<16x3072xf32, #tpu.memory_space<hbm>>
    %dma_start3A_1735 = arith.constant 0 : i32
    %dma_start3A_1736 = arith.constant 0 : i32
    %dma_start3A_1737 = tpu.memref_slice %arg4[%dma_start3A_1726, %dma_start3A_1735, %dma_start3A_1736] : memref<2x16x3072xf32, #tpu.memory_space<vmem>> -> memref<1x16x3072xf32, #tpu.memory_space<vmem>>
    %dma_start3A_1738 = tpu.memref_squeeze %dma_start3A_1737 : memref<1x16x3072xf32, #tpu.memory_space<vmem>> -> memref<16x3072xf32, #tpu.memory_space<vmem>>
    tpu.enqueue_dma source(%dma_start3A_1738 : memref<16x3072xf32, #tpu.memory_space<vmem>>) target(%dma_start3A_1734 : memref<16x3072xf32, #tpu.memory_space<hbm>>) target_semaphore(%arg7 : memref<!tpu.dma_semaphore, #tpu.memory_space<semaphore_mem>>)
    %dma_wait3A_1739 = arith.constant 1 : i32
    %dma_wait3A_1740 = arith.constant 0 : i32
    %dma_wait3A_1741 = arith.constant 0 : i32
    %dma_wait3A_1742 = tpu.memref_slice %arg4[%dma_wait3A_1739, %dma_wait3A_1740, %dma_wait3A_1741] : memref<2x16x3072xf32, #tpu.memory_space<vmem>> -> memref<1x16x3072xf32, #tpu.memory_space<vmem>>
    %dma_wait3A_1743 = tpu.memref_squeeze %dma_wait3A_1742 : memref<1x16x3072xf32, #tpu.memory_space<vmem>> -> memref<16x3072xf32, #tpu.memory_space<vmem>>
    %dma_wait3A_1744 = arith.constant 5376 : i32
    %dma_wait3A_1745 = tpu.memref_slice %arg2[%add3A_1697, %dma_wait3A_1744] : memref<16384x8448xf32, #tpu.memory_space<hbm>> -> memref<16x3072xf32, #tpu.memory_space<hbm>>
    %dma_wait3A_1746 = arith.constant 0 : i32
    %dma_wait3A_1747 = arith.constant 0 : i32
    %dma_wait3A_1748 = tpu.memref_slice %arg4[%dma_wait3A_1739, %dma_wait3A_1746, %dma_wait3A_1747] : memref<2x16x3072xf32, #tpu.memory_space<vmem>> -> memref<1x16x3072xf32, #tpu.memory_space<vmem>>
    %dma_wait3A_1749 = tpu.memref_squeeze %dma_wait3A_1748 : memref<1x16x3072xf32, #tpu.memory_space<vmem>> -> memref<16x3072xf32, #tpu.memory_space<vmem>>
    %dma_wait3A_1750 = arith.constant 5376 : i32
    %dma_wait3A_1751 = tpu.memref_slice %arg2[%add3A_1697, %dma_wait3A_1750] : memref<16384x8448xf32, #tpu.memory_space<hbm>> -> memref<16x3072xf32, #tpu.memory_space<hbm>>
    tpu.wait_dma2 semaphore(%arg6 : memref<!tpu.dma_semaphore, #tpu.memory_space<semaphore_mem>>) src(%dma_wait3A_1751 : memref<16x3072xf32, #tpu.memory_space<hbm>>) dst(%dma_wait3A_1749 : memref<16x3072xf32, #tpu.memory_space<vmem>>)
    %add3A_1752 = arith.constant 496 : i32
    %add3A_1753 = arith.addi %mul3A_2, %add3A_1752 : i32
    %dma_start3A_1754 = arith.constant 1 : i32
    %dma_start3A_1755 = arith.constant 0 : i32
    %dma_start3A_1756 = arith.constant 0 : i32
    %dma_start3A_1757 = tpu.memref_slice %arg4[%dma_start3A_1754, %dma_start3A_1755, %dma_start3A_1756] : memref<2x16x3072xf32, #tpu.memory_space<vmem>> -> memref<1x16x3072xf32, #tpu.memory_space<vmem>>
    %dma_start3A_1758 = tpu.memref_squeeze %dma_start3A_1757 : memref<1x16x3072xf32, #tpu.memory_space<vmem>> -> memref<16x3072xf32, #tpu.memory_space<vmem>>
    %dma_start3A_1759 = arith.constant 0 : i32
    %dma_start3A_1760 = tpu.memref_slice %arg3[%add3A_1753, %dma_start3A_1759] : memref<16384x3072xf32, #tpu.memory_space<hbm>> -> memref<16x3072xf32, #tpu.memory_space<hbm>>
    %dma_start3A_1761 = arith.constant 0 : i32
    %dma_start3A_1762 = tpu.memref_slice %arg3[%add3A_1753, %dma_start3A_1761] : memref<16384x3072xf32, #tpu.memory_space<hbm>> -> memref<16x3072xf32, #tpu.memory_space<hbm>>
    %dma_start3A_1763 = arith.constant 0 : i32
    %dma_start3A_1764 = arith.constant 0 : i32
    %dma_start3A_1765 = tpu.memref_slice %arg4[%dma_start3A_1754, %dma_start3A_1763, %dma_start3A_1764] : memref<2x16x3072xf32, #tpu.memory_space<vmem>> -> memref<1x16x3072xf32, #tpu.memory_space<vmem>>
    %dma_start3A_1766 = tpu.memref_squeeze %dma_start3A_1765 : memref<1x16x3072xf32, #tpu.memory_space<vmem>> -> memref<16x3072xf32, #tpu.memory_space<vmem>>
    tpu.enqueue_dma source(%dma_start3A_1766 : memref<16x3072xf32, #tpu.memory_space<vmem>>) target(%dma_start3A_1762 : memref<16x3072xf32, #tpu.memory_space<hbm>>) target_semaphore(%arg8 : memref<!tpu.dma_semaphore, #tpu.memory_space<semaphore_mem>>)
    %dma_wait3A_1767 = arith.constant 0 : i32
    %dma_wait3A_1768 = arith.constant 0 : i32
    %dma_wait3A_1769 = arith.constant 0 : i32
    %dma_wait3A_1770 = tpu.memref_slice %arg4[%dma_wait3A_1767, %dma_wait3A_1768, %dma_wait3A_1769] : memref<2x16x3072xf32, #tpu.memory_space<vmem>> -> memref<1x16x3072xf32, #tpu.memory_space<vmem>>
    %dma_wait3A_1771 = tpu.memref_squeeze %dma_wait3A_1770 : memref<1x16x3072xf32, #tpu.memory_space<vmem>> -> memref<16x3072xf32, #tpu.memory_space<vmem>>
    %dma_wait3A_1772 = arith.constant 0 : i32
    %dma_wait3A_1773 = tpu.memref_slice %arg3[%add3A_1725, %dma_wait3A_1772] : memref<16384x3072xf32, #tpu.memory_space<hbm>> -> memref<16x3072xf32, #tpu.memory_space<hbm>>
    %dma_wait3A_1774 = arith.constant 0 : i32
    %dma_wait3A_1775 = tpu.memref_slice %arg3[%add3A_1725, %dma_wait3A_1774] : memref<16384x3072xf32, #tpu.memory_space<hbm>> -> memref<16x3072xf32, #tpu.memory_space<hbm>>
    %dma_wait3A_1776 = arith.constant 0 : i32
    %dma_wait3A_1777 = arith.constant 0 : i32
    %dma_wait3A_1778 = tpu.memref_slice %arg4[%dma_wait3A_1767, %dma_wait3A_1776, %dma_wait3A_1777] : memref<2x16x3072xf32, #tpu.memory_space<vmem>> -> memref<1x16x3072xf32, #tpu.memory_space<vmem>>
    %dma_wait3A_1779 = tpu.memref_squeeze %dma_wait3A_1778 : memref<1x16x3072xf32, #tpu.memory_space<vmem>> -> memref<16x3072xf32, #tpu.memory_space<vmem>>
    tpu.wait_dma2 semaphore(%arg7 : memref<!tpu.dma_semaphore, #tpu.memory_space<semaphore_mem>>) src(%dma_wait3A_1779 : memref<16x3072xf32, #tpu.memory_space<vmem>>) dst(%dma_wait3A_1775 : memref<16x3072xf32, #tpu.memory_space<hbm>>)
    %dma_wait3A_1780 = arith.constant 1 : i32
    %dma_wait3A_1781 = arith.constant 0 : i32
    %dma_wait3A_1782 = arith.constant 0 : i32
    %dma_wait3A_1783 = tpu.memref_slice %arg4[%dma_wait3A_1780, %dma_wait3A_1781, %dma_wait3A_1782] : memref<2x16x3072xf32, #tpu.memory_space<vmem>> -> memref<1x16x3072xf32, #tpu.memory_space<vmem>>
    %dma_wait3A_1784 = tpu.memref_squeeze %dma_wait3A_1783 : memref<1x16x3072xf32, #tpu.memory_space<vmem>> -> memref<16x3072xf32, #tpu.memory_space<vmem>>
    %dma_wait3A_1785 = arith.constant 0 : i32
    %dma_wait3A_1786 = tpu.memref_slice %arg3[%add3A_1753, %dma_wait3A_1785] : memref<16384x3072xf32, #tpu.memory_space<hbm>> -> memref<16x3072xf32, #tpu.memory_space<hbm>>
    %dma_wait3A_1787 = arith.constant 0 : i32
    %dma_wait3A_1788 = tpu.memref_slice %arg3[%add3A_1753, %dma_wait3A_1787] : memref<16384x3072xf32, #tpu.memory_space<hbm>> -> memref<16x3072xf32, #tpu.memory_space<hbm>>
    %dma_wait3A_1789 = arith.constant 0 : i32
    %dma_wait3A_1790 = arith.constant 0 : i32
    %dma_wait3A_1791 = tpu.memref_slice %arg4[%dma_wait3A_1780, %dma_wait3A_1789, %dma_wait3A_1790] : memref<2x16x3072xf32, #tpu.memory_space<vmem>> -> memref<1x16x3072xf32, #tpu.memory_space<vmem>>
    %dma_wait3A_1792 = tpu.memref_squeeze %dma_wait3A_1791 : memref<1x16x3072xf32, #tpu.memory_space<vmem>> -> memref<16x3072xf32, #tpu.memory_space<vmem>>
    tpu.wait_dma2 semaphore(%arg8 : memref<!tpu.dma_semaphore, #tpu.memory_space<semaphore_mem>>) src(%dma_wait3A_1792 : memref<16x3072xf32, #tpu.memory_space<vmem>>) dst(%dma_wait3A_1788 : memref<16x3072xf32, #tpu.memory_space<hbm>>)
    return
  }
}

</mosaic_0001>

<sc_bundles>
// kernel: kernel.3.cloned.1.call-start
scs
__scs_entry_jumppad:
0x0: {  	(pc) =	sbr.rel $0x88, $3  }
0x1: {  	(tag) =	ssettag $0x0;
	lr =	simm.s32 $0x1  }
0x2: {  	[smem:$0x3FA0] =	sst lr;
	_ =	strace $0xD0000000  }
0x3: {  	_ = 	snop  }
0x4: {  	_ = 	snop  }
0x5: {  	_ = 	snop  }
0x6: {  	_ = 	snop  }
0x7: {  	_ = 	snop  }
__scs_overlays_trampoline_lowered:
0x8: {  	[smem:$0x3FAF] =	sst s0  }
0x9: {  	[smem:$0x3FB0] =	sst s1  }
0xa: {  	[smem:$0x3FB1] =	sst s2  }
0xb: {  	[smem:$0x3FB2] =	sst s3  }
0xc: {  	[smem:$0x3FB3] =	sst s4  }
0xd: {  	[smem:$0x3FB4] =	sst s5  }
0xe: {  	[smem:$0x3FB5] =	sst s6  }
0xf: {  	[smem:$0x3FB6] =	sst s7  }
0x10: {  	[smem:$0x3FB7] =	sst s8  }
0x11: {  	[smem:$0x3FB8] =	sst s9;
	s0 =	simm.s32 @!p0 $0x0  }
0x12: {  	s1 =	sld [smem:$0x3F9E];
	s0 =	simm.s32 @p0 $0x1  }
0x13: {  	[smem:$0x3FB9] =	sst s0;
	s0 =	simm.s32 @!p1 $0x0  }
0x14: {  	s2 =	sld [smem:$0x3F9D];
	s0 =	simm.s32 @p1 $0x1  }
0x15: {  	[smem:$0x3FBA] =	sst s0;
	s0 =	simm.s32 @!p2 $0x0  }
0x16: {  	s3 =	sld [smem:$0x3FDB];
	s0 =	simm.s32 @p2 $0x1  }
0x17: {  	s4 =	simm.s32 $0x1BF5;
	[smem:$0x3FBC] =	sst s0  }
0x18: {  	s0 =	sld [smem:$0x3F9F];
	_ =	swait.ge [sflag:s4], $0x0  }
0x19: {  	s7 =	sld [smem:$0x3FA0]  }
0x1a: {  	s8 =	sadd.s32 $0xFFFFE003, lr  }
0x1b: {  	s9 =	sadd.s32 $0xFFFFFEF7, lr;
	s5 =	simm.s32 $0xFFFFFFFF;
	p2 =	slt.u32 s8, $0xFFFFF086  }
0x1c: {  	p1 =	slt.u32 s9, $0xF7A;
	s5 =	simm.s32 @!p2 $0x0  }
0x1d: {  	s5 =	simm.s32 @p1 $0x1;
	p0 =	seq.s32 s7, s2  }
0x1e: {  	s7 =	smul.u32 @!p0 $0xF7A, s2;
	p2 =	seq.s32 @!p0 s5, $0x0  }
0x1f: {  	s9 =	smul.u32 $0xF7A, s1;
	s8 =	simm.s32 @!p0 $0x1BF5;
	p2 =	por !p2, p0  }
0x20: {  	[sflag:s8] =	ssyncset.s32 @!p0 $0xFFFFF086;
	s6 =	sadd.s32 @!p0 s3, s7;
	s7 =	simm.s32 @!p0 $0x108  }
0x21: {  	s3 =	sadd.s32 s3, s9;
	s6 =	sadd.s32 @!p0 $0x88, s6;
	s7 =	simm.s32 @p2 $0x1082  }
0x22: {  	[simem:s7], [sflag:s8] =	dma.local @!p0 [hbm:s6], $0xF7A  }
0x23: {  	s9 =	sor.u32 $0xD0000000, s2;
	s6 =	simm.s32 $0x108;
	_ =	swait.ge @!p0 [sflag:s8], $0x0  }
0x24: {  	s3 =	sadd.s32 $0x88, s3;
	s6 =	simm.s32 @!p1 $0x1082;
	[sflag:s4] =	ssyncset.s32 $0xFFFFF086  }
0x25: {  	[simem:s6], [sflag:s4] =	dma.local [hbm:s3], $0xF7A  }
0x26: {  	[smem:$0x3FA0] =	sst s1;
	(tag) =	ssettag s2;
	_ =	strace s9  }
0x27: {  	s1 =	sld [smem:$0x3FB0]  }
0x28: {  	s2 =	sld [smem:$0x3FB1]  }
0x29: {  	s4 =	sld [smem:$0x3FB3]  }
0x2a: {  	p0 =	seq.s32 s5, $0x0;
	s5 =	sld [smem:$0x3FB4]  }
0x2b: {  	s6 =	sld [smem:$0x3FB5]  }
0x2c: {  	s7 =	sld [smem:$0x3FB6]  }
0x2d: {  	s3 =	simm.s32 $0x108;
	s8 =	sld [smem:$0x3FB7]  }
0x2e: {  	s3 =	simm.s32 @!p0 $0x1082;
	s9 =	sld [smem:$0x3FB8]  }
0x2f: {  	lr =	sadd.s32 s0, s3;
	s0 =	sld [smem:$0x3FAF]  }
0x30: {  	s3 =	sld [smem:$0x3FB2]  }
0x31: {  	[smem:$0x3FBB] =	sst s10  }
0x32: {  	s10 =	sld [smem:$0x3FB9];
	_ =	sdelay $0x3  }
0x33: {  	p0 =	seq.s32 s10, $0x1;
	s10 =	sld [smem:$0x3FBB];
	_ =	sdelay $0x3  }
0x34: {  	[smem:$0x3FBB] =	sst s10  }
0x35: {  	s10 =	sld [smem:$0x3FBA];
	_ =	sdelay $0x3  }
0x36: {  	p1 =	seq.s32 s10, $0x1;
	s10 =	sld [smem:$0x3FBB];
	_ =	sdelay $0x3  }
0x37: {  	[smem:$0x3FBB] =	sst s10  }
0x38: {  	s10 =	sld [smem:$0x3FBC]  }
0x39: {  	_ = 	snop;
	(pc) =	sbr.ind lr, $3  }
0x3a: {  	_ = 	snop  }
0x3b: {  	_ = 	snop  }
0x3c: {  	p2 =	seq.s32 s10, $0x1;
	s10 =	sld [smem:$0x3FBB]  }
0x3d: {  	_ =	shalt  }
0x3e: {  	_ =	shalt  }
0x3f: {  	_ =	shalt  }
0x40: {  	_ =	shalt  }
0x41: {  	_ =	shalt  }
0x42: {  	_ =	shalt  }
0x43: {  	_ =	shalt  }
0x44: {  	_ =	shalt  }
0x45: {  	_ =	shalt  }
0x46: {  	_ =	shalt  }
0x47: {  	_ =	shalt  }
0x48: {  	_ =	shalt  }
0x49: {  	_ =	shalt  }
0x4a: {  	_ =	shalt  }
0x4b: {  	_ =	shalt  }
0x4c: {  	_ =	shalt  }
0x4d: {  	_ =	shalt  }
0x4e: {  	_ =	shalt  }
0x4f: {  	_ =	shalt  }
0x50: {  	_ =	shalt  }
0x51: {  	_ =	shalt  }
0x52: {  	_ =	shalt  }
0x53: {  	_ =	shalt  }
0x54: {  	_ =	shalt  }
0x55: {  	_ =	shalt  }
0x56: {  	_ =	shalt  }
0x57: {  	_ =	shalt  }
0x58: {  	_ =	shalt  }
0x59: {  	_ =	shalt  }
0x5a: {  	_ =	shalt  }
0x5b: {  	_ =	shalt  }
0x5c: {  	_ =	shalt  }
0x5d: {  	_ =	shalt  }
0x5e: {  	_ =	shalt  }
0x5f: {  	_ =	shalt  }
0x60: {  	_ =	shalt  }
0x61: {  	_ =	shalt  }
0x62: {  	_ =	shalt  }
0x63: {  	_ =	shalt  }
0x64: {  	_ =	shalt  }
0x65: {  	_ =	shalt  }
0x66: {  	_ =	shalt  }
0x67: {  	_ =	shalt  }
0x68: {  	_ =	shalt  }
0x69: {  	_ =	shalt  }
0x6a: {  	_ =	shalt  }
0x6b: {  	_ =	shalt  }
0x6c: {  	_ =	shalt  }
0x6d: {  	_ =	shalt  }
0x6e: {  	_ =	shalt  }
0x6f: {  	_ =	shalt  }
0x70: {  	_ =	shalt  }
0x71: {  	_ =	shalt  }
0x72: {  	_ =	shalt  }
0x73: {  	_ =	shalt  }
0x74: {  	_ =	shalt  }
0x75: {  	_ =	shalt  }
0x76: {  	_ =	shalt  }
0x77: {  	_ =	shalt  }
0x78: {  	_ =	shalt  }
0x79: {  	_ =	shalt  }
0x7a: {  	_ =	shalt  }
0x7b: {  	_ =	shalt  }
0x7c: {  	_ =	shalt  }
0x7d: {  	_ =	shalt  }
0x7e: {  	_ =	shalt  }
0x7f: {  	_ =	shalt  }
0x80: {  	_ =	shalt  }
0x81: {  	_ =	shalt  }
0x82: {  	_ =	shalt  }
0x83: {  	_ =	shalt  }
0x84: {  	_ =	shalt  }
0x85: {  	_ =	shalt  }
0x86: {  	_ =	shalt  }
0x87: {  	_ =	shalt  }
.Lfunc_end0:
.L_simem_size_0:
called_computation.1_lowered:
.L_overlay_start_0:
0x88: {  	s2 =	sld [smem:$0x3FD9]  }
0x89: {  	s3 =	sld [smem:$0x3FFE];
	_ =	sdelay $0x1  }
0x8a: {  	s1 =	srdreg.scid  }
0x8b: {  	s0 =	sand.u32 $0x1, s1  }
0x8c: {  	s16 =	sshll.u32 s0, $0xA;
	s2 =	sadd.s32 s3, s2  }
0x8d: {  	s2 =	sadd.s32 s2, s16  }
0x8e: {  	[smem:$0x3FC7] =	sst s2  }
0x8f: {  	_ = 	snop  }
0x90: {  	(tm) =	ssettm $0x1  }
0x91: {  	s17 =	sld [smem:$0x3FFB];
	_ =	sdelay $0x3  }
0x92: {  	_ =	strace s17  }
0x93: {  	s2 =	sld [smem:$0x3FFC];
	_ =	sdelay $0x3  }
0x94: {  	_ =	strace s2  }
0x95: {  	s2 =	sld [smem:$0x3FFD];
	_ =	sdelay $0x3  }
0x96: {  	_ =	strace s2  }
0x97: {  	_ =	strace $0x8FFFFFFF  }
0x98: {  	s18 =	sld [smem:$0x3FDB];
	_ =	sdelay $0x1  }
0x99: {  	s19 =	simm.s32 $_scs_section_size  }
0x9a: {  	s4 =	simm.s32 $_size__tile_overlayer_lowered;
	s5 =	simm.s32 $_tile_overlayer_lowered  }
0x9b: {  	s22 =	simm.s32 $0x1BFF;
	s21 =	sshll.u32 s5, $0x1;
	s2 =	sadd.s32 s19, s18  }
0x9c: {  	s6 =	simm.s32 $0x0;
	s20 =	sshll.u32 s4, $0x1;
	s4 =	sadd.s32 s21, s2  }
0x9d: {  	[timem:s6], [sflag:s22] =	dma.local [hbm:s4], s20  }
0x9e: {  	_ =	swait.ge [sflag:s22], s20  }
0x9f: {  	s3 =	ssub.s32 $0x0, s20;
	[sflag:s22] =	ssyncset.done $0x0  }
0xa0: {  	[sflag:s22] =	ssyncadd.s32 s3;
	_ =	sdelay $0x1  }
0xa1: {  	s23 =	simm.s32 $0x1B8B  }
0xa2: {  	_ =	swait.ge [sflag:s23], $0x1  }
0xa3: {  	[sflag:s23] =	ssyncset.done $0x0  }
0xa4: {  	s25 =	simm.s32 $0x1B8E;
	s24 =	sld [smem:$0x3FFE];
	[sflag:s23] =	ssyncadd.s32 $0xFFFFFFFF  }
0xa5: {  	s26 =	simm.s32 $execute0_lowered;
	[smem:$0x3FD2] =	sst s25  }
0xa6: {  	s4 =	sshll.u32 s26, $0x1;
	_ =	strace $0x80000046;
	[dreg:$0x1] =	wrdreg $0xFFFFFFFF  }
0xa7: {  	s28 =	simm.s32 $_size_execute0_lowered;
	s2 =	sadd.s32 s2, s4;
	[dreg:$0x0] =	wrdreg $0x0  }
0xa8: {  	s4 =	sshll.u32 s28, $0x1;
	[dreg:$0x2] =	wrdreg s2  }
0xa9: {  	[dreg:$0x3] =	wrdreg s4  }
0xaa: {  	[dreg:$0x4] =	wrdreg $0xC0  }
0xab: {  	_ =	task [dreg:s6], $0x5FFFF  }
0xac: {  	[dreg:$0x1] =	wrdreg $0xFFFFFFFF  }
0xad: {  	[dreg:$0x0] =	wrdreg $0x60  }
0xae: {  	[dreg:$0x2] =	wrdreg s24  }
0xaf: {  	[dreg:$0x3] =	wrdreg $0x9  }
0xb0: {  	_ =	task.clear_ibuf [dreg:s6], $0x4FFFF;
	_ =	strace $0x90000046  }
0xb1: {  	s29 =	simm.s32 $0x9;
	_ =	strace $0x80000048  }
0xb2: {  	_ =	swait.ge [sflag:s29], $0x1  }
0xb3: {  	[sflag:s29] =	ssyncadd.s32 $0xFFFFFFFF  }
0xb4: {  	_ =	strace $0x90000048  }
0xb5: {  	_ =	sfence  }
0xb6: {  	s30 =	sld [smem:$0x0];
	_ =	sdelay $0x2  }
0xb7: {  	s31 =	sshll.u32 s1, $0xD;
	s1 =	sshrl.u32 s1, $0x2  }
0xb8: {  	s3 =	sand.u32 $0x4000, s31;
	s1 =	sadd.s32 s1, s30  }
0xb9: {  	s0 =	sor.u32 s3, s0;
	s1 =	sshll.u32 s1, $0x11  }
0xba: {  	s0 =	sor.u32 s1, s0  }
0xbb: {  	s0 =	sadd.s32 $0x8F2B, s0  }
0xbc: {  	[sflag:s0] =	ssyncadd.remote.s32 $0x1  }
0xbd: {  	_ =	sfence.sel $0xFFFF  }
0xbe: {  	[dreg:$0x0] =	wrdreg $0xFFFFFFFF;
	(pc) =	sbr.abs _section_cstart, $3  }
0xbf: {  	[dreg:$0x1] =	wrdreg $0xFFFFFFFF  }
0xc0: {  	_ =	task.clear_ibuf [dreg:s6], $0x2FFFF;
	_ =	strace $0x9FFFFFFF  }
0xc1: {  	(tm) =	ssettm $0x7FFFFFFF  }
tec
execute0_lowered:
.L_overlay_start_1:
0x0: {  	(tag) =	ssettag $0x1  }
0x1: {  	s0 =	srdreg.scid  }
0x2: {  	s3 =	stileid.u32;
	s5 =	sand.u32 $0x1, s0  }
0x3: {  	s13 =	sshll.u32 s3, $0x7;
	s14 =	sshll.u32 s5, $0x6  }
0x4: {  	s4 =	sor.u32 s14, s13  }
0x5: {  	s6 =	smul.u32 $0x2100, s4  }
0x6: {  	s7 =	sor.u32 $0x2, s4;
	s8 =	smul.u32 $0xC00, s4  }
0x7: {  	s9 =	sor.u32 $0x4, s4;
	s15 =	smul.u32 $0x2100, s7  }
0x8: {  	s16 =	smul.u32 $0x10800, s9  }
0x9: {  	s18 =	sor.u32 $0x6, s4;
	s7 =	smul.u32 $0xC00, s7  }
0xa: {  	s1 =	rddreg [dreg:$0x0];
	s2 =	simm.s32 $0x0;
	s20 =	smul.u32 $0x10800, s18  }
0xb: {  	p0 =	por $0x0, $0x0;
	s24 =	sor.u32 $0x8, s4;
	s22 =	smul.u32 $0xC00, s9  }
0xc: {  	[smem:$0x7FF] =	sst s2;
	s11 =	sor.u32 $0xC, s4;
	s26 =	smul.u32 $0x2100, s24  }
0xd: {  	s0 =	sadd.s32 $0x800, s1;
	s3 =	sadd.s32 $0x1081D00, s1;
	s12 =	smul.u32 $0x10800, s11  }
0xe: {  	s9 =	sor.u32 $0xA, s4;
	s17 =	sadd.s32 s0, s8;
	s8 =	smul.u32 $0xC00, s18  }
0xf: {  	_ =	strace $0x80000047;
	s6 =	sadd.s32 s6, s3;
	s10 =	smul.u32 $0x2100, s9  }
0x10: {  	[dreg:$0x2] =	wrdreg s6;
	s1 =	sadd.s32 s15, s3;
	s6 =	sshrl.u32 s16, $0x3  }
0x11: {  	[dreg:$0x4] =	wrdreg s17;
	s21 =	sadd.s32 s0, s7;
	s25 =	sadd.s32 s0, s22  }
0x12: {  	s7 =	sadd.s32 s26, s3;
	s14 =	sshrl.u32 s12, $0x3;
	[dreg:$0x3] =	wrdreg s1  }
0x13: {  	s15 =	smul.u32 $0xC00, s9;
	s16 =	sor.u32 $0xE, s4;
	[dreg:$0x6] =	wrdreg s21  }
0x14: {  	s26 =	sor.u32 $0x12, s4;
	s19 =	sadd.s32 s6, s3;
	[dreg:$0x8] =	wrdreg s25  }
0x15: {  	s6 =	sshrl.u32 s20, $0x3;
	[dreg:$0x9] =	wrdreg s7;
	s18 =	smul.u32 $0x10800, s16  }
0x16: {  	s7 =	sadd.s32 s0, s8;
	s20 =	smul.u32 $0xC00, s11;
	[dreg:$0x5] =	wrdreg s19  }
0x17: {  	s1 =	sadd.s32 s10, s3;
	s25 =	smul.u32 $0xC00, s16;
	[dreg:$0xa] =	wrdreg s7  }
0x18: {  	s17 =	sadd.s32 s14, s3;
	s11 =	smul.u32 $0x10800, s26;
	[dreg:$0xb] =	wrdreg s1  }
0x19: {  	s14 =	sor.u32 $0x14, s4;
	s23 =	sadd.s32 s6, s3;
	[dreg:$0xd] =	wrdreg s17  }
0x1a: {  	s6 =	smul.u32 $0xC00, s24;
	s19 =	sadd.s32 s0, s15;
	[dreg:$0x7] =	wrdreg s23  }
0x1b: {  	s21 =	sor.u32 $0x10, s4;
	s16 =	smul.u32 $0x10800, s14;
	[dreg:$0xe] =	wrdreg s19  }
0x1c: {  	s23 =	smul.u32 $0x10800, s21;
	s24 =	sadd.s32 s0, s20;
	s12 =	sadd.s32 s0, s25  }
0x1d: {  	s13 =	sadd.s32 s0, s6;
	s6 =	sshrl.u32 s18, $0x3;
	s18 =	smul.u32 $0xC00, s26  }
0x1e: {  	s19 =	sor.u32 $0x16, s4;
	[dreg:$0xc] =	wrdreg s13;
	s13 =	smul.u32 $0xC00, s21  }
0x1f: {  	[dreg:$0x10] =	wrdreg s24;
	s24 =	sor.u32 $0x18, s4;
	s21 =	smul.u32 $0x10800, s19  }
0x20: {  	s22 =	sadd.s32 s6, s3;
	s6 =	sshrl.u32 s23, $0x3;
	s23 =	smul.u32 $0xC00, s14  }
0x21: {  	[dreg:$0x12] =	wrdreg s12;
	s12 =	sor.u32 $0x1A, s4;
	s26 =	smul.u32 $0x10800, s24  }
0x22: {  	s14 =	smul.u32 $0x10800, s12;
	[dreg:$0xf] =	wrdreg s22;
	s10 =	sadd.s32 s6, s3  }
0x23: {  	s6 =	sshrl.u32 s11, $0x3;
	s22 =	sadd.s32 s0, s18;
	s11 =	smul.u32 $0xC00, s19  }
0x24: {  	[dreg:$0x11] =	wrdreg s10;
	s15 =	sadd.s32 s6, s3;
	s17 =	sadd.s32 s0, s13  }
0x25: {  	s6 =	sshrl.u32 s16, $0x3;
	[dreg:$0x16] =	wrdreg s22;
	s10 =	sadd.s32 s0, s23  }
0x26: {  	s16 =	smul.u32 $0xC00, s24;
	s22 =	sor.u32 $0x1E, s4;
	[dreg:$0x13] =	wrdreg s15  }
0x27: {  	[dreg:$0x14] =	wrdreg s17;
	s20 =	sadd.s32 s6, s3;
	s6 =	sshrl.u32 s21, $0x3  }
0x28: {  	[dreg:$0x18] =	wrdreg s10;
	s15 =	sadd.s32 s0, s11;
	s21 =	smul.u32 $0xC00, s12  }
0x29: {  	s17 =	sor.u32 $0x1C, s4;
	s24 =	smul.u32 $0x10800, s22;
	s10 =	sor.u32 $0x20, s4  }
0x2a: {  	[dreg:$0x15] =	wrdreg s20;
	s25 =	sadd.s32 s6, s3;
	s19 =	smul.u32 $0x10800, s17  }
0x2b: {  	s6 =	sshrl.u32 s26, $0x3;
	[dreg:$0x1a] =	wrdreg s15;
	s26 =	smul.u32 $0xC00, s17  }
0x2c: {  	s20 =	sadd.s32 s0, s16;
	s12 =	smul.u32 $0x2100, s10;
	s15 =	sor.u32 $0x22, s4  }
0x2d: {  	s13 =	sadd.s32 s6, s3;
	s6 =	sshrl.u32 s14, $0x3;
	s14 =	smul.u32 $0xC00, s22  }
0x2e: {  	s17 =	sor.u32 $0x24, s4;
	[dreg:$0x17] =	wrdreg s25;
	s16 =	smul.u32 $0x2100, s15  }
0x2f: {  	[dreg:$0x1c] =	wrdreg s20;
	s25 =	sadd.s32 s0, s21;
	s21 =	smul.u32 $0xC00, s15  }
0x30: {  	s22 =	sor.u32 $0x26, s4;
	[dreg:$0x19] =	wrdreg s13;
	s18 =	sadd.s32 s6, s3  }
0x31: {  	s6 =	sshrl.u32 s19, $0x3;
	[dreg:$0x1e] =	wrdreg s25;
	s11 =	sadd.s32 s0, s26  }
0x32: {  	s13 =	sadd.s32 s12, s3;
	s26 =	smul.u32 $0xC00, s17;
	[dreg:$0x1b] =	wrdreg s18  }
0x33: {  	s23 =	sadd.s32 s6, s3;
	s6 =	sshrl.u32 s24, $0x3;
	[smem:$0x7F1] =	sst s11  }
0x34: {  	[smem:$0x7F2] =	sst s13;
	s7 =	sadd.s32 s0, s14;
	s18 =	smul.u32 $0x10800, s17  }
0x35: {  	s1 =	sadd.s32 s16, s3;
	s24 =	smul.u32 $0x10800, s22;
	s25 =	sadd.s32 s0, s21  }
0x36: {  	s13 =	smul.u32 $0xC00, s22;
	s14 =	sor.u32 $0x2A, s4;
	[dreg:$0x1d] =	wrdreg s23  }
0x37: {  	s9 =	sadd.s32 s6, s3;
	s6 =	smul.u32 $0xC00, s10;
	[smem:$0x7F3] =	sst s7  }
0x38: {  	s16 =	sor.u32 $0x2C, s4;
	[smem:$0x7F4] =	sst s1;
	s15 =	smul.u32 $0x2100, s14  }
0x39: {  	s5 =	ssub.s32 $0x2, s5;
	[smem:$0x7F7] =	sst s25;
	s17 =	smul.u32 $0x10800, s16  }
0x3a: {  	s10 =	sadd.s32 s0, s26;
	s26 =	smul.u32 $0xC00, s14;
	[dreg:$0x1f] =	wrdreg s9  }
0x3b: {  	s20 =	sshrl.u32 s18, $0x3;
	s9 =	sor.u32 $0x28, s4;
	[smem:$0x7F9] =	sst s10  }
0x3c: {  	s7 =	sadd.s32 s0, s13;
	s10 =	sor.u32 $0x2E, s4;
	s13 =	sor.u32 $0x34, s4  }
0x3d: {  	s19 =	sadd.s32 s0, s6;
	s23 =	sadd.s32 s20, s3;
	s11 =	smul.u32 $0x2100, s9  }
0x3e: {  	s6 =	sshrl.u32 s24, $0x3;
	[smem:$0x7FB] =	sst s7;
	s18 =	smul.u32 $0x10800, s10  }
0x3f: {  	s1 =	sadd.s32 s15, s3;
	s7 =	sshrl.u32 s17, $0x3;
	s10 =	smul.u32 $0xC00, s10  }
0x40: {  	s20 =	sor.u32 $0x32, s4;
	s24 =	smul.u32 $0x10800, s13;
	s15 =	sor.u32 $0x36, s4  }
0x41: {  	s17 =	sor.u32 $0x38, s4;
	s13 =	smul.u32 $0xC00, s13;
	[smem:$0x7F5] =	sst s19  }
0x42: {  	s31 =	sadd.s32 s0, s26;
	[smem:$0x7F6] =	sst s23;
	s22 =	smul.u32 $0x10800, s20  }
0x43: {  	s6 =	sadd.s32 s6, s3;
	[smem:$0x7FC] =	sst s1;
	s14 =	smul.u32 $0xC00, s20  }
0x44: {  	s25 =	sadd.s32 s7, s3;
	s8 =	smul.u32 $0x10800, s15;
	[smem:$0x7F8] =	sst s6  }
0x45: {  	s12 =	sadd.s32 s11, s3;
	s6 =	smul.u32 $0xC00, s9;
	s11 =	sshrl.u32 s5, $0x1  }
0x46: {  	s9 =	smul.u32 $0xC00, s16;
	s1 =	sshrl.u32 s18, $0x3;
	s29 =	sadd.s32 s0, s10  }
0x47: {  	s10 =	simm.s32 $0xC000;
	[smem:$0x7FA] =	sst s12;
	s12 =	sor.u32 $0x30, s4  }
0x48: {  	s5 =	ssub.s32 s5, s11;
	s23 =	sadd.s32 s1, s3;
	s11 =	smul.u32 $0x10800, s17  }
0x49: {  	s7 =	sshrl.u32 s22, $0x3;
	s1 =	sshrl.u32 s24, $0x3;
	s19 =	smul.u32 $0x10800, s12  }
0x4a: {  	s22 =	sor.u32 $0x3C, s4;
	s26 =	sadd.s32 s0, s14;
	s12 =	smul.u32 $0xC00, s12  }
0x4b: {  	s6 =	sadd.s32 s0, s6;
	s20 =	sadd.s32 s7, s3;
	s24 =	smul.u32 $0x10800, s22  }
0x4c: {  	s18 =	sadd.s32 s1, s3;
	s30 =	sadd.s32 s0, s9;
	s9 =	smul.u32 $0xC00, s17  }
0x4d: {  	s14 =	smul.u32 $0xC00, s22;
	s17 =	smax.u32 s5, $0x1;
	[smem:$0x7FD] =	sst s6  }
0x4e: {  	s11 =	sshrl.u32 s11, $0x3;
	p1 =	sne.s32 s17, $0x1;
	s6 =	sshrl.u32 s19, $0x3  }
0x4f: {  	s19 =	sor.u32 $0x3A, s4;
	s11 =	sadd.s32 s11, s3;
	s21 =	sadd.s32 s6, s3  }
0x50: {  	s1 =	smul.u32 $0x10800, s19;
	s6 =	sshrl.u32 s8, $0x3;
	s8 =	sor.u32 $0x3E, s4  }
0x51: {  	s28 =	sadd.s32 s0, s12;
	s16 =	sadd.s32 s6, s3;
	s6 =	smul.u32 $0x10800, s8  }
0x52: {  	s4 =	sshrl.u32 s24, $0x3;
	s12 =	smul.u32 $0xC00, s19;
	s24 =	sadd.s32 s0, s13  }
0x53: {  	s4 =	sadd.s32 s4, s3;
	s1 =	sshrl.u32 s1, $0x3;
	s6 =	sshrl.u32 s6, $0x3  }
0x54: {  	s7 =	sadd.s32 s1, s3;
	s3 =	sadd.s32 s6, s3;
	s6 =	smul.u32 $0xC00, s15  }
.Ltmp0:
0x55: {  	s19 =	sadd.s32 s0, s9;
	s13 =	simm.s32 $0x6000;
	(pc) =	sbr.rel @!p1 .LBB2_3-.Ltmp0, $4  }
0x56: {  	s9 =	simm.s32 $0x3;
	s12 =	sadd.s32 s0, s12;
	s15 =	smul.u32 $0xC00, s8  }
0x57: {  	s1 =	rddreg [dreg:$0x2];
	s8 =	simm.s32 $0x4;
	s22 =	sadd.s32 s0, s6  }
0x58: {  	s6 =	sadd.s32 s0, s14;
	s5 =	sadd.s32 s0, s15;
	s0 =	sadd.s32 $0xFFFFFFFF, s17  }
0x59: {  	s17 =	simm.s32 $0x10800;
	s15 =	simm.s32 $0x1;
	s14 =	simm.s32 $0x2  }
0x5a: {  	[smem:$0x7F0] =	sst s0  }
0x5b: {  	[tilespmem:s2], [sflag:$0x1] =	stream.strided.gather [hbm4b:s1+s13], $0xC000, s17, s13, $0x38;
	[tilespmem:$0x18000] =	vst v63  }
0x5c: {  	s0 =	rddreg [dreg:$0x3]  }
0x5d: {  	[tilespmem:s10], [sflag:$0x2] =	stream.strided.gather [hbm4b:s0+s13], $0xC000, s17, s13, $0x38;
	[tilespmem:$0x18000] =	vst v63  }
0x5e: {  	_ =	swait.ge [sflag:s15], $0xC000  }
0x5f: {  	[sflag:s15] =	ssyncset.done $0x0  }
0x60: {  	s1 =	rddreg [dreg:$0x4];
	[sflag:s15] =	ssyncadd.s32 $0xFFFF4000  }
0x61: {  	[hbm4b:s1+s2] =	stream.linear.scatter [tilespmem:s2], [sflag:$0x3], $0xC000, $0x38;
	[tilespmem:$0x18000] =	vst v63  }
0x62: {  	_ =	swait.ge [sflag:s9], $0xC000  }
0x63: {  	[sflag:s9] =	ssyncset.done $0x0  }
0x64: {  	s1 =	rddreg [dreg:$0x5];
	[sflag:s9] =	ssyncadd.s32 $0xFFFF4000  }
0x65: {  	[tilespmem:s2], [sflag:$0x1] =	stream.strided.gather [hbm4b:s1+s13], $0xC000, s17, s13, $0x38;
	[tilespmem:$0x18000] =	vst v63  }
0x66: {  	_ =	swait.ge [sflag:s14], $0xC000  }
0x67: {  	[sflag:s14] =	ssyncset.done $0x0  }
0x68: {  	s1 =	rddreg [dreg:$0x6];
	[sflag:s14] =	ssyncadd.s32 $0xFFFF4000  }
0x69: {  	[hbm4b:s1+s2] =	stream.linear.scatter [tilespmem:s10], [sflag:$0x4], $0xC000, $0x38;
	[tilespmem:$0x18000] =	vst v63  }
0x6a: {  	_ =	swait.ge [sflag:s8], $0xC000  }
0x6b: {  	[sflag:s8] =	ssyncset.done $0x0  }
0x6c: {  	s1 =	rddreg [dreg:$0x7];
	[sflag:s8] =	ssyncadd.s32 $0xFFFF4000  }
0x6d: {  	[tilespmem:s10], [sflag:$0x2] =	stream.strided.gather [hbm4b:s1+s13], $0xC000, s17, s13, $0x38;
	[tilespmem:$0x18000] =	vst v63  }
0x6e: {  	_ =	swait.ge [sflag:s15], $0xC000  }
0x6f: {  	[sflag:s15] =	ssyncset.done $0x0  }
0x70: {  	s1 =	rddreg [dreg:$0x8];
	[sflag:s15] =	ssyncadd.s32 $0xFFFF4000  }
0x71: {  	[hbm4b:s1+s2] =	stream.linear.scatter [tilespmem:s2], [sflag:$0x3], $0xC000, $0x38;
	[tilespmem:$0x18000] =	vst v63  }
0x72: {  	_ =	swait.ge [sflag:s9], $0xC000  }
0x73: {  	[sflag:s9] =	ssyncset.done $0x0  }
0x74: {  	s1 =	rddreg [dreg:$0x9];
	[sflag:s9] =	ssyncadd.s32 $0xFFFF4000  }
0x75: {  	[tilespmem:s2], [sflag:$0x1] =	stream.strided.gather [hbm4b:s1+s13], $0xC000, s17, s13, $0x38;
	[tilespmem:$0x18000] =	vst v63  }
0x76: {  	_ =	swait.ge [sflag:s14], $0xC000  }
0x77: {  	[sflag:s14] =	ssyncset.done $0x0  }
0x78: {  	s1 =	rddreg [dreg:$0xa];
	[sflag:s14] =	ssyncadd.s32 $0xFFFF4000  }
0x79: {  	[hbm4b:s1+s2] =	stream.linear.scatter [tilespmem:s10], [sflag:$0x4], $0xC000, $0x38;
	[tilespmem:$0x18000] =	vst v63  }
0x7a: {  	_ =	swait.ge [sflag:s8], $0xC000  }
0x7b: {  	[sflag:s8] =	ssyncset.done $0x0  }
0x7c: {  	s1 =	rddreg [dreg:$0xb];
	[sflag:s8] =	ssyncadd.s32 $0xFFFF4000  }
0x7d: {  	[tilespmem:s10], [sflag:$0x2] =	stream.strided.gather [hbm4b:s1+s13], $0xC000, s17, s13, $0x38;
	[tilespmem:$0x18000] =	vst v63  }
0x7e: {  	_ =	swait.ge [sflag:s15], $0xC000  }
0x7f: {  	[sflag:s15] =	ssyncset.done $0x0  }
0x80: {  	s1 =	rddreg [dreg:$0xc];
	[sflag:s15] =	ssyncadd.s32 $0xFFFF4000  }
0x81: {  	[hbm4b:s1+s2] =	stream.linear.scatter [tilespmem:s2], [sflag:$0x3], $0xC000, $0x38;
	[tilespmem:$0x18000] =	vst v63  }
0x82: {  	_ =	swait.ge [sflag:s9], $0xC000  }
0x83: {  	[sflag:s9] =	ssyncset.done $0x0  }
0x84: {  	s1 =	rddreg [dreg:$0xd];
	[sflag:s9] =	ssyncadd.s32 $0xFFFF4000  }
0x85: {  	[tilespmem:s2], [sflag:$0x1] =	stream.strided.gather [hbm4b:s1+s13], $0xC000, s17, s13, $0x38;
	[tilespmem:$0x18000] =	vst v63  }
0x86: {  	_ =	swait.ge [sflag:s14], $0xC000  }
0x87: {  	[sflag:s14] =	ssyncset.done $0x0  }
0x88: {  	s1 =	rddreg [dreg:$0xe];
	[sflag:s14] =	ssyncadd.s32 $0xFFFF4000  }
0x89: {  	[hbm4b:s1+s2] =	stream.linear.scatter [tilespmem:s10], [sflag:$0x4], $0xC000, $0x38;
	[tilespmem:$0x18000] =	vst v63  }
0x8a: {  	_ =	swait.ge [sflag:s8], $0xC000  }
0x8b: {  	[sflag:s8] =	ssyncset.done $0x0  }
0x8c: {  	s1 =	rddreg [dreg:$0xf];
	[sflag:s8] =	ssyncadd.s32 $0xFFFF4000  }
0x8d: {  	[tilespmem:s10], [sflag:$0x2] =	stream.strided.gather [hbm4b:s1+s13], $0xC000, s17, s13, $0x38;
	[tilespmem:$0x18000] =	vst v63  }
0x8e: {  	_ =	swait.ge [sflag:s15], $0xC000  }
0x8f: {  	[sflag:s15] =	ssyncset.done $0x0  }
0x90: {  	s1 =	rddreg [dreg:$0x10];
	[sflag:s15] =	ssyncadd.s32 $0xFFFF4000  }
0x91: {  	[hbm4b:s1+s2] =	stream.linear.scatter [tilespmem:s2], [sflag:$0x3], $0xC000, $0x38;
	[tilespmem:$0x18000] =	vst v63  }
0x92: {  	_ =	swait.ge [sflag:s9], $0xC000  }
0x93: {  	[sflag:s9] =	ssyncset.done $0x0  }
0x94: {  	s1 =	rddreg [dreg:$0x11];
	[sflag:s9] =	ssyncadd.s32 $0xFFFF4000  }
0x95: {  	[tilespmem:s2], [sflag:$0x1] =	stream.strided.gather [hbm4b:s1+s13], $0xC000, s17, s13, $0x38;
	[tilespmem:$0x18000] =	vst v63  }
0x96: {  	_ =	swait.ge [sflag:s14], $0xC000  }
0x97: {  	[sflag:s14] =	ssyncset.done $0x0  }
0x98: {  	s1 =	rddreg [dreg:$0x12];
	[sflag:s14] =	ssyncadd.s32 $0xFFFF4000  }
0x99: {  	[hbm4b:s1+s2] =	stream.linear.scatter [tilespmem:s10], [sflag:$0x4], $0xC000, $0x38;
	[tilespmem:$0x18000] =	vst v63  }
0x9a: {  	_ =	swait.ge [sflag:s8], $0xC000  }
0x9b: {  	[sflag:s8] =	ssyncset.done $0x0  }
0x9c: {  	s1 =	rddreg [dreg:$0x13];
	[sflag:s8] =	ssyncadd.s32 $0xFFFF4000  }
0x9d: {  	[tilespmem:s10], [sflag:$0x2] =	stream.strided.gather [hbm4b:s1+s13], $0xC000, s17, s13, $0x38;
	[tilespmem:$0x18000] =	vst v63  }
0x9e: {  	_ =	swait.ge [sflag:s15], $0xC000  }
0x9f: {  	[sflag:s15] =	ssyncset.done $0x0  }
0xa0: {  	s1 =	rddreg [dreg:$0x14];
	[sflag:s15] =	ssyncadd.s32 $0xFFFF4000  }
0xa1: {  	[hbm4b:s1+s2] =	stream.linear.scatter [tilespmem:s2], [sflag:$0x3], $0xC000, $0x38;
	[tilespmem:$0x18000] =	vst v63  }
0xa2: {  	_ =	swait.ge [sflag:s9], $0xC000  }
0xa3: {  	[sflag:s9] =	ssyncset.done $0x0  }
0xa4: {  	s1 =	rddreg [dreg:$0x15];
	[sflag:s9] =	ssyncadd.s32 $0xFFFF4000  }
0xa5: {  	[tilespmem:s2], [sflag:$0x1] =	stream.strided.gather [hbm4b:s1+s13], $0xC000, s17, s13, $0x38;
	[tilespmem:$0x18000] =	vst v63  }
0xa6: {  	_ =	swait.ge [sflag:s14], $0xC000  }
0xa7: {  	[sflag:s14] =	ssyncset.done $0x0  }
0xa8: {  	s1 =	rddreg [dreg:$0x16];
	[sflag:s14] =	ssyncadd.s32 $0xFFFF4000  }
0xa9: {  	[hbm4b:s1+s2] =	stream.linear.scatter [tilespmem:s10], [sflag:$0x4], $0xC000, $0x38;
	[tilespmem:$0x18000] =	vst v63  }
0xaa: {  	_ =	swait.ge [sflag:s8], $0xC000  }
0xab: {  	[sflag:s8] =	ssyncset.done $0x0  }
0xac: {  	s1 =	rddreg [dreg:$0x17];
	[sflag:s8] =	ssyncadd.s32 $0xFFFF4000  }
0xad: {  	[tilespmem:s10], [sflag:$0x2] =	stream.strided.gather [hbm4b:s1+s13], $0xC000, s17, s13, $0x38;
	[tilespmem:$0x18000] =	vst v63  }
0xae: {  	_ =	swait.ge [sflag:s15], $0xC000  }
0xaf: {  	[sflag:s15] =	ssyncset.done $0x0  }
0xb0: {  	s1 =	rddreg [dreg:$0x18];
	[sflag:s15] =	ssyncadd.s32 $0xFFFF4000  }
0xb1: {  	[hbm4b:s1+s2] =	stream.linear.scatter [tilespmem:s2], [sflag:$0x3], $0xC000, $0x38;
	[tilespmem:$0x18000] =	vst v63  }
0xb2: {  	_ =	swait.ge [sflag:s9], $0xC000  }
0xb3: {  	[sflag:s9] =	ssyncset.done $0x0  }
0xb4: {  	s1 =	rddreg [dreg:$0x19];
	[sflag:s9] =	ssyncadd.s32 $0xFFFF4000  }
0xb5: {  	[tilespmem:s2], [sflag:$0x1] =	stream.strided.gather [hbm4b:s1+s13], $0xC000, s17, s13, $0x38;
	[tilespmem:$0x18000] =	vst v63  }
0xb6: {  	_ =	swait.ge [sflag:s14], $0xC000  }
0xb7: {  	[sflag:s14] =	ssyncset.done $0x0  }
0xb8: {  	s1 =	rddreg [dreg:$0x1a];
	[sflag:s14] =	ssyncadd.s32 $0xFFFF4000  }
0xb9: {  	[hbm4b:s1+s2] =	stream.linear.scatter [tilespmem:s10], [sflag:$0x4], $0xC000, $0x38;
	[tilespmem:$0x18000] =	vst v63  }
0xba: {  	_ =	swait.ge [sflag:s8], $0xC000  }
0xbb: {  	[sflag:s8] =	ssyncset.done $0x0  }
0xbc: {  	s1 =	rddreg [dreg:$0x1b];
	[sflag:s8] =	ssyncadd.s32 $0xFFFF4000  }
0xbd: {  	[tilespmem:s10], [sflag:$0x2] =	stream.strided.gather [hbm4b:s1+s13], $0xC000, s17, s13, $0x38;
	[tilespmem:$0x18000] =	vst v63  }
0xbe: {  	_ =	swait.ge [sflag:s15], $0xC000  }
0xbf: {  	[sflag:s15] =	ssyncset.done $0x0  }
0xc0: {  	s1 =	rddreg [dreg:$0x1c];
	[sflag:s15] =	ssyncadd.s32 $0xFFFF4000  }
0xc1: {  	[hbm4b:s1+s2] =	stream.linear.scatter [tilespmem:s2], [sflag:$0x3], $0xC000, $0x38;
	[tilespmem:$0x18000] =	vst v63  }
0xc2: {  	_ =	swait.ge [sflag:s9], $0xC000  }
0xc3: {  	[sflag:s9] =	ssyncset.done $0x0  }
0xc4: {  	s1 =	rddreg [dreg:$0x1d];
	[sflag:s9] =	ssyncadd.s32 $0xFFFF4000  }
0xc5: {  	[tilespmem:s2], [sflag:$0x1] =	stream.strided.gather [hbm4b:s1+s13], $0xC000, s17, s13, $0x38;
	[tilespmem:$0x18000] =	vst v63  }
0xc6: {  	_ =	swait.ge [sflag:s14], $0xC000  }
0xc7: {  	[sflag:s14] =	ssyncset.done $0x0  }
0xc8: {  	s1 =	rddreg [dreg:$0x1e];
	[sflag:s14] =	ssyncadd.s32 $0xFFFF4000  }
0xc9: {  	[hbm4b:s1+s2] =	stream.linear.scatter [tilespmem:s10], [sflag:$0x4], $0xC000, $0x38;
	[tilespmem:$0x18000] =	vst v63  }
0xca: {  	_ =	swait.ge [sflag:s8], $0xC000  }
0xcb: {  	[sflag:s8] =	ssyncset.done $0x0  }
0xcc: {  	s1 =	rddreg [dreg:$0x1f];
	[sflag:s8] =	ssyncadd.s32 $0xFFFF4000  }
0xcd: {  	[tilespmem:s10], [sflag:$0x2] =	stream.strided.gather [hbm4b:s1+s13], $0xC000, s17, s13, $0x38;
	[tilespmem:$0x18000] =	vst v63  }
0xce: {  	_ =	swait.ge [sflag:s15], $0xC000  }
0xcf: {  	s1 =	sld [smem:$0x7F1]  }
0xd0: {  	[sflag:s15] =	ssyncset.done $0x0  }
0xd1: {  	[sflag:s15] =	ssyncadd.s32 $0xFFFF4000  }
0xd2: {  	[hbm4b:s1+s2] =	stream.linear.scatter [tilespmem:s2], [sflag:$0x3], $0xC000, $0x38;
	[tilespmem:$0x18000] =	vst v63  }
0xd3: {  	_ =	swait.ge [sflag:s9], $0xC000  }
0xd4: {  	s1 =	sld [smem:$0x7F2]  }
0xd5: {  	[sflag:s9] =	ssyncset.done $0x0  }
0xd6: {  	[sflag:s9] =	ssyncadd.s32 $0xFFFF4000  }
0xd7: {  	[tilespmem:s2], [sflag:$0x1] =	stream.strided.gather [hbm4b:s1+s13], $0xC000, s17, s13, $0x38;
	[tilespmem:$0x18000] =	vst v63  }
0xd8: {  	_ =	swait.ge [sflag:s14], $0xC000  }
0xd9: {  	s1 =	sld [smem:$0x7F3]  }
0xda: {  	[sflag:s14] =	ssyncset.done $0x0  }
0xdb: {  	[sflag:s14] =	ssyncadd.s32 $0xFFFF4000  }
0xdc: {  	[hbm4b:s1+s2] =	stream.linear.scatter [tilespmem:s10], [sflag:$0x4], $0xC000, $0x38;
	[tilespmem:$0x18000] =	vst v63  }
0xdd: {  	_ =	swait.ge [sflag:s8], $0xC000  }
0xde: {  	s1 =	sld [smem:$0x7F4]  }
0xdf: {  	[sflag:s8] =	ssyncset.done $0x0  }
0xe0: {  	[sflag:s8] =	ssyncadd.s32 $0xFFFF4000  }
0xe1: {  	[tilespmem:s10], [sflag:$0x2] =	stream.strided.gather [hbm4b:s1+s13], $0xC000, s17, s13, $0x38;
	[tilespmem:$0x18000] =	vst v63  }
0xe2: {  	_ =	swait.ge [sflag:s15], $0xC000  }
0xe3: {  	s1 =	sld [smem:$0x7F5]  }
0xe4: {  	[sflag:s15] =	ssyncset.done $0x0  }
0xe5: {  	[sflag:s15] =	ssyncadd.s32 $0xFFFF4000  }
0xe6: {  	[hbm4b:s1+s2] =	stream.linear.scatter [tilespmem:s2], [sflag:$0x3], $0xC000, $0x38;
	[tilespmem:$0x18000] =	vst v63  }
0xe7: {  	_ =	swait.ge [sflag:s9], $0xC000  }
0xe8: {  	s1 =	sld [smem:$0x7F6]  }
0xe9: {  	[sflag:s9] =	ssyncset.done $0x0  }
0xea: {  	[sflag:s9] =	ssyncadd.s32 $0xFFFF4000  }
0xeb: {  	[tilespmem:s2], [sflag:$0x1] =	stream.strided.gather [hbm4b:s1+s13], $0xC000, s17, s13, $0x38;
	[tilespmem:$0x18000] =	vst v63  }
0xec: {  	_ =	swait.ge [sflag:s14], $0xC000  }
0xed: {  	s1 =	sld [smem:$0x7F7]  }
0xee: {  	[sflag:s14] =	ssyncset.done $0x0  }
0xef: {  	[sflag:s14] =	ssyncadd.s32 $0xFFFF4000  }
0xf0: {  	[hbm4b:s1+s2] =	stream.linear.scatter [tilespmem:s10], [sflag:$0x4], $0xC000, $0x38;
	[tilespmem:$0x18000] =	vst v63  }
0xf1: {  	_ =	swait.ge [sflag:s8], $0xC000  }
0xf2: {  	s1 =	sld [smem:$0x7F8]  }
0xf3: {  	[sflag:s8] =	ssyncset.done $0x0  }
0xf4: {  	[sflag:s8] =	ssyncadd.s32 $0xFFFF4000  }
0xf5: {  	[tilespmem:s10], [sflag:$0x2] =	stream.strided.gather [hbm4b:s1+s13], $0xC000, s17, s13, $0x38;
	[tilespmem:$0x18000] =	vst v63  }
0xf6: {  	_ =	swait.ge [sflag:s15], $0xC000  }
0xf7: {  	s1 =	sld [smem:$0x7F9]  }
0xf8: {  	[sflag:s15] =	ssyncset.done $0x0  }
0xf9: {  	[sflag:s15] =	ssyncadd.s32 $0xFFFF4000  }
0xfa: {  	[hbm4b:s1+s2] =	stream.linear.scatter [tilespmem:s2], [sflag:$0x3], $0xC000, $0x38;
	[tilespmem:$0x18000] =	vst v63  }
0xfb: {  	_ =	swait.ge [sflag:s9], $0xC000  }
0xfc: {  	s1 =	sld [smem:$0x7FA]  }
0xfd: {  	[sflag:s9] =	ssyncset.done $0x0  }
0xfe: {  	[sflag:s9] =	ssyncadd.s32 $0xFFFF4000  }
0xff: {  	[tilespmem:s2], [sflag:$0x1] =	stream.strided.gather [hbm4b:s1+s13], $0xC000, s17, s13, $0x38;
	[tilespmem:$0x18000] =	vst v63  }
0x100: {  	_ =	swait.ge [sflag:s14], $0xC000  }
0x101: {  	s1 =	sld [smem:$0x7FB]  }
0x102: {  	[sflag:s14] =	ssyncset.done $0x0  }
0x103: {  	[sflag:s14] =	ssyncadd.s32 $0xFFFF4000  }
0x104: {  	[hbm4b:s1+s2] =	stream.linear.scatter [tilespmem:s10], [sflag:$0x4], $0xC000, $0x38;
	[tilespmem:$0x18000] =	vst v63  }
0x105: {  	_ =	swait.ge [sflag:s8], $0xC000  }
0x106: {  	s1 =	sld [smem:$0x7FC]  }
0x107: {  	[sflag:s8] =	ssyncset.done $0x0  }
0x108: {  	[sflag:s8] =	ssyncadd.s32 $0xFFFF4000  }
0x109: {  	[tilespmem:s10], [sflag:$0x2] =	stream.strided.gather [hbm4b:s1+s13], $0xC000, s17, s13, $0x38;
	[tilespmem:$0x18000] =	vst v63  }
0x10a: {  	_ =	swait.ge [sflag:s15], $0xC000  }
0x10b: {  	s1 =	sld [smem:$0x7FD]  }
0x10c: {  	[sflag:s15] =	ssyncset.done $0x0  }
0x10d: {  	[sflag:s15] =	ssyncadd.s32 $0xFFFF4000  }
0x10e: {  	[hbm4b:s1+s2] =	stream.linear.scatter [tilespmem:s2], [sflag:$0x3], $0xC000, $0x38;
	[tilespmem:$0x18000] =	vst v63  }
0x10f: {  	_ =	swait.ge [sflag:s9], $0xC000  }
0x110: {  	[sflag:s9] =	ssyncset.done $0x0  }
0x111: {  	[sflag:s9] =	ssyncadd.s32 $0xFFFF4000  }
0x112: {  	[tilespmem:s2], [sflag:$0x1] =	stream.strided.gather [hbm4b:s25+s13], $0xC000, s17, s13, $0x38;
	[tilespmem:$0x18000] =	vst v63  }
0x113: {  	_ =	swait.ge [sflag:s14], $0xC000  }
0x114: {  	[sflag:s14] =	ssyncset.done $0x0  }
0x115: {  	[sflag:s14] =	ssyncadd.s32 $0xFFFF4000  }
0x116: {  	[hbm4b:s31+s2] =	stream.linear.scatter [tilespmem:s10], [sflag:$0x4], $0xC000, $0x38;
	[tilespmem:$0x18000] =	vst v63  }
0x117: {  	_ =	swait.ge [sflag:s8], $0xC000  }
0x118: {  	[sflag:s8] =	ssyncset.done $0x0  }
0x119: {  	[sflag:s8] =	ssyncadd.s32 $0xFFFF4000  }
0x11a: {  	[tilespmem:s10], [sflag:$0x2] =	stream.strided.gather [hbm4b:s23+s13], $0xC000, s17, s13, $0x38;
	[tilespmem:$0x18000] =	vst v63  }
0x11b: {  	_ =	swait.ge [sflag:s15], $0xC000  }
0x11c: {  	[sflag:s15] =	ssyncset.done $0x0  }
0x11d: {  	[sflag:s15] =	ssyncadd.s32 $0xFFFF4000  }
0x11e: {  	[hbm4b:s30+s2] =	stream.linear.scatter [tilespmem:s2], [sflag:$0x3], $0xC000, $0x38;
	[tilespmem:$0x18000] =	vst v63  }
0x11f: {  	_ =	swait.ge [sflag:s9], $0xC000  }
0x120: {  	[sflag:s9] =	ssyncset.done $0x0  }
0x121: {  	[sflag:s9] =	ssyncadd.s32 $0xFFFF4000  }
0x122: {  	[tilespmem:s2], [sflag:$0x1] =	stream.strided.gather [hbm4b:s21+s13], $0xC000, s17, s13, $0x38;
	[tilespmem:$0x18000] =	vst v63  }
0x123: {  	_ =	swait.ge [sflag:s14], $0xC000  }
0x124: {  	[sflag:s14] =	ssyncset.done $0x0  }
0x125: {  	[sflag:s14] =	ssyncadd.s32 $0xFFFF4000  }
0x126: {  	[hbm4b:s29+s2] =	stream.linear.scatter [tilespmem:s10], [sflag:$0x4], $0xC000, $0x38;
	[tilespmem:$0x18000] =	vst v63  }
0x127: {  	_ =	swait.ge [sflag:s8], $0xC000  }
0x128: {  	[sflag:s8] =	ssyncset.done $0x0  }
0x129: {  	[sflag:s8] =	ssyncadd.s32 $0xFFFF4000  }
0x12a: {  	[tilespmem:s10], [sflag:$0x2] =	stream.strided.gather [hbm4b:s20+s13], $0xC000, s17, s13, $0x38;
	[tilespmem:$0x18000] =	vst v63  }
0x12b: {  	_ =	swait.ge [sflag:s15], $0xC000  }
0x12c: {  	[sflag:s15] =	ssyncset.done $0x0  }
0x12d: {  	[sflag:s15] =	ssyncadd.s32 $0xFFFF4000  }
0x12e: {  	[hbm4b:s28+s2] =	stream.linear.scatter [tilespmem:s2], [sflag:$0x3], $0xC000, $0x38;
	[tilespmem:$0x18000] =	vst v63  }
0x12f: {  	_ =	swait.ge [sflag:s9], $0xC000  }
0x130: {  	[sflag:s9] =	ssyncset.done $0x0  }
0x131: {  	[sflag:s9] =	ssyncadd.s32 $0xFFFF4000  }
0x132: {  	[tilespmem:s2], [sflag:$0x1] =	stream.strided.gather [hbm4b:s18+s13], $0xC000, s17, s13, $0x38;
	[tilespmem:$0x18000] =	vst v63  }
0x133: {  	_ =	swait.ge [sflag:s14], $0xC000  }
0x134: {  	[sflag:s14] =	ssyncset.done $0x0  }
0x135: {  	[sflag:s14] =	ssyncadd.s32 $0xFFFF4000  }
0x136: {  	[hbm4b:s26+s2] =	stream.linear.scatter [tilespmem:s10], [sflag:$0x4], $0xC000, $0x38;
	[tilespmem:$0x18000] =	vst v63  }
0x137: {  	_ =	swait.ge [sflag:s8], $0xC000  }
0x138: {  	[sflag:s8] =	ssyncset.done $0x0  }
0x139: {  	[sflag:s8] =	ssyncadd.s32 $0xFFFF4000  }
0x13a: {  	[tilespmem:s10], [sflag:$0x2] =	stream.strided.gather [hbm4b:s16+s13], $0xC000, s17, s13, $0x38;
	[tilespmem:$0x18000] =	vst v63  }
0x13b: {  	_ =	swait.ge [sflag:s15], $0xC000  }
0x13c: {  	[sflag:s15] =	ssyncset.done $0x0  }
0x13d: {  	[sflag:s15] =	ssyncadd.s32 $0xFFFF4000  }
0x13e: {  	[hbm4b:s24+s2] =	stream.linear.scatter [tilespmem:s2], [sflag:$0x3], $0xC000, $0x38;
	[tilespmem:$0x18000] =	vst v63  }
0x13f: {  	_ =	swait.ge [sflag:s9], $0xC000  }
0x140: {  	[sflag:s9] =	ssyncset.done $0x0  }
0x141: {  	[sflag:s9] =	ssyncadd.s32 $0xFFFF4000  }
0x142: {  	[tilespmem:s2], [sflag:$0x1] =	stream.strided.gather [hbm4b:s11+s13], $0xC000, s17, s13, $0x38;
	[tilespmem:$0x18000] =	vst v63  }
0x143: {  	_ =	swait.ge [sflag:s14], $0xC000  }
0x144: {  	[sflag:s14] =	ssyncset.done $0x0  }
0x145: {  	[sflag:s14] =	ssyncadd.s32 $0xFFFF4000  }
0x146: {  	[hbm4b:s22+s2] =	stream.linear.scatter [tilespmem:s10], [sflag:$0x4], $0xC000, $0x38;
	[tilespmem:$0x18000] =	vst v63  }
0x147: {  	_ =	swait.ge [sflag:s8], $0xC000  }
0x148: {  	[sflag:s8] =	ssyncset.done $0x0  }
0x149: {  	[sflag:s8] =	ssyncadd.s32 $0xFFFF4000  }
0x14a: {  	[tilespmem:s10], [sflag:$0x2] =	stream.strided.gather [hbm4b:s7+s13], $0xC000, s17, s13, $0x38;
	[tilespmem:$0x18000] =	vst v63  }
0x14b: {  	_ =	swait.ge [sflag:s15], $0xC000  }
0x14c: {  	[sflag:s15] =	ssyncset.done $0x0  }
0x14d: {  	[sflag:s15] =	ssyncadd.s32 $0xFFFF4000  }
0x14e: {  	[hbm4b:s19+s2] =	stream.linear.scatter [tilespmem:s2], [sflag:$0x3], $0xC000, $0x38;
	[tilespmem:$0x18000] =	vst v63  }
0x14f: {  	_ =	swait.ge [sflag:s9], $0xC000  }
0x150: {  	[sflag:s9] =	ssyncset.done $0x0  }
0x151: {  	[sflag:s9] =	ssyncadd.s32 $0xFFFF4000  }
0x152: {  	[tilespmem:s2], [sflag:$0x1] =	stream.strided.gather [hbm4b:s4+s13], $0xC000, s17, s13, $0x38;
	[tilespmem:$0x18000] =	vst v63  }
0x153: {  	_ =	swait.ge [sflag:s14], $0xC000  }
0x154: {  	[sflag:s14] =	ssyncset.done $0x0  }
0x155: {  	[sflag:s14] =	ssyncadd.s32 $0xFFFF4000  }
0x156: {  	[hbm4b:s12+s2] =	stream.linear.scatter [tilespmem:s10], [sflag:$0x4], $0xC000, $0x38;
	[tilespmem:$0x18000] =	vst v63  }
0x157: {  	_ =	swait.ge [sflag:s8], $0xC000  }
0x158: {  	[sflag:s8] =	ssyncset.done $0x0  }
0x159: {  	[sflag:s8] =	ssyncadd.s32 $0xFFFF4000  }
0x15a: {  	[tilespmem:s10], [sflag:$0x2] =	stream.strided.gather [hbm4b:s3+s13], $0xC000, s17, s13, $0x38;
	[tilespmem:$0x18000] =	vst v63  }
0x15b: {  	_ =	swait.ge [sflag:s15], $0xC000  }
0x15c: {  	[sflag:s15] =	ssyncset.done $0x0  }
0x15d: {  	[sflag:s15] =	ssyncadd.s32 $0xFFFF4000  }
0x15e: {  	[hbm4b:s6+s2] =	stream.linear.scatter [tilespmem:s2], [sflag:$0x3], $0xC000, $0x38;
	[tilespmem:$0x18000] =	vst v63  }
0x15f: {  	_ =	swait.ge [sflag:s14], $0xC000  }
0x160: {  	[sflag:s14] =	ssyncset.done $0x0  }
0x161: {  	[sflag:s14] =	ssyncadd.s32 $0xFFFF4000  }
0x162: {  	[hbm4b:s5+s2] =	stream.linear.scatter [tilespmem:s10], [sflag:$0x4], $0xC000, $0x38;
	[tilespmem:$0x18000] =	vst v63  }
0x163: {  	_ =	swait.ge [sflag:s9], $0xC000  }
0x164: {  	s1 =	sld [smem:$0x7F0];
	_ =	sdelay $0x2  }
0x165: {  	p1 =	sne.s32 s1, $0x1  }
.Ltmp1:
0x166: {  	_ = 	snop;
	(pc) =	sbr.rel @!p1 .LBB2_3-.Ltmp1, $4  }
0x167: {  	[sflag:s9] =	ssyncset.done $0x0  }
0x168: {  	[sflag:s9] =	ssyncadd.s32 $0xFFFF4000  }
0x169: {  	p0 =	por $0x1, $0x1;
	_ =	swait.ge [sflag:s8], $0xC000  }
0x16a: {  	s0 =	sadd.s32 $0xFFFFFFFF, s1;
	s1 =	rddreg [dreg:$0x2];
	[sflag:s8] =	ssyncset.done $0x0  }
.LBB2_2:
0x16b: {  	p1 =	sne.s32 s0, $0x1;
	s10 =	sadd.s32 $0xFFFFFFFF, s0  }
0x16c: {  	[sflag:s8] =	ssyncadd.s32 $0xFFFF4000;
	s8 =	simm.s32 $0x0;
	s2 =	simm.s32 $0x10800  }
0x16d: {  	s17 =	simm.s32 $0x6000;
	s13 =	simm.s32 $0xC000;
	s0 =	smov.u32 s31  }
0x16e: {  	s31 =	smov.u32 s30;
	s30 =	smov.u32 s29;
	s29 =	smov.u32 s28  }
0x16f: {  	s28 =	smov.u32 s26;
	s26 =	smov.u32 s25;
	s25 =	smov.u32 s24  }
0x170: {  	s24 =	smov.u32 s23;
	s23 =	smov.u32 s22;
	s22 =	smov.u32 s21  }
0x171: {  	s21 =	smov.u32 s20;
	s20 =	smov.u32 s19;
	s19 =	smov.u32 s18  }
0x172: {  	s18 =	smov.u32 s16;
	s16 =	smov.u32 s12;
	s12 =	smov.u32 s11  }
0x173: {  	s11 =	smov.u32 s7;
	s7 =	smov.u32 s6;
	s6 =	smov.u32 s5  }
0x174: {  	[tilespmem:s8], [sflag:$0x1] =	stream.strided.gather [hbm4b:s1+s17], $0xC000, s2, s17, $0x38;
	[tilespmem:$0x18000] =	vst v63  }
0x175: {  	s5 =	smov.u32 s4;
	s4 =	smov.u32 s3;
	s3 =	rddreg [dreg:$0x3]  }
0x176: {  	[tilespmem:s13], [sflag:$0x2] =	stream.strided.gather [hbm4b:s3+s17], $0xC000, s2, s17, $0x38;
	[tilespmem:$0x18000] =	vst v63  }
0x177: {  	s8 =	simm.s32 $0x4;
	s2 =	simm.s32 $0x0;
	s17 =	simm.s32 $0x10800  }
0x178: {  	s13 =	simm.s32 $0x6000;
	s3 =	smov.u32 s4;
	s4 =	smov.u32 s5  }
0x179: {  	s5 =	smov.u32 s6;
	s6 =	smov.u32 s7;
	s7 =	smov.u32 s11  }
0x17a: {  	s11 =	smov.u32 s12;
	s12 =	smov.u32 s16;
	s16 =	smov.u32 s18  }
0x17b: {  	s18 =	smov.u32 s19;
	s19 =	smov.u32 s20;
	_ =	swait.ge [sflag:s15], $0xC000  }
0x17c: {  	s20 =	smov.u32 s21;
	s21 =	smov.u32 s22;
	[sflag:s15] =	ssyncset.done $0x0  }
0x17d: {  	s22 =	smov.u32 s23;
	s1 =	rddreg [dreg:$0x4];
	[sflag:s15] =	ssyncadd.s32 $0xFFFF4000  }
0x17e: {  	[hbm4b:s1+s2] =	stream.linear.scatter [tilespmem:s2], [sflag:$0x3], $0xC000, $0x38;
	[tilespmem:$0x18000] =	vst v63  }
0x17f: {  	s23 =	smov.u32 s24;
	s24 =	smov.u32 s25;
	_ =	swait.ge [sflag:s9], $0xC000  }
0x180: {  	s25 =	smov.u32 s26;
	s26 =	smov.u32 s28;
	[sflag:s9] =	ssyncset.done $0x0  }
0x181: {  	s28 =	smov.u32 s29;
	s1 =	rddreg [dreg:$0x5];
	[sflag:s9] =	ssyncadd.s32 $0xFFFF4000  }
0x182: {  	[tilespmem:s2], [sflag:$0x1] =	stream.strided.gather [hbm4b:s1+s13], $0xC000, s17, s13, $0x38;
	[tilespmem:$0x18000] =	vst v63  }
0x183: {  	s29 =	smov.u32 s30;
	s30 =	smov.u32 s31;
	_ =	swait.ge [sflag:s14], $0xC000  }
0x184: {  	s31 =	smov.u32 s0;
	s0 =	smov.u32 s10;
	[sflag:s14] =	ssyncset.done $0x0  }
0x185: {  	s10 =	simm.s32 $0xC000;
	s1 =	rddreg [dreg:$0x6];
	[sflag:s14] =	ssyncadd.s32 $0xFFFF4000  }
0x186: {  	[hbm4b:s1+s2] =	stream.linear.scatter [tilespmem:s10], [sflag:$0x4], $0xC000, $0x38;
	[tilespmem:$0x18000] =	vst v63  }
0x187: {  	_ =	swait.ge [sflag:s8], $0xC000  }
0x188: {  	[sflag:s8] =	ssyncset.done $0x0  }
0x189: {  	s1 =	rddreg [dreg:$0x7];
	[sflag:s8] =	ssyncadd.s32 $0xFFFF4000  }
0x18a: {  	[tilespmem:s10], [sflag:$0x2] =	stream.strided.gather [hbm4b:s1+s13], $0xC000, s17, s13, $0x38;
	[tilespmem:$0x18000] =	vst v63  }
0x18b: {  	_ =	swait.ge [sflag:s15], $0xC000  }
0x18c: {  	[sflag:s15] =	ssyncset.done $0x0  }
0x18d: {  	s1 =	rddreg [dreg:$0x8];
	[sflag:s15] =	ssyncadd.s32 $0xFFFF4000  }
0x18e: {  	[hbm4b:s1+s2] =	stream.linear.scatter [tilespmem:s2], [sflag:$0x3], $0xC000, $0x38;
	[tilespmem:$0x18000] =	vst v63  }
0x18f: {  	_ =	swait.ge [sflag:s9], $0xC000  }
0x190: {  	[sflag:s9] =	ssyncset.done $0x0  }
0x191: {  	s1 =	rddreg [dreg:$0x9];
	[sflag:s9] =	ssyncadd.s32 $0xFFFF4000  }
0x192: {  	[tilespmem:s2], [sflag:$0x1] =	stream.strided.gather [hbm4b:s1+s13], $0xC000, s17, s13, $0x38;
	[tilespmem:$0x18000] =	vst v63  }
0x193: {  	_ =	swait.ge [sflag:s14], $0xC000  }
0x194: {  	[sflag:s14] =	ssyncset.done $0x0  }
0x195: {  	s1 =	rddreg [dreg:$0xa];
	[sflag:s14] =	ssyncadd.s32 $0xFFFF4000  }
0x196: {  	[hbm4b:s1+s2] =	stream.linear.scatter [tilespmem:s10], [sflag:$0x4], $0xC000, $0x38;
	[tilespmem:$0x18000] =	vst v63  }
0x197: {  	_ =	swait.ge [sflag:s8], $0xC000  }
0x198: {  	[sflag:s8] =	ssyncset.done $0x0  }
0x199: {  	s1 =	rddreg [dreg:$0xb];
	[sflag:s8] =	ssyncadd.s32 $0xFFFF4000  }
0x19a: {  	[tilespmem:s10], [sflag:$0x2] =	stream.strided.gather [hbm4b:s1+s13], $0xC000, s17, s13, $0x38;
	[tilespmem:$0x18000] =	vst v63  }
0x19b: {  	_ =	swait.ge [sflag:s15], $0xC000  }
0x19c: {  	[sflag:s15] =	ssyncset.done $0x0  }
0x19d: {  	s1 =	rddreg [dreg:$0xc];
	[sflag:s15] =	ssyncadd.s32 $0xFFFF4000  }
0x19e: {  	[hbm4b:s1+s2] =	stream.linear.scatter [tilespmem:s2], [sflag:$0x3], $0xC000, $0x38;
	[tilespmem:$0x18000] =	vst v63  }
0x19f: {  	_ =	swait.ge [sflag:s9], $0xC000  }
0x1a0: {  	[sflag:s9] =	ssyncset.done $0x0  }
0x1a1: {  	s1 =	rddreg [dreg:$0xd];
	[sflag:s9] =	ssyncadd.s32 $0xFFFF4000  }
0x1a2: {  	[tilespmem:s2], [sflag:$0x1] =	stream.strided.gather [hbm4b:s1+s13], $0xC000, s17, s13, $0x38;
	[tilespmem:$0x18000] =	vst v63  }
0x1a3: {  	_ =	swait.ge [sflag:s14], $0xC000  }
0x1a4: {  	[sflag:s14] =	ssyncset.done $0x0  }
0x1a5: {  	s1 =	rddreg [dreg:$0xe];
	[sflag:s14] =	ssyncadd.s32 $0xFFFF4000  }
0x1a6: {  	[hbm4b:s1+s2] =	stream.linear.scatter [tilespmem:s10], [sflag:$0x4], $0xC000, $0x38;
	[tilespmem:$0x18000] =	vst v63  }
0x1a7: {  	_ =	swait.ge [sflag:s8], $0xC000  }
0x1a8: {  	[sflag:s8] =	ssyncset.done $0x0  }
0x1a9: {  	s1 =	rddreg [dreg:$0xf];
	[sflag:s8] =	ssyncadd.s32 $0xFFFF4000  }
0x1aa: {  	[tilespmem:s10], [sflag:$0x2] =	stream.strided.gather [hbm4b:s1+s13], $0xC000, s17, s13, $0x38;
	[tilespmem:$0x18000] =	vst v63  }
0x1ab: {  	_ =	swait.ge [sflag:s15], $0xC000  }
0x1ac: {  	[sflag:s15] =	ssyncset.done $0x0  }
0x1ad: {  	s1 =	rddreg [dreg:$0x10];
	[sflag:s15] =	ssyncadd.s32 $0xFFFF4000  }
0x1ae: {  	[hbm4b:s1+s2] =	stream.linear.scatter [tilespmem:s2], [sflag:$0x3], $0xC000, $0x38;
	[tilespmem:$0x18000] =	vst v63  }
0x1af: {  	_ =	swait.ge [sflag:s9], $0xC000  }
0x1b0: {  	[sflag:s9] =	ssyncset.done $0x0  }
0x1b1: {  	s1 =	rddreg [dreg:$0x11];
	[sflag:s9] =	ssyncadd.s32 $0xFFFF4000  }
0x1b2: {  	[tilespmem:s2], [sflag:$0x1] =	stream.strided.gather [hbm4b:s1+s13], $0xC000, s17, s13, $0x38;
	[tilespmem:$0x18000] =	vst v63  }
0x1b3: {  	_ =	swait.ge [sflag:s14], $0xC000  }
0x1b4: {  	[sflag:s14] =	ssyncset.done $0x0  }
0x1b5: {  	s1 =	rddreg [dreg:$0x12];
	[sflag:s14] =	ssyncadd.s32 $0xFFFF4000  }
0x1b6: {  	[hbm4b:s1+s2] =	stream.linear.scatter [tilespmem:s10], [sflag:$0x4], $0xC000, $0x38;
	[tilespmem:$0x18000] =	vst v63  }
0x1b7: {  	_ =	swait.ge [sflag:s8], $0xC000  }
0x1b8: {  	[sflag:s8] =	ssyncset.done $0x0  }
0x1b9: {  	s1 =	rddreg [dreg:$0x13];
	[sflag:s8] =	ssyncadd.s32 $0xFFFF4000  }
0x1ba: {  	[tilespmem:s10], [sflag:$0x2] =	stream.strided.gather [hbm4b:s1+s13], $0xC000, s17, s13, $0x38;
	[tilespmem:$0x18000] =	vst v63  }
0x1bb: {  	_ =	swait.ge [sflag:s15], $0xC000  }
0x1bc: {  	[sflag:s15] =	ssyncset.done $0x0  }
0x1bd: {  	s1 =	rddreg [dreg:$0x14];
	[sflag:s15] =	ssyncadd.s32 $0xFFFF4000  }
0x1be: {  	[hbm4b:s1+s2] =	stream.linear.scatter [tilespmem:s2], [sflag:$0x3], $0xC000, $0x38;
	[tilespmem:$0x18000] =	vst v63  }
0x1bf: {  	_ =	swait.ge [sflag:s9], $0xC000  }
0x1c0: {  	[sflag:s9] =	ssyncset.done $0x0  }
0x1c1: {  	s1 =	rddreg [dreg:$0x15];
	[sflag:s9] =	ssyncadd.s32 $0xFFFF4000  }
0x1c2: {  	[tilespmem:s2], [sflag:$0x1] =	stream.strided.gather [hbm4b:s1+s13], $0xC000, s17, s13, $0x38;
	[tilespmem:$0x18000] =	vst v63  }
0x1c3: {  	_ =	swait.ge [sflag:s14], $0xC000  }
0x1c4: {  	[sflag:s14] =	ssyncset.done $0x0  }
0x1c5: {  	s1 =	rddreg [dreg:$0x16];
	[sflag:s14] =	ssyncadd.s32 $0xFFFF4000  }
0x1c6: {  	[hbm4b:s1+s2] =	stream.linear.scatter [tilespmem:s10], [sflag:$0x4], $0xC000, $0x38;
	[tilespmem:$0x18000] =	vst v63  }
0x1c7: {  	_ =	swait.ge [sflag:s8], $0xC000  }
0x1c8: {  	[sflag:s8] =	ssyncset.done $0x0  }
0x1c9: {  	s1 =	rddreg [dreg:$0x17];
	[sflag:s8] =	ssyncadd.s32 $0xFFFF4000  }
0x1ca: {  	[tilespmem:s10], [sflag:$0x2] =	stream.strided.gather [hbm4b:s1+s13], $0xC000, s17, s13, $0x38;
	[tilespmem:$0x18000] =	vst v63  }
0x1cb: {  	_ =	swait.ge [sflag:s15], $0xC000  }
0x1cc: {  	[sflag:s15] =	ssyncset.done $0x0  }
0x1cd: {  	s1 =	rddreg [dreg:$0x18];
	[sflag:s15] =	ssyncadd.s32 $0xFFFF4000  }
0x1ce: {  	[hbm4b:s1+s2] =	stream.linear.scatter [tilespmem:s2], [sflag:$0x3], $0xC000, $0x38;
	[tilespmem:$0x18000] =	vst v63  }
0x1cf: {  	_ =	swait.ge [sflag:s9], $0xC000  }
0x1d0: {  	[sflag:s9] =	ssyncset.done $0x0  }
0x1d1: {  	s1 =	rddreg [dreg:$0x19];
	[sflag:s9] =	ssyncadd.s32 $0xFFFF4000  }
0x1d2: {  	[tilespmem:s2], [sflag:$0x1] =	stream.strided.gather [hbm4b:s1+s13], $0xC000, s17, s13, $0x38;
	[tilespmem:$0x18000] =	vst v63  }
0x1d3: {  	_ =	swait.ge [sflag:s14], $0xC000  }
0x1d4: {  	[sflag:s14] =	ssyncset.done $0x0  }
0x1d5: {  	s1 =	rddreg [dreg:$0x1a];
	[sflag:s14] =	ssyncadd.s32 $0xFFFF4000  }
0x1d6: {  	[hbm4b:s1+s2] =	stream.linear.scatter [tilespmem:s10], [sflag:$0x4], $0xC000, $0x38;
	[tilespmem:$0x18000] =	vst v63  }
0x1d7: {  	_ =	swait.ge [sflag:s8], $0xC000  }
0x1d8: {  	[sflag:s8] =	ssyncset.done $0x0  }
0x1d9: {  	s1 =	rddreg [dreg:$0x1b];
	[sflag:s8] =	ssyncadd.s32 $0xFFFF4000  }
0x1da: {  	[tilespmem:s10], [sflag:$0x2] =	stream.strided.gather [hbm4b:s1+s13], $0xC000, s17, s13, $0x38;
	[tilespmem:$0x18000] =	vst v63  }
0x1db: {  	_ =	swait.ge [sflag:s15], $0xC000  }
0x1dc: {  	[sflag:s15] =	ssyncset.done $0x0  }
0x1dd: {  	s1 =	rddreg [dreg:$0x1c];
	[sflag:s15] =	ssyncadd.s32 $0xFFFF4000  }
0x1de: {  	[hbm4b:s1+s2] =	stream.linear.scatter [tilespmem:s2], [sflag:$0x3], $0xC000, $0x38;
	[tilespmem:$0x18000] =	vst v63  }
0x1df: {  	_ =	swait.ge [sflag:s9], $0xC000  }
0x1e0: {  	[sflag:s9] =	ssyncset.done $0x0  }
0x1e1: {  	s1 =	rddreg [dreg:$0x1d];
	[sflag:s9] =	ssyncadd.s32 $0xFFFF4000  }
0x1e2: {  	[tilespmem:s2], [sflag:$0x1] =	stream.strided.gather [hbm4b:s1+s13], $0xC000, s17, s13, $0x38;
	[tilespmem:$0x18000] =	vst v63  }
0x1e3: {  	_ =	swait.ge [sflag:s14], $0xC000  }
0x1e4: {  	[sflag:s14] =	ssyncset.done $0x0  }
0x1e5: {  	s1 =	rddreg [dreg:$0x1e];
	[sflag:s14] =	ssyncadd.s32 $0xFFFF4000  }
0x1e6: {  	[hbm4b:s1+s2] =	stream.linear.scatter [tilespmem:s10], [sflag:$0x4], $0xC000, $0x38;
	[tilespmem:$0x18000] =	vst v63  }
0x1e7: {  	_ =	swait.ge [sflag:s8], $0xC000  }
0x1e8: {  	[sflag:s8] =	ssyncset.done $0x0  }
0x1e9: {  	s1 =	rddreg [dreg:$0x1f];
	[sflag:s8] =	ssyncadd.s32 $0xFFFF4000  }
0x1ea: {  	[tilespmem:s10], [sflag:$0x2] =	stream.strided.gather [hbm4b:s1+s13], $0xC000, s17, s13, $0x38;
	[tilespmem:$0x18000] =	vst v63  }
0x1eb: {  	_ =	swait.ge [sflag:s15], $0xC000  }
0x1ec: {  	s1 =	sld [smem:$0x7F1]  }
0x1ed: {  	[sflag:s15] =	ssyncset.done $0x0  }
0x1ee: {  	[sflag:s15] =	ssyncadd.s32 $0xFFFF4000  }
0x1ef: {  	[hbm4b:s1+s2] =	stream.linear.scatter [tilespmem:s2], [sflag:$0x3], $0xC000, $0x38;
	[tilespmem:$0x18000] =	vst v63  }
0x1f0: {  	_ =	swait.ge [sflag:s9], $0xC000  }
0x1f1: {  	s1 =	sld [smem:$0x7F2]  }
0x1f2: {  	[sflag:s9] =	ssyncset.done $0x0  }
0x1f3: {  	[sflag:s9] =	ssyncadd.s32 $0xFFFF4000  }
0x1f4: {  	[tilespmem:s2], [sflag:$0x1] =	stream.strided.gather [hbm4b:s1+s13], $0xC000, s17, s13, $0x38;
	[tilespmem:$0x18000] =	vst v63  }
0x1f5: {  	_ =	swait.ge [sflag:s14], $0xC000  }
0x1f6: {  	s1 =	sld [smem:$0x7F3]  }
0x1f7: {  	[sflag:s14] =	ssyncset.done $0x0  }
0x1f8: {  	[sflag:s14] =	ssyncadd.s32 $0xFFFF4000  }
0x1f9: {  	[hbm4b:s1+s2] =	stream.linear.scatter [tilespmem:s10], [sflag:$0x4], $0xC000, $0x38;
	[tilespmem:$0x18000] =	vst v63  }
0x1fa: {  	_ =	swait.ge [sflag:s8], $0xC000  }
0x1fb: {  	s1 =	sld [smem:$0x7F4]  }
0x1fc: {  	[sflag:s8] =	ssyncset.done $0x0  }
0x1fd: {  	[sflag:s8] =	ssyncadd.s32 $0xFFFF4000  }
0x1fe: {  	[tilespmem:s10], [sflag:$0x2] =	stream.strided.gather [hbm4b:s1+s13], $0xC000, s17, s13, $0x38;
	[tilespmem:$0x18000] =	vst v63  }
0x1ff: {  	_ =	swait.ge [sflag:s15], $0xC000  }
0x200: {  	s1 =	sld [smem:$0x7F5]  }
0x201: {  	[sflag:s15] =	ssyncset.done $0x0  }
0x202: {  	[sflag:s15] =	ssyncadd.s32 $0xFFFF4000  }
0x203: {  	[hbm4b:s1+s2] =	stream.linear.scatter [tilespmem:s2], [sflag:$0x3], $0xC000, $0x38;
	[tilespmem:$0x18000] =	vst v63  }
0x204: {  	_ =	swait.ge [sflag:s9], $0xC000  }
0x205: {  	s1 =	sld [smem:$0x7F6]  }
0x206: {  	[sflag:s9] =	ssyncset.done $0x0  }
0x207: {  	[sflag:s9] =	ssyncadd.s32 $0xFFFF4000  }
0x208: {  	[tilespmem:s2], [sflag:$0x1] =	stream.strided.gather [hbm4b:s1+s13], $0xC000, s17, s13, $0x38;
	[tilespmem:$0x18000] =	vst v63  }
0x209: {  	_ =	swait.ge [sflag:s14], $0xC000  }
0x20a: {  	s1 =	sld [smem:$0x7F7]  }
0x20b: {  	[sflag:s14] =	ssyncset.done $0x0  }
0x20c: {  	[sflag:s14] =	ssyncadd.s32 $0xFFFF4000  }
0x20d: {  	[hbm4b:s1+s2] =	stream.linear.scatter [tilespmem:s10], [sflag:$0x4], $0xC000, $0x38;
	[tilespmem:$0x18000] =	vst v63  }
0x20e: {  	_ =	swait.ge [sflag:s8], $0xC000  }
0x20f: {  	s1 =	sld [smem:$0x7F8]  }
0x210: {  	[sflag:s8] =	ssyncset.done $0x0  }
0x211: {  	[sflag:s8] =	ssyncadd.s32 $0xFFFF4000  }
0x212: {  	[tilespmem:s10], [sflag:$0x2] =	stream.strided.gather [hbm4b:s1+s13], $0xC000, s17, s13, $0x38;
	[tilespmem:$0x18000] =	vst v63  }
0x213: {  	_ =	swait.ge [sflag:s15], $0xC000  }
0x214: {  	s1 =	sld [smem:$0x7F9]  }
0x215: {  	[sflag:s15] =	ssyncset.done $0x0  }
0x216: {  	[sflag:s15] =	ssyncadd.s32 $0xFFFF4000  }
0x217: {  	[hbm4b:s1+s2] =	stream.linear.scatter [tilespmem:s2], [sflag:$0x3], $0xC000, $0x38;
	[tilespmem:$0x18000] =	vst v63  }
0x218: {  	_ =	swait.ge [sflag:s9], $0xC000  }
0x219: {  	s1 =	sld [smem:$0x7FA]  }
0x21a: {  	[sflag:s9] =	ssyncset.done $0x0  }
0x21b: {  	[sflag:s9] =	ssyncadd.s32 $0xFFFF4000  }
0x21c: {  	[tilespmem:s2], [sflag:$0x1] =	stream.strided.gather [hbm4b:s1+s13], $0xC000, s17, s13, $0x38;
	[tilespmem:$0x18000] =	vst v63  }
0x21d: {  	_ =	swait.ge [sflag:s14], $0xC000  }
0x21e: {  	s1 =	sld [smem:$0x7FB]  }
0x21f: {  	[sflag:s14] =	ssyncset.done $0x0  }
0x220: {  	[sflag:s14] =	ssyncadd.s32 $0xFFFF4000  }
0x221: {  	[hbm4b:s1+s2] =	stream.linear.scatter [tilespmem:s10], [sflag:$0x4], $0xC000, $0x38;
	[tilespmem:$0x18000] =	vst v63  }
0x222: {  	_ =	swait.ge [sflag:s8], $0xC000  }
0x223: {  	s1 =	sld [smem:$0x7FC]  }
0x224: {  	[sflag:s8] =	ssyncset.done $0x0  }
0x225: {  	[sflag:s8] =	ssyncadd.s32 $0xFFFF4000  }
0x226: {  	[tilespmem:s10], [sflag:$0x2] =	stream.strided.gather [hbm4b:s1+s13], $0xC000, s17, s13, $0x38;
	[tilespmem:$0x18000] =	vst v63  }
0x227: {  	_ =	swait.ge [sflag:s15], $0xC000  }
0x228: {  	s1 =	sld [smem:$0x7FD]  }
0x229: {  	[sflag:s15] =	ssyncset.done $0x0  }
0x22a: {  	[sflag:s15] =	ssyncadd.s32 $0xFFFF4000  }
0x22b: {  	[hbm4b:s1+s2] =	stream.linear.scatter [tilespmem:s2], [sflag:$0x3], $0xC000, $0x38;
	[tilespmem:$0x18000] =	vst v63  }
0x22c: {  	_ =	swait.ge [sflag:s9], $0xC000  }
0x22d: {  	[sflag:s9] =	ssyncset.done $0x0  }
0x22e: {  	[sflag:s9] =	ssyncadd.s32 $0xFFFF4000  }
0x22f: {  	[tilespmem:s2], [sflag:$0x1] =	stream.strided.gather [hbm4b:s25+s13], $0xC000, s17, s13, $0x38;
	[tilespmem:$0x18000] =	vst v63  }
0x230: {  	_ =	swait.ge [sflag:s14], $0xC000  }
0x231: {  	[sflag:s14] =	ssyncset.done $0x0  }
0x232: {  	[sflag:s14] =	ssyncadd.s32 $0xFFFF4000  }
0x233: {  	[hbm4b:s31+s2] =	stream.linear.scatter [tilespmem:s10], [sflag:$0x4], $0xC000, $0x38;
	[tilespmem:$0x18000] =	vst v63  }
0x234: {  	_ =	swait.ge [sflag:s8], $0xC000  }
0x235: {  	[sflag:s8] =	ssyncset.done $0x0  }
0x236: {  	[sflag:s8] =	ssyncadd.s32 $0xFFFF4000  }
0x237: {  	[tilespmem:s10], [sflag:$0x2] =	stream.strided.gather [hbm4b:s23+s13], $0xC000, s17, s13, $0x38;
	[tilespmem:$0x18000] =	vst v63  }
0x238: {  	_ =	swait.ge [sflag:s15], $0xC000  }
0x239: {  	[sflag:s15] =	ssyncset.done $0x0  }
0x23a: {  	[sflag:s15] =	ssyncadd.s32 $0xFFFF4000  }
0x23b: {  	[hbm4b:s30+s2] =	stream.linear.scatter [tilespmem:s2], [sflag:$0x3], $0xC000, $0x38;
	[tilespmem:$0x18000] =	vst v63  }
0x23c: {  	_ =	swait.ge [sflag:s9], $0xC000  }
0x23d: {  	[sflag:s9] =	ssyncset.done $0x0  }
0x23e: {  	[sflag:s9] =	ssyncadd.s32 $0xFFFF4000  }
0x23f: {  	[tilespmem:s2], [sflag:$0x1] =	stream.strided.gather [hbm4b:s21+s13], $0xC000, s17, s13, $0x38;
	[tilespmem:$0x18000] =	vst v63  }
0x240: {  	_ =	swait.ge [sflag:s14], $0xC000  }
0x241: {  	[sflag:s14] =	ssyncset.done $0x0  }
0x242: {  	[sflag:s14] =	ssyncadd.s32 $0xFFFF4000  }
0x243: {  	[hbm4b:s29+s2] =	stream.linear.scatter [tilespmem:s10], [sflag:$0x4], $0xC000, $0x38;
	[tilespmem:$0x18000] =	vst v63  }
0x244: {  	_ =	swait.ge [sflag:s8], $0xC000  }
0x245: {  	[sflag:s8] =	ssyncset.done $0x0  }
0x246: {  	[sflag:s8] =	ssyncadd.s32 $0xFFFF4000  }
0x247: {  	[tilespmem:s10], [sflag:$0x2] =	stream.strided.gather [hbm4b:s20+s13], $0xC000, s17, s13, $0x38;
	[tilespmem:$0x18000] =	vst v63  }
0x248: {  	_ =	swait.ge [sflag:s15], $0xC000  }
0x249: {  	[sflag:s15] =	ssyncset.done $0x0  }
0x24a: {  	[sflag:s15] =	ssyncadd.s32 $0xFFFF4000  }
0x24b: {  	[hbm4b:s28+s2] =	stream.linear.scatter [tilespmem:s2], [sflag:$0x3], $0xC000, $0x38;
	[tilespmem:$0x18000] =	vst v63  }
0x24c: {  	_ =	swait.ge [sflag:s9], $0xC000  }
0x24d: {  	[sflag:s9] =	ssyncset.done $0x0  }
0x24e: {  	[sflag:s9] =	ssyncadd.s32 $0xFFFF4000  }
0x24f: {  	[tilespmem:s2], [sflag:$0x1] =	stream.strided.gather [hbm4b:s18+s13], $0xC000, s17, s13, $0x38;
	[tilespmem:$0x18000] =	vst v63  }
0x250: {  	_ =	swait.ge [sflag:s14], $0xC000  }
0x251: {  	[sflag:s14] =	ssyncset.done $0x0  }
0x252: {  	[sflag:s14] =	ssyncadd.s32 $0xFFFF4000  }
0x253: {  	[hbm4b:s26+s2] =	stream.linear.scatter [tilespmem:s10], [sflag:$0x4], $0xC000, $0x38;
	[tilespmem:$0x18000] =	vst v63  }
0x254: {  	_ =	swait.ge [sflag:s8], $0xC000  }
0x255: {  	[sflag:s8] =	ssyncset.done $0x0  }
0x256: {  	[sflag:s8] =	ssyncadd.s32 $0xFFFF4000  }
0x257: {  	[tilespmem:s10], [sflag:$0x2] =	stream.strided.gather [hbm4b:s16+s13], $0xC000, s17, s13, $0x38;
	[tilespmem:$0x18000] =	vst v63  }
0x258: {  	_ =	swait.ge [sflag:s15], $0xC000  }
0x259: {  	[sflag:s15] =	ssyncset.done $0x0  }
0x25a: {  	[sflag:s15] =	ssyncadd.s32 $0xFFFF4000  }
0x25b: {  	[hbm4b:s24+s2] =	stream.linear.scatter [tilespmem:s2], [sflag:$0x3], $0xC000, $0x38;
	[tilespmem:$0x18000] =	vst v63  }
0x25c: {  	_ =	swait.ge [sflag:s9], $0xC000  }
0x25d: {  	[sflag:s9] =	ssyncset.done $0x0  }
0x25e: {  	[sflag:s9] =	ssyncadd.s32 $0xFFFF4000  }
0x25f: {  	[tilespmem:s2], [sflag:$0x1] =	stream.strided.gather [hbm4b:s11+s13], $0xC000, s17, s13, $0x38;
	[tilespmem:$0x18000] =	vst v63  }
0x260: {  	_ =	swait.ge [sflag:s14], $0xC000  }
0x261: {  	[sflag:s14] =	ssyncset.done $0x0  }
0x262: {  	[sflag:s14] =	ssyncadd.s32 $0xFFFF4000  }
0x263: {  	[hbm4b:s22+s2] =	stream.linear.scatter [tilespmem:s10], [sflag:$0x4], $0xC000, $0x38;
	[tilespmem:$0x18000] =	vst v63  }
0x264: {  	_ =	swait.ge [sflag:s8], $0xC000  }
0x265: {  	[sflag:s8] =	ssyncset.done $0x0  }
0x266: {  	[sflag:s8] =	ssyncadd.s32 $0xFFFF4000  }
0x267: {  	[tilespmem:s10], [sflag:$0x2] =	stream.strided.gather [hbm4b:s7+s13], $0xC000, s17, s13, $0x38;
	[tilespmem:$0x18000] =	vst v63  }
0x268: {  	_ =	swait.ge [sflag:s15], $0xC000  }
0x269: {  	[sflag:s15] =	ssyncset.done $0x0  }
0x26a: {  	[sflag:s15] =	ssyncadd.s32 $0xFFFF4000  }
0x26b: {  	[hbm4b:s19+s2] =	stream.linear.scatter [tilespmem:s2], [sflag:$0x3], $0xC000, $0x38;
	[tilespmem:$0x18000] =	vst v63  }
0x26c: {  	_ =	swait.ge [sflag:s9], $0xC000  }
0x26d: {  	[sflag:s9] =	ssyncset.done $0x0  }
0x26e: {  	[sflag:s9] =	ssyncadd.s32 $0xFFFF4000  }
0x26f: {  	[tilespmem:s2], [sflag:$0x1] =	stream.strided.gather [hbm4b:s4+s13], $0xC000, s17, s13, $0x38;
	[tilespmem:$0x18000] =	vst v63  }
0x270: {  	_ =	swait.ge [sflag:s14], $0xC000  }
0x271: {  	[sflag:s14] =	ssyncset.done $0x0  }
0x272: {  	[sflag:s14] =	ssyncadd.s32 $0xFFFF4000  }
0x273: {  	[hbm4b:s12+s2] =	stream.linear.scatter [tilespmem:s10], [sflag:$0x4], $0xC000, $0x38;
	[tilespmem:$0x18000] =	vst v63  }
0x274: {  	_ =	swait.ge [sflag:s8], $0xC000  }
0x275: {  	[sflag:s8] =	ssyncset.done $0x0  }
0x276: {  	[sflag:s8] =	ssyncadd.s32 $0xFFFF4000  }
0x277: {  	[tilespmem:s10], [sflag:$0x2] =	stream.strided.gather [hbm4b:s3+s13], $0xC000, s17, s13, $0x38;
	[tilespmem:$0x18000] =	vst v63  }
0x278: {  	_ =	swait.ge [sflag:s15], $0xC000  }
0x279: {  	[sflag:s15] =	ssyncset.done $0x0  }
0x27a: {  	[sflag:s15] =	ssyncadd.s32 $0xFFFF4000  }
0x27b: {  	[hbm4b:s6+s2] =	stream.linear.scatter [tilespmem:s2], [sflag:$0x3], $0xC000, $0x38;
	[tilespmem:$0x18000] =	vst v63  }
0x27c: {  	_ =	swait.ge [sflag:s14], $0xC000  }
0x27d: {  	[sflag:s14] =	ssyncset.done $0x0  }
0x27e: {  	[sflag:s14] =	ssyncadd.s32 $0xFFFF4000  }
0x27f: {  	[hbm4b:s5+s2] =	stream.linear.scatter [tilespmem:s10], [sflag:$0x4], $0xC000, $0x38;
	[tilespmem:$0x18000] =	vst v63  }
.Ltmp2:
0x280: {  	_ =	swait.ge [sflag:s9], $0xC000;
	(pc) =	sbr.rel @p1 .LBB2_2-.Ltmp2, $4  }
0x281: {  	[sflag:s9] =	ssyncset.done $0x0  }
0x282: {  	[sflag:s9] =	ssyncadd.s32 $0xFFFF4000  }
0x283: {  	_ =	swait.ge [sflag:s8], $0xC000  }
0x284: {  	s1 =	rddreg [dreg:$0x2];
	[sflag:s8] =	ssyncset.done $0x0  }
.LBB2_3:
0x285: {  	[sflag:s8] =	ssyncadd.s32 @p0 $0xFFFF4000  }
0x286: {  	[tilespmem:s2], [sflag:$0x1] =	stream.strided.gather [hbm4b:s1+s13], $0xC000, s17, s13, $0x38;
	[tilespmem:$0x18000] =	vst v63  }
0x287: {  	s0 =	rddreg [dreg:$0x3]  }
0x288: {  	[tilespmem:s10], [sflag:$0x2] =	stream.strided.gather [hbm4b:s0+s13], $0xC000, s17, s13, $0x38;
	[tilespmem:$0x18000] =	vst v63  }
0x289: {  	_ =	swait.ge [sflag:s15], $0xC000  }
0x28a: {  	[sflag:s15] =	ssyncset.done $0x0  }
0x28b: {  	s1 =	rddreg [dreg:$0x4];
	[sflag:s15] =	ssyncadd.s32 $0xFFFF4000  }
0x28c: {  	[hbm4b:s1+s2] =	stream.linear.scatter [tilespmem:s2], [sflag:$0x3], $0xC000, $0x38;
	[tilespmem:$0x18000] =	vst v63  }
0x28d: {  	_ =	swait.ge [sflag:s9], $0xC000  }
0x28e: {  	[sflag:s9] =	ssyncset.done $0x0  }
0x28f: {  	s1 =	rddreg [dreg:$0x5];
	[sflag:s9] =	ssyncadd.s32 $0xFFFF4000  }
0x290: {  	[tilespmem:s2], [sflag:$0x1] =	stream.strided.gather [hbm4b:s1+s13], $0xC000, s17, s13, $0x38;
	[tilespmem:$0x18000] =	vst v63  }
0x291: {  	_ =	swait.ge [sflag:s14], $0xC000  }
0x292: {  	[sflag:s14] =	ssyncset.done $0x0  }
0x293: {  	s1 =	rddreg [dreg:$0x6];
	[sflag:s14] =	ssyncadd.s32 $0xFFFF4000  }
0x294: {  	[hbm4b:s1+s2] =	stream.linear.scatter [tilespmem:s10], [sflag:$0x4], $0xC000, $0x38;
	[tilespmem:$0x18000] =	vst v63  }
0x295: {  	_ =	swait.ge [sflag:s8], $0xC000  }
0x296: {  	[sflag:s8] =	ssyncset.done $0x0  }
0x297: {  	s1 =	rddreg [dreg:$0x7];
	[sflag:s8] =	ssyncadd.s32 $0xFFFF4000  }
0x298: {  	[tilespmem:s10], [sflag:$0x2] =	stream.strided.gather [hbm4b:s1+s13], $0xC000, s17, s13, $0x38;
	[tilespmem:$0x18000] =	vst v63  }
0x299: {  	_ =	swait.ge [sflag:s15], $0xC000  }
0x29a: {  	[sflag:s15] =	ssyncset.done $0x0  }
0x29b: {  	s1 =	rddreg [dreg:$0x8];
	[sflag:s15] =	ssyncadd.s32 $0xFFFF4000  }
0x29c: {  	[hbm4b:s1+s2] =	stream.linear.scatter [tilespmem:s2], [sflag:$0x3], $0xC000, $0x38;
	[tilespmem:$0x18000] =	vst v63  }
0x29d: {  	_ =	swait.ge [sflag:s9], $0xC000  }
0x29e: {  	[sflag:s9] =	ssyncset.done $0x0  }
0x29f: {  	s1 =	rddreg [dreg:$0x9];
	[sflag:s9] =	ssyncadd.s32 $0xFFFF4000  }
0x2a0: {  	[tilespmem:s2], [sflag:$0x1] =	stream.strided.gather [hbm4b:s1+s13], $0xC000, s17, s13, $0x38;
	[tilespmem:$0x18000] =	vst v63  }
0x2a1: {  	_ =	swait.ge [sflag:s14], $0xC000  }
0x2a2: {  	[sflag:s14] =	ssyncset.done $0x0  }
0x2a3: {  	s1 =	rddreg [dreg:$0xa];
	[sflag:s14] =	ssyncadd.s32 $0xFFFF4000  }
0x2a4: {  	[hbm4b:s1+s2] =	stream.linear.scatter [tilespmem:s10], [sflag:$0x4], $0xC000, $0x38;
	[tilespmem:$0x18000] =	vst v63  }
0x2a5: {  	_ =	swait.ge [sflag:s8], $0xC000  }
0x2a6: {  	[sflag:s8] =	ssyncset.done $0x0  }
0x2a7: {  	s1 =	rddreg [dreg:$0xb];
	[sflag:s8] =	ssyncadd.s32 $0xFFFF4000  }
0x2a8: {  	[tilespmem:s10], [sflag:$0x2] =	stream.strided.gather [hbm4b:s1+s13], $0xC000, s17, s13, $0x38;
	[tilespmem:$0x18000] =	vst v63  }
0x2a9: {  	_ =	swait.ge [sflag:s15], $0xC000  }
0x2aa: {  	[sflag:s15] =	ssyncset.done $0x0  }
0x2ab: {  	s1 =	rddreg [dreg:$0xc];
	[sflag:s15] =	ssyncadd.s32 $0xFFFF4000  }
0x2ac: {  	[hbm4b:s1+s2] =	stream.linear.scatter [tilespmem:s2], [sflag:$0x3], $0xC000, $0x38;
	[tilespmem:$0x18000] =	vst v63  }
0x2ad: {  	_ =	swait.ge [sflag:s9], $0xC000  }
0x2ae: {  	[sflag:s9] =	ssyncset.done $0x0  }
0x2af: {  	s1 =	rddreg [dreg:$0xd];
	[sflag:s9] =	ssyncadd.s32 $0xFFFF4000  }
0x2b0: {  	[tilespmem:s2], [sflag:$0x1] =	stream.strided.gather [hbm4b:s1+s13], $0xC000, s17, s13, $0x38;
	[tilespmem:$0x18000] =	vst v63  }
0x2b1: {  	_ =	swait.ge [sflag:s14], $0xC000  }
0x2b2: {  	[sflag:s14] =	ssyncset.done $0x0  }
0x2b3: {  	s1 =	rddreg [dreg:$0xe];
	[sflag:s14] =	ssyncadd.s32 $0xFFFF4000  }
0x2b4: {  	[hbm4b:s1+s2] =	stream.linear.scatter [tilespmem:s10], [sflag:$0x4], $0xC000, $0x38;
	[tilespmem:$0x18000] =	vst v63  }
0x2b5: {  	_ =	swait.ge [sflag:s8], $0xC000  }
0x2b6: {  	[sflag:s8] =	ssyncset.done $0x0  }
0x2b7: {  	s1 =	rddreg [dreg:$0xf];
	[sflag:s8] =	ssyncadd.s32 $0xFFFF4000  }
0x2b8: {  	[tilespmem:s10], [sflag:$0x2] =	stream.strided.gather [hbm4b:s1+s13], $0xC000, s17, s13, $0x38;
	[tilespmem:$0x18000] =	vst v63  }
0x2b9: {  	_ =	swait.ge [sflag:s15], $0xC000  }
0x2ba: {  	[sflag:s15] =	ssyncset.done $0x0  }
0x2bb: {  	s1 =	rddreg [dreg:$0x10];
	[sflag:s15] =	ssyncadd.s32 $0xFFFF4000  }
0x2bc: {  	[hbm4b:s1+s2] =	stream.linear.scatter [tilespmem:s2], [sflag:$0x3], $0xC000, $0x38;
	[tilespmem:$0x18000] =	vst v63  }
0x2bd: {  	_ =	swait.ge [sflag:s9], $0xC000  }
0x2be: {  	[sflag:s9] =	ssyncset.done $0x0  }
0x2bf: {  	s1 =	rddreg [dreg:$0x11];
	[sflag:s9] =	ssyncadd.s32 $0xFFFF4000  }
0x2c0: {  	[tilespmem:s2], [sflag:$0x1] =	stream.strided.gather [hbm4b:s1+s13], $0xC000, s17, s13, $0x38;
	[tilespmem:$0x18000] =	vst v63  }
0x2c1: {  	_ =	swait.ge [sflag:s14], $0xC000  }
0x2c2: {  	[sflag:s14] =	ssyncset.done $0x0  }
0x2c3: {  	s1 =	rddreg [dreg:$0x12];
	[sflag:s14] =	ssyncadd.s32 $0xFFFF4000  }
0x2c4: {  	[hbm4b:s1+s2] =	stream.linear.scatter [tilespmem:s10], [sflag:$0x4], $0xC000, $0x38;
	[tilespmem:$0x18000] =	vst v63  }
0x2c5: {  	_ =	swait.ge [sflag:s8], $0xC000  }
0x2c6: {  	[sflag:s8] =	ssyncset.done $0x0  }
0x2c7: {  	s1 =	rddreg [dreg:$0x13];
	[sflag:s8] =	ssyncadd.s32 $0xFFFF4000  }
0x2c8: {  	[tilespmem:s10], [sflag:$0x2] =	stream.strided.gather [hbm4b:s1+s13], $0xC000, s17, s13, $0x38;
	[tilespmem:$0x18000] =	vst v63  }
0x2c9: {  	_ =	swait.ge [sflag:s15], $0xC000  }
0x2ca: {  	[sflag:s15] =	ssyncset.done $0x0  }
0x2cb: {  	s1 =	rddreg [dreg:$0x14];
	[sflag:s15] =	ssyncadd.s32 $0xFFFF4000  }
0x2cc: {  	[hbm4b:s1+s2] =	stream.linear.scatter [tilespmem:s2], [sflag:$0x3], $0xC000, $0x38;
	[tilespmem:$0x18000] =	vst v63  }
0x2cd: {  	_ =	swait.ge [sflag:s9], $0xC000  }
0x2ce: {  	[sflag:s9] =	ssyncset.done $0x0  }
0x2cf: {  	s1 =	rddreg [dreg:$0x15];
	[sflag:s9] =	ssyncadd.s32 $0xFFFF4000  }
0x2d0: {  	[tilespmem:s2], [sflag:$0x1] =	stream.strided.gather [hbm4b:s1+s13], $0xC000, s17, s13, $0x38;
	[tilespmem:$0x18000] =	vst v63  }
0x2d1: {  	_ =	swait.ge [sflag:s14], $0xC000  }
0x2d2: {  	[sflag:s14] =	ssyncset.done $0x0  }
0x2d3: {  	s1 =	rddreg [dreg:$0x16];
	[sflag:s14] =	ssyncadd.s32 $0xFFFF4000  }
0x2d4: {  	[hbm4b:s1+s2] =	stream.linear.scatter [tilespmem:s10], [sflag:$0x4], $0xC000, $0x38;
	[tilespmem:$0x18000] =	vst v63  }
0x2d5: {  	_ =	swait.ge [sflag:s8], $0xC000  }
0x2d6: {  	[sflag:s8] =	ssyncset.done $0x0  }
0x2d7: {  	s1 =	rddreg [dreg:$0x17];
	[sflag:s8] =	ssyncadd.s32 $0xFFFF4000  }
0x2d8: {  	[tilespmem:s10], [sflag:$0x2] =	stream.strided.gather [hbm4b:s1+s13], $0xC000, s17, s13, $0x38;
	[tilespmem:$0x18000] =	vst v63  }
0x2d9: {  	_ =	swait.ge [sflag:s15], $0xC000  }
0x2da: {  	[sflag:s15] =	ssyncset.done $0x0  }
0x2db: {  	s1 =	rddreg [dreg:$0x18];
	[sflag:s15] =	ssyncadd.s32 $0xFFFF4000  }
0x2dc: {  	[hbm4b:s1+s2] =	stream.linear.scatter [tilespmem:s2], [sflag:$0x3], $0xC000, $0x38;
	[tilespmem:$0x18000] =	vst v63  }
0x2dd: {  	_ =	swait.ge [sflag:s9], $0xC000  }
0x2de: {  	[sflag:s9] =	ssyncset.done $0x0  }
0x2df: {  	s1 =	rddreg [dreg:$0x19];
	[sflag:s9] =	ssyncadd.s32 $0xFFFF4000  }
0x2e0: {  	[tilespmem:s2], [sflag:$0x1] =	stream.strided.gather [hbm4b:s1+s13], $0xC000, s17, s13, $0x38;
	[tilespmem:$0x18000] =	vst v63  }
0x2e1: {  	_ =	swait.ge [sflag:s14], $0xC000  }
0x2e2: {  	[sflag:s14] =	ssyncset.done $0x0  }
0x2e3: {  	s1 =	rddreg [dreg:$0x1a];
	[sflag:s14] =	ssyncadd.s32 $0xFFFF4000  }
0x2e4: {  	[hbm4b:s1+s2] =	stream.linear.scatter [tilespmem:s10], [sflag:$0x4], $0xC000, $0x38;
	[tilespmem:$0x18000] =	vst v63  }
0x2e5: {  	_ =	swait.ge [sflag:s8], $0xC000  }
0x2e6: {  	[sflag:s8] =	ssyncset.done $0x0  }
0x2e7: {  	s1 =	rddreg [dreg:$0x1b];
	[sflag:s8] =	ssyncadd.s32 $0xFFFF4000  }
0x2e8: {  	[tilespmem:s10], [sflag:$0x2] =	stream.strided.gather [hbm4b:s1+s13], $0xC000, s17, s13, $0x38;
	[tilespmem:$0x18000] =	vst v63  }
0x2e9: {  	_ =	swait.ge [sflag:s15], $0xC000  }
0x2ea: {  	[sflag:s15] =	ssyncset.done $0x0  }
0x2eb: {  	s1 =	rddreg [dreg:$0x1c];
	[sflag:s15] =	ssyncadd.s32 $0xFFFF4000  }
0x2ec: {  	[hbm4b:s1+s2] =	stream.linear.scatter [tilespmem:s2], [sflag:$0x3], $0xC000, $0x38;
	[tilespmem:$0x18000] =	vst v63  }
0x2ed: {  	_ =	swait.ge [sflag:s9], $0xC000  }
0x2ee: {  	[sflag:s9] =	ssyncset.done $0x0  }
0x2ef: {  	s1 =	rddreg [dreg:$0x1d];
	[sflag:s9] =	ssyncadd.s32 $0xFFFF4000  }
0x2f0: {  	[tilespmem:s2], [sflag:$0x1] =	stream.strided.gather [hbm4b:s1+s13], $0xC000, s17, s13, $0x38;
	[tilespmem:$0x18000] =	vst v63  }
0x2f1: {  	_ =	swait.ge [sflag:s14], $0xC000  }
0x2f2: {  	[sflag:s14] =	ssyncset.done $0x0  }
0x2f3: {  	s1 =	rddreg [dreg:$0x1e];
	[sflag:s14] =	ssyncadd.s32 $0xFFFF4000  }
0x2f4: {  	[hbm4b:s1+s2] =	stream.linear.scatter [tilespmem:s10], [sflag:$0x4], $0xC000, $0x38;
	[tilespmem:$0x18000] =	vst v63  }
0x2f5: {  	_ =	swait.ge [sflag:s8], $0xC000  }
0x2f6: {  	[sflag:s8] =	ssyncset.done $0x0  }
0x2f7: {  	s1 =	rddreg [dreg:$0x1f];
	[sflag:s8] =	ssyncadd.s32 $0xFFFF4000  }
0x2f8: {  	[tilespmem:s10], [sflag:$0x2] =	stream.strided.gather [hbm4b:s1+s13], $0xC000, s17, s13, $0x38;
	[tilespmem:$0x18000] =	vst v63  }
0x2f9: {  	_ =	swait.ge [sflag:s15], $0xC000  }
0x2fa: {  	s1 =	sld [smem:$0x7F1]  }
0x2fb: {  	[sflag:s15] =	ssyncset.done $0x0  }
0x2fc: {  	[sflag:s15] =	ssyncadd.s32 $0xFFFF4000  }
0x2fd: {  	[hbm4b:s1+s2] =	stream.linear.scatter [tilespmem:s2], [sflag:$0x3], $0xC000, $0x38;
	[tilespmem:$0x18000] =	vst v63  }
0x2fe: {  	_ =	swait.ge [sflag:s9], $0xC000  }
0x2ff: {  	s1 =	sld [smem:$0x7F2]  }
0x300: {  	[sflag:s9] =	ssyncset.done $0x0  }
0x301: {  	[sflag:s9] =	ssyncadd.s32 $0xFFFF4000  }
0x302: {  	[tilespmem:s2], [sflag:$0x1] =	stream.strided.gather [hbm4b:s1+s13], $0xC000, s17, s13, $0x38;
	[tilespmem:$0x18000] =	vst v63  }
0x303: {  	_ =	swait.ge [sflag:s14], $0xC000  }
0x304: {  	s1 =	sld [smem:$0x7F3]  }
0x305: {  	[sflag:s14] =	ssyncset.done $0x0  }
0x306: {  	[sflag:s14] =	ssyncadd.s32 $0xFFFF4000  }
0x307: {  	[hbm4b:s1+s2] =	stream.linear.scatter [tilespmem:s10], [sflag:$0x4], $0xC000, $0x38;
	[tilespmem:$0x18000] =	vst v63  }
0x308: {  	_ =	swait.ge [sflag:s8], $0xC000  }
0x309: {  	s1 =	sld [smem:$0x7F4]  }
0x30a: {  	[sflag:s8] =	ssyncset.done $0x0  }
0x30b: {  	[sflag:s8] =	ssyncadd.s32 $0xFFFF4000  }
0x30c: {  	[tilespmem:s10], [sflag:$0x2] =	stream.strided.gather [hbm4b:s1+s13], $0xC000, s17, s13, $0x38;
	[tilespmem:$0x18000] =	vst v63  }
0x30d: {  	_ =	swait.ge [sflag:s15], $0xC000  }
0x30e: {  	s1 =	sld [smem:$0x7F5]  }
0x30f: {  	[sflag:s15] =	ssyncset.done $0x0  }
0x310: {  	[sflag:s15] =	ssyncadd.s32 $0xFFFF4000  }
0x311: {  	[hbm4b:s1+s2] =	stream.linear.scatter [tilespmem:s2], [sflag:$0x3], $0xC000, $0x38;
	[tilespmem:$0x18000] =	vst v63  }
0x312: {  	_ =	swait.ge [sflag:s9], $0xC000  }
0x313: {  	s1 =	sld [smem:$0x7F6]  }
0x314: {  	[sflag:s9] =	ssyncset.done $0x0  }
0x315: {  	[sflag:s9] =	ssyncadd.s32 $0xFFFF4000  }
0x316: {  	[tilespmem:s2], [sflag:$0x1] =	stream.strided.gather [hbm4b:s1+s13], $0xC000, s17, s13, $0x38;
	[tilespmem:$0x18000] =	vst v63  }
0x317: {  	_ =	swait.ge [sflag:s14], $0xC000  }
0x318: {  	s1 =	sld [smem:$0x7F7]  }
0x319: {  	[sflag:s14] =	ssyncset.done $0x0  }
0x31a: {  	[sflag:s14] =	ssyncadd.s32 $0xFFFF4000  }
0x31b: {  	[hbm4b:s1+s2] =	stream.linear.scatter [tilespmem:s10], [sflag:$0x4], $0xC000, $0x38;
	[tilespmem:$0x18000] =	vst v63  }
0x31c: {  	_ =	swait.ge [sflag:s8], $0xC000  }
0x31d: {  	s1 =	sld [smem:$0x7F8]  }
0x31e: {  	[sflag:s8] =	ssyncset.done $0x0  }
0x31f: {  	[sflag:s8] =	ssyncadd.s32 $0xFFFF4000  }
0x320: {  	[tilespmem:s10], [sflag:$0x2] =	stream.strided.gather [hbm4b:s1+s13], $0xC000, s17, s13, $0x38;
	[tilespmem:$0x18000] =	vst v63  }
0x321: {  	_ =	swait.ge [sflag:s15], $0xC000  }
0x322: {  	s1 =	sld [smem:$0x7F9]  }
0x323: {  	[sflag:s15] =	ssyncset.done $0x0  }
0x324: {  	[sflag:s15] =	ssyncadd.s32 $0xFFFF4000  }
0x325: {  	[hbm4b:s1+s2] =	stream.linear.scatter [tilespmem:s2], [sflag:$0x3], $0xC000, $0x38;
	[tilespmem:$0x18000] =	vst v63  }
0x326: {  	_ =	swait.ge [sflag:s9], $0xC000  }
0x327: {  	s1 =	sld [smem:$0x7FA]  }
0x328: {  	[sflag:s9] =	ssyncset.done $0x0  }
0x329: {  	[sflag:s9] =	ssyncadd.s32 $0xFFFF4000  }
0x32a: {  	[tilespmem:s2], [sflag:$0x1] =	stream.strided.gather [hbm4b:s1+s13], $0xC000, s17, s13, $0x38;
	[tilespmem:$0x18000] =	vst v63  }
0x32b: {  	_ =	swait.ge [sflag:s14], $0xC000  }
0x32c: {  	s1 =	sld [smem:$0x7FB]  }
0x32d: {  	[sflag:s14] =	ssyncset.done $0x0  }
0x32e: {  	[sflag:s14] =	ssyncadd.s32 $0xFFFF4000  }
0x32f: {  	[hbm4b:s1+s2] =	stream.linear.scatter [tilespmem:s10], [sflag:$0x4], $0xC000, $0x38;
	[tilespmem:$0x18000] =	vst v63  }
0x330: {  	_ =	swait.ge [sflag:s8], $0xC000  }
0x331: {  	s1 =	sld [smem:$0x7FC]  }
0x332: {  	[sflag:s8] =	ssyncset.done $0x0  }
0x333: {  	[sflag:s8] =	ssyncadd.s32 $0xFFFF4000  }
0x334: {  	[tilespmem:s10], [sflag:$0x2] =	stream.strided.gather [hbm4b:s1+s13], $0xC000, s17, s13, $0x38;
	[tilespmem:$0x18000] =	vst v63  }
0x335: {  	_ =	swait.ge [sflag:s15], $0xC000  }
0x336: {  	s1 =	sld [smem:$0x7FD]  }
0x337: {  	[sflag:s15] =	ssyncset.done $0x0  }
0x338: {  	[sflag:s15] =	ssyncadd.s32 $0xFFFF4000  }
0x339: {  	[hbm4b:s1+s2] =	stream.linear.scatter [tilespmem:s2], [sflag:$0x3], $0xC000, $0x38;
	[tilespmem:$0x18000] =	vst v63  }
0x33a: {  	_ =	swait.ge [sflag:s9], $0xC000  }
0x33b: {  	[sflag:s9] =	ssyncset.done $0x0  }
0x33c: {  	[sflag:s9] =	ssyncadd.s32 $0xFFFF4000  }
0x33d: {  	[tilespmem:s2], [sflag:$0x1] =	stream.strided.gather [hbm4b:s25+s13], $0xC000, s17, s13, $0x38;
	[tilespmem:$0x18000] =	vst v63  }
0x33e: {  	_ =	swait.ge [sflag:s14], $0xC000  }
0x33f: {  	[sflag:s14] =	ssyncset.done $0x0  }
0x340: {  	[sflag:s14] =	ssyncadd.s32 $0xFFFF4000  }
0x341: {  	[hbm4b:s31+s2] =	stream.linear.scatter [tilespmem:s10], [sflag:$0x4], $0xC000, $0x38;
	[tilespmem:$0x18000] =	vst v63  }
0x342: {  	_ =	swait.ge [sflag:s8], $0xC000  }
0x343: {  	[sflag:s8] =	ssyncset.done $0x0  }
0x344: {  	[sflag:s8] =	ssyncadd.s32 $0xFFFF4000  }
0x345: {  	[tilespmem:s10], [sflag:$0x2] =	stream.strided.gather [hbm4b:s23+s13], $0xC000, s17, s13, $0x38;
	[tilespmem:$0x18000] =	vst v63  }
0x346: {  	_ =	swait.ge [sflag:s15], $0xC000  }
0x347: {  	[sflag:s15] =	ssyncset.done $0x0  }
0x348: {  	[sflag:s15] =	ssyncadd.s32 $0xFFFF4000  }
0x349: {  	[hbm4b:s30+s2] =	stream.linear.scatter [tilespmem:s2], [sflag:$0x3], $0xC000, $0x38;
	[tilespmem:$0x18000] =	vst v63  }
0x34a: {  	_ =	swait.ge [sflag:s9], $0xC000  }
0x34b: {  	[sflag:s9] =	ssyncset.done $0x0  }
0x34c: {  	[sflag:s9] =	ssyncadd.s32 $0xFFFF4000  }
0x34d: {  	[tilespmem:s2], [sflag:$0x1] =	stream.strided.gather [hbm4b:s21+s13], $0xC000, s17, s13, $0x38;
	[tilespmem:$0x18000] =	vst v63  }
0x34e: {  	_ =	swait.ge [sflag:s14], $0xC000  }
0x34f: {  	[sflag:s14] =	ssyncset.done $0x0  }
0x350: {  	[sflag:s14] =	ssyncadd.s32 $0xFFFF4000  }
0x351: {  	[hbm4b:s29+s2] =	stream.linear.scatter [tilespmem:s10], [sflag:$0x4], $0xC000, $0x38;
	[tilespmem:$0x18000] =	vst v63  }
0x352: {  	_ =	swait.ge [sflag:s8], $0xC000  }
0x353: {  	[sflag:s8] =	ssyncset.done $0x0  }
0x354: {  	[sflag:s8] =	ssyncadd.s32 $0xFFFF4000  }
0x355: {  	[tilespmem:s10], [sflag:$0x2] =	stream.strided.gather [hbm4b:s20+s13], $0xC000, s17, s13, $0x38;
	[tilespmem:$0x18000] =	vst v63  }
0x356: {  	_ =	swait.ge [sflag:s15], $0xC000  }
0x357: {  	[sflag:s15] =	ssyncset.done $0x0  }
0x358: {  	[sflag:s15] =	ssyncadd.s32 $0xFFFF4000  }
0x359: {  	[hbm4b:s28+s2] =	stream.linear.scatter [tilespmem:s2], [sflag:$0x3], $0xC000, $0x38;
	[tilespmem:$0x18000] =	vst v63  }
0x35a: {  	_ =	swait.ge [sflag:s9], $0xC000  }
0x35b: {  	[sflag:s9] =	ssyncset.done $0x0  }
0x35c: {  	[sflag:s9] =	ssyncadd.s32 $0xFFFF4000  }
0x35d: {  	[tilespmem:s2], [sflag:$0x1] =	stream.strided.gather [hbm4b:s18+s13], $0xC000, s17, s13, $0x38;
	[tilespmem:$0x18000] =	vst v63  }
0x35e: {  	_ =	swait.ge [sflag:s14], $0xC000  }
0x35f: {  	[sflag:s14] =	ssyncset.done $0x0  }
0x360: {  	[sflag:s14] =	ssyncadd.s32 $0xFFFF4000  }
0x361: {  	[hbm4b:s26+s2] =	stream.linear.scatter [tilespmem:s10], [sflag:$0x4], $0xC000, $0x38;
	[tilespmem:$0x18000] =	vst v63  }
0x362: {  	_ =	swait.ge [sflag:s8], $0xC000  }
0x363: {  	[sflag:s8] =	ssyncset.done $0x0  }
0x364: {  	[sflag:s8] =	ssyncadd.s32 $0xFFFF4000  }
0x365: {  	[tilespmem:s10], [sflag:$0x2] =	stream.strided.gather [hbm4b:s16+s13], $0xC000, s17, s13, $0x38;
	[tilespmem:$0x18000] =	vst v63  }
0x366: {  	_ =	swait.ge [sflag:s15], $0xC000  }
0x367: {  	[sflag:s15] =	ssyncset.done $0x0  }
0x368: {  	[sflag:s15] =	ssyncadd.s32 $0xFFFF4000  }
0x369: {  	[hbm4b:s24+s2] =	stream.linear.scatter [tilespmem:s2], [sflag:$0x3], $0xC000, $0x38;
	[tilespmem:$0x18000] =	vst v63  }
0x36a: {  	_ =	swait.ge [sflag:s9], $0xC000  }
0x36b: {  	[sflag:s9] =	ssyncset.done $0x0  }
0x36c: {  	[sflag:s9] =	ssyncadd.s32 $0xFFFF4000  }
0x36d: {  	[tilespmem:s2], [sflag:$0x1] =	stream.strided.gather [hbm4b:s11+s13], $0xC000, s17, s13, $0x38;
	[tilespmem:$0x18000] =	vst v63  }
0x36e: {  	_ =	swait.ge [sflag:s14], $0xC000  }
0x36f: {  	[sflag:s14] =	ssyncset.done $0x0  }
0x370: {  	[sflag:s14] =	ssyncadd.s32 $0xFFFF4000  }
0x371: {  	[hbm4b:s22+s2] =	stream.linear.scatter [tilespmem:s10], [sflag:$0x4], $0xC000, $0x38;
	[tilespmem:$0x18000] =	vst v63  }
0x372: {  	_ =	swait.ge [sflag:s8], $0xC000  }
0x373: {  	[sflag:s8] =	ssyncset.done $0x0  }
0x374: {  	[sflag:s8] =	ssyncadd.s32 $0xFFFF4000  }
0x375: {  	[tilespmem:s10], [sflag:$0x2] =	stream.strided.gather [hbm4b:s7+s13], $0xC000, s17, s13, $0x38;
	[tilespmem:$0x18000] =	vst v63  }
0x376: {  	_ =	swait.ge [sflag:s15], $0xC000  }
0x377: {  	[sflag:s15] =	ssyncset.done $0x0  }
0x378: {  	[sflag:s15] =	ssyncadd.s32 $0xFFFF4000  }
0x379: {  	[hbm4b:s19+s2] =	stream.linear.scatter [tilespmem:s2], [sflag:$0x3], $0xC000, $0x38;
	[tilespmem:$0x18000] =	vst v63  }
0x37a: {  	_ =	swait.ge [sflag:s9], $0xC000  }
0x37b: {  	[sflag:s9] =	ssyncset.done $0x0  }
0x37c: {  	[sflag:s9] =	ssyncadd.s32 $0xFFFF4000  }
0x37d: {  	[tilespmem:s2], [sflag:$0x1] =	stream.strided.gather [hbm4b:s4+s13], $0xC000, s17, s13, $0x38;
	[tilespmem:$0x18000] =	vst v63  }
0x37e: {  	_ =	swait.ge [sflag:s14], $0xC000  }
0x37f: {  	[sflag:s14] =	ssyncset.done $0x0  }
0x380: {  	[sflag:s14] =	ssyncadd.s32 $0xFFFF4000  }
0x381: {  	[hbm4b:s12+s2] =	stream.linear.scatter [tilespmem:s10], [sflag:$0x4], $0xC000, $0x38;
	[tilespmem:$0x18000] =	vst v63  }
0x382: {  	_ =	swait.ge [sflag:s8], $0xC000  }
0x383: {  	[sflag:s8] =	ssyncset.done $0x0  }
0x384: {  	[sflag:s8] =	ssyncadd.s32 $0xFFFF4000  }
0x385: {  	[tilespmem:s10], [sflag:$0x2] =	stream.strided.gather [hbm4b:s3+s13], $0xC000, s17, s13, $0x38;
	[tilespmem:$0x18000] =	vst v63  }
0x386: {  	_ =	swait.ge [sflag:s15], $0xC000  }
0x387: {  	[sflag:s15] =	ssyncset.done $0x0  }
0x388: {  	[sflag:s15] =	ssyncadd.s32 $0xFFFF4000  }
0x389: {  	[hbm4b:s6+s2] =	stream.linear.scatter [tilespmem:s2], [sflag:$0x3], $0xC000, $0x38;
	[tilespmem:$0x18000] =	vst v63  }
0x38a: {  	_ =	swait.ge [sflag:s14], $0xC000  }
0x38b: {  	[sflag:s14] =	ssyncset.done $0x0  }
0x38c: {  	[sflag:s14] =	ssyncadd.s32 $0xFFFF4000  }
0x38d: {  	[hbm4b:s5+s2] =	stream.linear.scatter [tilespmem:s10], [sflag:$0x4], $0xC000, $0x38;
	[tilespmem:$0x18000] =	vst v63  }
0x38e: {  	_ =	swait.ge [sflag:s9], $0xC000  }
0x38f: {  	[sflag:s9] =	ssyncset.done $0x0  }
0x390: {  	[sflag:s9] =	ssyncadd.s32 $0xFFFF4000  }
0x391: {  	_ =	swait.ge [sflag:s8], $0xC000  }
0x392: {  	[sflag:s8] =	ssyncset.done $0x0  }
0x393: {  	[sflag:s8] =	ssyncadd.s32 $0xFFFF4000  }
0x394: {  	_ =	sfence.sel $0x180000  }
0x395: {  	[bflag:$0x0] =	sbarrier.arrive $0xFFFF  }
0x396: {  	_ =	strace $0x90000047  }
0x397: {  	s31 =	stileid.u32;
	[bflag:$0x2] =	sbarrier.arrive $0xFFFF  }
0x398: {  	p0 =	sne.s32 s31, $0x0;
	s0 =	rddreg [dreg:$0x1]  }
0x399: {  	s0 =	sadd.s32 @!p0 $0x100000, s0  }
0x39a: {  	[sflag:s0] =	ssyncadd.tile.s32 @!p0 $0x1;
	_ =	shalt  }
.Lfunc_end2:
_tile_overlayer_lowered:
.L_overlay_start_2:
0x39b: {  	(tag) =	ssettag $0x2  }
0x39c: {  	s0 =	rddreg [dreg:$0x0];
	s2 =	stileid.u32  }
0x39d: {  	s1 =	rddreg [dreg:$0x1];
	p0 =	sne.s32 s2, $0x0  }
0x39e: {  	s3 =	rddreg [dreg:$0x2];
	[bflag:$0x3] =	sbarrier.arrive $0xFFFF;
	s2 =	simm.s32 @!p0 $0x1C05  }
0x39f: {  	[timem:s3], [sflag:s2] =	dma.local @!p0 [hbm:s0], s1  }
0x3a0: {  	s0 =	simm.s32 @!p0 $0x5  }
0x3a1: {  	_ =	swait.ge @!p0 [sflag:s0], s1  }
0x3a2: {  	s1 =	ssub.s32 @!p0 $0x0, s1;
	[sflag:s0] =	ssyncset.done @!p0 $0x0  }
0x3a3: {  	[sflag:s0] =	ssyncadd.s32 @!p0 s1  }
0x3a4: {  	[bflag:$0x3] =	sbarrier.arrive $0xFFFF  }
0x3a5: {  	_ =	shalt  }

// kernel: sparse-core-data-format-call.cloned.1.call-start
scs
called_computation_lowered:
.L_overlay_start_0:
0x0: {  	s2 =	sld [smem:$0x3FD9]  }
0x1: {  	s3 =	sld [smem:$0x3FFE];
	_ =	sdelay $0x1  }
0x2: {  	s1 =	srdreg.scid  }
0x3: {  	s0 =	sand.u32 $0x1, s1  }
0x4: {  	s18 =	sshll.u32 s0, $0xA;
	s2 =	sadd.s32 s3, s2  }
0x5: {  	s2 =	sadd.s32 s2, s18  }
0x6: {  	[smem:$0x3FC7] =	sst s2  }
0x7: {  	_ = 	snop  }
0x8: {  	s2 =	sld [smem:$0x3FD0];
	(tm) =	ssettm $0x1  }
0x9: {  	s19 =	sld [smem:$0x3FFB];
	_ =	sdelay $0x3  }
0xa: {  	_ =	strace s19  }
0xb: {  	s3 =	sld [smem:$0x3FFC];
	_ =	sdelay $0x3  }
0xc: {  	_ =	strace s3  }
0xd: {  	s3 =	sld [smem:$0x3FFD];
	_ =	sdelay $0x3  }
0xe: {  	_ =	strace s3  }
0xf: {  	_ =	strace $0x8FFFFFFF  }
0x10: {  	s20 =	sld [smem:$0x3FDB];
	_ =	sdelay $0x1  }
0x11: {  	s4 =	simm.s32 $_scs_section_size  }
0x12: {  	s5 =	simm.s32 $_size__tile_overlayer_lowered;
	s6 =	simm.s32 $_tile_overlayer_lowered  }
0x13: {  	s23 =	simm.s32 $0x1BFF;
	s22 =	sshll.u32 s6, $0x1;
	s3 =	sadd.s32 s4, s20  }
0x14: {  	s7 =	simm.s32 $0x0;
	s21 =	sshll.u32 s5, $0x1;
	s5 =	sadd.s32 s22, s3  }
0x15: {  	[timem:s7], [sflag:s23] =	dma.local [hbm:s5], s21  }
0x16: {  	_ =	swait.ge [sflag:s23], s21  }
0x17: {  	s4 =	ssub.s32 $0x0, s21;
	[sflag:s23] =	ssyncset.done $0x0  }
0x18: {  	[sflag:s23] =	ssyncadd.s32 s4;
	_ =	sdelay $0x1  }
0x19: {  	s24 =	simm.s32 $0x1B8B  }
0x1a: {  	_ =	swait.ge [sflag:s24], $0x1  }
0x1b: {  	[sflag:s24] =	ssyncset.done $0x0  }
0x1c: {  	s26 =	simm.s32 $0x1B8E;
	s25 =	sld [smem:$0x3FFE];
	[sflag:s24] =	ssyncadd.s32 $0xFFFFFFFF  }
0x1d: {  	s27 =	simm.s32 $execute0_lowered;
	[smem:$0x3FD2] =	sst s26  }
0x1e: {  	s5 =	sshll.u32 s27, $0x1;
	_ =	strace $0x80000049;
	[dreg:$0x1] =	wrdreg $0xFFFFFFFF  }
0x1f: {  	s28 =	simm.s32 $_size_execute0_lowered;
	s3 =	sadd.s32 s3, s5;
	[dreg:$0x0] =	wrdreg $0x0  }
0x20: {  	s5 =	sshll.u32 s28, $0x1;
	[dreg:$0x2] =	wrdreg s3  }
0x21: {  	[dreg:$0x3] =	wrdreg s5  }
0x22: {  	[dreg:$0x4] =	wrdreg $0xC0  }
0x23: {  	_ =	task [dreg:s7], $0x5FFFF  }
0x24: {  	[dreg:$0x1] =	wrdreg $0xFFFFFFFF  }
0x25: {  	[dreg:$0x0] =	wrdreg $0x60  }
0x26: {  	[dreg:$0x2] =	wrdreg s25  }
0x27: {  	[dreg:$0x3] =	wrdreg s2  }
0x28: {  	[dreg:$0x4] =	wrdreg $0x9  }
0x29: {  	_ =	task.clear_ibuf [dreg:s7], $0x5FFFF;
	_ =	strace $0x90000049  }
0x2a: {  	s29 =	simm.s32 $0x9;
	_ =	strace $0x8000004B  }
0x2b: {  	_ =	swait.ge [sflag:s29], $0x1  }
0x2c: {  	[sflag:s29] =	ssyncadd.s32 $0xFFFFFFFF  }
0x2d: {  	_ =	strace $0x9000004B  }
0x2e: {  	_ =	sfence  }
0x2f: {  	s30 =	sld [smem:$0x0];
	_ =	sdelay $0x2  }
0x30: {  	s31 =	sshll.u32 s1, $0xD;
	s1 =	sshrl.u32 s1, $0x2  }
0x31: {  	s3 =	sand.u32 $0x4000, s31;
	s1 =	sadd.s32 s1, s30  }
0x32: {  	s0 =	sor.u32 s3, s0;
	s1 =	sshll.u32 s1, $0x11  }
0x33: {  	s0 =	sor.u32 s1, s0  }
0x34: {  	s0 =	sadd.s32 $0x8F2B, s0  }
0x35: {  	[sflag:s0] =	ssyncadd.remote.s32 $0x1  }
0x36: {  	_ =	sfence.sel $0xFFFF  }
0x37: {  	[dreg:$0x0] =	wrdreg $0xFFFFFFFF;
	(pc) =	sbr.abs _section_cstart, $3  }
0x38: {  	[dreg:$0x1] =	wrdreg $0xFFFFFFFF  }
0x39: {  	_ =	task.clear_ibuf [dreg:s7], $0x2FFFF;
	_ =	strace $0x9FFFFFFF  }
0x3a: {  	(tm) =	ssettm $0x7FFFFFFF  }
0x3b: {  	_ =	shalt  }
tec
execute0_lowered:
.L_overlay_start_1:
0x0: {  	(tag) =	ssettag $0x1  }
0x1: {  	s0 =	srdreg.scid  }
0x2: {  	s1 =	sshll.u32 s0, $0x4  }
0x3: {  	s0 =	stileid.u32;
	s1 =	sand.u32 $0x10, s1  }
0x4: {  	s6 =	rddreg [dreg:$0x0];
	s1 =	sor.u32 s0, s1  }
0x5: {  	s4 =	simm.s32 $0x1;
	s7 =	simm.s32 $0x2;
	s2 =	sshll.u32 s1, $0x1  }
0x6: {  	s14 =	simm.s32 $0x0;
	s8 =	simm.s32 $0x400;
	s1 =	ssub.s32 $0x800, s2  }
0x7: {  	s9 =	simm.s32 $0xC00;
	s10 =	simm.s32 $0x0;
	s3 =	sand.u32 $0x3E, s1  }
0x8: {  	s15 =	simm.s32 $0x0;
	s5 =	sshrl.u32 s1, $0x6;
	p0 =	sne.s32 s3, $0x0  }
.Ltmp0:
0x9: {  	s1 =	rddreg [dreg:$0x2];
	s4 =	simm.s32 @!p0 $0x0;
	(pc) =	sbr.rel .LBB1_1-.Ltmp0, $4  }
0xa: {  	s11 =	simm.s32 $0x0;
	s3 =	rddreg [dreg:$0x1];
	s5 =	sadd.s32 s4, s5  }
0xb: {  	_ =	strace $0x8000004A;
	s4 =	simm.s32 $0x1;
	s5 =	smul.u32 $0x3, s5  }
0xc: {  	s13 =	simm.s32 $0x0;
	s6 =	sadd.s32 $0x800, s6;
	[sflag:s4] =	ssyncpa.u1 $0x0  }
0xd: {  	s12 =	smov.u32 s2;
	[sflag:s7] =	ssyncpa.u1 $0x0;
	s7 =	sadd.s32 $0x1, s5  }
.LBB1_9:
0xe: {  	s16 =	sadd.s32 $0x8, s11  }
0xf: {  	s14 =	sadd.s32 $0x40, s12;
	s18 =	smov.u32 s12;
	p1 =	sgt.s32 s16, $0x17  }
0x10: {  	s18 =	smov.u32 @p1 s14  }
0x11: {  	s16 =	simm.s32 @p1 $0x0;
	p1 =	sgt.s32 s18, $0x7FF  }
0x12: {  	s18 =	smov.u32 @p1 s2;
	p1 =	sne.s32 s13, s7  }
.Ltmp1:
0x13: {  	p0 =	slt.u32 s13, $0x2;
	(pc) =	sbr.rel @!p1 .LBB1_10-.Ltmp1, $4  }
0x14: {  	s17 =	simm.s32 @!p0 $0x2  }
0x15: {  	s15 =	smov.u32 s12;
	s10 =	sadd.s32 $0x4000, s10;
	_ =	swait.ge @!p0 [sflag:s17], $0x4000  }
0x16: {  	s14 =	smov.u32 s11;
	[sflag:s17] =	ssyncset.done @!p0 $0x0;
	s11 =	smov.u32 s16  }
0x17: {  	s13 =	sadd.s32 $0x1, s13;
	[sflag:s17] =	ssyncadd.s32 @!p0 $0xFFFFC000;
	s12 =	smov.u32 s18  }
.LBB1_1:
0x18: {  	p0 =	sge.u32 s13, s5  }
0x19: {  	s17 =	smul.u32 @!p0 $0xC00, s12  }
0x1a: {  	s31 =	sadd.s32 $0xFFFFFFFF, s13;
	s16 =	sxor.u32 @!p0 $0xFFFFFFFF, s13;
	s18 =	sshll.u32 @!p0 s11, $0x7  }
0x1b: {  	s19 =	simm.s32 @!p0 $0x6000;
	s16 =	sshll.u32 @!p0 s16, $0xE;
	s17 =	sadd.s32 @!p0 s6, s17  }
0x1c: {  	s16 =	sand.u32 @!p0 $0x4000, s16;
	s17 =	sadd.s32 @!p0 s18, s17;
	s18 =	simm.s32 @!p0 $0x2000  }
0x1d: {  	[tilespmem:s16], [sflag:$0x1] =	stream.strided.gather @!p0 [hbm4b:s17+s18], $0x4000, s19, s18, $0x38;
	[tilespmem:$0x10000] =	vst v63  }
0x1e: {  	p0 =	sge.u32 s31, s5  }
.Ltmp2:
0x1f: {  	_ = 	snop;
	(pc) =	sbr.rel @p0 .LBB1_9-.Ltmp2, $1  }
0x20: {  	_ =	sdelay $0x3  }
0x21: {  	s16 =	sshll.u32 s10, $0x2  }
0x22: {  	_ =	swait.ge [sflag:s4], $0x4000;
	s17 =	sshll.u32 s13, $0xE;
	s19 =	simm.s32 $0x0  }
0x23: {  	p1 =	por $0x1, $0x1;
	s16 =	sand.u32 $0x10000, s16;
	[sflag:s4] =	ssyncset.done $0x0  }
0x24: {  	s17 =	sand.u32 $0x4000, s17;
	s18 =	sshrl.u32 s16, $0x2;
	[sflag:s4] =	ssyncadd.s32 $0xFFFFC000  }
0x25: {  	s16 =	sor.u32 $0x8000, s17;
	s17 =	sadd.s32 $0x8040, s18;
	s18 =	sadd.s32 $0x40, s18  }
.LBB1_3:
0x26: {  	s19 =	sshll.u32 s19, $0x2  }
0x27: {  	p0 =	por p1, p1;
	s20 =	sshra.s32 s19, $0x2  }
0x28: {  	s21 =	simm.s32 $0x0;
	s19 =	sadd.s32 s20, s17;
	s20 =	sadd.s32 s20, s18  }
.LBB1_4:
0x29: {  	v0 =	vmov s20;
	_ =	sdelay $0x3  }
0x2a: {  	s23 =	simm.s32 $0x0  }
0x2b: {  	v6 =	vld.idx.msk [tilespmem:v0+s23+$0x30 ss:$0x1], $0xffff  }
0x2c: {  	v7 =	vld.idx.msk [tilespmem:v0+s23+$0xFFFFFFC0 ss:$0x1], $0xffff  }
0x2d: {  	v5 =	vld.idx.msk [tilespmem:v0+s23+$0xFFFFFFD0 ss:$0x1], $0xffff  }
0x2e: {  	v4 =	vld.idx.msk [tilespmem:v0+s23+$0xFFFFFFE0 ss:$0x1], $0xffff  }
0x2f: {  	v3 =	vld.idx.msk [tilespmem:v0+s23+$0xFFFFFFF0 ss:$0x1], $0xffff  }
0x30: {  	v1 =	vld.idx.msk [tilespmem:v0+s23+$0x0 ss:$0x1], $0xffff  }
0x31: {  	v2 =	vld.idx.msk [tilespmem:v0+s23+$0x10 ss:$0x1], $0xffff;
	[tilespmem:s19+$0x30] =	vst v6  }
0x32: {  	s22 =	simm.s32 $0x80;
	s24 =	simm.s32 $0x400;
	[tilespmem:s19+$0xFFFFFFC0] =	vst v7;
	v6 =	vld.idx.msk [tilespmem:v0+s23+$0x20 ss:$0x1], $0xffff;
	s23 =	smov.u32 s19  }
.LBB1_5:
0x33: {  	p1 =	sne.s32 s24, $0xE00;
	v7 =	vld.idx.msk [tilespmem:v0+s22+$0x30 ss:$0x1], $0xffff;
	[tilespmem:s23+$0xFFFFFFD0] =	vst v5  }
0x34: {  	v8 =	vld.idx.msk [tilespmem:v0+s22+$0xFFFFFFC0 ss:$0x1], $0xffff;
	[tilespmem:s23+$0xFFFFFFE0] =	vst v4  }
0x35: {  	v5 =	vld.idx.msk [tilespmem:v0+s22+$0xFFFFFFD0 ss:$0x1], $0xffff;
	[tilespmem:s23+$0xFFFFFFF0] =	vst v3  }
.Ltmp3:
0x36: {  	v4 =	vld.idx.msk [tilespmem:v0+s22+$0xFFFFFFE0 ss:$0x1], $0xffff;
	[tilespmem:s23+$0x0] =	vst v1;
	(pc) =	sbr.rel @p1 .LBB1_5-.Ltmp3, $4  }
0x37: {  	v3 =	vld.idx.msk [tilespmem:v0+s22+$0xFFFFFFF0 ss:$0x1], $0xffff;
	[tilespmem:s23+$0x10] =	vst v2  }
0x38: {  	v1 =	vld.idx.msk [tilespmem:v0+s22+$0x0 ss:$0x1], $0xffff;
	[tilespmem:s23+$0x20] =	vst v6;
	s23 =	sadd.s32 $0x400, s23  }
0x39: {  	v2 =	vld.idx.msk [tilespmem:v0+s22+$0x10 ss:$0x1], $0xffff;
	[tilespmem:s23+$0x30] =	vst v7  }
0x3a: {  	[tilespmem:s23+$0xFFFFFFC0] =	vst v8;
	v6 =	vld.idx.msk [tilespmem:v0+s22+$0x20 ss:$0x1], $0xffff;
	s22 =	sshra.s32 s24, $0x2;
	s24 =	sadd.s32 $0x200, s24  }
0x3b: {  	_ =	sdelay $0x2  }
0x3c: {  	[tilespmem:s23+$0xFFFFFFD0] =	vst v5  }
0x3d: {  	v56 =	vld.idx.msk [tilespmem:v0+s22+$0x30 ss:$0x1], $0xffff;
	[tilespmem:s23+$0xFFFFFFE0] =	vst v4  }
0x3e: {  	v57 =	vld.idx.msk [tilespmem:v0+s22+$0xFFFFFFC0 ss:$0x1], $0xffff;
	[tilespmem:s23+$0xFFFFFFF0] =	vst v3  }
0x3f: {  	v58 =	vld.idx.msk [tilespmem:v0+s22+$0xFFFFFFD0 ss:$0x1], $0xffff;
	[tilespmem:s23+$0x0] =	vst v1  }
0x40: {  	v59 =	vld.idx.msk [tilespmem:v0+s22+$0xFFFFFFE0 ss:$0x1], $0xffff;
	[tilespmem:s23+$0x10] =	vst v2  }
0x41: {  	v60 =	vld.idx.msk [tilespmem:v0+s22+$0xFFFFFFF0 ss:$0x1], $0xffff;
	s31 =	sadd.s32 $0x400, s23;
	[tilespmem:s23+$0x20] =	vst v6  }
0x42: {  	v61 =	vld.idx.msk [tilespmem:v0+s22+$0x0 ss:$0x1], $0xffff;
	[tilespmem:s31+$0x30] =	vst v56  }
0x43: {  	v62 =	vld.idx.msk [tilespmem:v0+s22+$0x10 ss:$0x1], $0xffff;
	s21 =	sadd.s32 $0x1, s21;
	[tilespmem:s31+$0xFFFFFFC0] =	vst v57  }
0x44: {  	v63 =	vld.idx.msk [tilespmem:v0+s22+$0x20 ss:$0x1], $0xffff;
	p1 =	sne.s32 s21, $0x8;
	[tilespmem:s31+$0xFFFFFFD0] =	vst v58  }
.Ltmp4:
0x45: {  	[tilespmem:s31+$0xFFFFFFE0] =	vst v59;
	(pc) =	sbr.rel @p1 .LBB1_4-.Ltmp4, $4  }
0x46: {  	[tilespmem:s31+$0xFFFFFFF0] =	vst v60  }
0x47: {  	[tilespmem:s31+$0x0] =	vst v61  }
0x48: {  	[tilespmem:s31+$0x10] =	vst v62  }
0x49: {  	s19 =	sadd.s32 $0x80, s19;
	s20 =	sadd.s32 $0x400, s20;
	[tilespmem:s31+$0x20] =	vst v63  }
.Ltmp5:
0x4a: {  	(pc) =	sbr.rel @p0 .LBB1_3-.Ltmp5, $2  }
0x4b: {  	_ =	sdelay $0x2  }
0x4c: {  	s19 =	simm.s32 $0x2000;
	p1 =	por $0x0, $0x0  }
0x4d: {  	s14 =	sand.u32 $0x1FFFFFF, s14  }
0x4e: {  	s17 =	smulhi.u32 $0xAAAAAAB, s14  }
0x4f: {  	s15 =	smul.u32 $0xC00, s15  }
0x50: {  	s17 =	smul.u32 $0x18, s17  }
.Ltmp6:
0x51: {  	_ = 	snop;
	(pc) =	sbr.rel .LBB1_9-.Ltmp6, $4  }
0x52: {  	s14 =	ssub.s32 s14, s17  }
0x53: {  	s15 =	sadd.s32 s3, s15;
	s14 =	sshll.u32 s14, $0x4  }
0x54: {  	s14 =	sadd.s32 s14, s15  }
0x55: {  	[hbm4b:s14+s8] =	stream.strided.scatter [tilespmem:s16], [sflag:$0x2], $0x4000, s9, s8, $0x38;
	[tilespmem:$0x10000] =	vst v63  }
.LBB1_10:
0x56: {  	_ =	sfence.sel $0x180000  }
0x57: {  	s2 =	simm.s32 $0x1;
	[bflag:$0x0] =	sbarrier.arrive $0xFFFF  }
0x58: {  	s31 =	simm.s32 $0x2;
	[sflag:s2] =	ssyncpa.u1 $0x1  }
0x59: {  	[sflag:s31] =	ssyncpa.u1 $0x1  }
0x5a: {  	p0 =	sne.s32 s0, $0x0;
	_ =	strace $0x9000004A  }
0x5b: {  	s0 =	sadd.s32 @!p0 $0x100000, s1;
	[bflag:$0x2] =	sbarrier.arrive $0xFFFF  }
0x5c: {  	[sflag:s0] =	ssyncadd.tile.s32 @!p0 $0x1;
	_ =	shalt  }
.Lfunc_end1:
_tile_overlayer_lowered:
.L_overlay_start_2:
0x5d: {  	(tag) =	ssettag $0x2  }
0x5e: {  	s0 =	rddreg [dreg:$0x0];
	s2 =	stileid.u32  }
0x5f: {  	s1 =	rddreg [dreg:$0x1];
	p0 =	sne.s32 s2, $0x0  }
0x60: {  	s3 =	rddreg [dreg:$0x2];
	[bflag:$0x3] =	sbarrier.arrive $0xFFFF;
	s2 =	simm.s32 @!p0 $0x1C01  }
0x61: {  	[timem:s3], [sflag:s2] =	dma.local @!p0 [hbm:s0], s1  }
0x62: {  	s0 =	simm.s32 @!p0 $0x1  }
0x63: {  	_ =	swait.ge @!p0 [sflag:s0], s1  }
0x64: {  	s1 =	ssub.s32 @!p0 $0x0, s1;
	[sflag:s0] =	ssyncset.done @!p0 $0x0  }
0x65: {  	[sflag:s0] =	ssyncadd.s32 @!p0 s1  }
0x66: {  	[bflag:$0x3] =	sbarrier.arrive $0xFFFF  }
0x67: {  	_ =	shalt  }

</sc_bundles>
